<compile_context>
chip_gen: v7x
topology: tpu7x:2x2x1
jax: 0.10.2.dev20260603
libtpu: 0.0.44.dev20260713+nightly
codegen_flags: <defaults>
</compile_context>

<pallas_src>
import functools
import math

import jax
import jax.numpy as jnp
from jax import lax
from jax.experimental import pallas as pl
from jax.experimental.pallas import tpu as pltpu
from jax.experimental.pallas import tpu_sc as plsc

_C = 10
_B = 2048
_EPS = 0.05
_ROWS = 256
_K0 = 1.0 + math.exp(2.0 * _EPS)
_LN2 = math.log(2.0)
_NC = 2
_NS = 16
_ACT = 16
_CHUNK = _B // _ACT


@functools.partial(
    pl.kernel,
    mesh=plsc.VectorSubcoreMesh(core_axis_name="c", subcore_axis_name="s"),
    out_type=[
        jax.ShapeDtypeStruct((_B,), jnp.float32),
        jax.ShapeDtypeStruct((_B,), jnp.float32),
        jax.ShapeDtypeStruct((_B,), jnp.float32),
        jax.ShapeDtypeStruct((_B,), jnp.float32),
    ],
    scratch_types=[
        pltpu.VMEM((_C, _CHUNK), jnp.float32),
        pltpu.VMEM((_C, _CHUNK), jnp.float32),
        pltpu.VMEM((_CHUNK,), jnp.int32),
        pltpu.VMEM((_CHUNK,), jnp.float32),
        pltpu.VMEM((_CHUNK,), jnp.float32),
        pltpu.VMEM((_CHUNK,), jnp.float32),
        pltpu.VMEM((_CHUNK,), jnp.float32),
    ],
)
def _sc_row_stats(ysT_hbm, ysaT_hbm, lab_hbm,
                  ce_hbm, cei_hbm, cs_hbm, csi_hbm,
                  ys_v, ysa_v, lab_v,
                  ce_v, cei_v, cs_v, csi_v):
    wid = lax.axis_index("s") * _NC + lax.axis_index("c")

    @pl.when(wid < _ACT)
    def _body():
        base = wid * _CHUNK
        csl = pl.ds(base, _CHUNK)

        pltpu.sync_copy(ysT_hbm.at[:, csl], ys_v)
        pltpu.sync_copy(ysaT_hbm.at[:, csl], ysa_v)
        pltpu.sync_copy(lab_hbm.at[csl], lab_v)

        def softmax_pick(v_ref, sl, lab_j):
            cols = [v_ref[c, sl] for c in range(_C)]
            m = cols[0]
            for c in range(1, _C):
                m = jnp.maximum(m, cols[c])
            es = [jnp.exp(cols[c] - m) for c in range(_C)]
            s = es[0]
            for c in range(1, _C):
                s = s + es[c]
            pick = jnp.zeros((16,), jnp.float32)
            for c in range(_C):
                pick = jnp.where(lab_j == c, es[c], pick)
            return pick / s

        for j in range(_CHUNK // 16):
            sl = pl.ds(16 * j, 16)
            lab_j = lab_v[sl]
            g = softmax_pick(ys_v, sl, lab_j)
            ga = softmax_pick(ysa_v, sl, lab_j)
            ce_v[sl] = jnp.exp((_EPS + 4.0) - 4.0 * g)
            cei_v[sl] = jnp.exp((_EPS - 4.0) + 4.0 * g)
            cs_v[sl] = jnp.exp(_EPS + 2.0 * (ga - g))
            csi_v[sl] = jnp.exp(_EPS - 2.0 * (ga - g))

        pltpu.sync_copy(ce_v, ce_hbm.at[csl])
        pltpu.sync_copy(cei_v, cei_hbm.at[csl])
        pltpu.sync_copy(cs_v, cs_hbm.at[csl])
        pltpu.sync_copy(csi_v, csi_hbm.at[csl])


def _auc_kernel(ys_ref, ysa_ref, ce_ref, cei_ref, cs_ref, csi_ref,
                labc_ref, labr_ref, emp_ref, disc_ref,
                e4p_ref, e4pi_ref, t2_ref, t2i_ref, w_ref,
                acc_e_ref, acc_s_ref):
    i = pl.program_id(0)
    nsteps = pl.num_programs(0)
    lab_row = labr_ref[...]

    @pl.when(i == 0)
    def _build_tables():
        def softmax(x):
            m = jnp.max(x, axis=1, keepdims=True)
            e = jnp.exp(x - m)
            return e / jnp.sum(e, axis=1, keepdims=True)
        p = softmax(ys_ref[...])
        pa = softmax(ysa_ref[...])
        e4p = jnp.exp(4.0 * p)
        t2 = jnp.exp(2.0 * (p - pa))
        e4p_ref[...] = e4p
        e4pi_ref[...] = 1.0 / e4p
        t2_ref[...] = t2
        t2i_ref[...] = 1.0 / t2
        lab_all = labc_ref[...]
        w = jnp.zeros((_B, 1), jnp.float32)
        for c in range(_C):
            n_c = jnp.sum((lab_row == c).astype(jnp.float32))
            fac_c = _LN2 / (n_c * (_B - n_c))
            w = w + jnp.where(lab_all == c, fac_c, 0.0)
        w_ref[...] = w
        acc_e_ref[...] = jnp.zeros((1, _B), jnp.float32)
        acc_s_ref[...] = jnp.zeros((1, _B), jnp.float32)

    rows = pl.ds(i * _ROWS, _ROWS)
    lab_blk = labc_ref[rows, :]

    cls = jax.lax.broadcasted_iota(jnp.int32, (1, _C), 1)
    onehot = (lab_blk == cls).astype(jnp.float32)

    dot = functools.partial(
        jax.lax.dot_general,
        dimension_numbers=(((1,), (1,)), ((), ())),
        preferred_element_type=jnp.float32,
        precision=jax.lax.Precision.DEFAULT,
    )
    h_e = dot(onehot * ce_ref[rows, :], e4p_ref[...])
    r_e = dot(onehot * cei_ref[rows, :], e4pi_ref[...])
    h_s = dot(onehot * cs_ref[rows, :], t2_ref[...])
    r_s = dot(onehot * csi_ref[rows, :], t2i_ref[...])

    wv = jnp.where(lab_blk != lab_row, w_ref[rows, :], 0.0)

    l_e = jnp.log2(_K0 + h_e + r_e)
    l_s = jnp.log2(_K0 + h_s + r_s)
    acc_e_ref[...] += jnp.sum(wv * l_e, axis=0, keepdims=True)
    acc_s_ref[...] += jnp.sum(wv * l_s, axis=0, keepdims=True)

    @pl.when(i == nsteps - 1)
    def _finish():
        emp_ref[...] = jnp.sum(acc_e_ref[...]).reshape(1, 1)
        disc_ref[...] = jnp.sum(acc_s_ref[...]).reshape(1, 1)


def kernel(y_s, y_s_adv, labels_s, y_t, y_t_adv, epoch):
    lab = labels_s.astype(jnp.int32)
    ce, cei, cs, csi = _sc_row_stats(y_s.reshape(_C, _B), y_s_adv.reshape(_C, _B), lab)

    lab_col = lab.reshape(_B, 1)
    lab_row = lab.reshape(1, _B)

    grid = (_B // _ROWS,)
    emp, disc = pl.pallas_call(
        _auc_kernel,
        grid=grid,
        in_specs=[
            pl.BlockSpec((_B, _C), lambda i: (0, 0)),
            pl.BlockSpec((_B, _C), lambda i: (0, 0)),
            pl.BlockSpec((_B, 1), lambda i: (0, 0)),
            pl.BlockSpec((_B, 1), lambda i: (0, 0)),
            pl.BlockSpec((_B, 1), lambda i: (0, 0)),
            pl.BlockSpec((_B, 1), lambda i: (0, 0)),
            pl.BlockSpec((_B, 1), lambda i: (0, 0)),
            pl.BlockSpec((1, _B), lambda i: (0, 0)),
        ],
        out_specs=[
            pl.BlockSpec((1, 1), lambda i: (0, 0)),
            pl.BlockSpec((1, 1), lambda i: (0, 0)),
        ],
        out_shape=[
            jax.ShapeDtypeStruct((1, 1), jnp.float32),
            jax.ShapeDtypeStruct((1, 1), jnp.float32),
        ],
        scratch_shapes=[
            pltpu.VMEM((_B, _C), jnp.float32),
            pltpu.VMEM((_B, _C), jnp.float32),
            pltpu.VMEM((_B, _C), jnp.float32),
            pltpu.VMEM((_B, _C), jnp.float32),
            pltpu.VMEM((_B, 1), jnp.float32),
            pltpu.VMEM((1, _B), jnp.float32),
            pltpu.VMEM((1, _B), jnp.float32),
        ],
    )(y_s, y_s_adv, ce.reshape(_B, 1), cei.reshape(_B, 1),
      cs.reshape(_B, 1), csi.reshape(_B, 1), lab_col, lab_row)

    empirical = 0.25 * emp[0, 0]
    transfer = -0.5 * disc[0, 0]
    return (empirical, transfer)

# --- scband reference (transcript-rebuilt; emitter-appended) ---
"""Pipeline reference for scband-aucdomain-adapation-20031727468649 (READ-ONLY COPY).

The authoritative reference and input builder live on the scoring server;
editing this copy changes nothing except your own understanding.
"""

import jax, jax.numpy as jnp
import numpy as np

NUM_CLASSES = 10
EPSILON = 0.05
BETA2 = 1.0
B = 2048


def loss_func(x, epsilon):
    # log_loss variant from get_loss_function
    return jnp.log(1 + jnp.exp(-(x - epsilon))) + jnp.log(1 + jnp.exp(x + epsilon))


def setup_inputs(seed: int = 0) -> dict:
    key = jax.random.key(seed)
    k1, k2, k3, k4, k5 = jax.random.split(key, 5)
    return {
        "y_s": jax.random.normal(k1, (B, NUM_CLASSES), dtype=jnp.float32),
        "y_s_adv": jax.random.normal(k2, (B, NUM_CLASSES), dtype=jnp.float32),
        "labels_s": jax.random.randint(k3, (B,), 0, NUM_CLASSES),
        "y_t": jax.random.normal(k4, (B, NUM_CLASSES), dtype=jnp.float32),
        "y_t_adv": jax.random.normal(k5, (B, NUM_CLASSES), dtype=jnp.float32),
        "epoch": 0,
    }


def reference(y_s, y_s_adv, labels_s, y_t, y_t_adv, epoch=0):
    C = NUM_CLASSES
    # one-hot labels, softmax probs (multi_label=False branch)
    Y = jax.nn.one_hot(labels_s, C, dtype=jnp.float32)  # [B, C]
    P = jax.nn.softmax(y_s, axis=-1)
    Pa = jax.nn.softmax(y_s_adv, axis=-1)
    N_per_class = Y.sum(axis=0)  # [C]
    total = N_per_class.sum()

    empirical_loss = jnp.zeros(())
    discrepancy_loss = jnp.zeros(())
    for i in range(C):
        yi = Y[:, i]
        pi = P[:, i]
        pai = Pa[:, i]
        fac = 1.0 / (N_per_class[i] * (total - N_per_class[i]))
        # mask[a, b] = 1 iff a is a positive and b is a negative of class i
        mask = yi[:, None] * (1.0 - yi)[None, :]
        delta_f = pi[:, None] - pi[None, :]
        # empirical_error: x = 4 * (1 - (f_pos - f_neg)), summed over pos-neg pairs
        empirical_x = 4.0 * (1.0 - delta_f)
        empirical_loss = empirical_loss + fac * (loss_func(empirical_x, EPSILON) * mask).sum()
        # source_discrepency: x = 2 * ((f_hat_pos - f_hat_neg) - (f_pos - f_neg))
        delta_f_hat = pai[:, None] - pai[None, :]
        source_x = 2.0 * (delta_f_hat - delta_f)
        discrepancy_loss = discrepancy_loss + fac * (loss_func(source_x, EPSILON) * mask).sum()

    # forward calls forward_discrepancy(y_s, y_s_adv, labels_s, y_t, y_t_adv, epoch):
    # the 6th positional arg binds to labels_t, so epoch stays 0 < warm_up_epoch (=10)
    # and the target_discrepancy branch is never executed.
    transfer_loss = -BETA2 * 0.5 * discrepancy_loss
    return (0.25 * empirical_loss, transfer_loss)


if False:  # reference __main__ guard neutralized (emitter)
    out = reference(**setup_inputs())
    print(out)

if __name__ == "__main__":
    import jax
    _d = setup_inputs()
    print(jax.jit(kernel)(*tuple(_d.values())))

</pallas_src>

<mosaic_0001>
#map = affine_map<(d0, d1) -> (0, 0)>
#map1 = affine_map<(d0, d1) -> (0)>
module attributes {stable_mosaic.version = 14 : i64} {
  func.func @_sc_row_stats(%arg0: i32, %arg1: i32, %arg2: memref<10x2048xf32, #tpu.memory_space<hbm>>, %arg3: memref<10x2048xf32, #tpu.memory_space<hbm>>, %arg4: memref<2048xi32, #tpu.memory_space<hbm>>, %arg5: memref<2048xf32, #tpu.memory_space<hbm>>, %arg6: memref<2048xf32, #tpu.memory_space<hbm>>, %arg7: memref<2048xf32, #tpu.memory_space<hbm>>, %arg8: memref<2048xf32, #tpu.memory_space<hbm>>, %arg9: memref<10x128xf32, #tpu.memory_space<vmem>>, %arg10: memref<10x128xf32, #tpu.memory_space<vmem>>, %arg11: memref<128xi32, #tpu.memory_space<vmem>>, %arg12: memref<128xf32, #tpu.memory_space<vmem>>, %arg13: memref<128xf32, #tpu.memory_space<vmem>>, %arg14: memref<128xf32, #tpu.memory_space<vmem>>, %arg15: memref<128xf32, #tpu.memory_space<vmem>>) attributes {dimension_semantics = [#tpu.dimension_semantics<core_parallel>, #tpu.dimension_semantics<subcore_parallel>], iteration_bounds = array<i64: 2, 16>, scalar_prefetch = 0 : i64, scratch_operands = 7 : i64, tpu.core_type = #tpu.core_type<sc_vector_subcore>, window_params = [{transform_indices = #map}, {transform_indices = #map}, {transform_indices = #map1}, {transform_indices = #map1}, {transform_indices = #map1}, {transform_indices = #map1}, {transform_indices = #map1}]} {
    %mul3A = arith.constant 2 : i32
    %mul3A_0 = arith.muli %arg1, %mul3A : i32
    %add3A = arith.addi %mul3A_0, %arg0 : i32
    %lt3A = arith.constant 16 : i32
    %lt3A_1 = arith.cmpi slt, %add3A, %lt3A : i32
    %convert_element_type3A = arith.extui %lt3A_1 : i1 to i32
    %cond3A = arith.constant 0 : i32
    %cond3A_2 = arith.cmpi ne, %convert_element_type3A, %cond3A : i32
    scf.if %cond3A_2 {
      %mul3A_3 = arith.constant 128 : i32
      %mul3A_4 = arith.muli %add3A, %mul3A_3 : i32
      "tpu.region"() ({
        %run_scoped3A = tpu.sem_alloc : memref<!tpu.dma_semaphore, #tpu.memory_space<semaphore_mem>>
        %dma_start3A = arith.constant 0 : i32
        %dma_start3A_2484 = tpu.memref_slice %arg2[%dma_start3A, %mul3A_4] : memref<10x2048xf32, #tpu.memory_space<hbm>> -> memref<10x128xf32, #tpu.memory_space<hbm>>
        %dma_start3A_2485 = arith.constant 0 : i32
        %dma_start3A_2486 = tpu.memref_slice %arg2[%dma_start3A_2485, %mul3A_4] : memref<10x2048xf32, #tpu.memory_space<hbm>> -> memref<10x128xf32, #tpu.memory_space<hbm>>
        tpu.enqueue_dma source(%dma_start3A_2486 : memref<10x128xf32, #tpu.memory_space<hbm>>) target(%arg9 : memref<10x128xf32, #tpu.memory_space<vmem>>) target_semaphore(%run_scoped3A : memref<!tpu.dma_semaphore, #tpu.memory_space<semaphore_mem>>)
        %dma_wait3A = arith.constant 0 : i32
        %dma_wait3A_2487 = tpu.memref_slice %arg2[%dma_wait3A, %mul3A_4] : memref<10x2048xf32, #tpu.memory_space<hbm>> -> memref<10x128xf32, #tpu.memory_space<hbm>>
        %dma_wait3A_2488 = arith.constant 0 : i32
        %dma_wait3A_2489 = tpu.memref_slice %arg2[%dma_wait3A_2488, %mul3A_4] : memref<10x2048xf32, #tpu.memory_space<hbm>> -> memref<10x128xf32, #tpu.memory_space<hbm>>
        tpu.wait_dma2 semaphore(%run_scoped3A : memref<!tpu.dma_semaphore, #tpu.memory_space<semaphore_mem>>) src(%dma_wait3A_2489 : memref<10x128xf32, #tpu.memory_space<hbm>>) dst(%arg9 : memref<10x128xf32, #tpu.memory_space<vmem>>)
        tpu.yield
      }) : () -> ()
      "tpu.region"() ({
        %run_scoped3A = tpu.sem_alloc : memref<!tpu.dma_semaphore, #tpu.memory_space<semaphore_mem>>
        %dma_start3A = arith.constant 0 : i32
        %dma_start3A_2484 = tpu.memref_slice %arg3[%dma_start3A, %mul3A_4] : memref<10x2048xf32, #tpu.memory_space<hbm>> -> memref<10x128xf32, #tpu.memory_space<hbm>>
        %dma_start3A_2485 = arith.constant 0 : i32
        %dma_start3A_2486 = tpu.memref_slice %arg3[%dma_start3A_2485, %mul3A_4] : memref<10x2048xf32, #tpu.memory_space<hbm>> -> memref<10x128xf32, #tpu.memory_space<hbm>>
        tpu.enqueue_dma source(%dma_start3A_2486 : memref<10x128xf32, #tpu.memory_space<hbm>>) target(%arg10 : memref<10x128xf32, #tpu.memory_space<vmem>>) target_semaphore(%run_scoped3A : memref<!tpu.dma_semaphore, #tpu.memory_space<semaphore_mem>>)
        %dma_wait3A = arith.constant 0 : i32
        %dma_wait3A_2487 = tpu.memref_slice %arg3[%dma_wait3A, %mul3A_4] : memref<10x2048xf32, #tpu.memory_space<hbm>> -> memref<10x128xf32, #tpu.memory_space<hbm>>
        %dma_wait3A_2488 = arith.constant 0 : i32
        %dma_wait3A_2489 = tpu.memref_slice %arg3[%dma_wait3A_2488, %mul3A_4] : memref<10x2048xf32, #tpu.memory_space<hbm>> -> memref<10x128xf32, #tpu.memory_space<hbm>>
        tpu.wait_dma2 semaphore(%run_scoped3A : memref<!tpu.dma_semaphore, #tpu.memory_space<semaphore_mem>>) src(%dma_wait3A_2489 : memref<10x128xf32, #tpu.memory_space<hbm>>) dst(%arg10 : memref<10x128xf32, #tpu.memory_space<vmem>>)
        tpu.yield
      }) : () -> ()
      "tpu.region"() ({
        %run_scoped3A = tpu.sem_alloc : memref<!tpu.dma_semaphore, #tpu.memory_space<semaphore_mem>>
        %dma_start3A = tpu.memref_slice %arg4[%mul3A_4] : memref<2048xi32, #tpu.memory_space<hbm>> -> memref<128xi32, #tpu.memory_space<hbm>>
        %dma_start3A_2484 = tpu.memref_slice %arg4[%mul3A_4] : memref<2048xi32, #tpu.memory_space<hbm>> -> memref<128xi32, #tpu.memory_space<hbm>>
        tpu.enqueue_dma source(%dma_start3A_2484 : memref<128xi32, #tpu.memory_space<hbm>>) target(%arg11 : memref<128xi32, #tpu.memory_space<vmem>>) target_semaphore(%run_scoped3A : memref<!tpu.dma_semaphore, #tpu.memory_space<semaphore_mem>>)
        %dma_wait3A = tpu.memref_slice %arg4[%mul3A_4] : memref<2048xi32, #tpu.memory_space<hbm>> -> memref<128xi32, #tpu.memory_space<hbm>>
        %dma_wait3A_2485 = tpu.memref_slice %arg4[%mul3A_4] : memref<2048xi32, #tpu.memory_space<hbm>> -> memref<128xi32, #tpu.memory_space<hbm>>
        tpu.wait_dma2 semaphore(%run_scoped3A : memref<!tpu.dma_semaphore, #tpu.memory_space<semaphore_mem>>) src(%dma_wait3A_2485 : memref<128xi32, #tpu.memory_space<hbm>>) dst(%arg11 : memref<128xi32, #tpu.memory_space<vmem>>)
        tpu.yield
      }) : () -> ()
      %get3A = arith.constant 0 : index
      %get3A_5 = tpu.vector_load %arg11[%get3A] {strides = array<i32>} : memref<128xi32, #tpu.memory_space<vmem>>, vector<16xi32>,
      %get3A_6 = vector.shape_cast %get3A_5 : vector<16xi32> to vector<16xi32>
      %get3A_7 = arith.constant 0 : i32
      %get3A_8 = arith.index_cast %get3A_7 : i32 to index
      %get3A_9 = arith.constant 0 : index
      %get3A_10 = tpu.vector_load %arg9[%get3A_8, %get3A_9] {strides = array<i32>} : memref<10x128xf32, #tpu.memory_space<vmem>>, vector<1x16xf32>,
      %get3A_11 = vector.shape_cast %get3A_10 : vector<1x16xf32> to vector<16xf32>
      %get3A_12 = arith.constant 1 : i32
      %get3A_13 = arith.index_cast %get3A_12 : i32 to index
      %get3A_14 = arith.constant 0 : index
      %get3A_15 = tpu.vector_load %arg9[%get3A_13, %get3A_14] {strides = array<i32>} : memref<10x128xf32, #tpu.memory_space<vmem>>, vector<1x16xf32>,
      %get3A_16 = vector.shape_cast %get3A_15 : vector<1x16xf32> to vector<16xf32>
      %get3A_17 = arith.constant 2 : i32
      %get3A_18 = arith.index_cast %get3A_17 : i32 to index
      %get3A_19 = arith.constant 0 : index
      %get3A_20 = tpu.vector_load %arg9[%get3A_18, %get3A_19] {strides = array<i32>} : memref<10x128xf32, #tpu.memory_space<vmem>>, vector<1x16xf32>,
      %get3A_21 = vector.shape_cast %get3A_20 : vector<1x16xf32> to vector<16xf32>
      %get3A_22 = arith.constant 3 : i32
      %get3A_23 = arith.index_cast %get3A_22 : i32 to index
      %get3A_24 = arith.constant 0 : index
      %get3A_25 = tpu.vector_load %arg9[%get3A_23, %get3A_24] {strides = array<i32>} : memref<10x128xf32, #tpu.memory_space<vmem>>, vector<1x16xf32>,
      %get3A_26 = vector.shape_cast %get3A_25 : vector<1x16xf32> to vector<16xf32>
      %get3A_27 = arith.constant 4 : i32
      %get3A_28 = arith.index_cast %get3A_27 : i32 to index
      %get3A_29 = arith.constant 0 : index
      %get3A_30 = tpu.vector_load %arg9[%get3A_28, %get3A_29] {strides = array<i32>} : memref<10x128xf32, #tpu.memory_space<vmem>>, vector<1x16xf32>,
      %get3A_31 = vector.shape_cast %get3A_30 : vector<1x16xf32> to vector<16xf32>
      %get3A_32 = arith.constant 5 : i32
      %get3A_33 = arith.index_cast %get3A_32 : i32 to index
      %get3A_34 = arith.constant 0 : index
      %get3A_35 = tpu.vector_load %arg9[%get3A_33, %get3A_34] {strides = array<i32>} : memref<10x128xf32, #tpu.memory_space<vmem>>, vector<1x16xf32>,
      %get3A_36 = vector.shape_cast %get3A_35 : vector<1x16xf32> to vector<16xf32>
      %get3A_37 = arith.constant 6 : i32
      %get3A_38 = arith.index_cast %get3A_37 : i32 to index
      %get3A_39 = arith.constant 0 : index
      %get3A_40 = tpu.vector_load %arg9[%get3A_38, %get3A_39] {strides = array<i32>} : memref<10x128xf32, #tpu.memory_space<vmem>>, vector<1x16xf32>,
      %get3A_41 = vector.shape_cast %get3A_40 : vector<1x16xf32> to vector<16xf32>
      %get3A_42 = arith.constant 7 : i32
      %get3A_43 = arith.index_cast %get3A_42 : i32 to index
      %get3A_44 = arith.constant 0 : index
      %get3A_45 = tpu.vector_load %arg9[%get3A_43, %get3A_44] {strides = array<i32>} : memref<10x128xf32, #tpu.memory_space<vmem>>, vector<1x16xf32>,
      %get3A_46 = vector.shape_cast %get3A_45 : vector<1x16xf32> to vector<16xf32>
      %get3A_47 = arith.constant 8 : i32
      %get3A_48 = arith.index_cast %get3A_47 : i32 to index
      %get3A_49 = arith.constant 0 : index
      %get3A_50 = tpu.vector_load %arg9[%get3A_48, %get3A_49] {strides = array<i32>} : memref<10x128xf32, #tpu.memory_space<vmem>>, vector<1x16xf32>,
      %get3A_51 = vector.shape_cast %get3A_50 : vector<1x16xf32> to vector<16xf32>
      %get3A_52 = arith.constant 9 : i32
      %get3A_53 = arith.index_cast %get3A_52 : i32 to index
      %get3A_54 = arith.constant 0 : index
      %get3A_55 = tpu.vector_load %arg9[%get3A_53, %get3A_54] {strides = array<i32>} : memref<10x128xf32, #tpu.memory_space<vmem>>, vector<1x16xf32>,
      %get3A_56 = vector.shape_cast %get3A_55 : vector<1x16xf32> to vector<16xf32>
      %max3A = arith.maximumf %get3A_11, %get3A_16 : vector<16xf32>
      %max3A_57 = arith.maximumf %max3A, %get3A_21 : vector<16xf32>
      %max3A_58 = arith.maximumf %max3A_57, %get3A_26 : vector<16xf32>
      %max3A_59 = arith.maximumf %max3A_58, %get3A_31 : vector<16xf32>
      %max3A_60 = arith.maximumf %max3A_59, %get3A_36 : vector<16xf32>
      %max3A_61 = arith.maximumf %max3A_60, %get3A_41 : vector<16xf32>
      %max3A_62 = arith.maximumf %max3A_61, %get3A_46 : vector<16xf32>
      %max3A_63 = arith.maximumf %max3A_62, %get3A_51 : vector<16xf32>
      %max3A_64 = arith.maximumf %max3A_63, %get3A_56 : vector<16xf32>
      %sub3A = arith.subf %get3A_11, %max3A_64 : vector<16xf32>
      %exp3A = math.exp %sub3A : vector<16xf32>
      %sub3A_65 = arith.subf %get3A_16, %max3A_64 : vector<16xf32>
      %exp3A_66 = math.exp %sub3A_65 : vector<16xf32>
      %sub3A_67 = arith.subf %get3A_21, %max3A_64 : vector<16xf32>
      %exp3A_68 = math.exp %sub3A_67 : vector<16xf32>
      %sub3A_69 = arith.subf %get3A_26, %max3A_64 : vector<16xf32>
      %exp3A_70 = math.exp %sub3A_69 : vector<16xf32>
      %sub3A_71 = arith.subf %get3A_31, %max3A_64 : vector<16xf32>
      %exp3A_72 = math.exp %sub3A_71 : vector<16xf32>
      %sub3A_73 = arith.subf %get3A_36, %max3A_64 : vector<16xf32>
      %exp3A_74 = math.exp %sub3A_73 : vector<16xf32>
      %sub3A_75 = arith.subf %get3A_41, %max3A_64 : vector<16xf32>
      %exp3A_76 = math.exp %sub3A_75 : vector<16xf32>
      %sub3A_77 = arith.subf %get3A_46, %max3A_64 : vector<16xf32>
      %exp3A_78 = math.exp %sub3A_77 : vector<16xf32>
      %sub3A_79 = arith.subf %get3A_51, %max3A_64 : vector<16xf32>
      %exp3A_80 = math.exp %sub3A_79 : vector<16xf32>
      %sub3A_81 = arith.subf %get3A_56, %max3A_64 : vector<16xf32>
      %exp3A_82 = math.exp %sub3A_81 : vector<16xf32>
      %add3A_83 = arith.addf %exp3A, %exp3A_66 : vector<16xf32>
      %add3A_84 = arith.addf %add3A_83, %exp3A_68 : vector<16xf32>
      %add3A_85 = arith.addf %add3A_84, %exp3A_70 : vector<16xf32>
      %add3A_86 = arith.addf %add3A_85, %exp3A_72 : vector<16xf32>
      %add3A_87 = arith.addf %add3A_86, %exp3A_74 : vector<16xf32>
      %add3A_88 = arith.addf %add3A_87, %exp3A_76 : vector<16xf32>
      %add3A_89 = arith.addf %add3A_88, %exp3A_78 : vector<16xf32>
      %add3A_90 = arith.addf %add3A_89, %exp3A_80 : vector<16xf32>
      %add3A_91 = arith.addf %add3A_90, %exp3A_82 : vector<16xf32>
      %broadcast_in_dim3A = arith.constant 0.000000e+00 : f32
      %broadcast_in_dim3A_92 = vector.broadcast %broadcast_in_dim3A : f32 to vector<16xf32>
      %eq3A = arith.constant 0 : i32
      %eq3A_93 = vector.broadcast %eq3A : i32 to vector<16xi32>
      %eq3A_94 = arith.cmpi eq, %get3A_6, %eq3A_93 : vector<16xi32>
      %select_n3A = arith.select %eq3A_94, %exp3A, %broadcast_in_dim3A_92 : vector<16xi1>, vector<16xf32>
      %eq3A_95 = arith.constant 1 : i32
      %eq3A_96 = vector.broadcast %eq3A_95 : i32 to vector<16xi32>
      %eq3A_97 = arith.cmpi eq, %get3A_6, %eq3A_96 : vector<16xi32>
      %select_n3A_98 = arith.select %eq3A_97, %exp3A_66, %select_n3A : vector<16xi1>, vector<16xf32>
      %eq3A_99 = arith.constant 2 : i32
      %eq3A_100 = vector.broadcast %eq3A_99 : i32 to vector<16xi32>
      %eq3A_101 = arith.cmpi eq, %get3A_6, %eq3A_100 : vector<16xi32>
      %select_n3A_102 = arith.select %eq3A_101, %exp3A_68, %select_n3A_98 : vector<16xi1>, vector<16xf32>
      %eq3A_103 = arith.constant 3 : i32
      %eq3A_104 = vector.broadcast %eq3A_103 : i32 to vector<16xi32>
      %eq3A_105 = arith.cmpi eq, %get3A_6, %eq3A_104 : vector<16xi32>
      %select_n3A_106 = arith.select %eq3A_105, %exp3A_70, %select_n3A_102 : vector<16xi1>, vector<16xf32>
      %eq3A_107 = arith.constant 4 : i32
      %eq3A_108 = vector.broadcast %eq3A_107 : i32 to vector<16xi32>
      %eq3A_109 = arith.cmpi eq, %get3A_6, %eq3A_108 : vector<16xi32>
      %select_n3A_110 = arith.select %eq3A_109, %exp3A_72, %select_n3A_106 : vector<16xi1>, vector<16xf32>
      %eq3A_111 = arith.constant 5 : i32
      %eq3A_112 = vector.broadcast %eq3A_111 : i32 to vector<16xi32>
      %eq3A_113 = arith.cmpi eq, %get3A_6, %eq3A_112 : vector<16xi32>
      %select_n3A_114 = arith.select %eq3A_113, %exp3A_74, %select_n3A_110 : vector<16xi1>, vector<16xf32>
      %eq3A_115 = arith.constant 6 : i32
      %eq3A_116 = vector.broadcast %eq3A_115 : i32 to vector<16xi32>
      %eq3A_117 = arith.cmpi eq, %get3A_6, %eq3A_116 : vector<16xi32>
      %select_n3A_118 = arith.select %eq3A_117, %exp3A_76, %select_n3A_114 : vector<16xi1>, vector<16xf32>
      %eq3A_119 = arith.constant 7 : i32
      %eq3A_120 = vector.broadcast %eq3A_119 : i32 to vector<16xi32>
      %eq3A_121 = arith.cmpi eq, %get3A_6, %eq3A_120 : vector<16xi32>
      %select_n3A_122 = arith.select %eq3A_121, %exp3A_78, %select_n3A_118 : vector<16xi1>, vector<16xf32>
      %eq3A_123 = arith.constant 8 : i32
      %eq3A_124 = vector.broadcast %eq3A_123 : i32 to vector<16xi32>
      %eq3A_125 = arith.cmpi eq, %get3A_6, %eq3A_124 : vector<16xi32>
      %select_n3A_126 = arith.select %eq3A_125, %exp3A_80, %select_n3A_122 : vector<16xi1>, vector<16xf32>
      %eq3A_127 = arith.constant 9 : i32
      %eq3A_128 = vector.broadcast %eq3A_127 : i32 to vector<16xi32>
      %eq3A_129 = arith.cmpi eq, %get3A_6, %eq3A_128 : vector<16xi32>
      %select_n3A_130 = arith.select %eq3A_129, %exp3A_82, %select_n3A_126 : vector<16xi1>, vector<16xf32>
      %div3A = arith.divf %select_n3A_130, %add3A_91 : vector<16xf32>
      %get3A_131 = arith.constant 0 : i32
      %get3A_132 = arith.index_cast %get3A_131 : i32 to index
      %get3A_133 = arith.constant 0 : index
      %get3A_134 = tpu.vector_load %arg10[%get3A_132, %get3A_133] {strides = array<i32>} : memref<10x128xf32, #tpu.memory_space<vmem>>, vector<1x16xf32>,
      %get3A_135 = vector.shape_cast %get3A_134 : vector<1x16xf32> to vector<16xf32>
      %get3A_136 = arith.constant 1 : i32
      %get3A_137 = arith.index_cast %get3A_136 : i32 to index
      %get3A_138 = arith.constant 0 : index
      %get3A_139 = tpu.vector_load %arg10[%get3A_137, %get3A_138] {strides = array<i32>} : memref<10x128xf32, #tpu.memory_space<vmem>>, vector<1x16xf32>,
      %get3A_140 = vector.shape_cast %get3A_139 : vector<1x16xf32> to vector<16xf32>
      %get3A_141 = arith.constant 2 : i32
      %get3A_142 = arith.index_cast %get3A_141 : i32 to index
      %get3A_143 = arith.constant 0 : index
      %get3A_144 = tpu.vector_load %arg10[%get3A_142, %get3A_143] {strides = array<i32>} : memref<10x128xf32, #tpu.memory_space<vmem>>, vector<1x16xf32>,
      %get3A_145 = vector.shape_cast %get3A_144 : vector<1x16xf32> to vector<16xf32>
      %get3A_146 = arith.constant 3 : i32
      %get3A_147 = arith.index_cast %get3A_146 : i32 to index
      %get3A_148 = arith.constant 0 : index
      %get3A_149 = tpu.vector_load %arg10[%get3A_147, %get3A_148] {strides = array<i32>} : memref<10x128xf32, #tpu.memory_space<vmem>>, vector<1x16xf32>,
      %get3A_150 = vector.shape_cast %get3A_149 : vector<1x16xf32> to vector<16xf32>
      %get3A_151 = arith.constant 4 : i32
      %get3A_152 = arith.index_cast %get3A_151 : i32 to index
      %get3A_153 = arith.constant 0 : index
      %get3A_154 = tpu.vector_load %arg10[%get3A_152, %get3A_153] {strides = array<i32>} : memref<10x128xf32, #tpu.memory_space<vmem>>, vector<1x16xf32>,
      %get3A_155 = vector.shape_cast %get3A_154 : vector<1x16xf32> to vector<16xf32>
      %get3A_156 = arith.constant 5 : i32
      %get3A_157 = arith.index_cast %get3A_156 : i32 to index
      %get3A_158 = arith.constant 0 : index
      %get3A_159 = tpu.vector_load %arg10[%get3A_157, %get3A_158] {strides = array<i32>} : memref<10x128xf32, #tpu.memory_space<vmem>>, vector<1x16xf32>,
      %get3A_160 = vector.shape_cast %get3A_159 : vector<1x16xf32> to vector<16xf32>
      %get3A_161 = arith.constant 6 : i32
      %get3A_162 = arith.index_cast %get3A_161 : i32 to index
      %get3A_163 = arith.constant 0 : index
      %get3A_164 = tpu.vector_load %arg10[%get3A_162, %get3A_163] {strides = array<i32>} : memref<10x128xf32, #tpu.memory_space<vmem>>, vector<1x16xf32>,
      %get3A_165 = vector.shape_cast %get3A_164 : vector<1x16xf32> to vector<16xf32>
      %get3A_166 = arith.constant 7 : i32
      %get3A_167 = arith.index_cast %get3A_166 : i32 to index
      %get3A_168 = arith.constant 0 : index
      %get3A_169 = tpu.vector_load %arg10[%get3A_167, %get3A_168] {strides = array<i32>} : memref<10x128xf32, #tpu.memory_space<vmem>>, vector<1x16xf32>,
      %get3A_170 = vector.shape_cast %get3A_169 : vector<1x16xf32> to vector<16xf32>
      %get3A_171 = arith.constant 8 : i32
      %get3A_172 = arith.index_cast %get3A_171 : i32 to index
      %get3A_173 = arith.constant 0 : index
      %get3A_174 = tpu.vector_load %arg10[%get3A_172, %get3A_173] {strides = array<i32>} : memref<10x128xf32, #tpu.memory_space<vmem>>, vector<1x16xf32>,
      %get3A_175 = vector.shape_cast %get3A_174 : vector<1x16xf32> to vector<16xf32>
      %get3A_176 = arith.constant 9 : i32
      %get3A_177 = arith.index_cast %get3A_176 : i32 to index
      %get3A_178 = arith.constant 0 : index
      %get3A_179 = tpu.vector_load %arg10[%get3A_177, %get3A_178] {strides = array<i32>} : memref<10x128xf32, #tpu.memory_space<vmem>>, vector<1x16xf32>,
      %get3A_180 = vector.shape_cast %get3A_179 : vector<1x16xf32> to vector<16xf32>
      %max3A_181 = arith.maximumf %get3A_135, %get3A_140 : vector<16xf32>
      %max3A_182 = arith.maximumf %max3A_181, %get3A_145 : vector<16xf32>
      %max3A_183 = arith.maximumf %max3A_182, %get3A_150 : vector<16xf32>
      %max3A_184 = arith.maximumf %max3A_183, %get3A_155 : vector<16xf32>
      %max3A_185 = arith.maximumf %max3A_184, %get3A_160 : vector<16xf32>
      %max3A_186 = arith.maximumf %max3A_185, %get3A_165 : vector<16xf32>
      %max3A_187 = arith.maximumf %max3A_186, %get3A_170 : vector<16xf32>
      %max3A_188 = arith.maximumf %max3A_187, %get3A_175 : vector<16xf32>
      %max3A_189 = arith.maximumf %max3A_188, %get3A_180 : vector<16xf32>
      %sub3A_190 = arith.subf %get3A_135, %max3A_189 : vector<16xf32>
      %exp3A_191 = math.exp %sub3A_190 : vector<16xf32>
      %sub3A_192 = arith.subf %get3A_140, %max3A_189 : vector<16xf32>
      %exp3A_193 = math.exp %sub3A_192 : vector<16xf32>
      %sub3A_194 = arith.subf %get3A_145, %max3A_189 : vector<16xf32>
      %exp3A_195 = math.exp %sub3A_194 : vector<16xf32>
      %sub3A_196 = arith.subf %get3A_150, %max3A_189 : vector<16xf32>
      %exp3A_197 = math.exp %sub3A_196 : vector<16xf32>
      %sub3A_198 = arith.subf %get3A_155, %max3A_189 : vector<16xf32>
      %exp3A_199 = math.exp %sub3A_198 : vector<16xf32>
      %sub3A_200 = arith.subf %get3A_160, %max3A_189 : vector<16xf32>
      %exp3A_201 = math.exp %sub3A_200 : vector<16xf32>
      %sub3A_202 = arith.subf %get3A_165, %max3A_189 : vector<16xf32>
      %exp3A_203 = math.exp %sub3A_202 : vector<16xf32>
      %sub3A_204 = arith.subf %get3A_170, %max3A_189 : vector<16xf32>
      %exp3A_205 = math.exp %sub3A_204 : vector<16xf32>
      %sub3A_206 = arith.subf %get3A_175, %max3A_189 : vector<16xf32>
      %exp3A_207 = math.exp %sub3A_206 : vector<16xf32>
      %sub3A_208 = arith.subf %get3A_180, %max3A_189 : vector<16xf32>
      %exp3A_209 = math.exp %sub3A_208 : vector<16xf32>
      %add3A_210 = arith.addf %exp3A_191, %exp3A_193 : vector<16xf32>
      %add3A_211 = arith.addf %add3A_210, %exp3A_195 : vector<16xf32>
      %add3A_212 = arith.addf %add3A_211, %exp3A_197 : vector<16xf32>
      %add3A_213 = arith.addf %add3A_212, %exp3A_199 : vector<16xf32>
      %add3A_214 = arith.addf %add3A_213, %exp3A_201 : vector<16xf32>
      %add3A_215 = arith.addf %add3A_214, %exp3A_203 : vector<16xf32>
      %add3A_216 = arith.addf %add3A_215, %exp3A_205 : vector<16xf32>
      %add3A_217 = arith.addf %add3A_216, %exp3A_207 : vector<16xf32>
      %add3A_218 = arith.addf %add3A_217, %exp3A_209 : vector<16xf32>
      %broadcast_in_dim3A_219 = arith.constant 0.000000e+00 : f32
      %broadcast_in_dim3A_220 = vector.broadcast %broadcast_in_dim3A_219 : f32 to vector<16xf32>
      %eq3A_221 = arith.constant 0 : i32
      %eq3A_222 = vector.broadcast %eq3A_221 : i32 to vector<16xi32>
      %eq3A_223 = arith.cmpi eq, %get3A_6, %eq3A_222 : vector<16xi32>
      %select_n3A_224 = arith.select %eq3A_223, %exp3A_191, %broadcast_in_dim3A_220 : vector<16xi1>, vector<16xf32>
      %eq3A_225 = arith.constant 1 : i32
      %eq3A_226 = vector.broadcast %eq3A_225 : i32 to vector<16xi32>
      %eq3A_227 = arith.cmpi eq, %get3A_6, %eq3A_226 : vector<16xi32>
      %select_n3A_228 = arith.select %eq3A_227, %exp3A_193, %select_n3A_224 : vector<16xi1>, vector<16xf32>
      %eq3A_229 = arith.constant 2 : i32
      %eq3A_230 = vector.broadcast %eq3A_229 : i32 to vector<16xi32>
      %eq3A_231 = arith.cmpi eq, %get3A_6, %eq3A_230 : vector<16xi32>
      %select_n3A_232 = arith.select %eq3A_231, %exp3A_195, %select_n3A_228 : vector<16xi1>, vector<16xf32>
      %eq3A_233 = arith.constant 3 : i32
      %eq3A_234 = vector.broadcast %eq3A_233 : i32 to vector<16xi32>
      %eq3A_235 = arith.cmpi eq, %get3A_6, %eq3A_234 : vector<16xi32>
      %select_n3A_236 = arith.select %eq3A_235, %exp3A_197, %select_n3A_232 : vector<16xi1>, vector<16xf32>
      %eq3A_237 = arith.constant 4 : i32
      %eq3A_238 = vector.broadcast %eq3A_237 : i32 to vector<16xi32>
      %eq3A_239 = arith.cmpi eq, %get3A_6, %eq3A_238 : vector<16xi32>
      %select_n3A_240 = arith.select %eq3A_239, %exp3A_199, %select_n3A_236 : vector<16xi1>, vector<16xf32>
      %eq3A_241 = arith.constant 5 : i32
      %eq3A_242 = vector.broadcast %eq3A_241 : i32 to vector<16xi32>
      %eq3A_243 = arith.cmpi eq, %get3A_6, %eq3A_242 : vector<16xi32>
      %select_n3A_244 = arith.select %eq3A_243, %exp3A_201, %select_n3A_240 : vector<16xi1>, vector<16xf32>
      %eq3A_245 = arith.constant 6 : i32
      %eq3A_246 = vector.broadcast %eq3A_245 : i32 to vector<16xi32>
      %eq3A_247 = arith.cmpi eq, %get3A_6, %eq3A_246 : vector<16xi32>
      %select_n3A_248 = arith.select %eq3A_247, %exp3A_203, %select_n3A_244 : vector<16xi1>, vector<16xf32>
      %eq3A_249 = arith.constant 7 : i32
      %eq3A_250 = vector.broadcast %eq3A_249 : i32 to vector<16xi32>
      %eq3A_251 = arith.cmpi eq, %get3A_6, %eq3A_250 : vector<16xi32>
      %select_n3A_252 = arith.select %eq3A_251, %exp3A_205, %select_n3A_248 : vector<16xi1>, vector<16xf32>
      %eq3A_253 = arith.constant 8 : i32
      %eq3A_254 = vector.broadcast %eq3A_253 : i32 to vector<16xi32>
      %eq3A_255 = arith.cmpi eq, %get3A_6, %eq3A_254 : vector<16xi32>
      %select_n3A_256 = arith.select %eq3A_255, %exp3A_207, %select_n3A_252 : vector<16xi1>, vector<16xf32>
      %eq3A_257 = arith.constant 9 : i32
      %eq3A_258 = vector.broadcast %eq3A_257 : i32 to vector<16xi32>
      %eq3A_259 = arith.cmpi eq, %get3A_6, %eq3A_258 : vector<16xi32>
      %select_n3A_260 = arith.select %eq3A_259, %exp3A_209, %select_n3A_256 : vector<16xi1>, vector<16xf32>
      %div3A_261 = arith.divf %select_n3A_260, %add3A_218 : vector<16xf32>
      %mul3A_262 = arith.constant 4.000000e+00 : f32
      %mul3A_263 = vector.broadcast %mul3A_262 : f32 to vector<16xf32>
      %mul3A_264 = arith.mulf %mul3A_263, %div3A : vector<16xf32>
      %sub3A_265 = arith.constant 4.050000e+00 : f32
      %sub3A_266 = vector.broadcast %sub3A_265 : f32 to vector<16xf32>
      %sub3A_267 = arith.subf %sub3A_266, %mul3A_264 : vector<16xf32>
      %exp3A_268 = math.exp %sub3A_267 : vector<16xf32>
      %swap3A = arith.constant 0 : index
      %swap3A_269 = tpu.vector_load %arg12[%swap3A] {strides = array<i32>} : memref<128xf32, #tpu.memory_space<vmem>>, vector<16xf32>,
      %swap3A_270 = vector.shape_cast %swap3A_269 : vector<16xf32> to vector<16xf32>
      %swap3A_271 = vector.shape_cast %exp3A_268 : vector<16xf32> to vector<16xf32>
      tpu.vector_store %arg12[%swap3A], %swap3A_271 {strides = array<i32>} : memref<128xf32, #tpu.memory_space<vmem>>, vector<16xf32>,
      %mul3A_272 = arith.constant 4.000000e+00 : f32
      %mul3A_273 = vector.broadcast %mul3A_272 : f32 to vector<16xf32>
      %mul3A_274 = arith.mulf %mul3A_273, %div3A : vector<16xf32>
      %add3A_275 = arith.constant -3.950000e+00 : f32
      %add3A_276 = vector.broadcast %add3A_275 : f32 to vector<16xf32>
      %add3A_277 = arith.addf %add3A_276, %mul3A_274 : vector<16xf32>
      %exp3A_278 = math.exp %add3A_277 : vector<16xf32>
      %swap3A_279 = arith.constant 0 : index
      %swap3A_280 = tpu.vector_load %arg13[%swap3A_279] {strides = array<i32>} : memref<128xf32, #tpu.memory_space<vmem>>, vector<16xf32>,
      %swap3A_281 = vector.shape_cast %swap3A_280 : vector<16xf32> to vector<16xf32>
      %swap3A_282 = vector.shape_cast %exp3A_278 : vector<16xf32> to vector<16xf32>
      tpu.vector_store %arg13[%swap3A_279], %swap3A_282 {strides = array<i32>} : memref<128xf32, #tpu.memory_space<vmem>>, vector<16xf32>,
      %sub3A_283 = arith.subf %div3A_261, %div3A : vector<16xf32>
      %mul3A_284 = arith.constant 2.000000e+00 : f32
      %mul3A_285 = vector.broadcast %mul3A_284 : f32 to vector<16xf32>
      %mul3A_286 = arith.mulf %mul3A_285, %sub3A_283 : vector<16xf32>
      %add3A_287 = arith.constant 5.000000e-02 : f32
      %add3A_288 = vector.broadcast %add3A_287 : f32 to vector<16xf32>
      %add3A_289 = arith.addf %add3A_288, %mul3A_286 : vector<16xf32>
      %exp3A_290 = math.exp %add3A_289 : vector<16xf32>
      %swap3A_291 = arith.constant 0 : index
      %swap3A_292 = tpu.vector_load %arg14[%swap3A_291] {strides = array<i32>} : memref<128xf32, #tpu.memory_space<vmem>>, vector<16xf32>,
      %swap3A_293 = vector.shape_cast %swap3A_292 : vector<16xf32> to vector<16xf32>
      %swap3A_294 = vector.shape_cast %exp3A_290 : vector<16xf32> to vector<16xf32>
      tpu.vector_store %arg14[%swap3A_291], %swap3A_294 {strides = array<i32>} : memref<128xf32, #tpu.memory_space<vmem>>, vector<16xf32>,
      %sub3A_295 = arith.subf %div3A_261, %div3A : vector<16xf32>
      %mul3A_296 = arith.constant 2.000000e+00 : f32
      %mul3A_297 = vector.broadcast %mul3A_296 : f32 to vector<16xf32>
      %mul3A_298 = arith.mulf %mul3A_297, %sub3A_295 : vector<16xf32>
      %sub3A_299 = arith.constant 5.000000e-02 : f32
      %sub3A_300 = vector.broadcast %sub3A_299 : f32 to vector<16xf32>
      %sub3A_301 = arith.subf %sub3A_300, %mul3A_298 : vector<16xf32>
      %exp3A_302 = math.exp %sub3A_301 : vector<16xf32>
      %swap3A_303 = arith.constant 0 : index
      %swap3A_304 = tpu.vector_load %arg15[%swap3A_303] {strides = array<i32>} : memref<128xf32, #tpu.memory_space<vmem>>, vector<16xf32>,
      %swap3A_305 = vector.shape_cast %swap3A_304 : vector<16xf32> to vector<16xf32>
      %swap3A_306 = vector.shape_cast %exp3A_302 : vector<16xf32> to vector<16xf32>
      tpu.vector_store %arg15[%swap3A_303], %swap3A_306 {strides = array<i32>} : memref<128xf32, #tpu.memory_space<vmem>>, vector<16xf32>,
      %get3A_307 = arith.constant 16 : index
      %get3A_308 = tpu.vector_load %arg11[%get3A_307] {strides = array<i32>} : memref<128xi32, #tpu.memory_space<vmem>>, vector<16xi32>,
      %get3A_309 = vector.shape_cast %get3A_308 : vector<16xi32> to vector<16xi32>
      %get3A_310 = arith.constant 0 : i32
      %get3A_311 = arith.index_cast %get3A_310 : i32 to index
      %get3A_312 = arith.constant 16 : index
      %get3A_313 = tpu.vector_load %arg9[%get3A_311, %get3A_312] {strides = array<i32>} : memref<10x128xf32, #tpu.memory_space<vmem>>, vector<1x16xf32>,
      %get3A_314 = vector.shape_cast %get3A_313 : vector<1x16xf32> to vector<16xf32>
      %get3A_315 = arith.constant 1 : i32
      %get3A_316 = arith.index_cast %get3A_315 : i32 to index
      %get3A_317 = arith.constant 16 : index
      %get3A_318 = tpu.vector_load %arg9[%get3A_316, %get3A_317] {strides = array<i32>} : memref<10x128xf32, #tpu.memory_space<vmem>>, vector<1x16xf32>,
      %get3A_319 = vector.shape_cast %get3A_318 : vector<1x16xf32> to vector<16xf32>
      %get3A_320 = arith.constant 2 : i32
      %get3A_321 = arith.index_cast %get3A_320 : i32 to index
      %get3A_322 = arith.constant 16 : index
      %get3A_323 = tpu.vector_load %arg9[%get3A_321, %get3A_322] {strides = array<i32>} : memref<10x128xf32, #tpu.memory_space<vmem>>, vector<1x16xf32>,
      %get3A_324 = vector.shape_cast %get3A_323 : vector<1x16xf32> to vector<16xf32>
      %get3A_325 = arith.constant 3 : i32
      %get3A_326 = arith.index_cast %get3A_325 : i32 to index
      %get3A_327 = arith.constant 16 : index
      %get3A_328 = tpu.vector_load %arg9[%get3A_326, %get3A_327] {strides = array<i32>} : memref<10x128xf32, #tpu.memory_space<vmem>>, vector<1x16xf32>,
      %get3A_329 = vector.shape_cast %get3A_328 : vector<1x16xf32> to vector<16xf32>
      %get3A_330 = arith.constant 4 : i32
      %get3A_331 = arith.index_cast %get3A_330 : i32 to index
      %get3A_332 = arith.constant 16 : index
      %get3A_333 = tpu.vector_load %arg9[%get3A_331, %get3A_332] {strides = array<i32>} : memref<10x128xf32, #tpu.memory_space<vmem>>, vector<1x16xf32>,
      %get3A_334 = vector.shape_cast %get3A_333 : vector<1x16xf32> to vector<16xf32>
      %get3A_335 = arith.constant 5 : i32
      %get3A_336 = arith.index_cast %get3A_335 : i32 to index
      %get3A_337 = arith.constant 16 : index
      %get3A_338 = tpu.vector_load %arg9[%get3A_336, %get3A_337] {strides = array<i32>} : memref<10x128xf32, #tpu.memory_space<vmem>>, vector<1x16xf32>,
      %get3A_339 = vector.shape_cast %get3A_338 : vector<1x16xf32> to vector<16xf32>
      %get3A_340 = arith.constant 6 : i32
      %get3A_341 = arith.index_cast %get3A_340 : i32 to index
      %get3A_342 = arith.constant 16 : index
      %get3A_343 = tpu.vector_load %arg9[%get3A_341, %get3A_342] {strides = array<i32>} : memref<10x128xf32, #tpu.memory_space<vmem>>, vector<1x16xf32>,
      %get3A_344 = vector.shape_cast %get3A_343 : vector<1x16xf32> to vector<16xf32>
      %get3A_345 = arith.constant 7 : i32
      %get3A_346 = arith.index_cast %get3A_345 : i32 to index
      %get3A_347 = arith.constant 16 : index
      %get3A_348 = tpu.vector_load %arg9[%get3A_346, %get3A_347] {strides = array<i32>} : memref<10x128xf32, #tpu.memory_space<vmem>>, vector<1x16xf32>,
      %get3A_349 = vector.shape_cast %get3A_348 : vector<1x16xf32> to vector<16xf32>
      %get3A_350 = arith.constant 8 : i32
      %get3A_351 = arith.index_cast %get3A_350 : i32 to index
      %get3A_352 = arith.constant 16 : index
      %get3A_353 = tpu.vector_load %arg9[%get3A_351, %get3A_352] {strides = array<i32>} : memref<10x128xf32, #tpu.memory_space<vmem>>, vector<1x16xf32>,
      %get3A_354 = vector.shape_cast %get3A_353 : vector<1x16xf32> to vector<16xf32>
      %get3A_355 = arith.constant 9 : i32
      %get3A_356 = arith.index_cast %get3A_355 : i32 to index
      %get3A_357 = arith.constant 16 : index
      %get3A_358 = tpu.vector_load %arg9[%get3A_356, %get3A_357] {strides = array<i32>} : memref<10x128xf32, #tpu.memory_space<vmem>>, vector<1x16xf32>,
      %get3A_359 = vector.shape_cast %get3A_358 : vector<1x16xf32> to vector<16xf32>
      %max3A_360 = arith.maximumf %get3A_314, %get3A_319 : vector<16xf32>
      %max3A_361 = arith.maximumf %max3A_360, %get3A_324 : vector<16xf32>
      %max3A_362 = arith.maximumf %max3A_361, %get3A_329 : vector<16xf32>
      %max3A_363 = arith.maximumf %max3A_362, %get3A_334 : vector<16xf32>
      %max3A_364 = arith.maximumf %max3A_363, %get3A_339 : vector<16xf32>
      %max3A_365 = arith.maximumf %max3A_364, %get3A_344 : vector<16xf32>
      %max3A_366 = arith.maximumf %max3A_365, %get3A_349 : vector<16xf32>
      %max3A_367 = arith.maximumf %max3A_366, %get3A_354 : vector<16xf32>
      %max3A_368 = arith.maximumf %max3A_367, %get3A_359 : vector<16xf32>
      %sub3A_369 = arith.subf %get3A_314, %max3A_368 : vector<16xf32>
      %exp3A_370 = math.exp %sub3A_369 : vector<16xf32>
      %sub3A_371 = arith.subf %get3A_319, %max3A_368 : vector<16xf32>
      %exp3A_372 = math.exp %sub3A_371 : vector<16xf32>
      %sub3A_373 = arith.subf %get3A_324, %max3A_368 : vector<16xf32>
      %exp3A_374 = math.exp %sub3A_373 : vector<16xf32>
      %sub3A_375 = arith.subf %get3A_329, %max3A_368 : vector<16xf32>
      %exp3A_376 = math.exp %sub3A_375 : vector<16xf32>
      %sub3A_377 = arith.subf %get3A_334, %max3A_368 : vector<16xf32>
      %exp3A_378 = math.exp %sub3A_377 : vector<16xf32>
      %sub3A_379 = arith.subf %get3A_339, %max3A_368 : vector<16xf32>
      %exp3A_380 = math.exp %sub3A_379 : vector<16xf32>
      %sub3A_381 = arith.subf %get3A_344, %max3A_368 : vector<16xf32>
      %exp3A_382 = math.exp %sub3A_381 : vector<16xf32>
      %sub3A_383 = arith.subf %get3A_349, %max3A_368 : vector<16xf32>
      %exp3A_384 = math.exp %sub3A_383 : vector<16xf32>
      %sub3A_385 = arith.subf %get3A_354, %max3A_368 : vector<16xf32>
      %exp3A_386 = math.exp %sub3A_385 : vector<16xf32>
      %sub3A_387 = arith.subf %get3A_359, %max3A_368 : vector<16xf32>
      %exp3A_388 = math.exp %sub3A_387 : vector<16xf32>
      %add3A_389 = arith.addf %exp3A_370, %exp3A_372 : vector<16xf32>
      %add3A_390 = arith.addf %add3A_389, %exp3A_374 : vector<16xf32>
      %add3A_391 = arith.addf %add3A_390, %exp3A_376 : vector<16xf32>
      %add3A_392 = arith.addf %add3A_391, %exp3A_378 : vector<16xf32>
      %add3A_393 = arith.addf %add3A_392, %exp3A_380 : vector<16xf32>
      %add3A_394 = arith.addf %add3A_393, %exp3A_382 : vector<16xf32>
      %add3A_395 = arith.addf %add3A_394, %exp3A_384 : vector<16xf32>
      %add3A_396 = arith.addf %add3A_395, %exp3A_386 : vector<16xf32>
      %add3A_397 = arith.addf %add3A_396, %exp3A_388 : vector<16xf32>
      %broadcast_in_dim3A_398 = arith.constant 0.000000e+00 : f32
      %broadcast_in_dim3A_399 = vector.broadcast %broadcast_in_dim3A_398 : f32 to vector<16xf32>
      %eq3A_400 = arith.constant 0 : i32
      %eq3A_401 = vector.broadcast %eq3A_400 : i32 to vector<16xi32>
      %eq3A_402 = arith.cmpi eq, %get3A_309, %eq3A_401 : vector<16xi32>
      %select_n3A_403 = arith.select %eq3A_402, %exp3A_370, %broadcast_in_dim3A_399 : vector<16xi1>, vector<16xf32>
      %eq3A_404 = arith.constant 1 : i32
      %eq3A_405 = vector.broadcast %eq3A_404 : i32 to vector<16xi32>
      %eq3A_406 = arith.cmpi eq, %get3A_309, %eq3A_405 : vector<16xi32>
      %select_n3A_407 = arith.select %eq3A_406, %exp3A_372, %select_n3A_403 : vector<16xi1>, vector<16xf32>
      %eq3A_408 = arith.constant 2 : i32
      %eq3A_409 = vector.broadcast %eq3A_408 : i32 to vector<16xi32>
      %eq3A_410 = arith.cmpi eq, %get3A_309, %eq3A_409 : vector<16xi32>
      %select_n3A_411 = arith.select %eq3A_410, %exp3A_374, %select_n3A_407 : vector<16xi1>, vector<16xf32>
      %eq3A_412 = arith.constant 3 : i32
      %eq3A_413 = vector.broadcast %eq3A_412 : i32 to vector<16xi32>
      %eq3A_414 = arith.cmpi eq, %get3A_309, %eq3A_413 : vector<16xi32>
      %select_n3A_415 = arith.select %eq3A_414, %exp3A_376, %select_n3A_411 : vector<16xi1>, vector<16xf32>
      %eq3A_416 = arith.constant 4 : i32
      %eq3A_417 = vector.broadcast %eq3A_416 : i32 to vector<16xi32>
      %eq3A_418 = arith.cmpi eq, %get3A_309, %eq3A_417 : vector<16xi32>
      %select_n3A_419 = arith.select %eq3A_418, %exp3A_378, %select_n3A_415 : vector<16xi1>, vector<16xf32>
      %eq3A_420 = arith.constant 5 : i32
      %eq3A_421 = vector.broadcast %eq3A_420 : i32 to vector<16xi32>
      %eq3A_422 = arith.cmpi eq, %get3A_309, %eq3A_421 : vector<16xi32>
      %select_n3A_423 = arith.select %eq3A_422, %exp3A_380, %select_n3A_419 : vector<16xi1>, vector<16xf32>
      %eq3A_424 = arith.constant 6 : i32
      %eq3A_425 = vector.broadcast %eq3A_424 : i32 to vector<16xi32>
      %eq3A_426 = arith.cmpi eq, %get3A_309, %eq3A_425 : vector<16xi32>
      %select_n3A_427 = arith.select %eq3A_426, %exp3A_382, %select_n3A_423 : vector<16xi1>, vector<16xf32>
      %eq3A_428 = arith.constant 7 : i32
      %eq3A_429 = vector.broadcast %eq3A_428 : i32 to vector<16xi32>
      %eq3A_430 = arith.cmpi eq, %get3A_309, %eq3A_429 : vector<16xi32>
      %select_n3A_431 = arith.select %eq3A_430, %exp3A_384, %select_n3A_427 : vector<16xi1>, vector<16xf32>
      %eq3A_432 = arith.constant 8 : i32
      %eq3A_433 = vector.broadcast %eq3A_432 : i32 to vector<16xi32>
      %eq3A_434 = arith.cmpi eq, %get3A_309, %eq3A_433 : vector<16xi32>
      %select_n3A_435 = arith.select %eq3A_434, %exp3A_386, %select_n3A_431 : vector<16xi1>, vector<16xf32>
      %eq3A_436 = arith.constant 9 : i32
      %eq3A_437 = vector.broadcast %eq3A_436 : i32 to vector<16xi32>
      %eq3A_438 = arith.cmpi eq, %get3A_309, %eq3A_437 : vector<16xi32>
      %select_n3A_439 = arith.select %eq3A_438, %exp3A_388, %select_n3A_435 : vector<16xi1>, vector<16xf32>
      %div3A_440 = arith.divf %select_n3A_439, %add3A_397 : vector<16xf32>
      %get3A_441 = arith.constant 0 : i32
      %get3A_442 = arith.index_cast %get3A_441 : i32 to index
      %get3A_443 = arith.constant 16 : index
      %get3A_444 = tpu.vector_load %arg10[%get3A_442, %get3A_443] {strides = array<i32>} : memref<10x128xf32, #tpu.memory_space<vmem>>, vector<1x16xf32>,
      %get3A_445 = vector.shape_cast %get3A_444 : vector<1x16xf32> to vector<16xf32>
      %get3A_446 = arith.constant 1 : i32
      %get3A_447 = arith.index_cast %get3A_446 : i32 to index
      %get3A_448 = arith.constant 16 : index
      %get3A_449 = tpu.vector_load %arg10[%get3A_447, %get3A_448] {strides = array<i32>} : memref<10x128xf32, #tpu.memory_space<vmem>>, vector<1x16xf32>,
      %get3A_450 = vector.shape_cast %get3A_449 : vector<1x16xf32> to vector<16xf32>
      %get3A_451 = arith.constant 2 : i32
      %get3A_452 = arith.index_cast %get3A_451 : i32 to index
      %get3A_453 = arith.constant 16 : index
      %get3A_454 = tpu.vector_load %arg10[%get3A_452, %get3A_453] {strides = array<i32>} : memref<10x128xf32, #tpu.memory_space<vmem>>, vector<1x16xf32>,
      %get3A_455 = vector.shape_cast %get3A_454 : vector<1x16xf32> to vector<16xf32>
      %get3A_456 = arith.constant 3 : i32
      %get3A_457 = arith.index_cast %get3A_456 : i32 to index
      %get3A_458 = arith.constant 16 : index
      %get3A_459 = tpu.vector_load %arg10[%get3A_457, %get3A_458] {strides = array<i32>} : memref<10x128xf32, #tpu.memory_space<vmem>>, vector<1x16xf32>,
      %get3A_460 = vector.shape_cast %get3A_459 : vector<1x16xf32> to vector<16xf32>
      %get3A_461 = arith.constant 4 : i32
      %get3A_462 = arith.index_cast %get3A_461 : i32 to index
      %get3A_463 = arith.constant 16 : index
      %get3A_464 = tpu.vector_load %arg10[%get3A_462, %get3A_463] {strides = array<i32>} : memref<10x128xf32, #tpu.memory_space<vmem>>, vector<1x16xf32>,
      %get3A_465 = vector.shape_cast %get3A_464 : vector<1x16xf32> to vector<16xf32>
      %get3A_466 = arith.constant 5 : i32
      %get3A_467 = arith.index_cast %get3A_466 : i32 to index
      %get3A_468 = arith.constant 16 : index
      %get3A_469 = tpu.vector_load %arg10[%get3A_467, %get3A_468] {strides = array<i32>} : memref<10x128xf32, #tpu.memory_space<vmem>>, vector<1x16xf32>,
      %get3A_470 = vector.shape_cast %get3A_469 : vector<1x16xf32> to vector<16xf32>
      %get3A_471 = arith.constant 6 : i32
      %get3A_472 = arith.index_cast %get3A_471 : i32 to index
      %get3A_473 = arith.constant 16 : index
      %get3A_474 = tpu.vector_load %arg10[%get3A_472, %get3A_473] {strides = array<i32>} : memref<10x128xf32, #tpu.memory_space<vmem>>, vector<1x16xf32>,
      %get3A_475 = vector.shape_cast %get3A_474 : vector<1x16xf32> to vector<16xf32>
      %get3A_476 = arith.constant 7 : i32
      %get3A_477 = arith.index_cast %get3A_476 : i32 to index
      %get3A_478 = arith.constant 16 : index
      %get3A_479 = tpu.vector_load %arg10[%get3A_477, %get3A_478] {strides = array<i32>} : memref<10x128xf32, #tpu.memory_space<vmem>>, vector<1x16xf32>,
      %get3A_480 = vector.shape_cast %get3A_479 : vector<1x16xf32> to vector<16xf32>
      %get3A_481 = arith.constant 8 : i32
      %get3A_482 = arith.index_cast %get3A_481 : i32 to index
      %get3A_483 = arith.constant 16 : index
      %get3A_484 = tpu.vector_load %arg10[%get3A_482, %get3A_483] {strides = array<i32>} : memref<10x128xf32, #tpu.memory_space<vmem>>, vector<1x16xf32>,
      %get3A_485 = vector.shape_cast %get3A_484 : vector<1x16xf32> to vector<16xf32>
      %get3A_486 = arith.constant 9 : i32
      %get3A_487 = arith.index_cast %get3A_486 : i32 to index
      %get3A_488 = arith.constant 16 : index
      %get3A_489 = tpu.vector_load %arg10[%get3A_487, %get3A_488] {strides = array<i32>} : memref<10x128xf32, #tpu.memory_space<vmem>>, vector<1x16xf32>,
      %get3A_490 = vector.shape_cast %get3A_489 : vector<1x16xf32> to vector<16xf32>
      %max3A_491 = arith.maximumf %get3A_445, %get3A_450 : vector<16xf32>
      %max3A_492 = arith.maximumf %max3A_491, %get3A_455 : vector<16xf32>
      %max3A_493 = arith.maximumf %max3A_492, %get3A_460 : vector<16xf32>
      %max3A_494 = arith.maximumf %max3A_493, %get3A_465 : vector<16xf32>
      %max3A_495 = arith.maximumf %max3A_494, %get3A_470 : vector<16xf32>
      %max3A_496 = arith.maximumf %max3A_495, %get3A_475 : vector<16xf32>
      %max3A_497 = arith.maximumf %max3A_496, %get3A_480 : vector<16xf32>
      %max3A_498 = arith.maximumf %max3A_497, %get3A_485 : vector<16xf32>
      %max3A_499 = arith.maximumf %max3A_498, %get3A_490 : vector<16xf32>
      %sub3A_500 = arith.subf %get3A_445, %max3A_499 : vector<16xf32>
      %exp3A_501 = math.exp %sub3A_500 : vector<16xf32>
      %sub3A_502 = arith.subf %get3A_450, %max3A_499 : vector<16xf32>
      %exp3A_503 = math.exp %sub3A_502 : vector<16xf32>
      %sub3A_504 = arith.subf %get3A_455, %max3A_499 : vector<16xf32>
      %exp3A_505 = math.exp %sub3A_504 : vector<16xf32>
      %sub3A_506 = arith.subf %get3A_460, %max3A_499 : vector<16xf32>
      %exp3A_507 = math.exp %sub3A_506 : vector<16xf32>
      %sub3A_508 = arith.subf %get3A_465, %max3A_499 : vector<16xf32>
      %exp3A_509 = math.exp %sub3A_508 : vector<16xf32>
      %sub3A_510 = arith.subf %get3A_470, %max3A_499 : vector<16xf32>
      %exp3A_511 = math.exp %sub3A_510 : vector<16xf32>
      %sub3A_512 = arith.subf %get3A_475, %max3A_499 : vector<16xf32>
      %exp3A_513 = math.exp %sub3A_512 : vector<16xf32>
      %sub3A_514 = arith.subf %get3A_480, %max3A_499 : vector<16xf32>
      %exp3A_515 = math.exp %sub3A_514 : vector<16xf32>
      %sub3A_516 = arith.subf %get3A_485, %max3A_499 : vector<16xf32>
      %exp3A_517 = math.exp %sub3A_516 : vector<16xf32>
      %sub3A_518 = arith.subf %get3A_490, %max3A_499 : vector<16xf32>
      %exp3A_519 = math.exp %sub3A_518 : vector<16xf32>
      %add3A_520 = arith.addf %exp3A_501, %exp3A_503 : vector<16xf32>
      %add3A_521 = arith.addf %add3A_520, %exp3A_505 : vector<16xf32>
      %add3A_522 = arith.addf %add3A_521, %exp3A_507 : vector<16xf32>
      %add3A_523 = arith.addf %add3A_522, %exp3A_509 : vector<16xf32>
      %add3A_524 = arith.addf %add3A_523, %exp3A_511 : vector<16xf32>
      %add3A_525 = arith.addf %add3A_524, %exp3A_513 : vector<16xf32>
      %add3A_526 = arith.addf %add3A_525, %exp3A_515 : vector<16xf32>
      %add3A_527 = arith.addf %add3A_526, %exp3A_517 : vector<16xf32>
      %add3A_528 = arith.addf %add3A_527, %exp3A_519 : vector<16xf32>
      %broadcast_in_dim3A_529 = arith.constant 0.000000e+00 : f32
      %broadcast_in_dim3A_530 = vector.broadcast %broadcast_in_dim3A_529 : f32 to vector<16xf32>
      %eq3A_531 = arith.constant 0 : i32
      %eq3A_532 = vector.broadcast %eq3A_531 : i32 to vector<16xi32>
      %eq3A_533 = arith.cmpi eq, %get3A_309, %eq3A_532 : vector<16xi32>
      %select_n3A_534 = arith.select %eq3A_533, %exp3A_501, %broadcast_in_dim3A_530 : vector<16xi1>, vector<16xf32>
      %eq3A_535 = arith.constant 1 : i32
      %eq3A_536 = vector.broadcast %eq3A_535 : i32 to vector<16xi32>
      %eq3A_537 = arith.cmpi eq, %get3A_309, %eq3A_536 : vector<16xi32>
      %select_n3A_538 = arith.select %eq3A_537, %exp3A_503, %select_n3A_534 : vector<16xi1>, vector<16xf32>
      %eq3A_539 = arith.constant 2 : i32
      %eq3A_540 = vector.broadcast %eq3A_539 : i32 to vector<16xi32>
      %eq3A_541 = arith.cmpi eq, %get3A_309, %eq3A_540 : vector<16xi32>
      %select_n3A_542 = arith.select %eq3A_541, %exp3A_505, %select_n3A_538 : vector<16xi1>, vector<16xf32>
      %eq3A_543 = arith.constant 3 : i32
      %eq3A_544 = vector.broadcast %eq3A_543 : i32 to vector<16xi32>
      %eq3A_545 = arith.cmpi eq, %get3A_309, %eq3A_544 : vector<16xi32>
      %select_n3A_546 = arith.select %eq3A_545, %exp3A_507, %select_n3A_542 : vector<16xi1>, vector<16xf32>
      %eq3A_547 = arith.constant 4 : i32
      %eq3A_548 = vector.broadcast %eq3A_547 : i32 to vector<16xi32>
      %eq3A_549 = arith.cmpi eq, %get3A_309, %eq3A_548 : vector<16xi32>
      %select_n3A_550 = arith.select %eq3A_549, %exp3A_509, %select_n3A_546 : vector<16xi1>, vector<16xf32>
      %eq3A_551 = arith.constant 5 : i32
      %eq3A_552 = vector.broadcast %eq3A_551 : i32 to vector<16xi32>
      %eq3A_553 = arith.cmpi eq, %get3A_309, %eq3A_552 : vector<16xi32>
      %select_n3A_554 = arith.select %eq3A_553, %exp3A_511, %select_n3A_550 : vector<16xi1>, vector<16xf32>
      %eq3A_555 = arith.constant 6 : i32
      %eq3A_556 = vector.broadcast %eq3A_555 : i32 to vector<16xi32>
      %eq3A_557 = arith.cmpi eq, %get3A_309, %eq3A_556 : vector<16xi32>
      %select_n3A_558 = arith.select %eq3A_557, %exp3A_513, %select_n3A_554 : vector<16xi1>, vector<16xf32>
      %eq3A_559 = arith.constant 7 : i32
      %eq3A_560 = vector.broadcast %eq3A_559 : i32 to vector<16xi32>
      %eq3A_561 = arith.cmpi eq, %get3A_309, %eq3A_560 : vector<16xi32>
      %select_n3A_562 = arith.select %eq3A_561, %exp3A_515, %select_n3A_558 : vector<16xi1>, vector<16xf32>
      %eq3A_563 = arith.constant 8 : i32
      %eq3A_564 = vector.broadcast %eq3A_563 : i32 to vector<16xi32>
      %eq3A_565 = arith.cmpi eq, %get3A_309, %eq3A_564 : vector<16xi32>
      %select_n3A_566 = arith.select %eq3A_565, %exp3A_517, %select_n3A_562 : vector<16xi1>, vector<16xf32>
      %eq3A_567 = arith.constant 9 : i32
      %eq3A_568 = vector.broadcast %eq3A_567 : i32 to vector<16xi32>
      %eq3A_569 = arith.cmpi eq, %get3A_309, %eq3A_568 : vector<16xi32>
      %select_n3A_570 = arith.select %eq3A_569, %exp3A_519, %select_n3A_566 : vector<16xi1>, vector<16xf32>
      %div3A_571 = arith.divf %select_n3A_570, %add3A_528 : vector<16xf32>
      %mul3A_572 = arith.constant 4.000000e+00 : f32
      %mul3A_573 = vector.broadcast %mul3A_572 : f32 to vector<16xf32>
      %mul3A_574 = arith.mulf %mul3A_573, %div3A_440 : vector<16xf32>
      %sub3A_575 = arith.constant 4.050000e+00 : f32
      %sub3A_576 = vector.broadcast %sub3A_575 : f32 to vector<16xf32>
      %sub3A_577 = arith.subf %sub3A_576, %mul3A_574 : vector<16xf32>
      %exp3A_578 = math.exp %sub3A_577 : vector<16xf32>
      %swap3A_579 = arith.constant 16 : index
      %swap3A_580 = tpu.vector_load %arg12[%swap3A_579] {strides = array<i32>} : memref<128xf32, #tpu.memory_space<vmem>>, vector<16xf32>,
      %swap3A_581 = vector.shape_cast %swap3A_580 : vector<16xf32> to vector<16xf32>
      %swap3A_582 = vector.shape_cast %exp3A_578 : vector<16xf32> to vector<16xf32>
      tpu.vector_store %arg12[%swap3A_579], %swap3A_582 {strides = array<i32>} : memref<128xf32, #tpu.memory_space<vmem>>, vector<16xf32>,
      %mul3A_583 = arith.constant 4.000000e+00 : f32
      %mul3A_584 = vector.broadcast %mul3A_583 : f32 to vector<16xf32>
      %mul3A_585 = arith.mulf %mul3A_584, %div3A_440 : vector<16xf32>
      %add3A_586 = arith.constant -3.950000e+00 : f32
      %add3A_587 = vector.broadcast %add3A_586 : f32 to vector<16xf32>
      %add3A_588 = arith.addf %add3A_587, %mul3A_585 : vector<16xf32>
      %exp3A_589 = math.exp %add3A_588 : vector<16xf32>
      %swap3A_590 = arith.constant 16 : index
      %swap3A_591 = tpu.vector_load %arg13[%swap3A_590] {strides = array<i32>} : memref<128xf32, #tpu.memory_space<vmem>>, vector<16xf32>,
      %swap3A_592 = vector.shape_cast %swap3A_591 : vector<16xf32> to vector<16xf32>
      %swap3A_593 = vector.shape_cast %exp3A_589 : vector<16xf32> to vector<16xf32>
      tpu.vector_store %arg13[%swap3A_590], %swap3A_593 {strides = array<i32>} : memref<128xf32, #tpu.memory_space<vmem>>, vector<16xf32>,
      %sub3A_594 = arith.subf %div3A_571, %div3A_440 : vector<16xf32>
      %mul3A_595 = arith.constant 2.000000e+00 : f32
      %mul3A_596 = vector.broadcast %mul3A_595 : f32 to vector<16xf32>
      %mul3A_597 = arith.mulf %mul3A_596, %sub3A_594 : vector<16xf32>
      %add3A_598 = arith.constant 5.000000e-02 : f32
      %add3A_599 = vector.broadcast %add3A_598 : f32 to vector<16xf32>
      %add3A_600 = arith.addf %add3A_599, %mul3A_597 : vector<16xf32>
      %exp3A_601 = math.exp %add3A_600 : vector<16xf32>
      %swap3A_602 = arith.constant 16 : index
      %swap3A_603 = tpu.vector_load %arg14[%swap3A_602] {strides = array<i32>} : memref<128xf32, #tpu.memory_space<vmem>>, vector<16xf32>,
      %swap3A_604 = vector.shape_cast %swap3A_603 : vector<16xf32> to vector<16xf32>
      %swap3A_605 = vector.shape_cast %exp3A_601 : vector<16xf32> to vector<16xf32>
      tpu.vector_store %arg14[%swap3A_602], %swap3A_605 {strides = array<i32>} : memref<128xf32, #tpu.memory_space<vmem>>, vector<16xf32>,
      %sub3A_606 = arith.subf %div3A_571, %div3A_440 : vector<16xf32>
      %mul3A_607 = arith.constant 2.000000e+00 : f32
      %mul3A_608 = vector.broadcast %mul3A_607 : f32 to vector<16xf32>
      %mul3A_609 = arith.mulf %mul3A_608, %sub3A_606 : vector<16xf32>
      %sub3A_610 = arith.constant 5.000000e-02 : f32
      %sub3A_611 = vector.broadcast %sub3A_610 : f32 to vector<16xf32>
      %sub3A_612 = arith.subf %sub3A_611, %mul3A_609 : vector<16xf32>
      %exp3A_613 = math.exp %sub3A_612 : vector<16xf32>
      %swap3A_614 = arith.constant 16 : index
      %swap3A_615 = tpu.vector_load %arg15[%swap3A_614] {strides = array<i32>} : memref<128xf32, #tpu.memory_space<vmem>>, vector<16xf32>,
      %swap3A_616 = vector.shape_cast %swap3A_615 : vector<16xf32> to vector<16xf32>
      %swap3A_617 = vector.shape_cast %exp3A_613 : vector<16xf32> to vector<16xf32>
      tpu.vector_store %arg15[%swap3A_614], %swap3A_617 {strides = array<i32>} : memref<128xf32, #tpu.memory_space<vmem>>, vector<16xf32>,
      %get3A_618 = arith.constant 32 : index
      %get3A_619 = tpu.vector_load %arg11[%get3A_618] {strides = array<i32>} : memref<128xi32, #tpu.memory_space<vmem>>, vector<16xi32>,
      %get3A_620 = vector.shape_cast %get3A_619 : vector<16xi32> to vector<16xi32>
      %get3A_621 = arith.constant 0 : i32
      %get3A_622 = arith.index_cast %get3A_621 : i32 to index
      %get3A_623 = arith.constant 32 : index
      %get3A_624 = tpu.vector_load %arg9[%get3A_622, %get3A_623] {strides = array<i32>} : memref<10x128xf32, #tpu.memory_space<vmem>>, vector<1x16xf32>,
      %get3A_625 = vector.shape_cast %get3A_624 : vector<1x16xf32> to vector<16xf32>
      %get3A_626 = arith.constant 1 : i32
      %get3A_627 = arith.index_cast %get3A_626 : i32 to index
      %get3A_628 = arith.constant 32 : index
      %get3A_629 = tpu.vector_load %arg9[%get3A_627, %get3A_628] {strides = array<i32>} : memref<10x128xf32, #tpu.memory_space<vmem>>, vector<1x16xf32>,
      %get3A_630 = vector.shape_cast %get3A_629 : vector<1x16xf32> to vector<16xf32>
      %get3A_631 = arith.constant 2 : i32
      %get3A_632 = arith.index_cast %get3A_631 : i32 to index
      %get3A_633 = arith.constant 32 : index
      %get3A_634 = tpu.vector_load %arg9[%get3A_632, %get3A_633] {strides = array<i32>} : memref<10x128xf32, #tpu.memory_space<vmem>>, vector<1x16xf32>,
      %get3A_635 = vector.shape_cast %get3A_634 : vector<1x16xf32> to vector<16xf32>
      %get3A_636 = arith.constant 3 : i32
      %get3A_637 = arith.index_cast %get3A_636 : i32 to index
      %get3A_638 = arith.constant 32 : index
      %get3A_639 = tpu.vector_load %arg9[%get3A_637, %get3A_638] {strides = array<i32>} : memref<10x128xf32, #tpu.memory_space<vmem>>, vector<1x16xf32>,
      %get3A_640 = vector.shape_cast %get3A_639 : vector<1x16xf32> to vector<16xf32>
      %get3A_641 = arith.constant 4 : i32
      %get3A_642 = arith.index_cast %get3A_641 : i32 to index
      %get3A_643 = arith.constant 32 : index
      %get3A_644 = tpu.vector_load %arg9[%get3A_642, %get3A_643] {strides = array<i32>} : memref<10x128xf32, #tpu.memory_space<vmem>>, vector<1x16xf32>,
      %get3A_645 = vector.shape_cast %get3A_644 : vector<1x16xf32> to vector<16xf32>
      %get3A_646 = arith.constant 5 : i32
      %get3A_647 = arith.index_cast %get3A_646 : i32 to index
      %get3A_648 = arith.constant 32 : index
      %get3A_649 = tpu.vector_load %arg9[%get3A_647, %get3A_648] {strides = array<i32>} : memref<10x128xf32, #tpu.memory_space<vmem>>, vector<1x16xf32>,
      %get3A_650 = vector.shape_cast %get3A_649 : vector<1x16xf32> to vector<16xf32>
      %get3A_651 = arith.constant 6 : i32
      %get3A_652 = arith.index_cast %get3A_651 : i32 to index
      %get3A_653 = arith.constant 32 : index
      %get3A_654 = tpu.vector_load %arg9[%get3A_652, %get3A_653] {strides = array<i32>} : memref<10x128xf32, #tpu.memory_space<vmem>>, vector<1x16xf32>,
      %get3A_655 = vector.shape_cast %get3A_654 : vector<1x16xf32> to vector<16xf32>
      %get3A_656 = arith.constant 7 : i32
      %get3A_657 = arith.index_cast %get3A_656 : i32 to index
      %get3A_658 = arith.constant 32 : index
      %get3A_659 = tpu.vector_load %arg9[%get3A_657, %get3A_658] {strides = array<i32>} : memref<10x128xf32, #tpu.memory_space<vmem>>, vector<1x16xf32>,
      %get3A_660 = vector.shape_cast %get3A_659 : vector<1x16xf32> to vector<16xf32>
      %get3A_661 = arith.constant 8 : i32
      %get3A_662 = arith.index_cast %get3A_661 : i32 to index
      %get3A_663 = arith.constant 32 : index
      %get3A_664 = tpu.vector_load %arg9[%get3A_662, %get3A_663] {strides = array<i32>} : memref<10x128xf32, #tpu.memory_space<vmem>>, vector<1x16xf32>,
      %get3A_665 = vector.shape_cast %get3A_664 : vector<1x16xf32> to vector<16xf32>
      %get3A_666 = arith.constant 9 : i32
      %get3A_667 = arith.index_cast %get3A_666 : i32 to index
      %get3A_668 = arith.constant 32 : index
      %get3A_669 = tpu.vector_load %arg9[%get3A_667, %get3A_668] {strides = array<i32>} : memref<10x128xf32, #tpu.memory_space<vmem>>, vector<1x16xf32>,
      %get3A_670 = vector.shape_cast %get3A_669 : vector<1x16xf32> to vector<16xf32>
      %max3A_671 = arith.maximumf %get3A_625, %get3A_630 : vector<16xf32>
      %max3A_672 = arith.maximumf %max3A_671, %get3A_635 : vector<16xf32>
      %max3A_673 = arith.maximumf %max3A_672, %get3A_640 : vector<16xf32>
      %max3A_674 = arith.maximumf %max3A_673, %get3A_645 : vector<16xf32>
      %max3A_675 = arith.maximumf %max3A_674, %get3A_650 : vector<16xf32>
      %max3A_676 = arith.maximumf %max3A_675, %get3A_655 : vector<16xf32>
      %max3A_677 = arith.maximumf %max3A_676, %get3A_660 : vector<16xf32>
      %max3A_678 = arith.maximumf %max3A_677, %get3A_665 : vector<16xf32>
      %max3A_679 = arith.maximumf %max3A_678, %get3A_670 : vector<16xf32>
      %sub3A_680 = arith.subf %get3A_625, %max3A_679 : vector<16xf32>
      %exp3A_681 = math.exp %sub3A_680 : vector<16xf32>
      %sub3A_682 = arith.subf %get3A_630, %max3A_679 : vector<16xf32>
      %exp3A_683 = math.exp %sub3A_682 : vector<16xf32>
      %sub3A_684 = arith.subf %get3A_635, %max3A_679 : vector<16xf32>
      %exp3A_685 = math.exp %sub3A_684 : vector<16xf32>
      %sub3A_686 = arith.subf %get3A_640, %max3A_679 : vector<16xf32>
      %exp3A_687 = math.exp %sub3A_686 : vector<16xf32>
      %sub3A_688 = arith.subf %get3A_645, %max3A_679 : vector<16xf32>
      %exp3A_689 = math.exp %sub3A_688 : vector<16xf32>
      %sub3A_690 = arith.subf %get3A_650, %max3A_679 : vector<16xf32>
      %exp3A_691 = math.exp %sub3A_690 : vector<16xf32>
      %sub3A_692 = arith.subf %get3A_655, %max3A_679 : vector<16xf32>
      %exp3A_693 = math.exp %sub3A_692 : vector<16xf32>
      %sub3A_694 = arith.subf %get3A_660, %max3A_679 : vector<16xf32>
      %exp3A_695 = math.exp %sub3A_694 : vector<16xf32>
      %sub3A_696 = arith.subf %get3A_665, %max3A_679 : vector<16xf32>
      %exp3A_697 = math.exp %sub3A_696 : vector<16xf32>
      %sub3A_698 = arith.subf %get3A_670, %max3A_679 : vector<16xf32>
      %exp3A_699 = math.exp %sub3A_698 : vector<16xf32>
      %add3A_700 = arith.addf %exp3A_681, %exp3A_683 : vector<16xf32>
      %add3A_701 = arith.addf %add3A_700, %exp3A_685 : vector<16xf32>
      %add3A_702 = arith.addf %add3A_701, %exp3A_687 : vector<16xf32>
      %add3A_703 = arith.addf %add3A_702, %exp3A_689 : vector<16xf32>
      %add3A_704 = arith.addf %add3A_703, %exp3A_691 : vector<16xf32>
      %add3A_705 = arith.addf %add3A_704, %exp3A_693 : vector<16xf32>
      %add3A_706 = arith.addf %add3A_705, %exp3A_695 : vector<16xf32>
      %add3A_707 = arith.addf %add3A_706, %exp3A_697 : vector<16xf32>
      %add3A_708 = arith.addf %add3A_707, %exp3A_699 : vector<16xf32>
      %broadcast_in_dim3A_709 = arith.constant 0.000000e+00 : f32
      %broadcast_in_dim3A_710 = vector.broadcast %broadcast_in_dim3A_709 : f32 to vector<16xf32>
      %eq3A_711 = arith.constant 0 : i32
      %eq3A_712 = vector.broadcast %eq3A_711 : i32 to vector<16xi32>
      %eq3A_713 = arith.cmpi eq, %get3A_620, %eq3A_712 : vector<16xi32>
      %select_n3A_714 = arith.select %eq3A_713, %exp3A_681, %broadcast_in_dim3A_710 : vector<16xi1>, vector<16xf32>
      %eq3A_715 = arith.constant 1 : i32
      %eq3A_716 = vector.broadcast %eq3A_715 : i32 to vector<16xi32>
      %eq3A_717 = arith.cmpi eq, %get3A_620, %eq3A_716 : vector<16xi32>
      %select_n3A_718 = arith.select %eq3A_717, %exp3A_683, %select_n3A_714 : vector<16xi1>, vector<16xf32>
      %eq3A_719 = arith.constant 2 : i32
      %eq3A_720 = vector.broadcast %eq3A_719 : i32 to vector<16xi32>
      %eq3A_721 = arith.cmpi eq, %get3A_620, %eq3A_720 : vector<16xi32>
      %select_n3A_722 = arith.select %eq3A_721, %exp3A_685, %select_n3A_718 : vector<16xi1>, vector<16xf32>
      %eq3A_723 = arith.constant 3 : i32
      %eq3A_724 = vector.broadcast %eq3A_723 : i32 to vector<16xi32>
      %eq3A_725 = arith.cmpi eq, %get3A_620, %eq3A_724 : vector<16xi32>
      %select_n3A_726 = arith.select %eq3A_725, %exp3A_687, %select_n3A_722 : vector<16xi1>, vector<16xf32>
      %eq3A_727 = arith.constant 4 : i32
      %eq3A_728 = vector.broadcast %eq3A_727 : i32 to vector<16xi32>
      %eq3A_729 = arith.cmpi eq, %get3A_620, %eq3A_728 : vector<16xi32>
      %select_n3A_730 = arith.select %eq3A_729, %exp3A_689, %select_n3A_726 : vector<16xi1>, vector<16xf32>
      %eq3A_731 = arith.constant 5 : i32
      %eq3A_732 = vector.broadcast %eq3A_731 : i32 to vector<16xi32>
      %eq3A_733 = arith.cmpi eq, %get3A_620, %eq3A_732 : vector<16xi32>
      %select_n3A_734 = arith.select %eq3A_733, %exp3A_691, %select_n3A_730 : vector<16xi1>, vector<16xf32>
      %eq3A_735 = arith.constant 6 : i32
      %eq3A_736 = vector.broadcast %eq3A_735 : i32 to vector<16xi32>
      %eq3A_737 = arith.cmpi eq, %get3A_620, %eq3A_736 : vector<16xi32>
      %select_n3A_738 = arith.select %eq3A_737, %exp3A_693, %select_n3A_734 : vector<16xi1>, vector<16xf32>
      %eq3A_739 = arith.constant 7 : i32
      %eq3A_740 = vector.broadcast %eq3A_739 : i32 to vector<16xi32>
      %eq3A_741 = arith.cmpi eq, %get3A_620, %eq3A_740 : vector<16xi32>
      %select_n3A_742 = arith.select %eq3A_741, %exp3A_695, %select_n3A_738 : vector<16xi1>, vector<16xf32>
      %eq3A_743 = arith.constant 8 : i32
      %eq3A_744 = vector.broadcast %eq3A_743 : i32 to vector<16xi32>
      %eq3A_745 = arith.cmpi eq, %get3A_620, %eq3A_744 : vector<16xi32>
      %select_n3A_746 = arith.select %eq3A_745, %exp3A_697, %select_n3A_742 : vector<16xi1>, vector<16xf32>
      %eq3A_747 = arith.constant 9 : i32
      %eq3A_748 = vector.broadcast %eq3A_747 : i32 to vector<16xi32>
      %eq3A_749 = arith.cmpi eq, %get3A_620, %eq3A_748 : vector<16xi32>
      %select_n3A_750 = arith.select %eq3A_749, %exp3A_699, %select_n3A_746 : vector<16xi1>, vector<16xf32>
      %div3A_751 = arith.divf %select_n3A_750, %add3A_708 : vector<16xf32>
      %get3A_752 = arith.constant 0 : i32
      %get3A_753 = arith.index_cast %get3A_752 : i32 to index
      %get3A_754 = arith.constant 32 : index
      %get3A_755 = tpu.vector_load %arg10[%get3A_753, %get3A_754] {strides = array<i32>} : memref<10x128xf32, #tpu.memory_space<vmem>>, vector<1x16xf32>,
      %get3A_756 = vector.shape_cast %get3A_755 : vector<1x16xf32> to vector<16xf32>
      %get3A_757 = arith.constant 1 : i32
      %get3A_758 = arith.index_cast %get3A_757 : i32 to index
      %get3A_759 = arith.constant 32 : index
      %get3A_760 = tpu.vector_load %arg10[%get3A_758, %get3A_759] {strides = array<i32>} : memref<10x128xf32, #tpu.memory_space<vmem>>, vector<1x16xf32>,
      %get3A_761 = vector.shape_cast %get3A_760 : vector<1x16xf32> to vector<16xf32>
      %get3A_762 = arith.constant 2 : i32
      %get3A_763 = arith.index_cast %get3A_762 : i32 to index
      %get3A_764 = arith.constant 32 : index
      %get3A_765 = tpu.vector_load %arg10[%get3A_763, %get3A_764] {strides = array<i32>} : memref<10x128xf32, #tpu.memory_space<vmem>>, vector<1x16xf32>,
      %get3A_766 = vector.shape_cast %get3A_765 : vector<1x16xf32> to vector<16xf32>
      %get3A_767 = arith.constant 3 : i32
      %get3A_768 = arith.index_cast %get3A_767 : i32 to index
      %get3A_769 = arith.constant 32 : index
      %get3A_770 = tpu.vector_load %arg10[%get3A_768, %get3A_769] {strides = array<i32>} : memref<10x128xf32, #tpu.memory_space<vmem>>, vector<1x16xf32>,
      %get3A_771 = vector.shape_cast %get3A_770 : vector<1x16xf32> to vector<16xf32>
      %get3A_772 = arith.constant 4 : i32
      %get3A_773 = arith.index_cast %get3A_772 : i32 to index
      %get3A_774 = arith.constant 32 : index
      %get3A_775 = tpu.vector_load %arg10[%get3A_773, %get3A_774] {strides = array<i32>} : memref<10x128xf32, #tpu.memory_space<vmem>>, vector<1x16xf32>,
      %get3A_776 = vector.shape_cast %get3A_775 : vector<1x16xf32> to vector<16xf32>
      %get3A_777 = arith.constant 5 : i32
      %get3A_778 = arith.index_cast %get3A_777 : i32 to index
      %get3A_779 = arith.constant 32 : index
      %get3A_780 = tpu.vector_load %arg10[%get3A_778, %get3A_779] {strides = array<i32>} : memref<10x128xf32, #tpu.memory_space<vmem>>, vector<1x16xf32>,
      %get3A_781 = vector.shape_cast %get3A_780 : vector<1x16xf32> to vector<16xf32>
      %get3A_782 = arith.constant 6 : i32
      %get3A_783 = arith.index_cast %get3A_782 : i32 to index
      %get3A_784 = arith.constant 32 : index
      %get3A_785 = tpu.vector_load %arg10[%get3A_783, %get3A_784] {strides = array<i32>} : memref<10x128xf32, #tpu.memory_space<vmem>>, vector<1x16xf32>,
      %get3A_786 = vector.shape_cast %get3A_785 : vector<1x16xf32> to vector<16xf32>
      %get3A_787 = arith.constant 7 : i32
      %get3A_788 = arith.index_cast %get3A_787 : i32 to index
      %get3A_789 = arith.constant 32 : index
      %get3A_790 = tpu.vector_load %arg10[%get3A_788, %get3A_789] {strides = array<i32>} : memref<10x128xf32, #tpu.memory_space<vmem>>, vector<1x16xf32>,
      %get3A_791 = vector.shape_cast %get3A_790 : vector<1x16xf32> to vector<16xf32>
      %get3A_792 = arith.constant 8 : i32
      %get3A_793 = arith.index_cast %get3A_792 : i32 to index
      %get3A_794 = arith.constant 32 : index
      %get3A_795 = tpu.vector_load %arg10[%get3A_793, %get3A_794] {strides = array<i32>} : memref<10x128xf32, #tpu.memory_space<vmem>>, vector<1x16xf32>,
      %get3A_796 = vector.shape_cast %get3A_795 : vector<1x16xf32> to vector<16xf32>
      %get3A_797 = arith.constant 9 : i32
      %get3A_798 = arith.index_cast %get3A_797 : i32 to index
      %get3A_799 = arith.constant 32 : index
      %get3A_800 = tpu.vector_load %arg10[%get3A_798, %get3A_799] {strides = array<i32>} : memref<10x128xf32, #tpu.memory_space<vmem>>, vector<1x16xf32>,
      %get3A_801 = vector.shape_cast %get3A_800 : vector<1x16xf32> to vector<16xf32>
      %max3A_802 = arith.maximumf %get3A_756, %get3A_761 : vector<16xf32>
      %max3A_803 = arith.maximumf %max3A_802, %get3A_766 : vector<16xf32>
      %max3A_804 = arith.maximumf %max3A_803, %get3A_771 : vector<16xf32>
      %max3A_805 = arith.maximumf %max3A_804, %get3A_776 : vector<16xf32>
      %max3A_806 = arith.maximumf %max3A_805, %get3A_781 : vector<16xf32>
      %max3A_807 = arith.maximumf %max3A_806, %get3A_786 : vector<16xf32>
      %max3A_808 = arith.maximumf %max3A_807, %get3A_791 : vector<16xf32>
      %max3A_809 = arith.maximumf %max3A_808, %get3A_796 : vector<16xf32>
      %max3A_810 = arith.maximumf %max3A_809, %get3A_801 : vector<16xf32>
      %sub3A_811 = arith.subf %get3A_756, %max3A_810 : vector<16xf32>
      %exp3A_812 = math.exp %sub3A_811 : vector<16xf32>
      %sub3A_813 = arith.subf %get3A_761, %max3A_810 : vector<16xf32>
      %exp3A_814 = math.exp %sub3A_813 : vector<16xf32>
      %sub3A_815 = arith.subf %get3A_766, %max3A_810 : vector<16xf32>
      %exp3A_816 = math.exp %sub3A_815 : vector<16xf32>
      %sub3A_817 = arith.subf %get3A_771, %max3A_810 : vector<16xf32>
      %exp3A_818 = math.exp %sub3A_817 : vector<16xf32>
      %sub3A_819 = arith.subf %get3A_776, %max3A_810 : vector<16xf32>
      %exp3A_820 = math.exp %sub3A_819 : vector<16xf32>
      %sub3A_821 = arith.subf %get3A_781, %max3A_810 : vector<16xf32>
      %exp3A_822 = math.exp %sub3A_821 : vector<16xf32>
      %sub3A_823 = arith.subf %get3A_786, %max3A_810 : vector<16xf32>
      %exp3A_824 = math.exp %sub3A_823 : vector<16xf32>
      %sub3A_825 = arith.subf %get3A_791, %max3A_810 : vector<16xf32>
      %exp3A_826 = math.exp %sub3A_825 : vector<16xf32>
      %sub3A_827 = arith.subf %get3A_796, %max3A_810 : vector<16xf32>
      %exp3A_828 = math.exp %sub3A_827 : vector<16xf32>
      %sub3A_829 = arith.subf %get3A_801, %max3A_810 : vector<16xf32>
      %exp3A_830 = math.exp %sub3A_829 : vector<16xf32>
      %add3A_831 = arith.addf %exp3A_812, %exp3A_814 : vector<16xf32>
      %add3A_832 = arith.addf %add3A_831, %exp3A_816 : vector<16xf32>
      %add3A_833 = arith.addf %add3A_832, %exp3A_818 : vector<16xf32>
      %add3A_834 = arith.addf %add3A_833, %exp3A_820 : vector<16xf32>
      %add3A_835 = arith.addf %add3A_834, %exp3A_822 : vector<16xf32>
      %add3A_836 = arith.addf %add3A_835, %exp3A_824 : vector<16xf32>
      %add3A_837 = arith.addf %add3A_836, %exp3A_826 : vector<16xf32>
      %add3A_838 = arith.addf %add3A_837, %exp3A_828 : vector<16xf32>
      %add3A_839 = arith.addf %add3A_838, %exp3A_830 : vector<16xf32>
      %broadcast_in_dim3A_840 = arith.constant 0.000000e+00 : f32
      %broadcast_in_dim3A_841 = vector.broadcast %broadcast_in_dim3A_840 : f32 to vector<16xf32>
      %eq3A_842 = arith.constant 0 : i32
      %eq3A_843 = vector.broadcast %eq3A_842 : i32 to vector<16xi32>
      %eq3A_844 = arith.cmpi eq, %get3A_620, %eq3A_843 : vector<16xi32>
      %select_n3A_845 = arith.select %eq3A_844, %exp3A_812, %broadcast_in_dim3A_841 : vector<16xi1>, vector<16xf32>
      %eq3A_846 = arith.constant 1 : i32
      %eq3A_847 = vector.broadcast %eq3A_846 : i32 to vector<16xi32>
      %eq3A_848 = arith.cmpi eq, %get3A_620, %eq3A_847 : vector<16xi32>
      %select_n3A_849 = arith.select %eq3A_848, %exp3A_814, %select_n3A_845 : vector<16xi1>, vector<16xf32>
      %eq3A_850 = arith.constant 2 : i32
      %eq3A_851 = vector.broadcast %eq3A_850 : i32 to vector<16xi32>
      %eq3A_852 = arith.cmpi eq, %get3A_620, %eq3A_851 : vector<16xi32>
      %select_n3A_853 = arith.select %eq3A_852, %exp3A_816, %select_n3A_849 : vector<16xi1>, vector<16xf32>
      %eq3A_854 = arith.constant 3 : i32
      %eq3A_855 = vector.broadcast %eq3A_854 : i32 to vector<16xi32>
      %eq3A_856 = arith.cmpi eq, %get3A_620, %eq3A_855 : vector<16xi32>
      %select_n3A_857 = arith.select %eq3A_856, %exp3A_818, %select_n3A_853 : vector<16xi1>, vector<16xf32>
      %eq3A_858 = arith.constant 4 : i32
      %eq3A_859 = vector.broadcast %eq3A_858 : i32 to vector<16xi32>
      %eq3A_860 = arith.cmpi eq, %get3A_620, %eq3A_859 : vector<16xi32>
      %select_n3A_861 = arith.select %eq3A_860, %exp3A_820, %select_n3A_857 : vector<16xi1>, vector<16xf32>
      %eq3A_862 = arith.constant 5 : i32
      %eq3A_863 = vector.broadcast %eq3A_862 : i32 to vector<16xi32>
      %eq3A_864 = arith.cmpi eq, %get3A_620, %eq3A_863 : vector<16xi32>
      %select_n3A_865 = arith.select %eq3A_864, %exp3A_822, %select_n3A_861 : vector<16xi1>, vector<16xf32>
      %eq3A_866 = arith.constant 6 : i32
      %eq3A_867 = vector.broadcast %eq3A_866 : i32 to vector<16xi32>
      %eq3A_868 = arith.cmpi eq, %get3A_620, %eq3A_867 : vector<16xi32>
      %select_n3A_869 = arith.select %eq3A_868, %exp3A_824, %select_n3A_865 : vector<16xi1>, vector<16xf32>
      %eq3A_870 = arith.constant 7 : i32
      %eq3A_871 = vector.broadcast %eq3A_870 : i32 to vector<16xi32>
      %eq3A_872 = arith.cmpi eq, %get3A_620, %eq3A_871 : vector<16xi32>
      %select_n3A_873 = arith.select %eq3A_872, %exp3A_826, %select_n3A_869 : vector<16xi1>, vector<16xf32>
      %eq3A_874 = arith.constant 8 : i32
      %eq3A_875 = vector.broadcast %eq3A_874 : i32 to vector<16xi32>
      %eq3A_876 = arith.cmpi eq, %get3A_620, %eq3A_875 : vector<16xi32>
      %select_n3A_877 = arith.select %eq3A_876, %exp3A_828, %select_n3A_873 : vector<16xi1>, vector<16xf32>
      %eq3A_878 = arith.constant 9 : i32
      %eq3A_879 = vector.broadcast %eq3A_878 : i32 to vector<16xi32>
      %eq3A_880 = arith.cmpi eq, %get3A_620, %eq3A_879 : vector<16xi32>
      %select_n3A_881 = arith.select %eq3A_880, %exp3A_830, %select_n3A_877 : vector<16xi1>, vector<16xf32>
      %div3A_882 = arith.divf %select_n3A_881, %add3A_839 : vector<16xf32>
      %mul3A_883 = arith.constant 4.000000e+00 : f32
      %mul3A_884 = vector.broadcast %mul3A_883 : f32 to vector<16xf32>
      %mul3A_885 = arith.mulf %mul3A_884, %div3A_751 : vector<16xf32>
      %sub3A_886 = arith.constant 4.050000e+00 : f32
      %sub3A_887 = vector.broadcast %sub3A_886 : f32 to vector<16xf32>
      %sub3A_888 = arith.subf %sub3A_887, %mul3A_885 : vector<16xf32>
      %exp3A_889 = math.exp %sub3A_888 : vector<16xf32>
      %swap3A_890 = arith.constant 32 : index
      %swap3A_891 = tpu.vector_load %arg12[%swap3A_890] {strides = array<i32>} : memref<128xf32, #tpu.memory_space<vmem>>, vector<16xf32>,
      %swap3A_892 = vector.shape_cast %swap3A_891 : vector<16xf32> to vector<16xf32>
      %swap3A_893 = vector.shape_cast %exp3A_889 : vector<16xf32> to vector<16xf32>
      tpu.vector_store %arg12[%swap3A_890], %swap3A_893 {strides = array<i32>} : memref<128xf32, #tpu.memory_space<vmem>>, vector<16xf32>,
      %mul3A_894 = arith.constant 4.000000e+00 : f32
      %mul3A_895 = vector.broadcast %mul3A_894 : f32 to vector<16xf32>
      %mul3A_896 = arith.mulf %mul3A_895, %div3A_751 : vector<16xf32>
      %add3A_897 = arith.constant -3.950000e+00 : f32
      %add3A_898 = vector.broadcast %add3A_897 : f32 to vector<16xf32>
      %add3A_899 = arith.addf %add3A_898, %mul3A_896 : vector<16xf32>
      %exp3A_900 = math.exp %add3A_899 : vector<16xf32>
      %swap3A_901 = arith.constant 32 : index
      %swap3A_902 = tpu.vector_load %arg13[%swap3A_901] {strides = array<i32>} : memref<128xf32, #tpu.memory_space<vmem>>, vector<16xf32>,
      %swap3A_903 = vector.shape_cast %swap3A_902 : vector<16xf32> to vector<16xf32>
      %swap3A_904 = vector.shape_cast %exp3A_900 : vector<16xf32> to vector<16xf32>
      tpu.vector_store %arg13[%swap3A_901], %swap3A_904 {strides = array<i32>} : memref<128xf32, #tpu.memory_space<vmem>>, vector<16xf32>,
      %sub3A_905 = arith.subf %div3A_882, %div3A_751 : vector<16xf32>
      %mul3A_906 = arith.constant 2.000000e+00 : f32
      %mul3A_907 = vector.broadcast %mul3A_906 : f32 to vector<16xf32>
      %mul3A_908 = arith.mulf %mul3A_907, %sub3A_905 : vector<16xf32>
      %add3A_909 = arith.constant 5.000000e-02 : f32
      %add3A_910 = vector.broadcast %add3A_909 : f32 to vector<16xf32>
      %add3A_911 = arith.addf %add3A_910, %mul3A_908 : vector<16xf32>
      %exp3A_912 = math.exp %add3A_911 : vector<16xf32>
      %swap3A_913 = arith.constant 32 : index
      %swap3A_914 = tpu.vector_load %arg14[%swap3A_913] {strides = array<i32>} : memref<128xf32, #tpu.memory_space<vmem>>, vector<16xf32>,
      %swap3A_915 = vector.shape_cast %swap3A_914 : vector<16xf32> to vector<16xf32>
      %swap3A_916 = vector.shape_cast %exp3A_912 : vector<16xf32> to vector<16xf32>
      tpu.vector_store %arg14[%swap3A_913], %swap3A_916 {strides = array<i32>} : memref<128xf32, #tpu.memory_space<vmem>>, vector<16xf32>,
      %sub3A_917 = arith.subf %div3A_882, %div3A_751 : vector<16xf32>
      %mul3A_918 = arith.constant 2.000000e+00 : f32
      %mul3A_919 = vector.broadcast %mul3A_918 : f32 to vector<16xf32>
      %mul3A_920 = arith.mulf %mul3A_919, %sub3A_917 : vector<16xf32>
      %sub3A_921 = arith.constant 5.000000e-02 : f32
      %sub3A_922 = vector.broadcast %sub3A_921 : f32 to vector<16xf32>
      %sub3A_923 = arith.subf %sub3A_922, %mul3A_920 : vector<16xf32>
      %exp3A_924 = math.exp %sub3A_923 : vector<16xf32>
      %swap3A_925 = arith.constant 32 : index
      %swap3A_926 = tpu.vector_load %arg15[%swap3A_925] {strides = array<i32>} : memref<128xf32, #tpu.memory_space<vmem>>, vector<16xf32>,
      %swap3A_927 = vector.shape_cast %swap3A_926 : vector<16xf32> to vector<16xf32>
      %swap3A_928 = vector.shape_cast %exp3A_924 : vector<16xf32> to vector<16xf32>
      tpu.vector_store %arg15[%swap3A_925], %swap3A_928 {strides = array<i32>} : memref<128xf32, #tpu.memory_space<vmem>>, vector<16xf32>,
      %get3A_929 = arith.constant 48 : index
      %get3A_930 = tpu.vector_load %arg11[%get3A_929] {strides = array<i32>} : memref<128xi32, #tpu.memory_space<vmem>>, vector<16xi32>,
      %get3A_931 = vector.shape_cast %get3A_930 : vector<16xi32> to vector<16xi32>
      %get3A_932 = arith.constant 0 : i32
      %get3A_933 = arith.index_cast %get3A_932 : i32 to index
      %get3A_934 = arith.constant 48 : index
      %get3A_935 = tpu.vector_load %arg9[%get3A_933, %get3A_934] {strides = array<i32>} : memref<10x128xf32, #tpu.memory_space<vmem>>, vector<1x16xf32>,
      %get3A_936 = vector.shape_cast %get3A_935 : vector<1x16xf32> to vector<16xf32>
      %get3A_937 = arith.constant 1 : i32
      %get3A_938 = arith.index_cast %get3A_937 : i32 to index
      %get3A_939 = arith.constant 48 : index
      %get3A_940 = tpu.vector_load %arg9[%get3A_938, %get3A_939] {strides = array<i32>} : memref<10x128xf32, #tpu.memory_space<vmem>>, vector<1x16xf32>,
      %get3A_941 = vector.shape_cast %get3A_940 : vector<1x16xf32> to vector<16xf32>
      %get3A_942 = arith.constant 2 : i32
      %get3A_943 = arith.index_cast %get3A_942 : i32 to index
      %get3A_944 = arith.constant 48 : index
      %get3A_945 = tpu.vector_load %arg9[%get3A_943, %get3A_944] {strides = array<i32>} : memref<10x128xf32, #tpu.memory_space<vmem>>, vector<1x16xf32>,
      %get3A_946 = vector.shape_cast %get3A_945 : vector<1x16xf32> to vector<16xf32>
      %get3A_947 = arith.constant 3 : i32
      %get3A_948 = arith.index_cast %get3A_947 : i32 to index
      %get3A_949 = arith.constant 48 : index
      %get3A_950 = tpu.vector_load %arg9[%get3A_948, %get3A_949] {strides = array<i32>} : memref<10x128xf32, #tpu.memory_space<vmem>>, vector<1x16xf32>,
      %get3A_951 = vector.shape_cast %get3A_950 : vector<1x16xf32> to vector<16xf32>
      %get3A_952 = arith.constant 4 : i32
      %get3A_953 = arith.index_cast %get3A_952 : i32 to index
      %get3A_954 = arith.constant 48 : index
      %get3A_955 = tpu.vector_load %arg9[%get3A_953, %get3A_954] {strides = array<i32>} : memref<10x128xf32, #tpu.memory_space<vmem>>, vector<1x16xf32>,
      %get3A_956 = vector.shape_cast %get3A_955 : vector<1x16xf32> to vector<16xf32>
      %get3A_957 = arith.constant 5 : i32
      %get3A_958 = arith.index_cast %get3A_957 : i32 to index
      %get3A_959 = arith.constant 48 : index
      %get3A_960 = tpu.vector_load %arg9[%get3A_958, %get3A_959] {strides = array<i32>} : memref<10x128xf32, #tpu.memory_space<vmem>>, vector<1x16xf32>,
      %get3A_961 = vector.shape_cast %get3A_960 : vector<1x16xf32> to vector<16xf32>
      %get3A_962 = arith.constant 6 : i32
      %get3A_963 = arith.index_cast %get3A_962 : i32 to index
      %get3A_964 = arith.constant 48 : index
      %get3A_965 = tpu.vector_load %arg9[%get3A_963, %get3A_964] {strides = array<i32>} : memref<10x128xf32, #tpu.memory_space<vmem>>, vector<1x16xf32>,
      %get3A_966 = vector.shape_cast %get3A_965 : vector<1x16xf32> to vector<16xf32>
      %get3A_967 = arith.constant 7 : i32
      %get3A_968 = arith.index_cast %get3A_967 : i32 to index
      %get3A_969 = arith.constant 48 : index
      %get3A_970 = tpu.vector_load %arg9[%get3A_968, %get3A_969] {strides = array<i32>} : memref<10x128xf32, #tpu.memory_space<vmem>>, vector<1x16xf32>,
      %get3A_971 = vector.shape_cast %get3A_970 : vector<1x16xf32> to vector<16xf32>
      %get3A_972 = arith.constant 8 : i32
      %get3A_973 = arith.index_cast %get3A_972 : i32 to index
      %get3A_974 = arith.constant 48 : index
      %get3A_975 = tpu.vector_load %arg9[%get3A_973, %get3A_974] {strides = array<i32>} : memref<10x128xf32, #tpu.memory_space<vmem>>, vector<1x16xf32>,
      %get3A_976 = vector.shape_cast %get3A_975 : vector<1x16xf32> to vector<16xf32>
      %get3A_977 = arith.constant 9 : i32
      %get3A_978 = arith.index_cast %get3A_977 : i32 to index
      %get3A_979 = arith.constant 48 : index
      %get3A_980 = tpu.vector_load %arg9[%get3A_978, %get3A_979] {strides = array<i32>} : memref<10x128xf32, #tpu.memory_space<vmem>>, vector<1x16xf32>,
      %get3A_981 = vector.shape_cast %get3A_980 : vector<1x16xf32> to vector<16xf32>
      %max3A_982 = arith.maximumf %get3A_936, %get3A_941 : vector<16xf32>
      %max3A_983 = arith.maximumf %max3A_982, %get3A_946 : vector<16xf32>
      %max3A_984 = arith.maximumf %max3A_983, %get3A_951 : vector<16xf32>
      %max3A_985 = arith.maximumf %max3A_984, %get3A_956 : vector<16xf32>
      %max3A_986 = arith.maximumf %max3A_985, %get3A_961 : vector<16xf32>
      %max3A_987 = arith.maximumf %max3A_986, %get3A_966 : vector<16xf32>
      %max3A_988 = arith.maximumf %max3A_987, %get3A_971 : vector<16xf32>
      %max3A_989 = arith.maximumf %max3A_988, %get3A_976 : vector<16xf32>
      %max3A_990 = arith.maximumf %max3A_989, %get3A_981 : vector<16xf32>
      %sub3A_991 = arith.subf %get3A_936, %max3A_990 : vector<16xf32>
      %exp3A_992 = math.exp %sub3A_991 : vector<16xf32>
      %sub3A_993 = arith.subf %get3A_941, %max3A_990 : vector<16xf32>
      %exp3A_994 = math.exp %sub3A_993 : vector<16xf32>
      %sub3A_995 = arith.subf %get3A_946, %max3A_990 : vector<16xf32>
      %exp3A_996 = math.exp %sub3A_995 : vector<16xf32>
      %sub3A_997 = arith.subf %get3A_951, %max3A_990 : vector<16xf32>
      %exp3A_998 = math.exp %sub3A_997 : vector<16xf32>
      %sub3A_999 = arith.subf %get3A_956, %max3A_990 : vector<16xf32>
      %exp3A_1000 = math.exp %sub3A_999 : vector<16xf32>
      %sub3A_1001 = arith.subf %get3A_961, %max3A_990 : vector<16xf32>
      %exp3A_1002 = math.exp %sub3A_1001 : vector<16xf32>
      %sub3A_1003 = arith.subf %get3A_966, %max3A_990 : vector<16xf32>
      %exp3A_1004 = math.exp %sub3A_1003 : vector<16xf32>
      %sub3A_1005 = arith.subf %get3A_971, %max3A_990 : vector<16xf32>
      %exp3A_1006 = math.exp %sub3A_1005 : vector<16xf32>
      %sub3A_1007 = arith.subf %get3A_976, %max3A_990 : vector<16xf32>
      %exp3A_1008 = math.exp %sub3A_1007 : vector<16xf32>
      %sub3A_1009 = arith.subf %get3A_981, %max3A_990 : vector<16xf32>
      %exp3A_1010 = math.exp %sub3A_1009 : vector<16xf32>
      %add3A_1011 = arith.addf %exp3A_992, %exp3A_994 : vector<16xf32>
      %add3A_1012 = arith.addf %add3A_1011, %exp3A_996 : vector<16xf32>
      %add3A_1013 = arith.addf %add3A_1012, %exp3A_998 : vector<16xf32>
      %add3A_1014 = arith.addf %add3A_1013, %exp3A_1000 : vector<16xf32>
      %add3A_1015 = arith.addf %add3A_1014, %exp3A_1002 : vector<16xf32>
      %add3A_1016 = arith.addf %add3A_1015, %exp3A_1004 : vector<16xf32>
      %add3A_1017 = arith.addf %add3A_1016, %exp3A_1006 : vector<16xf32>
      %add3A_1018 = arith.addf %add3A_1017, %exp3A_1008 : vector<16xf32>
      %add3A_1019 = arith.addf %add3A_1018, %exp3A_1010 : vector<16xf32>
      %broadcast_in_dim3A_1020 = arith.constant 0.000000e+00 : f32
      %broadcast_in_dim3A_1021 = vector.broadcast %broadcast_in_dim3A_1020 : f32 to vector<16xf32>
      %eq3A_1022 = arith.constant 0 : i32
      %eq3A_1023 = vector.broadcast %eq3A_1022 : i32 to vector<16xi32>
      %eq3A_1024 = arith.cmpi eq, %get3A_931, %eq3A_1023 : vector<16xi32>
      %select_n3A_1025 = arith.select %eq3A_1024, %exp3A_992, %broadcast_in_dim3A_1021 : vector<16xi1>, vector<16xf32>
      %eq3A_1026 = arith.constant 1 : i32
      %eq3A_1027 = vector.broadcast %eq3A_1026 : i32 to vector<16xi32>
      %eq3A_1028 = arith.cmpi eq, %get3A_931, %eq3A_1027 : vector<16xi32>
      %select_n3A_1029 = arith.select %eq3A_1028, %exp3A_994, %select_n3A_1025 : vector<16xi1>, vector<16xf32>
      %eq3A_1030 = arith.constant 2 : i32
      %eq3A_1031 = vector.broadcast %eq3A_1030 : i32 to vector<16xi32>
      %eq3A_1032 = arith.cmpi eq, %get3A_931, %eq3A_1031 : vector<16xi32>
      %select_n3A_1033 = arith.select %eq3A_1032, %exp3A_996, %select_n3A_1029 : vector<16xi1>, vector<16xf32>
      %eq3A_1034 = arith.constant 3 : i32
      %eq3A_1035 = vector.broadcast %eq3A_1034 : i32 to vector<16xi32>
      %eq3A_1036 = arith.cmpi eq, %get3A_931, %eq3A_1035 : vector<16xi32>
      %select_n3A_1037 = arith.select %eq3A_1036, %exp3A_998, %select_n3A_1033 : vector<16xi1>, vector<16xf32>
      %eq3A_1038 = arith.constant 4 : i32
      %eq3A_1039 = vector.broadcast %eq3A_1038 : i32 to vector<16xi32>
      %eq3A_1040 = arith.cmpi eq, %get3A_931, %eq3A_1039 : vector<16xi32>
      %select_n3A_1041 = arith.select %eq3A_1040, %exp3A_1000, %select_n3A_1037 : vector<16xi1>, vector<16xf32>
      %eq3A_1042 = arith.constant 5 : i32
      %eq3A_1043 = vector.broadcast %eq3A_1042 : i32 to vector<16xi32>
      %eq3A_1044 = arith.cmpi eq, %get3A_931, %eq3A_1043 : vector<16xi32>
      %select_n3A_1045 = arith.select %eq3A_1044, %exp3A_1002, %select_n3A_1041 : vector<16xi1>, vector<16xf32>
      %eq3A_1046 = arith.constant 6 : i32
      %eq3A_1047 = vector.broadcast %eq3A_1046 : i32 to vector<16xi32>
      %eq3A_1048 = arith.cmpi eq, %get3A_931, %eq3A_1047 : vector<16xi32>
      %select_n3A_1049 = arith.select %eq3A_1048, %exp3A_1004, %select_n3A_1045 : vector<16xi1>, vector<16xf32>
      %eq3A_1050 = arith.constant 7 : i32
      %eq3A_1051 = vector.broadcast %eq3A_1050 : i32 to vector<16xi32>
      %eq3A_1052 = arith.cmpi eq, %get3A_931, %eq3A_1051 : vector<16xi32>
      %select_n3A_1053 = arith.select %eq3A_1052, %exp3A_1006, %select_n3A_1049 : vector<16xi1>, vector<16xf32>
      %eq3A_1054 = arith.constant 8 : i32
      %eq3A_1055 = vector.broadcast %eq3A_1054 : i32 to vector<16xi32>
      %eq3A_1056 = arith.cmpi eq, %get3A_931, %eq3A_1055 : vector<16xi32>
      %select_n3A_1057 = arith.select %eq3A_1056, %exp3A_1008, %select_n3A_1053 : vector<16xi1>, vector<16xf32>
      %eq3A_1058 = arith.constant 9 : i32
      %eq3A_1059 = vector.broadcast %eq3A_1058 : i32 to vector<16xi32>
      %eq3A_1060 = arith.cmpi eq, %get3A_931, %eq3A_1059 : vector<16xi32>
      %select_n3A_1061 = arith.select %eq3A_1060, %exp3A_1010, %select_n3A_1057 : vector<16xi1>, vector<16xf32>
      %div3A_1062 = arith.divf %select_n3A_1061, %add3A_1019 : vector<16xf32>
      %get3A_1063 = arith.constant 0 : i32
      %get3A_1064 = arith.index_cast %get3A_1063 : i32 to index
      %get3A_1065 = arith.constant 48 : index
      %get3A_1066 = tpu.vector_load %arg10[%get3A_1064, %get3A_1065] {strides = array<i32>} : memref<10x128xf32, #tpu.memory_space<vmem>>, vector<1x16xf32>,
      %get3A_1067 = vector.shape_cast %get3A_1066 : vector<1x16xf32> to vector<16xf32>
      %get3A_1068 = arith.constant 1 : i32
      %get3A_1069 = arith.index_cast %get3A_1068 : i32 to index
      %get3A_1070 = arith.constant 48 : index
      %get3A_1071 = tpu.vector_load %arg10[%get3A_1069, %get3A_1070] {strides = array<i32>} : memref<10x128xf32, #tpu.memory_space<vmem>>, vector<1x16xf32>,
      %get3A_1072 = vector.shape_cast %get3A_1071 : vector<1x16xf32> to vector<16xf32>
      %get3A_1073 = arith.constant 2 : i32
      %get3A_1074 = arith.index_cast %get3A_1073 : i32 to index
      %get3A_1075 = arith.constant 48 : index
      %get3A_1076 = tpu.vector_load %arg10[%get3A_1074, %get3A_1075] {strides = array<i32>} : memref<10x128xf32, #tpu.memory_space<vmem>>, vector<1x16xf32>,
      %get3A_1077 = vector.shape_cast %get3A_1076 : vector<1x16xf32> to vector<16xf32>
      %get3A_1078 = arith.constant 3 : i32
      %get3A_1079 = arith.index_cast %get3A_1078 : i32 to index
      %get3A_1080 = arith.constant 48 : index
      %get3A_1081 = tpu.vector_load %arg10[%get3A_1079, %get3A_1080] {strides = array<i32>} : memref<10x128xf32, #tpu.memory_space<vmem>>, vector<1x16xf32>,
      %get3A_1082 = vector.shape_cast %get3A_1081 : vector<1x16xf32> to vector<16xf32>
      %get3A_1083 = arith.constant 4 : i32
      %get3A_1084 = arith.index_cast %get3A_1083 : i32 to index
      %get3A_1085 = arith.constant 48 : index
      %get3A_1086 = tpu.vector_load %arg10[%get3A_1084, %get3A_1085] {strides = array<i32>} : memref<10x128xf32, #tpu.memory_space<vmem>>, vector<1x16xf32>,
      %get3A_1087 = vector.shape_cast %get3A_1086 : vector<1x16xf32> to vector<16xf32>
      %get3A_1088 = arith.constant 5 : i32
      %get3A_1089 = arith.index_cast %get3A_1088 : i32 to index
      %get3A_1090 = arith.constant 48 : index
      %get3A_1091 = tpu.vector_load %arg10[%get3A_1089, %get3A_1090] {strides = array<i32>} : memref<10x128xf32, #tpu.memory_space<vmem>>, vector<1x16xf32>,
      %get3A_1092 = vector.shape_cast %get3A_1091 : vector<1x16xf32> to vector<16xf32>
      %get3A_1093 = arith.constant 6 : i32
      %get3A_1094 = arith.index_cast %get3A_1093 : i32 to index
      %get3A_1095 = arith.constant 48 : index
      %get3A_1096 = tpu.vector_load %arg10[%get3A_1094, %get3A_1095] {strides = array<i32>} : memref<10x128xf32, #tpu.memory_space<vmem>>, vector<1x16xf32>,
      %get3A_1097 = vector.shape_cast %get3A_1096 : vector<1x16xf32> to vector<16xf32>
      %get3A_1098 = arith.constant 7 : i32
      %get3A_1099 = arith.index_cast %get3A_1098 : i32 to index
      %get3A_1100 = arith.constant 48 : index
      %get3A_1101 = tpu.vector_load %arg10[%get3A_1099, %get3A_1100] {strides = array<i32>} : memref<10x128xf32, #tpu.memory_space<vmem>>, vector<1x16xf32>,
      %get3A_1102 = vector.shape_cast %get3A_1101 : vector<1x16xf32> to vector<16xf32>
      %get3A_1103 = arith.constant 8 : i32
      %get3A_1104 = arith.index_cast %get3A_1103 : i32 to index
      %get3A_1105 = arith.constant 48 : index
      %get3A_1106 = tpu.vector_load %arg10[%get3A_1104, %get3A_1105] {strides = array<i32>} : memref<10x128xf32, #tpu.memory_space<vmem>>, vector<1x16xf32>,
      %get3A_1107 = vector.shape_cast %get3A_1106 : vector<1x16xf32> to vector<16xf32>
      %get3A_1108 = arith.constant 9 : i32
      %get3A_1109 = arith.index_cast %get3A_1108 : i32 to index
      %get3A_1110 = arith.constant 48 : index
      %get3A_1111 = tpu.vector_load %arg10[%get3A_1109, %get3A_1110] {strides = array<i32>} : memref<10x128xf32, #tpu.memory_space<vmem>>, vector<1x16xf32>,
      %get3A_1112 = vector.shape_cast %get3A_1111 : vector<1x16xf32> to vector<16xf32>
      %max3A_1113 = arith.maximumf %get3A_1067, %get3A_1072 : vector<16xf32>
      %max3A_1114 = arith.maximumf %max3A_1113, %get3A_1077 : vector<16xf32>
      %max3A_1115 = arith.maximumf %max3A_1114, %get3A_1082 : vector<16xf32>
      %max3A_1116 = arith.maximumf %max3A_1115, %get3A_1087 : vector<16xf32>
      %max3A_1117 = arith.maximumf %max3A_1116, %get3A_1092 : vector<16xf32>
      %max3A_1118 = arith.maximumf %max3A_1117, %get3A_1097 : vector<16xf32>
      %max3A_1119 = arith.maximumf %max3A_1118, %get3A_1102 : vector<16xf32>
      %max3A_1120 = arith.maximumf %max3A_1119, %get3A_1107 : vector<16xf32>
      %max3A_1121 = arith.maximumf %max3A_1120, %get3A_1112 : vector<16xf32>
      %sub3A_1122 = arith.subf %get3A_1067, %max3A_1121 : vector<16xf32>
      %exp3A_1123 = math.exp %sub3A_1122 : vector<16xf32>
      %sub3A_1124 = arith.subf %get3A_1072, %max3A_1121 : vector<16xf32>
      %exp3A_1125 = math.exp %sub3A_1124 : vector<16xf32>
      %sub3A_1126 = arith.subf %get3A_1077, %max3A_1121 : vector<16xf32>
      %exp3A_1127 = math.exp %sub3A_1126 : vector<16xf32>
      %sub3A_1128 = arith.subf %get3A_1082, %max3A_1121 : vector<16xf32>
      %exp3A_1129 = math.exp %sub3A_1128 : vector<16xf32>
      %sub3A_1130 = arith.subf %get3A_1087, %max3A_1121 : vector<16xf32>
      %exp3A_1131 = math.exp %sub3A_1130 : vector<16xf32>
      %sub3A_1132 = arith.subf %get3A_1092, %max3A_1121 : vector<16xf32>
      %exp3A_1133 = math.exp %sub3A_1132 : vector<16xf32>
      %sub3A_1134 = arith.subf %get3A_1097, %max3A_1121 : vector<16xf32>
      %exp3A_1135 = math.exp %sub3A_1134 : vector<16xf32>
      %sub3A_1136 = arith.subf %get3A_1102, %max3A_1121 : vector<16xf32>
      %exp3A_1137 = math.exp %sub3A_1136 : vector<16xf32>
      %sub3A_1138 = arith.subf %get3A_1107, %max3A_1121 : vector<16xf32>
      %exp3A_1139 = math.exp %sub3A_1138 : vector<16xf32>
      %sub3A_1140 = arith.subf %get3A_1112, %max3A_1121 : vector<16xf32>
      %exp3A_1141 = math.exp %sub3A_1140 : vector<16xf32>
      %add3A_1142 = arith.addf %exp3A_1123, %exp3A_1125 : vector<16xf32>
      %add3A_1143 = arith.addf %add3A_1142, %exp3A_1127 : vector<16xf32>
      %add3A_1144 = arith.addf %add3A_1143, %exp3A_1129 : vector<16xf32>
      %add3A_1145 = arith.addf %add3A_1144, %exp3A_1131 : vector<16xf32>
      %add3A_1146 = arith.addf %add3A_1145, %exp3A_1133 : vector<16xf32>
      %add3A_1147 = arith.addf %add3A_1146, %exp3A_1135 : vector<16xf32>
      %add3A_1148 = arith.addf %add3A_1147, %exp3A_1137 : vector<16xf32>
      %add3A_1149 = arith.addf %add3A_1148, %exp3A_1139 : vector<16xf32>
      %add3A_1150 = arith.addf %add3A_1149, %exp3A_1141 : vector<16xf32>
      %broadcast_in_dim3A_1151 = arith.constant 0.000000e+00 : f32
      %broadcast_in_dim3A_1152 = vector.broadcast %broadcast_in_dim3A_1151 : f32 to vector<16xf32>
      %eq3A_1153 = arith.constant 0 : i32
      %eq3A_1154 = vector.broadcast %eq3A_1153 : i32 to vector<16xi32>
      %eq3A_1155 = arith.cmpi eq, %get3A_931, %eq3A_1154 : vector<16xi32>
      %select_n3A_1156 = arith.select %eq3A_1155, %exp3A_1123, %broadcast_in_dim3A_1152 : vector<16xi1>, vector<16xf32>
      %eq3A_1157 = arith.constant 1 : i32
      %eq3A_1158 = vector.broadcast %eq3A_1157 : i32 to vector<16xi32>
      %eq3A_1159 = arith.cmpi eq, %get3A_931, %eq3A_1158 : vector<16xi32>
      %select_n3A_1160 = arith.select %eq3A_1159, %exp3A_1125, %select_n3A_1156 : vector<16xi1>, vector<16xf32>
      %eq3A_1161 = arith.constant 2 : i32
      %eq3A_1162 = vector.broadcast %eq3A_1161 : i32 to vector<16xi32>
      %eq3A_1163 = arith.cmpi eq, %get3A_931, %eq3A_1162 : vector<16xi32>
      %select_n3A_1164 = arith.select %eq3A_1163, %exp3A_1127, %select_n3A_1160 : vector<16xi1>, vector<16xf32>
      %eq3A_1165 = arith.constant 3 : i32
      %eq3A_1166 = vector.broadcast %eq3A_1165 : i32 to vector<16xi32>
      %eq3A_1167 = arith.cmpi eq, %get3A_931, %eq3A_1166 : vector<16xi32>
      %select_n3A_1168 = arith.select %eq3A_1167, %exp3A_1129, %select_n3A_1164 : vector<16xi1>, vector<16xf32>
      %eq3A_1169 = arith.constant 4 : i32
      %eq3A_1170 = vector.broadcast %eq3A_1169 : i32 to vector<16xi32>
      %eq3A_1171 = arith.cmpi eq, %get3A_931, %eq3A_1170 : vector<16xi32>
      %select_n3A_1172 = arith.select %eq3A_1171, %exp3A_1131, %select_n3A_1168 : vector<16xi1>, vector<16xf32>
      %eq3A_1173 = arith.constant 5 : i32
      %eq3A_1174 = vector.broadcast %eq3A_1173 : i32 to vector<16xi32>
      %eq3A_1175 = arith.cmpi eq, %get3A_931, %eq3A_1174 : vector<16xi32>
      %select_n3A_1176 = arith.select %eq3A_1175, %exp3A_1133, %select_n3A_1172 : vector<16xi1>, vector<16xf32>
      %eq3A_1177 = arith.constant 6 : i32
      %eq3A_1178 = vector.broadcast %eq3A_1177 : i32 to vector<16xi32>
      %eq3A_1179 = arith.cmpi eq, %get3A_931, %eq3A_1178 : vector<16xi32>
      %select_n3A_1180 = arith.select %eq3A_1179, %exp3A_1135, %select_n3A_1176 : vector<16xi1>, vector<16xf32>
      %eq3A_1181 = arith.constant 7 : i32
      %eq3A_1182 = vector.broadcast %eq3A_1181 : i32 to vector<16xi32>
      %eq3A_1183 = arith.cmpi eq, %get3A_931, %eq3A_1182 : vector<16xi32>
      %select_n3A_1184 = arith.select %eq3A_1183, %exp3A_1137, %select_n3A_1180 : vector<16xi1>, vector<16xf32>
      %eq3A_1185 = arith.constant 8 : i32
      %eq3A_1186 = vector.broadcast %eq3A_1185 : i32 to vector<16xi32>
      %eq3A_1187 = arith.cmpi eq, %get3A_931, %eq3A_1186 : vector<16xi32>
      %select_n3A_1188 = arith.select %eq3A_1187, %exp3A_1139, %select_n3A_1184 : vector<16xi1>, vector<16xf32>
      %eq3A_1189 = arith.constant 9 : i32
      %eq3A_1190 = vector.broadcast %eq3A_1189 : i32 to vector<16xi32>
      %eq3A_1191 = arith.cmpi eq, %get3A_931, %eq3A_1190 : vector<16xi32>
      %select_n3A_1192 = arith.select %eq3A_1191, %exp3A_1141, %select_n3A_1188 : vector<16xi1>, vector<16xf32>
      %div3A_1193 = arith.divf %select_n3A_1192, %add3A_1150 : vector<16xf32>
      %mul3A_1194 = arith.constant 4.000000e+00 : f32
      %mul3A_1195 = vector.broadcast %mul3A_1194 : f32 to vector<16xf32>
      %mul3A_1196 = arith.mulf %mul3A_1195, %div3A_1062 : vector<16xf32>
      %sub3A_1197 = arith.constant 4.050000e+00 : f32
      %sub3A_1198 = vector.broadcast %sub3A_1197 : f32 to vector<16xf32>
      %sub3A_1199 = arith.subf %sub3A_1198, %mul3A_1196 : vector<16xf32>
      %exp3A_1200 = math.exp %sub3A_1199 : vector<16xf32>
      %swap3A_1201 = arith.constant 48 : index
      %swap3A_1202 = tpu.vector_load %arg12[%swap3A_1201] {strides = array<i32>} : memref<128xf32, #tpu.memory_space<vmem>>, vector<16xf32>,
      %swap3A_1203 = vector.shape_cast %swap3A_1202 : vector<16xf32> to vector<16xf32>
      %swap3A_1204 = vector.shape_cast %exp3A_1200 : vector<16xf32> to vector<16xf32>
      tpu.vector_store %arg12[%swap3A_1201], %swap3A_1204 {strides = array<i32>} : memref<128xf32, #tpu.memory_space<vmem>>, vector<16xf32>,
      %mul3A_1205 = arith.constant 4.000000e+00 : f32
      %mul3A_1206 = vector.broadcast %mul3A_1205 : f32 to vector<16xf32>
      %mul3A_1207 = arith.mulf %mul3A_1206, %div3A_1062 : vector<16xf32>
      %add3A_1208 = arith.constant -3.950000e+00 : f32
      %add3A_1209 = vector.broadcast %add3A_1208 : f32 to vector<16xf32>
      %add3A_1210 = arith.addf %add3A_1209, %mul3A_1207 : vector<16xf32>
      %exp3A_1211 = math.exp %add3A_1210 : vector<16xf32>
      %swap3A_1212 = arith.constant 48 : index
      %swap3A_1213 = tpu.vector_load %arg13[%swap3A_1212] {strides = array<i32>} : memref<128xf32, #tpu.memory_space<vmem>>, vector<16xf32>,
      %swap3A_1214 = vector.shape_cast %swap3A_1213 : vector<16xf32> to vector<16xf32>
      %swap3A_1215 = vector.shape_cast %exp3A_1211 : vector<16xf32> to vector<16xf32>
      tpu.vector_store %arg13[%swap3A_1212], %swap3A_1215 {strides = array<i32>} : memref<128xf32, #tpu.memory_space<vmem>>, vector<16xf32>,
      %sub3A_1216 = arith.subf %div3A_1193, %div3A_1062 : vector<16xf32>
      %mul3A_1217 = arith.constant 2.000000e+00 : f32
      %mul3A_1218 = vector.broadcast %mul3A_1217 : f32 to vector<16xf32>
      %mul3A_1219 = arith.mulf %mul3A_1218, %sub3A_1216 : vector<16xf32>
      %add3A_1220 = arith.constant 5.000000e-02 : f32
      %add3A_1221 = vector.broadcast %add3A_1220 : f32 to vector<16xf32>
      %add3A_1222 = arith.addf %add3A_1221, %mul3A_1219 : vector<16xf32>
      %exp3A_1223 = math.exp %add3A_1222 : vector<16xf32>
      %swap3A_1224 = arith.constant 48 : index
      %swap3A_1225 = tpu.vector_load %arg14[%swap3A_1224] {strides = array<i32>} : memref<128xf32, #tpu.memory_space<vmem>>, vector<16xf32>,
      %swap3A_1226 = vector.shape_cast %swap3A_1225 : vector<16xf32> to vector<16xf32>
      %swap3A_1227 = vector.shape_cast %exp3A_1223 : vector<16xf32> to vector<16xf32>
      tpu.vector_store %arg14[%swap3A_1224], %swap3A_1227 {strides = array<i32>} : memref<128xf32, #tpu.memory_space<vmem>>, vector<16xf32>,
      %sub3A_1228 = arith.subf %div3A_1193, %div3A_1062 : vector<16xf32>
      %mul3A_1229 = arith.constant 2.000000e+00 : f32
      %mul3A_1230 = vector.broadcast %mul3A_1229 : f32 to vector<16xf32>
      %mul3A_1231 = arith.mulf %mul3A_1230, %sub3A_1228 : vector<16xf32>
      %sub3A_1232 = arith.constant 5.000000e-02 : f32
      %sub3A_1233 = vector.broadcast %sub3A_1232 : f32 to vector<16xf32>
      %sub3A_1234 = arith.subf %sub3A_1233, %mul3A_1231 : vector<16xf32>
      %exp3A_1235 = math.exp %sub3A_1234 : vector<16xf32>
      %swap3A_1236 = arith.constant 48 : index
      %swap3A_1237 = tpu.vector_load %arg15[%swap3A_1236] {strides = array<i32>} : memref<128xf32, #tpu.memory_space<vmem>>, vector<16xf32>,
      %swap3A_1238 = vector.shape_cast %swap3A_1237 : vector<16xf32> to vector<16xf32>
      %swap3A_1239 = vector.shape_cast %exp3A_1235 : vector<16xf32> to vector<16xf32>
      tpu.vector_store %arg15[%swap3A_1236], %swap3A_1239 {strides = array<i32>} : memref<128xf32, #tpu.memory_space<vmem>>, vector<16xf32>,
      %get3A_1240 = arith.constant 64 : index
      %get3A_1241 = tpu.vector_load %arg11[%get3A_1240] {strides = array<i32>} : memref<128xi32, #tpu.memory_space<vmem>>, vector<16xi32>,
      %get3A_1242 = vector.shape_cast %get3A_1241 : vector<16xi32> to vector<16xi32>
      %get3A_1243 = arith.constant 0 : i32
      %get3A_1244 = arith.index_cast %get3A_1243 : i32 to index
      %get3A_1245 = arith.constant 64 : index
      %get3A_1246 = tpu.vector_load %arg9[%get3A_1244, %get3A_1245] {strides = array<i32>} : memref<10x128xf32, #tpu.memory_space<vmem>>, vector<1x16xf32>,
      %get3A_1247 = vector.shape_cast %get3A_1246 : vector<1x16xf32> to vector<16xf32>
      %get3A_1248 = arith.constant 1 : i32
      %get3A_1249 = arith.index_cast %get3A_1248 : i32 to index
      %get3A_1250 = arith.constant 64 : index
      %get3A_1251 = tpu.vector_load %arg9[%get3A_1249, %get3A_1250] {strides = array<i32>} : memref<10x128xf32, #tpu.memory_space<vmem>>, vector<1x16xf32>,
      %get3A_1252 = vector.shape_cast %get3A_1251 : vector<1x16xf32> to vector<16xf32>
      %get3A_1253 = arith.constant 2 : i32
      %get3A_1254 = arith.index_cast %get3A_1253 : i32 to index
      %get3A_1255 = arith.constant 64 : index
      %get3A_1256 = tpu.vector_load %arg9[%get3A_1254, %get3A_1255] {strides = array<i32>} : memref<10x128xf32, #tpu.memory_space<vmem>>, vector<1x16xf32>,
      %get3A_1257 = vector.shape_cast %get3A_1256 : vector<1x16xf32> to vector<16xf32>
      %get3A_1258 = arith.constant 3 : i32
      %get3A_1259 = arith.index_cast %get3A_1258 : i32 to index
      %get3A_1260 = arith.constant 64 : index
      %get3A_1261 = tpu.vector_load %arg9[%get3A_1259, %get3A_1260] {strides = array<i32>} : memref<10x128xf32, #tpu.memory_space<vmem>>, vector<1x16xf32>,
      %get3A_1262 = vector.shape_cast %get3A_1261 : vector<1x16xf32> to vector<16xf32>
      %get3A_1263 = arith.constant 4 : i32
      %get3A_1264 = arith.index_cast %get3A_1263 : i32 to index
      %get3A_1265 = arith.constant 64 : index
      %get3A_1266 = tpu.vector_load %arg9[%get3A_1264, %get3A_1265] {strides = array<i32>} : memref<10x128xf32, #tpu.memory_space<vmem>>, vector<1x16xf32>,
      %get3A_1267 = vector.shape_cast %get3A_1266 : vector<1x16xf32> to vector<16xf32>
      %get3A_1268 = arith.constant 5 : i32
      %get3A_1269 = arith.index_cast %get3A_1268 : i32 to index
      %get3A_1270 = arith.constant 64 : index
      %get3A_1271 = tpu.vector_load %arg9[%get3A_1269, %get3A_1270] {strides = array<i32>} : memref<10x128xf32, #tpu.memory_space<vmem>>, vector<1x16xf32>,
      %get3A_1272 = vector.shape_cast %get3A_1271 : vector<1x16xf32> to vector<16xf32>
      %get3A_1273 = arith.constant 6 : i32
      %get3A_1274 = arith.index_cast %get3A_1273 : i32 to index
      %get3A_1275 = arith.constant 64 : index
      %get3A_1276 = tpu.vector_load %arg9[%get3A_1274, %get3A_1275] {strides = array<i32>} : memref<10x128xf32, #tpu.memory_space<vmem>>, vector<1x16xf32>,
      %get3A_1277 = vector.shape_cast %get3A_1276 : vector<1x16xf32> to vector<16xf32>
      %get3A_1278 = arith.constant 7 : i32
      %get3A_1279 = arith.index_cast %get3A_1278 : i32 to index
      %get3A_1280 = arith.constant 64 : index
      %get3A_1281 = tpu.vector_load %arg9[%get3A_1279, %get3A_1280] {strides = array<i32>} : memref<10x128xf32, #tpu.memory_space<vmem>>, vector<1x16xf32>,
      %get3A_1282 = vector.shape_cast %get3A_1281 : vector<1x16xf32> to vector<16xf32>
      %get3A_1283 = arith.constant 8 : i32
      %get3A_1284 = arith.index_cast %get3A_1283 : i32 to index
      %get3A_1285 = arith.constant 64 : index
      %get3A_1286 = tpu.vector_load %arg9[%get3A_1284, %get3A_1285] {strides = array<i32>} : memref<10x128xf32, #tpu.memory_space<vmem>>, vector<1x16xf32>,
      %get3A_1287 = vector.shape_cast %get3A_1286 : vector<1x16xf32> to vector<16xf32>
      %get3A_1288 = arith.constant 9 : i32
      %get3A_1289 = arith.index_cast %get3A_1288 : i32 to index
      %get3A_1290 = arith.constant 64 : index
      %get3A_1291 = tpu.vector_load %arg9[%get3A_1289, %get3A_1290] {strides = array<i32>} : memref<10x128xf32, #tpu.memory_space<vmem>>, vector<1x16xf32>,
      %get3A_1292 = vector.shape_cast %get3A_1291 : vector<1x16xf32> to vector<16xf32>
      %max3A_1293 = arith.maximumf %get3A_1247, %get3A_1252 : vector<16xf32>
      %max3A_1294 = arith.maximumf %max3A_1293, %get3A_1257 : vector<16xf32>
      %max3A_1295 = arith.maximumf %max3A_1294, %get3A_1262 : vector<16xf32>
      %max3A_1296 = arith.maximumf %max3A_1295, %get3A_1267 : vector<16xf32>
      %max3A_1297 = arith.maximumf %max3A_1296, %get3A_1272 : vector<16xf32>
      %max3A_1298 = arith.maximumf %max3A_1297, %get3A_1277 : vector<16xf32>
      %max3A_1299 = arith.maximumf %max3A_1298, %get3A_1282 : vector<16xf32>
      %max3A_1300 = arith.maximumf %max3A_1299, %get3A_1287 : vector<16xf32>
      %max3A_1301 = arith.maximumf %max3A_1300, %get3A_1292 : vector<16xf32>
      %sub3A_1302 = arith.subf %get3A_1247, %max3A_1301 : vector<16xf32>
      %exp3A_1303 = math.exp %sub3A_1302 : vector<16xf32>
      %sub3A_1304 = arith.subf %get3A_1252, %max3A_1301 : vector<16xf32>
      %exp3A_1305 = math.exp %sub3A_1304 : vector<16xf32>
      %sub3A_1306 = arith.subf %get3A_1257, %max3A_1301 : vector<16xf32>
      %exp3A_1307 = math.exp %sub3A_1306 : vector<16xf32>
      %sub3A_1308 = arith.subf %get3A_1262, %max3A_1301 : vector<16xf32>
      %exp3A_1309 = math.exp %sub3A_1308 : vector<16xf32>
      %sub3A_1310 = arith.subf %get3A_1267, %max3A_1301 : vector<16xf32>
      %exp3A_1311 = math.exp %sub3A_1310 : vector<16xf32>
      %sub3A_1312 = arith.subf %get3A_1272, %max3A_1301 : vector<16xf32>
      %exp3A_1313 = math.exp %sub3A_1312 : vector<16xf32>
      %sub3A_1314 = arith.subf %get3A_1277, %max3A_1301 : vector<16xf32>
      %exp3A_1315 = math.exp %sub3A_1314 : vector<16xf32>
      %sub3A_1316 = arith.subf %get3A_1282, %max3A_1301 : vector<16xf32>
      %exp3A_1317 = math.exp %sub3A_1316 : vector<16xf32>
      %sub3A_1318 = arith.subf %get3A_1287, %max3A_1301 : vector<16xf32>
      %exp3A_1319 = math.exp %sub3A_1318 : vector<16xf32>
      %sub3A_1320 = arith.subf %get3A_1292, %max3A_1301 : vector<16xf32>
      %exp3A_1321 = math.exp %sub3A_1320 : vector<16xf32>
      %add3A_1322 = arith.addf %exp3A_1303, %exp3A_1305 : vector<16xf32>
      %add3A_1323 = arith.addf %add3A_1322, %exp3A_1307 : vector<16xf32>
      %add3A_1324 = arith.addf %add3A_1323, %exp3A_1309 : vector<16xf32>
      %add3A_1325 = arith.addf %add3A_1324, %exp3A_1311 : vector<16xf32>
      %add3A_1326 = arith.addf %add3A_1325, %exp3A_1313 : vector<16xf32>
      %add3A_1327 = arith.addf %add3A_1326, %exp3A_1315 : vector<16xf32>
      %add3A_1328 = arith.addf %add3A_1327, %exp3A_1317 : vector<16xf32>
      %add3A_1329 = arith.addf %add3A_1328, %exp3A_1319 : vector<16xf32>
      %add3A_1330 = arith.addf %add3A_1329, %exp3A_1321 : vector<16xf32>
      %broadcast_in_dim3A_1331 = arith.constant 0.000000e+00 : f32
      %broadcast_in_dim3A_1332 = vector.broadcast %broadcast_in_dim3A_1331 : f32 to vector<16xf32>
      %eq3A_1333 = arith.constant 0 : i32
      %eq3A_1334 = vector.broadcast %eq3A_1333 : i32 to vector<16xi32>
      %eq3A_1335 = arith.cmpi eq, %get3A_1242, %eq3A_1334 : vector<16xi32>
      %select_n3A_1336 = arith.select %eq3A_1335, %exp3A_1303, %broadcast_in_dim3A_1332 : vector<16xi1>, vector<16xf32>
      %eq3A_1337 = arith.constant 1 : i32
      %eq3A_1338 = vector.broadcast %eq3A_1337 : i32 to vector<16xi32>
      %eq3A_1339 = arith.cmpi eq, %get3A_1242, %eq3A_1338 : vector<16xi32>
      %select_n3A_1340 = arith.select %eq3A_1339, %exp3A_1305, %select_n3A_1336 : vector<16xi1>, vector<16xf32>
      %eq3A_1341 = arith.constant 2 : i32
      %eq3A_1342 = vector.broadcast %eq3A_1341 : i32 to vector<16xi32>
      %eq3A_1343 = arith.cmpi eq, %get3A_1242, %eq3A_1342 : vector<16xi32>
      %select_n3A_1344 = arith.select %eq3A_1343, %exp3A_1307, %select_n3A_1340 : vector<16xi1>, vector<16xf32>
      %eq3A_1345 = arith.constant 3 : i32
      %eq3A_1346 = vector.broadcast %eq3A_1345 : i32 to vector<16xi32>
      %eq3A_1347 = arith.cmpi eq, %get3A_1242, %eq3A_1346 : vector<16xi32>
      %select_n3A_1348 = arith.select %eq3A_1347, %exp3A_1309, %select_n3A_1344 : vector<16xi1>, vector<16xf32>
      %eq3A_1349 = arith.constant 4 : i32
      %eq3A_1350 = vector.broadcast %eq3A_1349 : i32 to vector<16xi32>
      %eq3A_1351 = arith.cmpi eq, %get3A_1242, %eq3A_1350 : vector<16xi32>
      %select_n3A_1352 = arith.select %eq3A_1351, %exp3A_1311, %select_n3A_1348 : vector<16xi1>, vector<16xf32>
      %eq3A_1353 = arith.constant 5 : i32
      %eq3A_1354 = vector.broadcast %eq3A_1353 : i32 to vector<16xi32>
      %eq3A_1355 = arith.cmpi eq, %get3A_1242, %eq3A_1354 : vector<16xi32>
      %select_n3A_1356 = arith.select %eq3A_1355, %exp3A_1313, %select_n3A_1352 : vector<16xi1>, vector<16xf32>
      %eq3A_1357 = arith.constant 6 : i32
      %eq3A_1358 = vector.broadcast %eq3A_1357 : i32 to vector<16xi32>
      %eq3A_1359 = arith.cmpi eq, %get3A_1242, %eq3A_1358 : vector<16xi32>
      %select_n3A_1360 = arith.select %eq3A_1359, %exp3A_1315, %select_n3A_1356 : vector<16xi1>, vector<16xf32>
      %eq3A_1361 = arith.constant 7 : i32
      %eq3A_1362 = vector.broadcast %eq3A_1361 : i32 to vector<16xi32>
      %eq3A_1363 = arith.cmpi eq, %get3A_1242, %eq3A_1362 : vector<16xi32>
      %select_n3A_1364 = arith.select %eq3A_1363, %exp3A_1317, %select_n3A_1360 : vector<16xi1>, vector<16xf32>
      %eq3A_1365 = arith.constant 8 : i32
      %eq3A_1366 = vector.broadcast %eq3A_1365 : i32 to vector<16xi32>
      %eq3A_1367 = arith.cmpi eq, %get3A_1242, %eq3A_1366 : vector<16xi32>
      %select_n3A_1368 = arith.select %eq3A_1367, %exp3A_1319, %select_n3A_1364 : vector<16xi1>, vector<16xf32>
      %eq3A_1369 = arith.constant 9 : i32
      %eq3A_1370 = vector.broadcast %eq3A_1369 : i32 to vector<16xi32>
      %eq3A_1371 = arith.cmpi eq, %get3A_1242, %eq3A_1370 : vector<16xi32>
      %select_n3A_1372 = arith.select %eq3A_1371, %exp3A_1321, %select_n3A_1368 : vector<16xi1>, vector<16xf32>
      %div3A_1373 = arith.divf %select_n3A_1372, %add3A_1330 : vector<16xf32>
      %get3A_1374 = arith.constant 0 : i32
      %get3A_1375 = arith.index_cast %get3A_1374 : i32 to index
      %get3A_1376 = arith.constant 64 : index
      %get3A_1377 = tpu.vector_load %arg10[%get3A_1375, %get3A_1376] {strides = array<i32>} : memref<10x128xf32, #tpu.memory_space<vmem>>, vector<1x16xf32>,
      %get3A_1378 = vector.shape_cast %get3A_1377 : vector<1x16xf32> to vector<16xf32>
      %get3A_1379 = arith.constant 1 : i32
      %get3A_1380 = arith.index_cast %get3A_1379 : i32 to index
      %get3A_1381 = arith.constant 64 : index
      %get3A_1382 = tpu.vector_load %arg10[%get3A_1380, %get3A_1381] {strides = array<i32>} : memref<10x128xf32, #tpu.memory_space<vmem>>, vector<1x16xf32>,
      %get3A_1383 = vector.shape_cast %get3A_1382 : vector<1x16xf32> to vector<16xf32>
      %get3A_1384 = arith.constant 2 : i32
      %get3A_1385 = arith.index_cast %get3A_1384 : i32 to index
      %get3A_1386 = arith.constant 64 : index
      %get3A_1387 = tpu.vector_load %arg10[%get3A_1385, %get3A_1386] {strides = array<i32>} : memref<10x128xf32, #tpu.memory_space<vmem>>, vector<1x16xf32>,
      %get3A_1388 = vector.shape_cast %get3A_1387 : vector<1x16xf32> to vector<16xf32>
      %get3A_1389 = arith.constant 3 : i32
      %get3A_1390 = arith.index_cast %get3A_1389 : i32 to index
      %get3A_1391 = arith.constant 64 : index
      %get3A_1392 = tpu.vector_load %arg10[%get3A_1390, %get3A_1391] {strides = array<i32>} : memref<10x128xf32, #tpu.memory_space<vmem>>, vector<1x16xf32>,
      %get3A_1393 = vector.shape_cast %get3A_1392 : vector<1x16xf32> to vector<16xf32>
      %get3A_1394 = arith.constant 4 : i32
      %get3A_1395 = arith.index_cast %get3A_1394 : i32 to index
      %get3A_1396 = arith.constant 64 : index
      %get3A_1397 = tpu.vector_load %arg10[%get3A_1395, %get3A_1396] {strides = array<i32>} : memref<10x128xf32, #tpu.memory_space<vmem>>, vector<1x16xf32>,
      %get3A_1398 = vector.shape_cast %get3A_1397 : vector<1x16xf32> to vector<16xf32>
      %get3A_1399 = arith.constant 5 : i32
      %get3A_1400 = arith.index_cast %get3A_1399 : i32 to index
      %get3A_1401 = arith.constant 64 : index
      %get3A_1402 = tpu.vector_load %arg10[%get3A_1400, %get3A_1401] {strides = array<i32>} : memref<10x128xf32, #tpu.memory_space<vmem>>, vector<1x16xf32>,
      %get3A_1403 = vector.shape_cast %get3A_1402 : vector<1x16xf32> to vector<16xf32>
      %get3A_1404 = arith.constant 6 : i32
      %get3A_1405 = arith.index_cast %get3A_1404 : i32 to index
      %get3A_1406 = arith.constant 64 : index
      %get3A_1407 = tpu.vector_load %arg10[%get3A_1405, %get3A_1406] {strides = array<i32>} : memref<10x128xf32, #tpu.memory_space<vmem>>, vector<1x16xf32>,
      %get3A_1408 = vector.shape_cast %get3A_1407 : vector<1x16xf32> to vector<16xf32>
      %get3A_1409 = arith.constant 7 : i32
      %get3A_1410 = arith.index_cast %get3A_1409 : i32 to index
      %get3A_1411 = arith.constant 64 : index
      %get3A_1412 = tpu.vector_load %arg10[%get3A_1410, %get3A_1411] {strides = array<i32>} : memref<10x128xf32, #tpu.memory_space<vmem>>, vector<1x16xf32>,
      %get3A_1413 = vector.shape_cast %get3A_1412 : vector<1x16xf32> to vector<16xf32>
      %get3A_1414 = arith.constant 8 : i32
      %get3A_1415 = arith.index_cast %get3A_1414 : i32 to index
      %get3A_1416 = arith.constant 64 : index
      %get3A_1417 = tpu.vector_load %arg10[%get3A_1415, %get3A_1416] {strides = array<i32>} : memref<10x128xf32, #tpu.memory_space<vmem>>, vector<1x16xf32>,
      %get3A_1418 = vector.shape_cast %get3A_1417 : vector<1x16xf32> to vector<16xf32>
      %get3A_1419 = arith.constant 9 : i32
      %get3A_1420 = arith.index_cast %get3A_1419 : i32 to index
      %get3A_1421 = arith.constant 64 : index
      %get3A_1422 = tpu.vector_load %arg10[%get3A_1420, %get3A_1421] {strides = array<i32>} : memref<10x128xf32, #tpu.memory_space<vmem>>, vector<1x16xf32>,
      %get3A_1423 = vector.shape_cast %get3A_1422 : vector<1x16xf32> to vector<16xf32>
      %max3A_1424 = arith.maximumf %get3A_1378, %get3A_1383 : vector<16xf32>
      %max3A_1425 = arith.maximumf %max3A_1424, %get3A_1388 : vector<16xf32>
      %max3A_1426 = arith.maximumf %max3A_1425, %get3A_1393 : vector<16xf32>
      %max3A_1427 = arith.maximumf %max3A_1426, %get3A_1398 : vector<16xf32>
      %max3A_1428 = arith.maximumf %max3A_1427, %get3A_1403 : vector<16xf32>
      %max3A_1429 = arith.maximumf %max3A_1428, %get3A_1408 : vector<16xf32>
      %max3A_1430 = arith.maximumf %max3A_1429, %get3A_1413 : vector<16xf32>
      %max3A_1431 = arith.maximumf %max3A_1430, %get3A_1418 : vector<16xf32>
      %max3A_1432 = arith.maximumf %max3A_1431, %get3A_1423 : vector<16xf32>
      %sub3A_1433 = arith.subf %get3A_1378, %max3A_1432 : vector<16xf32>
      %exp3A_1434 = math.exp %sub3A_1433 : vector<16xf32>
      %sub3A_1435 = arith.subf %get3A_1383, %max3A_1432 : vector<16xf32>
      %exp3A_1436 = math.exp %sub3A_1435 : vector<16xf32>
      %sub3A_1437 = arith.subf %get3A_1388, %max3A_1432 : vector<16xf32>
      %exp3A_1438 = math.exp %sub3A_1437 : vector<16xf32>
      %sub3A_1439 = arith.subf %get3A_1393, %max3A_1432 : vector<16xf32>
      %exp3A_1440 = math.exp %sub3A_1439 : vector<16xf32>
      %sub3A_1441 = arith.subf %get3A_1398, %max3A_1432 : vector<16xf32>
      %exp3A_1442 = math.exp %sub3A_1441 : vector<16xf32>
      %sub3A_1443 = arith.subf %get3A_1403, %max3A_1432 : vector<16xf32>
      %exp3A_1444 = math.exp %sub3A_1443 : vector<16xf32>
      %sub3A_1445 = arith.subf %get3A_1408, %max3A_1432 : vector<16xf32>
      %exp3A_1446 = math.exp %sub3A_1445 : vector<16xf32>
      %sub3A_1447 = arith.subf %get3A_1413, %max3A_1432 : vector<16xf32>
      %exp3A_1448 = math.exp %sub3A_1447 : vector<16xf32>
      %sub3A_1449 = arith.subf %get3A_1418, %max3A_1432 : vector<16xf32>
      %exp3A_1450 = math.exp %sub3A_1449 : vector<16xf32>
      %sub3A_1451 = arith.subf %get3A_1423, %max3A_1432 : vector<16xf32>
      %exp3A_1452 = math.exp %sub3A_1451 : vector<16xf32>
      %add3A_1453 = arith.addf %exp3A_1434, %exp3A_1436 : vector<16xf32>
      %add3A_1454 = arith.addf %add3A_1453, %exp3A_1438 : vector<16xf32>
      %add3A_1455 = arith.addf %add3A_1454, %exp3A_1440 : vector<16xf32>
      %add3A_1456 = arith.addf %add3A_1455, %exp3A_1442 : vector<16xf32>
      %add3A_1457 = arith.addf %add3A_1456, %exp3A_1444 : vector<16xf32>
      %add3A_1458 = arith.addf %add3A_1457, %exp3A_1446 : vector<16xf32>
      %add3A_1459 = arith.addf %add3A_1458, %exp3A_1448 : vector<16xf32>
      %add3A_1460 = arith.addf %add3A_1459, %exp3A_1450 : vector<16xf32>
      %add3A_1461 = arith.addf %add3A_1460, %exp3A_1452 : vector<16xf32>
      %broadcast_in_dim3A_1462 = arith.constant 0.000000e+00 : f32
      %broadcast_in_dim3A_1463 = vector.broadcast %broadcast_in_dim3A_1462 : f32 to vector<16xf32>
      %eq3A_1464 = arith.constant 0 : i32
      %eq3A_1465 = vector.broadcast %eq3A_1464 : i32 to vector<16xi32>
      %eq3A_1466 = arith.cmpi eq, %get3A_1242, %eq3A_1465 : vector<16xi32>
      %select_n3A_1467 = arith.select %eq3A_1466, %exp3A_1434, %broadcast_in_dim3A_1463 : vector<16xi1>, vector<16xf32>
      %eq3A_1468 = arith.constant 1 : i32
      %eq3A_1469 = vector.broadcast %eq3A_1468 : i32 to vector<16xi32>
      %eq3A_1470 = arith.cmpi eq, %get3A_1242, %eq3A_1469 : vector<16xi32>
      %select_n3A_1471 = arith.select %eq3A_1470, %exp3A_1436, %select_n3A_1467 : vector<16xi1>, vector<16xf32>
      %eq3A_1472 = arith.constant 2 : i32
      %eq3A_1473 = vector.broadcast %eq3A_1472 : i32 to vector<16xi32>
      %eq3A_1474 = arith.cmpi eq, %get3A_1242, %eq3A_1473 : vector<16xi32>
      %select_n3A_1475 = arith.select %eq3A_1474, %exp3A_1438, %select_n3A_1471 : vector<16xi1>, vector<16xf32>
      %eq3A_1476 = arith.constant 3 : i32
      %eq3A_1477 = vector.broadcast %eq3A_1476 : i32 to vector<16xi32>
      %eq3A_1478 = arith.cmpi eq, %get3A_1242, %eq3A_1477 : vector<16xi32>
      %select_n3A_1479 = arith.select %eq3A_1478, %exp3A_1440, %select_n3A_1475 : vector<16xi1>, vector<16xf32>
      %eq3A_1480 = arith.constant 4 : i32
      %eq3A_1481 = vector.broadcast %eq3A_1480 : i32 to vector<16xi32>
      %eq3A_1482 = arith.cmpi eq, %get3A_1242, %eq3A_1481 : vector<16xi32>
      %select_n3A_1483 = arith.select %eq3A_1482, %exp3A_1442, %select_n3A_1479 : vector<16xi1>, vector<16xf32>
      %eq3A_1484 = arith.constant 5 : i32
      %eq3A_1485 = vector.broadcast %eq3A_1484 : i32 to vector<16xi32>
      %eq3A_1486 = arith.cmpi eq, %get3A_1242, %eq3A_1485 : vector<16xi32>
      %select_n3A_1487 = arith.select %eq3A_1486, %exp3A_1444, %select_n3A_1483 : vector<16xi1>, vector<16xf32>
      %eq3A_1488 = arith.constant 6 : i32
      %eq3A_1489 = vector.broadcast %eq3A_1488 : i32 to vector<16xi32>
      %eq3A_1490 = arith.cmpi eq, %get3A_1242, %eq3A_1489 : vector<16xi32>
      %select_n3A_1491 = arith.select %eq3A_1490, %exp3A_1446, %select_n3A_1487 : vector<16xi1>, vector<16xf32>
      %eq3A_1492 = arith.constant 7 : i32
      %eq3A_1493 = vector.broadcast %eq3A_1492 : i32 to vector<16xi32>
      %eq3A_1494 = arith.cmpi eq, %get3A_1242, %eq3A_1493 : vector<16xi32>
      %select_n3A_1495 = arith.select %eq3A_1494, %exp3A_1448, %select_n3A_1491 : vector<16xi1>, vector<16xf32>
      %eq3A_1496 = arith.constant 8 : i32
      %eq3A_1497 = vector.broadcast %eq3A_1496 : i32 to vector<16xi32>
      %eq3A_1498 = arith.cmpi eq, %get3A_1242, %eq3A_1497 : vector<16xi32>
      %select_n3A_1499 = arith.select %eq3A_1498, %exp3A_1450, %select_n3A_1495 : vector<16xi1>, vector<16xf32>
      %eq3A_1500 = arith.constant 9 : i32
      %eq3A_1501 = vector.broadcast %eq3A_1500 : i32 to vector<16xi32>
      %eq3A_1502 = arith.cmpi eq, %get3A_1242, %eq3A_1501 : vector<16xi32>
      %select_n3A_1503 = arith.select %eq3A_1502, %exp3A_1452, %select_n3A_1499 : vector<16xi1>, vector<16xf32>
      %div3A_1504 = arith.divf %select_n3A_1503, %add3A_1461 : vector<16xf32>
      %mul3A_1505 = arith.constant 4.000000e+00 : f32
      %mul3A_1506 = vector.broadcast %mul3A_1505 : f32 to vector<16xf32>
      %mul3A_1507 = arith.mulf %mul3A_1506, %div3A_1373 : vector<16xf32>
      %sub3A_1508 = arith.constant 4.050000e+00 : f32
      %sub3A_1509 = vector.broadcast %sub3A_1508 : f32 to vector<16xf32>
      %sub3A_1510 = arith.subf %sub3A_1509, %mul3A_1507 : vector<16xf32>
      %exp3A_1511 = math.exp %sub3A_1510 : vector<16xf32>
      %swap3A_1512 = arith.constant 64 : index
      %swap3A_1513 = tpu.vector_load %arg12[%swap3A_1512] {strides = array<i32>} : memref<128xf32, #tpu.memory_space<vmem>>, vector<16xf32>,
      %swap3A_1514 = vector.shape_cast %swap3A_1513 : vector<16xf32> to vector<16xf32>
      %swap3A_1515 = vector.shape_cast %exp3A_1511 : vector<16xf32> to vector<16xf32>
      tpu.vector_store %arg12[%swap3A_1512], %swap3A_1515 {strides = array<i32>} : memref<128xf32, #tpu.memory_space<vmem>>, vector<16xf32>,
      %mul3A_1516 = arith.constant 4.000000e+00 : f32
      %mul3A_1517 = vector.broadcast %mul3A_1516 : f32 to vector<16xf32>
      %mul3A_1518 = arith.mulf %mul3A_1517, %div3A_1373 : vector<16xf32>
      %add3A_1519 = arith.constant -3.950000e+00 : f32
      %add3A_1520 = vector.broadcast %add3A_1519 : f32 to vector<16xf32>
      %add3A_1521 = arith.addf %add3A_1520, %mul3A_1518 : vector<16xf32>
      %exp3A_1522 = math.exp %add3A_1521 : vector<16xf32>
      %swap3A_1523 = arith.constant 64 : index
      %swap3A_1524 = tpu.vector_load %arg13[%swap3A_1523] {strides = array<i32>} : memref<128xf32, #tpu.memory_space<vmem>>, vector<16xf32>,
      %swap3A_1525 = vector.shape_cast %swap3A_1524 : vector<16xf32> to vector<16xf32>
      %swap3A_1526 = vector.shape_cast %exp3A_1522 : vector<16xf32> to vector<16xf32>
      tpu.vector_store %arg13[%swap3A_1523], %swap3A_1526 {strides = array<i32>} : memref<128xf32, #tpu.memory_space<vmem>>, vector<16xf32>,
      %sub3A_1527 = arith.subf %div3A_1504, %div3A_1373 : vector<16xf32>
      %mul3A_1528 = arith.constant 2.000000e+00 : f32
      %mul3A_1529 = vector.broadcast %mul3A_1528 : f32 to vector<16xf32>
      %mul3A_1530 = arith.mulf %mul3A_1529, %sub3A_1527 : vector<16xf32>
      %add3A_1531 = arith.constant 5.000000e-02 : f32
      %add3A_1532 = vector.broadcast %add3A_1531 : f32 to vector<16xf32>
      %add3A_1533 = arith.addf %add3A_1532, %mul3A_1530 : vector<16xf32>
      %exp3A_1534 = math.exp %add3A_1533 : vector<16xf32>
      %swap3A_1535 = arith.constant 64 : index
      %swap3A_1536 = tpu.vector_load %arg14[%swap3A_1535] {strides = array<i32>} : memref<128xf32, #tpu.memory_space<vmem>>, vector<16xf32>,
      %swap3A_1537 = vector.shape_cast %swap3A_1536 : vector<16xf32> to vector<16xf32>
      %swap3A_1538 = vector.shape_cast %exp3A_1534 : vector<16xf32> to vector<16xf32>
      tpu.vector_store %arg14[%swap3A_1535], %swap3A_1538 {strides = array<i32>} : memref<128xf32, #tpu.memory_space<vmem>>, vector<16xf32>,
      %sub3A_1539 = arith.subf %div3A_1504, %div3A_1373 : vector<16xf32>
      %mul3A_1540 = arith.constant 2.000000e+00 : f32
      %mul3A_1541 = vector.broadcast %mul3A_1540 : f32 to vector<16xf32>
      %mul3A_1542 = arith.mulf %mul3A_1541, %sub3A_1539 : vector<16xf32>
      %sub3A_1543 = arith.constant 5.000000e-02 : f32
      %sub3A_1544 = vector.broadcast %sub3A_1543 : f32 to vector<16xf32>
      %sub3A_1545 = arith.subf %sub3A_1544, %mul3A_1542 : vector<16xf32>
      %exp3A_1546 = math.exp %sub3A_1545 : vector<16xf32>
      %swap3A_1547 = arith.constant 64 : index
      %swap3A_1548 = tpu.vector_load %arg15[%swap3A_1547] {strides = array<i32>} : memref<128xf32, #tpu.memory_space<vmem>>, vector<16xf32>,
      %swap3A_1549 = vector.shape_cast %swap3A_1548 : vector<16xf32> to vector<16xf32>
      %swap3A_1550 = vector.shape_cast %exp3A_1546 : vector<16xf32> to vector<16xf32>
      tpu.vector_store %arg15[%swap3A_1547], %swap3A_1550 {strides = array<i32>} : memref<128xf32, #tpu.memory_space<vmem>>, vector<16xf32>,
      %get3A_1551 = arith.constant 80 : index
      %get3A_1552 = tpu.vector_load %arg11[%get3A_1551] {strides = array<i32>} : memref<128xi32, #tpu.memory_space<vmem>>, vector<16xi32>,
      %get3A_1553 = vector.shape_cast %get3A_1552 : vector<16xi32> to vector<16xi32>
      %get3A_1554 = arith.constant 0 : i32
      %get3A_1555 = arith.index_cast %get3A_1554 : i32 to index
      %get3A_1556 = arith.constant 80 : index
      %get3A_1557 = tpu.vector_load %arg9[%get3A_1555, %get3A_1556] {strides = array<i32>} : memref<10x128xf32, #tpu.memory_space<vmem>>, vector<1x16xf32>,
      %get3A_1558 = vector.shape_cast %get3A_1557 : vector<1x16xf32> to vector<16xf32>
      %get3A_1559 = arith.constant 1 : i32
      %get3A_1560 = arith.index_cast %get3A_1559 : i32 to index
      %get3A_1561 = arith.constant 80 : index
      %get3A_1562 = tpu.vector_load %arg9[%get3A_1560, %get3A_1561] {strides = array<i32>} : memref<10x128xf32, #tpu.memory_space<vmem>>, vector<1x16xf32>,
      %get3A_1563 = vector.shape_cast %get3A_1562 : vector<1x16xf32> to vector<16xf32>
      %get3A_1564 = arith.constant 2 : i32
      %get3A_1565 = arith.index_cast %get3A_1564 : i32 to index
      %get3A_1566 = arith.constant 80 : index
      %get3A_1567 = tpu.vector_load %arg9[%get3A_1565, %get3A_1566] {strides = array<i32>} : memref<10x128xf32, #tpu.memory_space<vmem>>, vector<1x16xf32>,
      %get3A_1568 = vector.shape_cast %get3A_1567 : vector<1x16xf32> to vector<16xf32>
      %get3A_1569 = arith.constant 3 : i32
      %get3A_1570 = arith.index_cast %get3A_1569 : i32 to index
      %get3A_1571 = arith.constant 80 : index
      %get3A_1572 = tpu.vector_load %arg9[%get3A_1570, %get3A_1571] {strides = array<i32>} : memref<10x128xf32, #tpu.memory_space<vmem>>, vector<1x16xf32>,
      %get3A_1573 = vector.shape_cast %get3A_1572 : vector<1x16xf32> to vector<16xf32>
      %get3A_1574 = arith.constant 4 : i32
      %get3A_1575 = arith.index_cast %get3A_1574 : i32 to index
      %get3A_1576 = arith.constant 80 : index
      %get3A_1577 = tpu.vector_load %arg9[%get3A_1575, %get3A_1576] {strides = array<i32>} : memref<10x128xf32, #tpu.memory_space<vmem>>, vector<1x16xf32>,
      %get3A_1578 = vector.shape_cast %get3A_1577 : vector<1x16xf32> to vector<16xf32>
      %get3A_1579 = arith.constant 5 : i32
      %get3A_1580 = arith.index_cast %get3A_1579 : i32 to index
      %get3A_1581 = arith.constant 80 : index
      %get3A_1582 = tpu.vector_load %arg9[%get3A_1580, %get3A_1581] {strides = array<i32>} : memref<10x128xf32, #tpu.memory_space<vmem>>, vector<1x16xf32>,
      %get3A_1583 = vector.shape_cast %get3A_1582 : vector<1x16xf32> to vector<16xf32>
      %get3A_1584 = arith.constant 6 : i32
      %get3A_1585 = arith.index_cast %get3A_1584 : i32 to index
      %get3A_1586 = arith.constant 80 : index
      %get3A_1587 = tpu.vector_load %arg9[%get3A_1585, %get3A_1586] {strides = array<i32>} : memref<10x128xf32, #tpu.memory_space<vmem>>, vector<1x16xf32>,
      %get3A_1588 = vector.shape_cast %get3A_1587 : vector<1x16xf32> to vector<16xf32>
      %get3A_1589 = arith.constant 7 : i32
      %get3A_1590 = arith.index_cast %get3A_1589 : i32 to index
      %get3A_1591 = arith.constant 80 : index
      %get3A_1592 = tpu.vector_load %arg9[%get3A_1590, %get3A_1591] {strides = array<i32>} : memref<10x128xf32, #tpu.memory_space<vmem>>, vector<1x16xf32>,
      %get3A_1593 = vector.shape_cast %get3A_1592 : vector<1x16xf32> to vector<16xf32>
      %get3A_1594 = arith.constant 8 : i32
      %get3A_1595 = arith.index_cast %get3A_1594 : i32 to index
      %get3A_1596 = arith.constant 80 : index
      %get3A_1597 = tpu.vector_load %arg9[%get3A_1595, %get3A_1596] {strides = array<i32>} : memref<10x128xf32, #tpu.memory_space<vmem>>, vector<1x16xf32>,
      %get3A_1598 = vector.shape_cast %get3A_1597 : vector<1x16xf32> to vector<16xf32>
      %get3A_1599 = arith.constant 9 : i32
      %get3A_1600 = arith.index_cast %get3A_1599 : i32 to index
      %get3A_1601 = arith.constant 80 : index
      %get3A_1602 = tpu.vector_load %arg9[%get3A_1600, %get3A_1601] {strides = array<i32>} : memref<10x128xf32, #tpu.memory_space<vmem>>, vector<1x16xf32>,
      %get3A_1603 = vector.shape_cast %get3A_1602 : vector<1x16xf32> to vector<16xf32>
      %max3A_1604 = arith.maximumf %get3A_1558, %get3A_1563 : vector<16xf32>
      %max3A_1605 = arith.maximumf %max3A_1604, %get3A_1568 : vector<16xf32>
      %max3A_1606 = arith.maximumf %max3A_1605, %get3A_1573 : vector<16xf32>
      %max3A_1607 = arith.maximumf %max3A_1606, %get3A_1578 : vector<16xf32>
      %max3A_1608 = arith.maximumf %max3A_1607, %get3A_1583 : vector<16xf32>
      %max3A_1609 = arith.maximumf %max3A_1608, %get3A_1588 : vector<16xf32>
      %max3A_1610 = arith.maximumf %max3A_1609, %get3A_1593 : vector<16xf32>
      %max3A_1611 = arith.maximumf %max3A_1610, %get3A_1598 : vector<16xf32>
      %max3A_1612 = arith.maximumf %max3A_1611, %get3A_1603 : vector<16xf32>
      %sub3A_1613 = arith.subf %get3A_1558, %max3A_1612 : vector<16xf32>
      %exp3A_1614 = math.exp %sub3A_1613 : vector<16xf32>
      %sub3A_1615 = arith.subf %get3A_1563, %max3A_1612 : vector<16xf32>
      %exp3A_1616 = math.exp %sub3A_1615 : vector<16xf32>
      %sub3A_1617 = arith.subf %get3A_1568, %max3A_1612 : vector<16xf32>
      %exp3A_1618 = math.exp %sub3A_1617 : vector<16xf32>
      %sub3A_1619 = arith.subf %get3A_1573, %max3A_1612 : vector<16xf32>
      %exp3A_1620 = math.exp %sub3A_1619 : vector<16xf32>
      %sub3A_1621 = arith.subf %get3A_1578, %max3A_1612 : vector<16xf32>
      %exp3A_1622 = math.exp %sub3A_1621 : vector<16xf32>
      %sub3A_1623 = arith.subf %get3A_1583, %max3A_1612 : vector<16xf32>
      %exp3A_1624 = math.exp %sub3A_1623 : vector<16xf32>
      %sub3A_1625 = arith.subf %get3A_1588, %max3A_1612 : vector<16xf32>
      %exp3A_1626 = math.exp %sub3A_1625 : vector<16xf32>
      %sub3A_1627 = arith.subf %get3A_1593, %max3A_1612 : vector<16xf32>
      %exp3A_1628 = math.exp %sub3A_1627 : vector<16xf32>
      %sub3A_1629 = arith.subf %get3A_1598, %max3A_1612 : vector<16xf32>
      %exp3A_1630 = math.exp %sub3A_1629 : vector<16xf32>
      %sub3A_1631 = arith.subf %get3A_1603, %max3A_1612 : vector<16xf32>
      %exp3A_1632 = math.exp %sub3A_1631 : vector<16xf32>
      %add3A_1633 = arith.addf %exp3A_1614, %exp3A_1616 : vector<16xf32>
      %add3A_1634 = arith.addf %add3A_1633, %exp3A_1618 : vector<16xf32>
      %add3A_1635 = arith.addf %add3A_1634, %exp3A_1620 : vector<16xf32>
      %add3A_1636 = arith.addf %add3A_1635, %exp3A_1622 : vector<16xf32>
      %add3A_1637 = arith.addf %add3A_1636, %exp3A_1624 : vector<16xf32>
      %add3A_1638 = arith.addf %add3A_1637, %exp3A_1626 : vector<16xf32>
      %add3A_1639 = arith.addf %add3A_1638, %exp3A_1628 : vector<16xf32>
      %add3A_1640 = arith.addf %add3A_1639, %exp3A_1630 : vector<16xf32>
      %add3A_1641 = arith.addf %add3A_1640, %exp3A_1632 : vector<16xf32>
      %broadcast_in_dim3A_1642 = arith.constant 0.000000e+00 : f32
      %broadcast_in_dim3A_1643 = vector.broadcast %broadcast_in_dim3A_1642 : f32 to vector<16xf32>
      %eq3A_1644 = arith.constant 0 : i32
      %eq3A_1645 = vector.broadcast %eq3A_1644 : i32 to vector<16xi32>
      %eq3A_1646 = arith.cmpi eq, %get3A_1553, %eq3A_1645 : vector<16xi32>
      %select_n3A_1647 = arith.select %eq3A_1646, %exp3A_1614, %broadcast_in_dim3A_1643 : vector<16xi1>, vector<16xf32>
      %eq3A_1648 = arith.constant 1 : i32
      %eq3A_1649 = vector.broadcast %eq3A_1648 : i32 to vector<16xi32>
      %eq3A_1650 = arith.cmpi eq, %get3A_1553, %eq3A_1649 : vector<16xi32>
      %select_n3A_1651 = arith.select %eq3A_1650, %exp3A_1616, %select_n3A_1647 : vector<16xi1>, vector<16xf32>
      %eq3A_1652 = arith.constant 2 : i32
      %eq3A_1653 = vector.broadcast %eq3A_1652 : i32 to vector<16xi32>
      %eq3A_1654 = arith.cmpi eq, %get3A_1553, %eq3A_1653 : vector<16xi32>
      %select_n3A_1655 = arith.select %eq3A_1654, %exp3A_1618, %select_n3A_1651 : vector<16xi1>, vector<16xf32>
      %eq3A_1656 = arith.constant 3 : i32
      %eq3A_1657 = vector.broadcast %eq3A_1656 : i32 to vector<16xi32>
      %eq3A_1658 = arith.cmpi eq, %get3A_1553, %eq3A_1657 : vector<16xi32>
      %select_n3A_1659 = arith.select %eq3A_1658, %exp3A_1620, %select_n3A_1655 : vector<16xi1>, vector<16xf32>
      %eq3A_1660 = arith.constant 4 : i32
      %eq3A_1661 = vector.broadcast %eq3A_1660 : i32 to vector<16xi32>
      %eq3A_1662 = arith.cmpi eq, %get3A_1553, %eq3A_1661 : vector<16xi32>
      %select_n3A_1663 = arith.select %eq3A_1662, %exp3A_1622, %select_n3A_1659 : vector<16xi1>, vector<16xf32>
      %eq3A_1664 = arith.constant 5 : i32
      %eq3A_1665 = vector.broadcast %eq3A_1664 : i32 to vector<16xi32>
      %eq3A_1666 = arith.cmpi eq, %get3A_1553, %eq3A_1665 : vector<16xi32>
      %select_n3A_1667 = arith.select %eq3A_1666, %exp3A_1624, %select_n3A_1663 : vector<16xi1>, vector<16xf32>
      %eq3A_1668 = arith.constant 6 : i32
      %eq3A_1669 = vector.broadcast %eq3A_1668 : i32 to vector<16xi32>
      %eq3A_1670 = arith.cmpi eq, %get3A_1553, %eq3A_1669 : vector<16xi32>
      %select_n3A_1671 = arith.select %eq3A_1670, %exp3A_1626, %select_n3A_1667 : vector<16xi1>, vector<16xf32>
      %eq3A_1672 = arith.constant 7 : i32
      %eq3A_1673 = vector.broadcast %eq3A_1672 : i32 to vector<16xi32>
      %eq3A_1674 = arith.cmpi eq, %get3A_1553, %eq3A_1673 : vector<16xi32>
      %select_n3A_1675 = arith.select %eq3A_1674, %exp3A_1628, %select_n3A_1671 : vector<16xi1>, vector<16xf32>
      %eq3A_1676 = arith.constant 8 : i32
      %eq3A_1677 = vector.broadcast %eq3A_1676 : i32 to vector<16xi32>
      %eq3A_1678 = arith.cmpi eq, %get3A_1553, %eq3A_1677 : vector<16xi32>
      %select_n3A_1679 = arith.select %eq3A_1678, %exp3A_1630, %select_n3A_1675 : vector<16xi1>, vector<16xf32>
      %eq3A_1680 = arith.constant 9 : i32
      %eq3A_1681 = vector.broadcast %eq3A_1680 : i32 to vector<16xi32>
      %eq3A_1682 = arith.cmpi eq, %get3A_1553, %eq3A_1681 : vector<16xi32>
      %select_n3A_1683 = arith.select %eq3A_1682, %exp3A_1632, %select_n3A_1679 : vector<16xi1>, vector<16xf32>
      %div3A_1684 = arith.divf %select_n3A_1683, %add3A_1641 : vector<16xf32>
      %get3A_1685 = arith.constant 0 : i32
      %get3A_1686 = arith.index_cast %get3A_1685 : i32 to index
      %get3A_1687 = arith.constant 80 : index
      %get3A_1688 = tpu.vector_load %arg10[%get3A_1686, %get3A_1687] {strides = array<i32>} : memref<10x128xf32, #tpu.memory_space<vmem>>, vector<1x16xf32>,
      %get3A_1689 = vector.shape_cast %get3A_1688 : vector<1x16xf32> to vector<16xf32>
      %get3A_1690 = arith.constant 1 : i32
      %get3A_1691 = arith.index_cast %get3A_1690 : i32 to index
      %get3A_1692 = arith.constant 80 : index
      %get3A_1693 = tpu.vector_load %arg10[%get3A_1691, %get3A_1692] {strides = array<i32>} : memref<10x128xf32, #tpu.memory_space<vmem>>, vector<1x16xf32>,
      %get3A_1694 = vector.shape_cast %get3A_1693 : vector<1x16xf32> to vector<16xf32>
      %get3A_1695 = arith.constant 2 : i32
      %get3A_1696 = arith.index_cast %get3A_1695 : i32 to index
      %get3A_1697 = arith.constant 80 : index
      %get3A_1698 = tpu.vector_load %arg10[%get3A_1696, %get3A_1697] {strides = array<i32>} : memref<10x128xf32, #tpu.memory_space<vmem>>, vector<1x16xf32>,
      %get3A_1699 = vector.shape_cast %get3A_1698 : vector<1x16xf32> to vector<16xf32>
      %get3A_1700 = arith.constant 3 : i32
      %get3A_1701 = arith.index_cast %get3A_1700 : i32 to index
      %get3A_1702 = arith.constant 80 : index
      %get3A_1703 = tpu.vector_load %arg10[%get3A_1701, %get3A_1702] {strides = array<i32>} : memref<10x128xf32, #tpu.memory_space<vmem>>, vector<1x16xf32>,
      %get3A_1704 = vector.shape_cast %get3A_1703 : vector<1x16xf32> to vector<16xf32>
      %get3A_1705 = arith.constant 4 : i32
      %get3A_1706 = arith.index_cast %get3A_1705 : i32 to index
      %get3A_1707 = arith.constant 80 : index
      %get3A_1708 = tpu.vector_load %arg10[%get3A_1706, %get3A_1707] {strides = array<i32>} : memref<10x128xf32, #tpu.memory_space<vmem>>, vector<1x16xf32>,
      %get3A_1709 = vector.shape_cast %get3A_1708 : vector<1x16xf32> to vector<16xf32>
      %get3A_1710 = arith.constant 5 : i32
      %get3A_1711 = arith.index_cast %get3A_1710 : i32 to index
      %get3A_1712 = arith.constant 80 : index
      %get3A_1713 = tpu.vector_load %arg10[%get3A_1711, %get3A_1712] {strides = array<i32>} : memref<10x128xf32, #tpu.memory_space<vmem>>, vector<1x16xf32>,
      %get3A_1714 = vector.shape_cast %get3A_1713 : vector<1x16xf32> to vector<16xf32>
      %get3A_1715 = arith.constant 6 : i32
      %get3A_1716 = arith.index_cast %get3A_1715 : i32 to index
      %get3A_1717 = arith.constant 80 : index
      %get3A_1718 = tpu.vector_load %arg10[%get3A_1716, %get3A_1717] {strides = array<i32>} : memref<10x128xf32, #tpu.memory_space<vmem>>, vector<1x16xf32>,
      %get3A_1719 = vector.shape_cast %get3A_1718 : vector<1x16xf32> to vector<16xf32>
      %get3A_1720 = arith.constant 7 : i32
      %get3A_1721 = arith.index_cast %get3A_1720 : i32 to index
      %get3A_1722 = arith.constant 80 : index
      %get3A_1723 = tpu.vector_load %arg10[%get3A_1721, %get3A_1722] {strides = array<i32>} : memref<10x128xf32, #tpu.memory_space<vmem>>, vector<1x16xf32>,
      %get3A_1724 = vector.shape_cast %get3A_1723 : vector<1x16xf32> to vector<16xf32>
      %get3A_1725 = arith.constant 8 : i32
      %get3A_1726 = arith.index_cast %get3A_1725 : i32 to index
      %get3A_1727 = arith.constant 80 : index
      %get3A_1728 = tpu.vector_load %arg10[%get3A_1726, %get3A_1727] {strides = array<i32>} : memref<10x128xf32, #tpu.memory_space<vmem>>, vector<1x16xf32>,
      %get3A_1729 = vector.shape_cast %get3A_1728 : vector<1x16xf32> to vector<16xf32>
      %get3A_1730 = arith.constant 9 : i32
      %get3A_1731 = arith.index_cast %get3A_1730 : i32 to index
      %get3A_1732 = arith.constant 80 : index
      %get3A_1733 = tpu.vector_load %arg10[%get3A_1731, %get3A_1732] {strides = array<i32>} : memref<10x128xf32, #tpu.memory_space<vmem>>, vector<1x16xf32>,
      %get3A_1734 = vector.shape_cast %get3A_1733 : vector<1x16xf32> to vector<16xf32>
      %max3A_1735 = arith.maximumf %get3A_1689, %get3A_1694 : vector<16xf32>
      %max3A_1736 = arith.maximumf %max3A_1735, %get3A_1699 : vector<16xf32>
      %max3A_1737 = arith.maximumf %max3A_1736, %get3A_1704 : vector<16xf32>
      %max3A_1738 = arith.maximumf %max3A_1737, %get3A_1709 : vector<16xf32>
      %max3A_1739 = arith.maximumf %max3A_1738, %get3A_1714 : vector<16xf32>
      %max3A_1740 = arith.maximumf %max3A_1739, %get3A_1719 : vector<16xf32>
      %max3A_1741 = arith.maximumf %max3A_1740, %get3A_1724 : vector<16xf32>
      %max3A_1742 = arith.maximumf %max3A_1741, %get3A_1729 : vector<16xf32>
      %max3A_1743 = arith.maximumf %max3A_1742, %get3A_1734 : vector<16xf32>
      %sub3A_1744 = arith.subf %get3A_1689, %max3A_1743 : vector<16xf32>
      %exp3A_1745 = math.exp %sub3A_1744 : vector<16xf32>
      %sub3A_1746 = arith.subf %get3A_1694, %max3A_1743 : vector<16xf32>
      %exp3A_1747 = math.exp %sub3A_1746 : vector<16xf32>
      %sub3A_1748 = arith.subf %get3A_1699, %max3A_1743 : vector<16xf32>
      %exp3A_1749 = math.exp %sub3A_1748 : vector<16xf32>
      %sub3A_1750 = arith.subf %get3A_1704, %max3A_1743 : vector<16xf32>
      %exp3A_1751 = math.exp %sub3A_1750 : vector<16xf32>
      %sub3A_1752 = arith.subf %get3A_1709, %max3A_1743 : vector<16xf32>
      %exp3A_1753 = math.exp %sub3A_1752 : vector<16xf32>
      %sub3A_1754 = arith.subf %get3A_1714, %max3A_1743 : vector<16xf32>
      %exp3A_1755 = math.exp %sub3A_1754 : vector<16xf32>
      %sub3A_1756 = arith.subf %get3A_1719, %max3A_1743 : vector<16xf32>
      %exp3A_1757 = math.exp %sub3A_1756 : vector<16xf32>
      %sub3A_1758 = arith.subf %get3A_1724, %max3A_1743 : vector<16xf32>
      %exp3A_1759 = math.exp %sub3A_1758 : vector<16xf32>
      %sub3A_1760 = arith.subf %get3A_1729, %max3A_1743 : vector<16xf32>
      %exp3A_1761 = math.exp %sub3A_1760 : vector<16xf32>
      %sub3A_1762 = arith.subf %get3A_1734, %max3A_1743 : vector<16xf32>
      %exp3A_1763 = math.exp %sub3A_1762 : vector<16xf32>
      %add3A_1764 = arith.addf %exp3A_1745, %exp3A_1747 : vector<16xf32>
      %add3A_1765 = arith.addf %add3A_1764, %exp3A_1749 : vector<16xf32>
      %add3A_1766 = arith.addf %add3A_1765, %exp3A_1751 : vector<16xf32>
      %add3A_1767 = arith.addf %add3A_1766, %exp3A_1753 : vector<16xf32>
      %add3A_1768 = arith.addf %add3A_1767, %exp3A_1755 : vector<16xf32>
      %add3A_1769 = arith.addf %add3A_1768, %exp3A_1757 : vector<16xf32>
      %add3A_1770 = arith.addf %add3A_1769, %exp3A_1759 : vector<16xf32>
      %add3A_1771 = arith.addf %add3A_1770, %exp3A_1761 : vector<16xf32>
      %add3A_1772 = arith.addf %add3A_1771, %exp3A_1763 : vector<16xf32>
      %broadcast_in_dim3A_1773 = arith.constant 0.000000e+00 : f32
      %broadcast_in_dim3A_1774 = vector.broadcast %broadcast_in_dim3A_1773 : f32 to vector<16xf32>
      %eq3A_1775 = arith.constant 0 : i32
      %eq3A_1776 = vector.broadcast %eq3A_1775 : i32 to vector<16xi32>
      %eq3A_1777 = arith.cmpi eq, %get3A_1553, %eq3A_1776 : vector<16xi32>
      %select_n3A_1778 = arith.select %eq3A_1777, %exp3A_1745, %broadcast_in_dim3A_1774 : vector<16xi1>, vector<16xf32>
      %eq3A_1779 = arith.constant 1 : i32
      %eq3A_1780 = vector.broadcast %eq3A_1779 : i32 to vector<16xi32>
      %eq3A_1781 = arith.cmpi eq, %get3A_1553, %eq3A_1780 : vector<16xi32>
      %select_n3A_1782 = arith.select %eq3A_1781, %exp3A_1747, %select_n3A_1778 : vector<16xi1>, vector<16xf32>
      %eq3A_1783 = arith.constant 2 : i32
      %eq3A_1784 = vector.broadcast %eq3A_1783 : i32 to vector<16xi32>
      %eq3A_1785 = arith.cmpi eq, %get3A_1553, %eq3A_1784 : vector<16xi32>
      %select_n3A_1786 = arith.select %eq3A_1785, %exp3A_1749, %select_n3A_1782 : vector<16xi1>, vector<16xf32>
      %eq3A_1787 = arith.constant 3 : i32
      %eq3A_1788 = vector.broadcast %eq3A_1787 : i32 to vector<16xi32>
      %eq3A_1789 = arith.cmpi eq, %get3A_1553, %eq3A_1788 : vector<16xi32>
      %select_n3A_1790 = arith.select %eq3A_1789, %exp3A_1751, %select_n3A_1786 : vector<16xi1>, vector<16xf32>
      %eq3A_1791 = arith.constant 4 : i32
      %eq3A_1792 = vector.broadcast %eq3A_1791 : i32 to vector<16xi32>
      %eq3A_1793 = arith.cmpi eq, %get3A_1553, %eq3A_1792 : vector<16xi32>
      %select_n3A_1794 = arith.select %eq3A_1793, %exp3A_1753, %select_n3A_1790 : vector<16xi1>, vector<16xf32>
      %eq3A_1795 = arith.constant 5 : i32
      %eq3A_1796 = vector.broadcast %eq3A_1795 : i32 to vector<16xi32>
      %eq3A_1797 = arith.cmpi eq, %get3A_1553, %eq3A_1796 : vector<16xi32>
      %select_n3A_1798 = arith.select %eq3A_1797, %exp3A_1755, %select_n3A_1794 : vector<16xi1>, vector<16xf32>
      %eq3A_1799 = arith.constant 6 : i32
      %eq3A_1800 = vector.broadcast %eq3A_1799 : i32 to vector<16xi32>
      %eq3A_1801 = arith.cmpi eq, %get3A_1553, %eq3A_1800 : vector<16xi32>
      %select_n3A_1802 = arith.select %eq3A_1801, %exp3A_1757, %select_n3A_1798 : vector<16xi1>, vector<16xf32>
      %eq3A_1803 = arith.constant 7 : i32
      %eq3A_1804 = vector.broadcast %eq3A_1803 : i32 to vector<16xi32>
      %eq3A_1805 = arith.cmpi eq, %get3A_1553, %eq3A_1804 : vector<16xi32>
      %select_n3A_1806 = arith.select %eq3A_1805, %exp3A_1759, %select_n3A_1802 : vector<16xi1>, vector<16xf32>
      %eq3A_1807 = arith.constant 8 : i32
      %eq3A_1808 = vector.broadcast %eq3A_1807 : i32 to vector<16xi32>
      %eq3A_1809 = arith.cmpi eq, %get3A_1553, %eq3A_1808 : vector<16xi32>
      %select_n3A_1810 = arith.select %eq3A_1809, %exp3A_1761, %select_n3A_1806 : vector<16xi1>, vector<16xf32>
      %eq3A_1811 = arith.constant 9 : i32
      %eq3A_1812 = vector.broadcast %eq3A_1811 : i32 to vector<16xi32>
      %eq3A_1813 = arith.cmpi eq, %get3A_1553, %eq3A_1812 : vector<16xi32>
      %select_n3A_1814 = arith.select %eq3A_1813, %exp3A_1763, %select_n3A_1810 : vector<16xi1>, vector<16xf32>
      %div3A_1815 = arith.divf %select_n3A_1814, %add3A_1772 : vector<16xf32>
      %mul3A_1816 = arith.constant 4.000000e+00 : f32
      %mul3A_1817 = vector.broadcast %mul3A_1816 : f32 to vector<16xf32>
      %mul3A_1818 = arith.mulf %mul3A_1817, %div3A_1684 : vector<16xf32>
      %sub3A_1819 = arith.constant 4.050000e+00 : f32
      %sub3A_1820 = vector.broadcast %sub3A_1819 : f32 to vector<16xf32>
      %sub3A_1821 = arith.subf %sub3A_1820, %mul3A_1818 : vector<16xf32>
      %exp3A_1822 = math.exp %sub3A_1821 : vector<16xf32>
      %swap3A_1823 = arith.constant 80 : index
      %swap3A_1824 = tpu.vector_load %arg12[%swap3A_1823] {strides = array<i32>} : memref<128xf32, #tpu.memory_space<vmem>>, vector<16xf32>,
      %swap3A_1825 = vector.shape_cast %swap3A_1824 : vector<16xf32> to vector<16xf32>
      %swap3A_1826 = vector.shape_cast %exp3A_1822 : vector<16xf32> to vector<16xf32>
      tpu.vector_store %arg12[%swap3A_1823], %swap3A_1826 {strides = array<i32>} : memref<128xf32, #tpu.memory_space<vmem>>, vector<16xf32>,
      %mul3A_1827 = arith.constant 4.000000e+00 : f32
      %mul3A_1828 = vector.broadcast %mul3A_1827 : f32 to vector<16xf32>
      %mul3A_1829 = arith.mulf %mul3A_1828, %div3A_1684 : vector<16xf32>
      %add3A_1830 = arith.constant -3.950000e+00 : f32
      %add3A_1831 = vector.broadcast %add3A_1830 : f32 to vector<16xf32>
      %add3A_1832 = arith.addf %add3A_1831, %mul3A_1829 : vector<16xf32>
      %exp3A_1833 = math.exp %add3A_1832 : vector<16xf32>
      %swap3A_1834 = arith.constant 80 : index
      %swap3A_1835 = tpu.vector_load %arg13[%swap3A_1834] {strides = array<i32>} : memref<128xf32, #tpu.memory_space<vmem>>, vector<16xf32>,
      %swap3A_1836 = vector.shape_cast %swap3A_1835 : vector<16xf32> to vector<16xf32>
      %swap3A_1837 = vector.shape_cast %exp3A_1833 : vector<16xf32> to vector<16xf32>
      tpu.vector_store %arg13[%swap3A_1834], %swap3A_1837 {strides = array<i32>} : memref<128xf32, #tpu.memory_space<vmem>>, vector<16xf32>,
      %sub3A_1838 = arith.subf %div3A_1815, %div3A_1684 : vector<16xf32>
      %mul3A_1839 = arith.constant 2.000000e+00 : f32
      %mul3A_1840 = vector.broadcast %mul3A_1839 : f32 to vector<16xf32>
      %mul3A_1841 = arith.mulf %mul3A_1840, %sub3A_1838 : vector<16xf32>
      %add3A_1842 = arith.constant 5.000000e-02 : f32
      %add3A_1843 = vector.broadcast %add3A_1842 : f32 to vector<16xf32>
      %add3A_1844 = arith.addf %add3A_1843, %mul3A_1841 : vector<16xf32>
      %exp3A_1845 = math.exp %add3A_1844 : vector<16xf32>
      %swap3A_1846 = arith.constant 80 : index
      %swap3A_1847 = tpu.vector_load %arg14[%swap3A_1846] {strides = array<i32>} : memref<128xf32, #tpu.memory_space<vmem>>, vector<16xf32>,
      %swap3A_1848 = vector.shape_cast %swap3A_1847 : vector<16xf32> to vector<16xf32>
      %swap3A_1849 = vector.shape_cast %exp3A_1845 : vector<16xf32> to vector<16xf32>
      tpu.vector_store %arg14[%swap3A_1846], %swap3A_1849 {strides = array<i32>} : memref<128xf32, #tpu.memory_space<vmem>>, vector<16xf32>,
      %sub3A_1850 = arith.subf %div3A_1815, %div3A_1684 : vector<16xf32>
      %mul3A_1851 = arith.constant 2.000000e+00 : f32
      %mul3A_1852 = vector.broadcast %mul3A_1851 : f32 to vector<16xf32>
      %mul3A_1853 = arith.mulf %mul3A_1852, %sub3A_1850 : vector<16xf32>
      %sub3A_1854 = arith.constant 5.000000e-02 : f32
      %sub3A_1855 = vector.broadcast %sub3A_1854 : f32 to vector<16xf32>
      %sub3A_1856 = arith.subf %sub3A_1855, %mul3A_1853 : vector<16xf32>
      %exp3A_1857 = math.exp %sub3A_1856 : vector<16xf32>
      %swap3A_1858 = arith.constant 80 : index
      %swap3A_1859 = tpu.vector_load %arg15[%swap3A_1858] {strides = array<i32>} : memref<128xf32, #tpu.memory_space<vmem>>, vector<16xf32>,
      %swap3A_1860 = vector.shape_cast %swap3A_1859 : vector<16xf32> to vector<16xf32>
      %swap3A_1861 = vector.shape_cast %exp3A_1857 : vector<16xf32> to vector<16xf32>
      tpu.vector_store %arg15[%swap3A_1858], %swap3A_1861 {strides = array<i32>} : memref<128xf32, #tpu.memory_space<vmem>>, vector<16xf32>,
      %get3A_1862 = arith.constant 96 : index
      %get3A_1863 = tpu.vector_load %arg11[%get3A_1862] {strides = array<i32>} : memref<128xi32, #tpu.memory_space<vmem>>, vector<16xi32>,
      %get3A_1864 = vector.shape_cast %get3A_1863 : vector<16xi32> to vector<16xi32>
      %get3A_1865 = arith.constant 0 : i32
      %get3A_1866 = arith.index_cast %get3A_1865 : i32 to index
      %get3A_1867 = arith.constant 96 : index
      %get3A_1868 = tpu.vector_load %arg9[%get3A_1866, %get3A_1867] {strides = array<i32>} : memref<10x128xf32, #tpu.memory_space<vmem>>, vector<1x16xf32>,
      %get3A_1869 = vector.shape_cast %get3A_1868 : vector<1x16xf32> to vector<16xf32>
      %get3A_1870 = arith.constant 1 : i32
      %get3A_1871 = arith.index_cast %get3A_1870 : i32 to index
      %get3A_1872 = arith.constant 96 : index
      %get3A_1873 = tpu.vector_load %arg9[%get3A_1871, %get3A_1872] {strides = array<i32>} : memref<10x128xf32, #tpu.memory_space<vmem>>, vector<1x16xf32>,
      %get3A_1874 = vector.shape_cast %get3A_1873 : vector<1x16xf32> to vector<16xf32>
      %get3A_1875 = arith.constant 2 : i32
      %get3A_1876 = arith.index_cast %get3A_1875 : i32 to index
      %get3A_1877 = arith.constant 96 : index
      %get3A_1878 = tpu.vector_load %arg9[%get3A_1876, %get3A_1877] {strides = array<i32>} : memref<10x128xf32, #tpu.memory_space<vmem>>, vector<1x16xf32>,
      %get3A_1879 = vector.shape_cast %get3A_1878 : vector<1x16xf32> to vector<16xf32>
      %get3A_1880 = arith.constant 3 : i32
      %get3A_1881 = arith.index_cast %get3A_1880 : i32 to index
      %get3A_1882 = arith.constant 96 : index
      %get3A_1883 = tpu.vector_load %arg9[%get3A_1881, %get3A_1882] {strides = array<i32>} : memref<10x128xf32, #tpu.memory_space<vmem>>, vector<1x16xf32>,
      %get3A_1884 = vector.shape_cast %get3A_1883 : vector<1x16xf32> to vector<16xf32>
      %get3A_1885 = arith.constant 4 : i32
      %get3A_1886 = arith.index_cast %get3A_1885 : i32 to index
      %get3A_1887 = arith.constant 96 : index
      %get3A_1888 = tpu.vector_load %arg9[%get3A_1886, %get3A_1887] {strides = array<i32>} : memref<10x128xf32, #tpu.memory_space<vmem>>, vector<1x16xf32>,
      %get3A_1889 = vector.shape_cast %get3A_1888 : vector<1x16xf32> to vector<16xf32>
      %get3A_1890 = arith.constant 5 : i32
      %get3A_1891 = arith.index_cast %get3A_1890 : i32 to index
      %get3A_1892 = arith.constant 96 : index
      %get3A_1893 = tpu.vector_load %arg9[%get3A_1891, %get3A_1892] {strides = array<i32>} : memref<10x128xf32, #tpu.memory_space<vmem>>, vector<1x16xf32>,
      %get3A_1894 = vector.shape_cast %get3A_1893 : vector<1x16xf32> to vector<16xf32>
      %get3A_1895 = arith.constant 6 : i32
      %get3A_1896 = arith.index_cast %get3A_1895 : i32 to index
      %get3A_1897 = arith.constant 96 : index
      %get3A_1898 = tpu.vector_load %arg9[%get3A_1896, %get3A_1897] {strides = array<i32>} : memref<10x128xf32, #tpu.memory_space<vmem>>, vector<1x16xf32>,
      %get3A_1899 = vector.shape_cast %get3A_1898 : vector<1x16xf32> to vector<16xf32>
      %get3A_1900 = arith.constant 7 : i32
      %get3A_1901 = arith.index_cast %get3A_1900 : i32 to index
      %get3A_1902 = arith.constant 96 : index
      %get3A_1903 = tpu.vector_load %arg9[%get3A_1901, %get3A_1902] {strides = array<i32>} : memref<10x128xf32, #tpu.memory_space<vmem>>, vector<1x16xf32>,
      %get3A_1904 = vector.shape_cast %get3A_1903 : vector<1x16xf32> to vector<16xf32>
      %get3A_1905 = arith.constant 8 : i32
      %get3A_1906 = arith.index_cast %get3A_1905 : i32 to index
      %get3A_1907 = arith.constant 96 : index
      %get3A_1908 = tpu.vector_load %arg9[%get3A_1906, %get3A_1907] {strides = array<i32>} : memref<10x128xf32, #tpu.memory_space<vmem>>, vector<1x16xf32>,
      %get3A_1909 = vector.shape_cast %get3A_1908 : vector<1x16xf32> to vector<16xf32>
      %get3A_1910 = arith.constant 9 : i32
      %get3A_1911 = arith.index_cast %get3A_1910 : i32 to index
      %get3A_1912 = arith.constant 96 : index
      %get3A_1913 = tpu.vector_load %arg9[%get3A_1911, %get3A_1912] {strides = array<i32>} : memref<10x128xf32, #tpu.memory_space<vmem>>, vector<1x16xf32>,
      %get3A_1914 = vector.shape_cast %get3A_1913 : vector<1x16xf32> to vector<16xf32>
      %max3A_1915 = arith.maximumf %get3A_1869, %get3A_1874 : vector<16xf32>
      %max3A_1916 = arith.maximumf %max3A_1915, %get3A_1879 : vector<16xf32>
      %max3A_1917 = arith.maximumf %max3A_1916, %get3A_1884 : vector<16xf32>
      %max3A_1918 = arith.maximumf %max3A_1917, %get3A_1889 : vector<16xf32>
      %max3A_1919 = arith.maximumf %max3A_1918, %get3A_1894 : vector<16xf32>
      %max3A_1920 = arith.maximumf %max3A_1919, %get3A_1899 : vector<16xf32>
      %max3A_1921 = arith.maximumf %max3A_1920, %get3A_1904 : vector<16xf32>
      %max3A_1922 = arith.maximumf %max3A_1921, %get3A_1909 : vector<16xf32>
      %max3A_1923 = arith.maximumf %max3A_1922, %get3A_1914 : vector<16xf32>
      %sub3A_1924 = arith.subf %get3A_1869, %max3A_1923 : vector<16xf32>
      %exp3A_1925 = math.exp %sub3A_1924 : vector<16xf32>
      %sub3A_1926 = arith.subf %get3A_1874, %max3A_1923 : vector<16xf32>
      %exp3A_1927 = math.exp %sub3A_1926 : vector<16xf32>
      %sub3A_1928 = arith.subf %get3A_1879, %max3A_1923 : vector<16xf32>
      %exp3A_1929 = math.exp %sub3A_1928 : vector<16xf32>
      %sub3A_1930 = arith.subf %get3A_1884, %max3A_1923 : vector<16xf32>
      %exp3A_1931 = math.exp %sub3A_1930 : vector<16xf32>
      %sub3A_1932 = arith.subf %get3A_1889, %max3A_1923 : vector<16xf32>
      %exp3A_1933 = math.exp %sub3A_1932 : vector<16xf32>
      %sub3A_1934 = arith.subf %get3A_1894, %max3A_1923 : vector<16xf32>
      %exp3A_1935 = math.exp %sub3A_1934 : vector<16xf32>
      %sub3A_1936 = arith.subf %get3A_1899, %max3A_1923 : vector<16xf32>
      %exp3A_1937 = math.exp %sub3A_1936 : vector<16xf32>
      %sub3A_1938 = arith.subf %get3A_1904, %max3A_1923 : vector<16xf32>
      %exp3A_1939 = math.exp %sub3A_1938 : vector<16xf32>
      %sub3A_1940 = arith.subf %get3A_1909, %max3A_1923 : vector<16xf32>
      %exp3A_1941 = math.exp %sub3A_1940 : vector<16xf32>
      %sub3A_1942 = arith.subf %get3A_1914, %max3A_1923 : vector<16xf32>
      %exp3A_1943 = math.exp %sub3A_1942 : vector<16xf32>
      %add3A_1944 = arith.addf %exp3A_1925, %exp3A_1927 : vector<16xf32>
      %add3A_1945 = arith.addf %add3A_1944, %exp3A_1929 : vector<16xf32>
      %add3A_1946 = arith.addf %add3A_1945, %exp3A_1931 : vector<16xf32>
      %add3A_1947 = arith.addf %add3A_1946, %exp3A_1933 : vector<16xf32>
      %add3A_1948 = arith.addf %add3A_1947, %exp3A_1935 : vector<16xf32>
      %add3A_1949 = arith.addf %add3A_1948, %exp3A_1937 : vector<16xf32>
      %add3A_1950 = arith.addf %add3A_1949, %exp3A_1939 : vector<16xf32>
      %add3A_1951 = arith.addf %add3A_1950, %exp3A_1941 : vector<16xf32>
      %add3A_1952 = arith.addf %add3A_1951, %exp3A_1943 : vector<16xf32>
      %broadcast_in_dim3A_1953 = arith.constant 0.000000e+00 : f32
      %broadcast_in_dim3A_1954 = vector.broadcast %broadcast_in_dim3A_1953 : f32 to vector<16xf32>
      %eq3A_1955 = arith.constant 0 : i32
      %eq3A_1956 = vector.broadcast %eq3A_1955 : i32 to vector<16xi32>
      %eq3A_1957 = arith.cmpi eq, %get3A_1864, %eq3A_1956 : vector<16xi32>
      %select_n3A_1958 = arith.select %eq3A_1957, %exp3A_1925, %broadcast_in_dim3A_1954 : vector<16xi1>, vector<16xf32>
      %eq3A_1959 = arith.constant 1 : i32
      %eq3A_1960 = vector.broadcast %eq3A_1959 : i32 to vector<16xi32>
      %eq3A_1961 = arith.cmpi eq, %get3A_1864, %eq3A_1960 : vector<16xi32>
      %select_n3A_1962 = arith.select %eq3A_1961, %exp3A_1927, %select_n3A_1958 : vector<16xi1>, vector<16xf32>
      %eq3A_1963 = arith.constant 2 : i32
      %eq3A_1964 = vector.broadcast %eq3A_1963 : i32 to vector<16xi32>
      %eq3A_1965 = arith.cmpi eq, %get3A_1864, %eq3A_1964 : vector<16xi32>
      %select_n3A_1966 = arith.select %eq3A_1965, %exp3A_1929, %select_n3A_1962 : vector<16xi1>, vector<16xf32>
      %eq3A_1967 = arith.constant 3 : i32
      %eq3A_1968 = vector.broadcast %eq3A_1967 : i32 to vector<16xi32>
      %eq3A_1969 = arith.cmpi eq, %get3A_1864, %eq3A_1968 : vector<16xi32>
      %select_n3A_1970 = arith.select %eq3A_1969, %exp3A_1931, %select_n3A_1966 : vector<16xi1>, vector<16xf32>
      %eq3A_1971 = arith.constant 4 : i32
      %eq3A_1972 = vector.broadcast %eq3A_1971 : i32 to vector<16xi32>
      %eq3A_1973 = arith.cmpi eq, %get3A_1864, %eq3A_1972 : vector<16xi32>
      %select_n3A_1974 = arith.select %eq3A_1973, %exp3A_1933, %select_n3A_1970 : vector<16xi1>, vector<16xf32>
      %eq3A_1975 = arith.constant 5 : i32
      %eq3A_1976 = vector.broadcast %eq3A_1975 : i32 to vector<16xi32>
      %eq3A_1977 = arith.cmpi eq, %get3A_1864, %eq3A_1976 : vector<16xi32>
      %select_n3A_1978 = arith.select %eq3A_1977, %exp3A_1935, %select_n3A_1974 : vector<16xi1>, vector<16xf32>
      %eq3A_1979 = arith.constant 6 : i32
      %eq3A_1980 = vector.broadcast %eq3A_1979 : i32 to vector<16xi32>
      %eq3A_1981 = arith.cmpi eq, %get3A_1864, %eq3A_1980 : vector<16xi32>
      %select_n3A_1982 = arith.select %eq3A_1981, %exp3A_1937, %select_n3A_1978 : vector<16xi1>, vector<16xf32>
      %eq3A_1983 = arith.constant 7 : i32
      %eq3A_1984 = vector.broadcast %eq3A_1983 : i32 to vector<16xi32>
      %eq3A_1985 = arith.cmpi eq, %get3A_1864, %eq3A_1984 : vector<16xi32>
      %select_n3A_1986 = arith.select %eq3A_1985, %exp3A_1939, %select_n3A_1982 : vector<16xi1>, vector<16xf32>
      %eq3A_1987 = arith.constant 8 : i32
      %eq3A_1988 = vector.broadcast %eq3A_1987 : i32 to vector<16xi32>
      %eq3A_1989 = arith.cmpi eq, %get3A_1864, %eq3A_1988 : vector<16xi32>
      %select_n3A_1990 = arith.select %eq3A_1989, %exp3A_1941, %select_n3A_1986 : vector<16xi1>, vector<16xf32>
      %eq3A_1991 = arith.constant 9 : i32
      %eq3A_1992 = vector.broadcast %eq3A_1991 : i32 to vector<16xi32>
      %eq3A_1993 = arith.cmpi eq, %get3A_1864, %eq3A_1992 : vector<16xi32>
      %select_n3A_1994 = arith.select %eq3A_1993, %exp3A_1943, %select_n3A_1990 : vector<16xi1>, vector<16xf32>
      %div3A_1995 = arith.divf %select_n3A_1994, %add3A_1952 : vector<16xf32>
      %get3A_1996 = arith.constant 0 : i32
      %get3A_1997 = arith.index_cast %get3A_1996 : i32 to index
      %get3A_1998 = arith.constant 96 : index
      %get3A_1999 = tpu.vector_load %arg10[%get3A_1997, %get3A_1998] {strides = array<i32>} : memref<10x128xf32, #tpu.memory_space<vmem>>, vector<1x16xf32>,
      %get3A_2000 = vector.shape_cast %get3A_1999 : vector<1x16xf32> to vector<16xf32>
      %get3A_2001 = arith.constant 1 : i32
      %get3A_2002 = arith.index_cast %get3A_2001 : i32 to index
      %get3A_2003 = arith.constant 96 : index
      %get3A_2004 = tpu.vector_load %arg10[%get3A_2002, %get3A_2003] {strides = array<i32>} : memref<10x128xf32, #tpu.memory_space<vmem>>, vector<1x16xf32>,
      %get3A_2005 = vector.shape_cast %get3A_2004 : vector<1x16xf32> to vector<16xf32>
      %get3A_2006 = arith.constant 2 : i32
      %get3A_2007 = arith.index_cast %get3A_2006 : i32 to index
      %get3A_2008 = arith.constant 96 : index
      %get3A_2009 = tpu.vector_load %arg10[%get3A_2007, %get3A_2008] {strides = array<i32>} : memref<10x128xf32, #tpu.memory_space<vmem>>, vector<1x16xf32>,
      %get3A_2010 = vector.shape_cast %get3A_2009 : vector<1x16xf32> to vector<16xf32>
      %get3A_2011 = arith.constant 3 : i32
      %get3A_2012 = arith.index_cast %get3A_2011 : i32 to index
      %get3A_2013 = arith.constant 96 : index
      %get3A_2014 = tpu.vector_load %arg10[%get3A_2012, %get3A_2013] {strides = array<i32>} : memref<10x128xf32, #tpu.memory_space<vmem>>, vector<1x16xf32>,
      %get3A_2015 = vector.shape_cast %get3A_2014 : vector<1x16xf32> to vector<16xf32>
      %get3A_2016 = arith.constant 4 : i32
      %get3A_2017 = arith.index_cast %get3A_2016 : i32 to index
      %get3A_2018 = arith.constant 96 : index
      %get3A_2019 = tpu.vector_load %arg10[%get3A_2017, %get3A_2018] {strides = array<i32>} : memref<10x128xf32, #tpu.memory_space<vmem>>, vector<1x16xf32>,
      %get3A_2020 = vector.shape_cast %get3A_2019 : vector<1x16xf32> to vector<16xf32>
      %get3A_2021 = arith.constant 5 : i32
      %get3A_2022 = arith.index_cast %get3A_2021 : i32 to index
      %get3A_2023 = arith.constant 96 : index
      %get3A_2024 = tpu.vector_load %arg10[%get3A_2022, %get3A_2023] {strides = array<i32>} : memref<10x128xf32, #tpu.memory_space<vmem>>, vector<1x16xf32>,
      %get3A_2025 = vector.shape_cast %get3A_2024 : vector<1x16xf32> to vector<16xf32>
      %get3A_2026 = arith.constant 6 : i32
      %get3A_2027 = arith.index_cast %get3A_2026 : i32 to index
      %get3A_2028 = arith.constant 96 : index
      %get3A_2029 = tpu.vector_load %arg10[%get3A_2027, %get3A_2028] {strides = array<i32>} : memref<10x128xf32, #tpu.memory_space<vmem>>, vector<1x16xf32>,
      %get3A_2030 = vector.shape_cast %get3A_2029 : vector<1x16xf32> to vector<16xf32>
      %get3A_2031 = arith.constant 7 : i32
      %get3A_2032 = arith.index_cast %get3A_2031 : i32 to index
      %get3A_2033 = arith.constant 96 : index
      %get3A_2034 = tpu.vector_load %arg10[%get3A_2032, %get3A_2033] {strides = array<i32>} : memref<10x128xf32, #tpu.memory_space<vmem>>, vector<1x16xf32>,
      %get3A_2035 = vector.shape_cast %get3A_2034 : vector<1x16xf32> to vector<16xf32>
      %get3A_2036 = arith.constant 8 : i32
      %get3A_2037 = arith.index_cast %get3A_2036 : i32 to index
      %get3A_2038 = arith.constant 96 : index
      %get3A_2039 = tpu.vector_load %arg10[%get3A_2037, %get3A_2038] {strides = array<i32>} : memref<10x128xf32, #tpu.memory_space<vmem>>, vector<1x16xf32>,
      %get3A_2040 = vector.shape_cast %get3A_2039 : vector<1x16xf32> to vector<16xf32>
      %get3A_2041 = arith.constant 9 : i32
      %get3A_2042 = arith.index_cast %get3A_2041 : i32 to index
      %get3A_2043 = arith.constant 96 : index
      %get3A_2044 = tpu.vector_load %arg10[%get3A_2042, %get3A_2043] {strides = array<i32>} : memref<10x128xf32, #tpu.memory_space<vmem>>, vector<1x16xf32>,
      %get3A_2045 = vector.shape_cast %get3A_2044 : vector<1x16xf32> to vector<16xf32>
      %max3A_2046 = arith.maximumf %get3A_2000, %get3A_2005 : vector<16xf32>
      %max3A_2047 = arith.maximumf %max3A_2046, %get3A_2010 : vector<16xf32>
      %max3A_2048 = arith.maximumf %max3A_2047, %get3A_2015 : vector<16xf32>
      %max3A_2049 = arith.maximumf %max3A_2048, %get3A_2020 : vector<16xf32>
      %max3A_2050 = arith.maximumf %max3A_2049, %get3A_2025 : vector<16xf32>
      %max3A_2051 = arith.maximumf %max3A_2050, %get3A_2030 : vector<16xf32>
      %max3A_2052 = arith.maximumf %max3A_2051, %get3A_2035 : vector<16xf32>
      %max3A_2053 = arith.maximumf %max3A_2052, %get3A_2040 : vector<16xf32>
      %max3A_2054 = arith.maximumf %max3A_2053, %get3A_2045 : vector<16xf32>
      %sub3A_2055 = arith.subf %get3A_2000, %max3A_2054 : vector<16xf32>
      %exp3A_2056 = math.exp %sub3A_2055 : vector<16xf32>
      %sub3A_2057 = arith.subf %get3A_2005, %max3A_2054 : vector<16xf32>
      %exp3A_2058 = math.exp %sub3A_2057 : vector<16xf32>
      %sub3A_2059 = arith.subf %get3A_2010, %max3A_2054 : vector<16xf32>
      %exp3A_2060 = math.exp %sub3A_2059 : vector<16xf32>
      %sub3A_2061 = arith.subf %get3A_2015, %max3A_2054 : vector<16xf32>
      %exp3A_2062 = math.exp %sub3A_2061 : vector<16xf32>
      %sub3A_2063 = arith.subf %get3A_2020, %max3A_2054 : vector<16xf32>
      %exp3A_2064 = math.exp %sub3A_2063 : vector<16xf32>
      %sub3A_2065 = arith.subf %get3A_2025, %max3A_2054 : vector<16xf32>
      %exp3A_2066 = math.exp %sub3A_2065 : vector<16xf32>
      %sub3A_2067 = arith.subf %get3A_2030, %max3A_2054 : vector<16xf32>
      %exp3A_2068 = math.exp %sub3A_2067 : vector<16xf32>
      %sub3A_2069 = arith.subf %get3A_2035, %max3A_2054 : vector<16xf32>
      %exp3A_2070 = math.exp %sub3A_2069 : vector<16xf32>
      %sub3A_2071 = arith.subf %get3A_2040, %max3A_2054 : vector<16xf32>
      %exp3A_2072 = math.exp %sub3A_2071 : vector<16xf32>
      %sub3A_2073 = arith.subf %get3A_2045, %max3A_2054 : vector<16xf32>
      %exp3A_2074 = math.exp %sub3A_2073 : vector<16xf32>
      %add3A_2075 = arith.addf %exp3A_2056, %exp3A_2058 : vector<16xf32>
      %add3A_2076 = arith.addf %add3A_2075, %exp3A_2060 : vector<16xf32>
      %add3A_2077 = arith.addf %add3A_2076, %exp3A_2062 : vector<16xf32>
      %add3A_2078 = arith.addf %add3A_2077, %exp3A_2064 : vector<16xf32>
      %add3A_2079 = arith.addf %add3A_2078, %exp3A_2066 : vector<16xf32>
      %add3A_2080 = arith.addf %add3A_2079, %exp3A_2068 : vector<16xf32>
      %add3A_2081 = arith.addf %add3A_2080, %exp3A_2070 : vector<16xf32>
      %add3A_2082 = arith.addf %add3A_2081, %exp3A_2072 : vector<16xf32>
      %add3A_2083 = arith.addf %add3A_2082, %exp3A_2074 : vector<16xf32>
      %broadcast_in_dim3A_2084 = arith.constant 0.000000e+00 : f32
      %broadcast_in_dim3A_2085 = vector.broadcast %broadcast_in_dim3A_2084 : f32 to vector<16xf32>
      %eq3A_2086 = arith.constant 0 : i32
      %eq3A_2087 = vector.broadcast %eq3A_2086 : i32 to vector<16xi32>
      %eq3A_2088 = arith.cmpi eq, %get3A_1864, %eq3A_2087 : vector<16xi32>
      %select_n3A_2089 = arith.select %eq3A_2088, %exp3A_2056, %broadcast_in_dim3A_2085 : vector<16xi1>, vector<16xf32>
      %eq3A_2090 = arith.constant 1 : i32
      %eq3A_2091 = vector.broadcast %eq3A_2090 : i32 to vector<16xi32>
      %eq3A_2092 = arith.cmpi eq, %get3A_1864, %eq3A_2091 : vector<16xi32>
      %select_n3A_2093 = arith.select %eq3A_2092, %exp3A_2058, %select_n3A_2089 : vector<16xi1>, vector<16xf32>
      %eq3A_2094 = arith.constant 2 : i32
      %eq3A_2095 = vector.broadcast %eq3A_2094 : i32 to vector<16xi32>
      %eq3A_2096 = arith.cmpi eq, %get3A_1864, %eq3A_2095 : vector<16xi32>
      %select_n3A_2097 = arith.select %eq3A_2096, %exp3A_2060, %select_n3A_2093 : vector<16xi1>, vector<16xf32>
      %eq3A_2098 = arith.constant 3 : i32
      %eq3A_2099 = vector.broadcast %eq3A_2098 : i32 to vector<16xi32>
      %eq3A_2100 = arith.cmpi eq, %get3A_1864, %eq3A_2099 : vector<16xi32>
      %select_n3A_2101 = arith.select %eq3A_2100, %exp3A_2062, %select_n3A_2097 : vector<16xi1>, vector<16xf32>
      %eq3A_2102 = arith.constant 4 : i32
      %eq3A_2103 = vector.broadcast %eq3A_2102 : i32 to vector<16xi32>
      %eq3A_2104 = arith.cmpi eq, %get3A_1864, %eq3A_2103 : vector<16xi32>
      %select_n3A_2105 = arith.select %eq3A_2104, %exp3A_2064, %select_n3A_2101 : vector<16xi1>, vector<16xf32>
      %eq3A_2106 = arith.constant 5 : i32
      %eq3A_2107 = vector.broadcast %eq3A_2106 : i32 to vector<16xi32>
      %eq3A_2108 = arith.cmpi eq, %get3A_1864, %eq3A_2107 : vector<16xi32>
      %select_n3A_2109 = arith.select %eq3A_2108, %exp3A_2066, %select_n3A_2105 : vector<16xi1>, vector<16xf32>
      %eq3A_2110 = arith.constant 6 : i32
      %eq3A_2111 = vector.broadcast %eq3A_2110 : i32 to vector<16xi32>
      %eq3A_2112 = arith.cmpi eq, %get3A_1864, %eq3A_2111 : vector<16xi32>
      %select_n3A_2113 = arith.select %eq3A_2112, %exp3A_2068, %select_n3A_2109 : vector<16xi1>, vector<16xf32>
      %eq3A_2114 = arith.constant 7 : i32
      %eq3A_2115 = vector.broadcast %eq3A_2114 : i32 to vector<16xi32>
      %eq3A_2116 = arith.cmpi eq, %get3A_1864, %eq3A_2115 : vector<16xi32>
      %select_n3A_2117 = arith.select %eq3A_2116, %exp3A_2070, %select_n3A_2113 : vector<16xi1>, vector<16xf32>
      %eq3A_2118 = arith.constant 8 : i32
      %eq3A_2119 = vector.broadcast %eq3A_2118 : i32 to vector<16xi32>
      %eq3A_2120 = arith.cmpi eq, %get3A_1864, %eq3A_2119 : vector<16xi32>
      %select_n3A_2121 = arith.select %eq3A_2120, %exp3A_2072, %select_n3A_2117 : vector<16xi1>, vector<16xf32>
      %eq3A_2122 = arith.constant 9 : i32
      %eq3A_2123 = vector.broadcast %eq3A_2122 : i32 to vector<16xi32>
      %eq3A_2124 = arith.cmpi eq, %get3A_1864, %eq3A_2123 : vector<16xi32>
      %select_n3A_2125 = arith.select %eq3A_2124, %exp3A_2074, %select_n3A_2121 : vector<16xi1>, vector<16xf32>
      %div3A_2126 = arith.divf %select_n3A_2125, %add3A_2083 : vector<16xf32>
      %mul3A_2127 = arith.constant 4.000000e+00 : f32
      %mul3A_2128 = vector.broadcast %mul3A_2127 : f32 to vector<16xf32>
      %mul3A_2129 = arith.mulf %mul3A_2128, %div3A_1995 : vector<16xf32>
      %sub3A_2130 = arith.constant 4.050000e+00 : f32
      %sub3A_2131 = vector.broadcast %sub3A_2130 : f32 to vector<16xf32>
      %sub3A_2132 = arith.subf %sub3A_2131, %mul3A_2129 : vector<16xf32>
      %exp3A_2133 = math.exp %sub3A_2132 : vector<16xf32>
      %swap3A_2134 = arith.constant 96 : index
      %swap3A_2135 = tpu.vector_load %arg12[%swap3A_2134] {strides = array<i32>} : memref<128xf32, #tpu.memory_space<vmem>>, vector<16xf32>,
      %swap3A_2136 = vector.shape_cast %swap3A_2135 : vector<16xf32> to vector<16xf32>
      %swap3A_2137 = vector.shape_cast %exp3A_2133 : vector<16xf32> to vector<16xf32>
      tpu.vector_store %arg12[%swap3A_2134], %swap3A_2137 {strides = array<i32>} : memref<128xf32, #tpu.memory_space<vmem>>, vector<16xf32>,
      %mul3A_2138 = arith.constant 4.000000e+00 : f32
      %mul3A_2139 = vector.broadcast %mul3A_2138 : f32 to vector<16xf32>
      %mul3A_2140 = arith.mulf %mul3A_2139, %div3A_1995 : vector<16xf32>
      %add3A_2141 = arith.constant -3.950000e+00 : f32
      %add3A_2142 = vector.broadcast %add3A_2141 : f32 to vector<16xf32>
      %add3A_2143 = arith.addf %add3A_2142, %mul3A_2140 : vector<16xf32>
      %exp3A_2144 = math.exp %add3A_2143 : vector<16xf32>
      %swap3A_2145 = arith.constant 96 : index
      %swap3A_2146 = tpu.vector_load %arg13[%swap3A_2145] {strides = array<i32>} : memref<128xf32, #tpu.memory_space<vmem>>, vector<16xf32>,
      %swap3A_2147 = vector.shape_cast %swap3A_2146 : vector<16xf32> to vector<16xf32>
      %swap3A_2148 = vector.shape_cast %exp3A_2144 : vector<16xf32> to vector<16xf32>
      tpu.vector_store %arg13[%swap3A_2145], %swap3A_2148 {strides = array<i32>} : memref<128xf32, #tpu.memory_space<vmem>>, vector<16xf32>,
      %sub3A_2149 = arith.subf %div3A_2126, %div3A_1995 : vector<16xf32>
      %mul3A_2150 = arith.constant 2.000000e+00 : f32
      %mul3A_2151 = vector.broadcast %mul3A_2150 : f32 to vector<16xf32>
      %mul3A_2152 = arith.mulf %mul3A_2151, %sub3A_2149 : vector<16xf32>
      %add3A_2153 = arith.constant 5.000000e-02 : f32
      %add3A_2154 = vector.broadcast %add3A_2153 : f32 to vector<16xf32>
      %add3A_2155 = arith.addf %add3A_2154, %mul3A_2152 : vector<16xf32>
      %exp3A_2156 = math.exp %add3A_2155 : vector<16xf32>
      %swap3A_2157 = arith.constant 96 : index
      %swap3A_2158 = tpu.vector_load %arg14[%swap3A_2157] {strides = array<i32>} : memref<128xf32, #tpu.memory_space<vmem>>, vector<16xf32>,
      %swap3A_2159 = vector.shape_cast %swap3A_2158 : vector<16xf32> to vector<16xf32>
      %swap3A_2160 = vector.shape_cast %exp3A_2156 : vector<16xf32> to vector<16xf32>
      tpu.vector_store %arg14[%swap3A_2157], %swap3A_2160 {strides = array<i32>} : memref<128xf32, #tpu.memory_space<vmem>>, vector<16xf32>,
      %sub3A_2161 = arith.subf %div3A_2126, %div3A_1995 : vector<16xf32>
      %mul3A_2162 = arith.constant 2.000000e+00 : f32
      %mul3A_2163 = vector.broadcast %mul3A_2162 : f32 to vector<16xf32>
      %mul3A_2164 = arith.mulf %mul3A_2163, %sub3A_2161 : vector<16xf32>
      %sub3A_2165 = arith.constant 5.000000e-02 : f32
      %sub3A_2166 = vector.broadcast %sub3A_2165 : f32 to vector<16xf32>
      %sub3A_2167 = arith.subf %sub3A_2166, %mul3A_2164 : vector<16xf32>
      %exp3A_2168 = math.exp %sub3A_2167 : vector<16xf32>
      %swap3A_2169 = arith.constant 96 : index
      %swap3A_2170 = tpu.vector_load %arg15[%swap3A_2169] {strides = array<i32>} : memref<128xf32, #tpu.memory_space<vmem>>, vector<16xf32>,
      %swap3A_2171 = vector.shape_cast %swap3A_2170 : vector<16xf32> to vector<16xf32>
      %swap3A_2172 = vector.shape_cast %exp3A_2168 : vector<16xf32> to vector<16xf32>
      tpu.vector_store %arg15[%swap3A_2169], %swap3A_2172 {strides = array<i32>} : memref<128xf32, #tpu.memory_space<vmem>>, vector<16xf32>,
      %get3A_2173 = arith.constant 112 : index
      %get3A_2174 = tpu.vector_load %arg11[%get3A_2173] {strides = array<i32>} : memref<128xi32, #tpu.memory_space<vmem>>, vector<16xi32>,
      %get3A_2175 = vector.shape_cast %get3A_2174 : vector<16xi32> to vector<16xi32>
      %get3A_2176 = arith.constant 0 : i32
      %get3A_2177 = arith.index_cast %get3A_2176 : i32 to index
      %get3A_2178 = arith.constant 112 : index
      %get3A_2179 = tpu.vector_load %arg9[%get3A_2177, %get3A_2178] {strides = array<i32>} : memref<10x128xf32, #tpu.memory_space<vmem>>, vector<1x16xf32>,
      %get3A_2180 = vector.shape_cast %get3A_2179 : vector<1x16xf32> to vector<16xf32>
      %get3A_2181 = arith.constant 1 : i32
      %get3A_2182 = arith.index_cast %get3A_2181 : i32 to index
      %get3A_2183 = arith.constant 112 : index
      %get3A_2184 = tpu.vector_load %arg9[%get3A_2182, %get3A_2183] {strides = array<i32>} : memref<10x128xf32, #tpu.memory_space<vmem>>, vector<1x16xf32>,
      %get3A_2185 = vector.shape_cast %get3A_2184 : vector<1x16xf32> to vector<16xf32>
      %get3A_2186 = arith.constant 2 : i32
      %get3A_2187 = arith.index_cast %get3A_2186 : i32 to index
      %get3A_2188 = arith.constant 112 : index
      %get3A_2189 = tpu.vector_load %arg9[%get3A_2187, %get3A_2188] {strides = array<i32>} : memref<10x128xf32, #tpu.memory_space<vmem>>, vector<1x16xf32>,
      %get3A_2190 = vector.shape_cast %get3A_2189 : vector<1x16xf32> to vector<16xf32>
      %get3A_2191 = arith.constant 3 : i32
      %get3A_2192 = arith.index_cast %get3A_2191 : i32 to index
      %get3A_2193 = arith.constant 112 : index
      %get3A_2194 = tpu.vector_load %arg9[%get3A_2192, %get3A_2193] {strides = array<i32>} : memref<10x128xf32, #tpu.memory_space<vmem>>, vector<1x16xf32>,
      %get3A_2195 = vector.shape_cast %get3A_2194 : vector<1x16xf32> to vector<16xf32>
      %get3A_2196 = arith.constant 4 : i32
      %get3A_2197 = arith.index_cast %get3A_2196 : i32 to index
      %get3A_2198 = arith.constant 112 : index
      %get3A_2199 = tpu.vector_load %arg9[%get3A_2197, %get3A_2198] {strides = array<i32>} : memref<10x128xf32, #tpu.memory_space<vmem>>, vector<1x16xf32>,
      %get3A_2200 = vector.shape_cast %get3A_2199 : vector<1x16xf32> to vector<16xf32>
      %get3A_2201 = arith.constant 5 : i32
      %get3A_2202 = arith.index_cast %get3A_2201 : i32 to index
      %get3A_2203 = arith.constant 112 : index
      %get3A_2204 = tpu.vector_load %arg9[%get3A_2202, %get3A_2203] {strides = array<i32>} : memref<10x128xf32, #tpu.memory_space<vmem>>, vector<1x16xf32>,
      %get3A_2205 = vector.shape_cast %get3A_2204 : vector<1x16xf32> to vector<16xf32>
      %get3A_2206 = arith.constant 6 : i32
      %get3A_2207 = arith.index_cast %get3A_2206 : i32 to index
      %get3A_2208 = arith.constant 112 : index
      %get3A_2209 = tpu.vector_load %arg9[%get3A_2207, %get3A_2208] {strides = array<i32>} : memref<10x128xf32, #tpu.memory_space<vmem>>, vector<1x16xf32>,
      %get3A_2210 = vector.shape_cast %get3A_2209 : vector<1x16xf32> to vector<16xf32>
      %get3A_2211 = arith.constant 7 : i32
      %get3A_2212 = arith.index_cast %get3A_2211 : i32 to index
      %get3A_2213 = arith.constant 112 : index
      %get3A_2214 = tpu.vector_load %arg9[%get3A_2212, %get3A_2213] {strides = array<i32>} : memref<10x128xf32, #tpu.memory_space<vmem>>, vector<1x16xf32>,
      %get3A_2215 = vector.shape_cast %get3A_2214 : vector<1x16xf32> to vector<16xf32>
      %get3A_2216 = arith.constant 8 : i32
      %get3A_2217 = arith.index_cast %get3A_2216 : i32 to index
      %get3A_2218 = arith.constant 112 : index
      %get3A_2219 = tpu.vector_load %arg9[%get3A_2217, %get3A_2218] {strides = array<i32>} : memref<10x128xf32, #tpu.memory_space<vmem>>, vector<1x16xf32>,
      %get3A_2220 = vector.shape_cast %get3A_2219 : vector<1x16xf32> to vector<16xf32>
      %get3A_2221 = arith.constant 9 : i32
      %get3A_2222 = arith.index_cast %get3A_2221 : i32 to index
      %get3A_2223 = arith.constant 112 : index
      %get3A_2224 = tpu.vector_load %arg9[%get3A_2222, %get3A_2223] {strides = array<i32>} : memref<10x128xf32, #tpu.memory_space<vmem>>, vector<1x16xf32>,
      %get3A_2225 = vector.shape_cast %get3A_2224 : vector<1x16xf32> to vector<16xf32>
      %max3A_2226 = arith.maximumf %get3A_2180, %get3A_2185 : vector<16xf32>
      %max3A_2227 = arith.maximumf %max3A_2226, %get3A_2190 : vector<16xf32>
      %max3A_2228 = arith.maximumf %max3A_2227, %get3A_2195 : vector<16xf32>
      %max3A_2229 = arith.maximumf %max3A_2228, %get3A_2200 : vector<16xf32>
      %max3A_2230 = arith.maximumf %max3A_2229, %get3A_2205 : vector<16xf32>
      %max3A_2231 = arith.maximumf %max3A_2230, %get3A_2210 : vector<16xf32>
      %max3A_2232 = arith.maximumf %max3A_2231, %get3A_2215 : vector<16xf32>
      %max3A_2233 = arith.maximumf %max3A_2232, %get3A_2220 : vector<16xf32>
      %max3A_2234 = arith.maximumf %max3A_2233, %get3A_2225 : vector<16xf32>
      %sub3A_2235 = arith.subf %get3A_2180, %max3A_2234 : vector<16xf32>
      %exp3A_2236 = math.exp %sub3A_2235 : vector<16xf32>
      %sub3A_2237 = arith.subf %get3A_2185, %max3A_2234 : vector<16xf32>
      %exp3A_2238 = math.exp %sub3A_2237 : vector<16xf32>
      %sub3A_2239 = arith.subf %get3A_2190, %max3A_2234 : vector<16xf32>
      %exp3A_2240 = math.exp %sub3A_2239 : vector<16xf32>
      %sub3A_2241 = arith.subf %get3A_2195, %max3A_2234 : vector<16xf32>
      %exp3A_2242 = math.exp %sub3A_2241 : vector<16xf32>
      %sub3A_2243 = arith.subf %get3A_2200, %max3A_2234 : vector<16xf32>
      %exp3A_2244 = math.exp %sub3A_2243 : vector<16xf32>
      %sub3A_2245 = arith.subf %get3A_2205, %max3A_2234 : vector<16xf32>
      %exp3A_2246 = math.exp %sub3A_2245 : vector<16xf32>
      %sub3A_2247 = arith.subf %get3A_2210, %max3A_2234 : vector<16xf32>
      %exp3A_2248 = math.exp %sub3A_2247 : vector<16xf32>
      %sub3A_2249 = arith.subf %get3A_2215, %max3A_2234 : vector<16xf32>
      %exp3A_2250 = math.exp %sub3A_2249 : vector<16xf32>
      %sub3A_2251 = arith.subf %get3A_2220, %max3A_2234 : vector<16xf32>
      %exp3A_2252 = math.exp %sub3A_2251 : vector<16xf32>
      %sub3A_2253 = arith.subf %get3A_2225, %max3A_2234 : vector<16xf32>
      %exp3A_2254 = math.exp %sub3A_2253 : vector<16xf32>
      %add3A_2255 = arith.addf %exp3A_2236, %exp3A_2238 : vector<16xf32>
      %add3A_2256 = arith.addf %add3A_2255, %exp3A_2240 : vector<16xf32>
      %add3A_2257 = arith.addf %add3A_2256, %exp3A_2242 : vector<16xf32>
      %add3A_2258 = arith.addf %add3A_2257, %exp3A_2244 : vector<16xf32>
      %add3A_2259 = arith.addf %add3A_2258, %exp3A_2246 : vector<16xf32>
      %add3A_2260 = arith.addf %add3A_2259, %exp3A_2248 : vector<16xf32>
      %add3A_2261 = arith.addf %add3A_2260, %exp3A_2250 : vector<16xf32>
      %add3A_2262 = arith.addf %add3A_2261, %exp3A_2252 : vector<16xf32>
      %add3A_2263 = arith.addf %add3A_2262, %exp3A_2254 : vector<16xf32>
      %broadcast_in_dim3A_2264 = arith.constant 0.000000e+00 : f32
      %broadcast_in_dim3A_2265 = vector.broadcast %broadcast_in_dim3A_2264 : f32 to vector<16xf32>
      %eq3A_2266 = arith.constant 0 : i32
      %eq3A_2267 = vector.broadcast %eq3A_2266 : i32 to vector<16xi32>
      %eq3A_2268 = arith.cmpi eq, %get3A_2175, %eq3A_2267 : vector<16xi32>
      %select_n3A_2269 = arith.select %eq3A_2268, %exp3A_2236, %broadcast_in_dim3A_2265 : vector<16xi1>, vector<16xf32>
      %eq3A_2270 = arith.constant 1 : i32
      %eq3A_2271 = vector.broadcast %eq3A_2270 : i32 to vector<16xi32>
      %eq3A_2272 = arith.cmpi eq, %get3A_2175, %eq3A_2271 : vector<16xi32>
      %select_n3A_2273 = arith.select %eq3A_2272, %exp3A_2238, %select_n3A_2269 : vector<16xi1>, vector<16xf32>
      %eq3A_2274 = arith.constant 2 : i32
      %eq3A_2275 = vector.broadcast %eq3A_2274 : i32 to vector<16xi32>
      %eq3A_2276 = arith.cmpi eq, %get3A_2175, %eq3A_2275 : vector<16xi32>
      %select_n3A_2277 = arith.select %eq3A_2276, %exp3A_2240, %select_n3A_2273 : vector<16xi1>, vector<16xf32>
      %eq3A_2278 = arith.constant 3 : i32
      %eq3A_2279 = vector.broadcast %eq3A_2278 : i32 to vector<16xi32>
      %eq3A_2280 = arith.cmpi eq, %get3A_2175, %eq3A_2279 : vector<16xi32>
      %select_n3A_2281 = arith.select %eq3A_2280, %exp3A_2242, %select_n3A_2277 : vector<16xi1>, vector<16xf32>
      %eq3A_2282 = arith.constant 4 : i32
      %eq3A_2283 = vector.broadcast %eq3A_2282 : i32 to vector<16xi32>
      %eq3A_2284 = arith.cmpi eq, %get3A_2175, %eq3A_2283 : vector<16xi32>
      %select_n3A_2285 = arith.select %eq3A_2284, %exp3A_2244, %select_n3A_2281 : vector<16xi1>, vector<16xf32>
      %eq3A_2286 = arith.constant 5 : i32
      %eq3A_2287 = vector.broadcast %eq3A_2286 : i32 to vector<16xi32>
      %eq3A_2288 = arith.cmpi eq, %get3A_2175, %eq3A_2287 : vector<16xi32>
      %select_n3A_2289 = arith.select %eq3A_2288, %exp3A_2246, %select_n3A_2285 : vector<16xi1>, vector<16xf32>
      %eq3A_2290 = arith.constant 6 : i32
      %eq3A_2291 = vector.broadcast %eq3A_2290 : i32 to vector<16xi32>
      %eq3A_2292 = arith.cmpi eq, %get3A_2175, %eq3A_2291 : vector<16xi32>
      %select_n3A_2293 = arith.select %eq3A_2292, %exp3A_2248, %select_n3A_2289 : vector<16xi1>, vector<16xf32>
      %eq3A_2294 = arith.constant 7 : i32
      %eq3A_2295 = vector.broadcast %eq3A_2294 : i32 to vector<16xi32>
      %eq3A_2296 = arith.cmpi eq, %get3A_2175, %eq3A_2295 : vector<16xi32>
      %select_n3A_2297 = arith.select %eq3A_2296, %exp3A_2250, %select_n3A_2293 : vector<16xi1>, vector<16xf32>
      %eq3A_2298 = arith.constant 8 : i32
      %eq3A_2299 = vector.broadcast %eq3A_2298 : i32 to vector<16xi32>
      %eq3A_2300 = arith.cmpi eq, %get3A_2175, %eq3A_2299 : vector<16xi32>
      %select_n3A_2301 = arith.select %eq3A_2300, %exp3A_2252, %select_n3A_2297 : vector<16xi1>, vector<16xf32>
      %eq3A_2302 = arith.constant 9 : i32
      %eq3A_2303 = vector.broadcast %eq3A_2302 : i32 to vector<16xi32>
      %eq3A_2304 = arith.cmpi eq, %get3A_2175, %eq3A_2303 : vector<16xi32>
      %select_n3A_2305 = arith.select %eq3A_2304, %exp3A_2254, %select_n3A_2301 : vector<16xi1>, vector<16xf32>
      %div3A_2306 = arith.divf %select_n3A_2305, %add3A_2263 : vector<16xf32>
      %get3A_2307 = arith.constant 0 : i32
      %get3A_2308 = arith.index_cast %get3A_2307 : i32 to index
      %get3A_2309 = arith.constant 112 : index
      %get3A_2310 = tpu.vector_load %arg10[%get3A_2308, %get3A_2309] {strides = array<i32>} : memref<10x128xf32, #tpu.memory_space<vmem>>, vector<1x16xf32>,
      %get3A_2311 = vector.shape_cast %get3A_2310 : vector<1x16xf32> to vector<16xf32>
      %get3A_2312 = arith.constant 1 : i32
      %get3A_2313 = arith.index_cast %get3A_2312 : i32 to index
      %get3A_2314 = arith.constant 112 : index
      %get3A_2315 = tpu.vector_load %arg10[%get3A_2313, %get3A_2314] {strides = array<i32>} : memref<10x128xf32, #tpu.memory_space<vmem>>, vector<1x16xf32>,
      %get3A_2316 = vector.shape_cast %get3A_2315 : vector<1x16xf32> to vector<16xf32>
      %get3A_2317 = arith.constant 2 : i32
      %get3A_2318 = arith.index_cast %get3A_2317 : i32 to index
      %get3A_2319 = arith.constant 112 : index
      %get3A_2320 = tpu.vector_load %arg10[%get3A_2318, %get3A_2319] {strides = array<i32>} : memref<10x128xf32, #tpu.memory_space<vmem>>, vector<1x16xf32>,
      %get3A_2321 = vector.shape_cast %get3A_2320 : vector<1x16xf32> to vector<16xf32>
      %get3A_2322 = arith.constant 3 : i32
      %get3A_2323 = arith.index_cast %get3A_2322 : i32 to index
      %get3A_2324 = arith.constant 112 : index
      %get3A_2325 = tpu.vector_load %arg10[%get3A_2323, %get3A_2324] {strides = array<i32>} : memref<10x128xf32, #tpu.memory_space<vmem>>, vector<1x16xf32>,
      %get3A_2326 = vector.shape_cast %get3A_2325 : vector<1x16xf32> to vector<16xf32>
      %get3A_2327 = arith.constant 4 : i32
      %get3A_2328 = arith.index_cast %get3A_2327 : i32 to index
      %get3A_2329 = arith.constant 112 : index
      %get3A_2330 = tpu.vector_load %arg10[%get3A_2328, %get3A_2329] {strides = array<i32>} : memref<10x128xf32, #tpu.memory_space<vmem>>, vector<1x16xf32>,
      %get3A_2331 = vector.shape_cast %get3A_2330 : vector<1x16xf32> to vector<16xf32>
      %get3A_2332 = arith.constant 5 : i32
      %get3A_2333 = arith.index_cast %get3A_2332 : i32 to index
      %get3A_2334 = arith.constant 112 : index
      %get3A_2335 = tpu.vector_load %arg10[%get3A_2333, %get3A_2334] {strides = array<i32>} : memref<10x128xf32, #tpu.memory_space<vmem>>, vector<1x16xf32>,
      %get3A_2336 = vector.shape_cast %get3A_2335 : vector<1x16xf32> to vector<16xf32>
      %get3A_2337 = arith.constant 6 : i32
      %get3A_2338 = arith.index_cast %get3A_2337 : i32 to index
      %get3A_2339 = arith.constant 112 : index
      %get3A_2340 = tpu.vector_load %arg10[%get3A_2338, %get3A_2339] {strides = array<i32>} : memref<10x128xf32, #tpu.memory_space<vmem>>, vector<1x16xf32>,
      %get3A_2341 = vector.shape_cast %get3A_2340 : vector<1x16xf32> to vector<16xf32>
      %get3A_2342 = arith.constant 7 : i32
      %get3A_2343 = arith.index_cast %get3A_2342 : i32 to index
      %get3A_2344 = arith.constant 112 : index
      %get3A_2345 = tpu.vector_load %arg10[%get3A_2343, %get3A_2344] {strides = array<i32>} : memref<10x128xf32, #tpu.memory_space<vmem>>, vector<1x16xf32>,
      %get3A_2346 = vector.shape_cast %get3A_2345 : vector<1x16xf32> to vector<16xf32>
      %get3A_2347 = arith.constant 8 : i32
      %get3A_2348 = arith.index_cast %get3A_2347 : i32 to index
      %get3A_2349 = arith.constant 112 : index
      %get3A_2350 = tpu.vector_load %arg10[%get3A_2348, %get3A_2349] {strides = array<i32>} : memref<10x128xf32, #tpu.memory_space<vmem>>, vector<1x16xf32>,
      %get3A_2351 = vector.shape_cast %get3A_2350 : vector<1x16xf32> to vector<16xf32>
      %get3A_2352 = arith.constant 9 : i32
      %get3A_2353 = arith.index_cast %get3A_2352 : i32 to index
      %get3A_2354 = arith.constant 112 : index
      %get3A_2355 = tpu.vector_load %arg10[%get3A_2353, %get3A_2354] {strides = array<i32>} : memref<10x128xf32, #tpu.memory_space<vmem>>, vector<1x16xf32>,
      %get3A_2356 = vector.shape_cast %get3A_2355 : vector<1x16xf32> to vector<16xf32>
      %max3A_2357 = arith.maximumf %get3A_2311, %get3A_2316 : vector<16xf32>
      %max3A_2358 = arith.maximumf %max3A_2357, %get3A_2321 : vector<16xf32>
      %max3A_2359 = arith.maximumf %max3A_2358, %get3A_2326 : vector<16xf32>
      %max3A_2360 = arith.maximumf %max3A_2359, %get3A_2331 : vector<16xf32>
      %max3A_2361 = arith.maximumf %max3A_2360, %get3A_2336 : vector<16xf32>
      %max3A_2362 = arith.maximumf %max3A_2361, %get3A_2341 : vector<16xf32>
      %max3A_2363 = arith.maximumf %max3A_2362, %get3A_2346 : vector<16xf32>
      %max3A_2364 = arith.maximumf %max3A_2363, %get3A_2351 : vector<16xf32>
      %max3A_2365 = arith.maximumf %max3A_2364, %get3A_2356 : vector<16xf32>
      %sub3A_2366 = arith.subf %get3A_2311, %max3A_2365 : vector<16xf32>
      %exp3A_2367 = math.exp %sub3A_2366 : vector<16xf32>
      %sub3A_2368 = arith.subf %get3A_2316, %max3A_2365 : vector<16xf32>
      %exp3A_2369 = math.exp %sub3A_2368 : vector<16xf32>
      %sub3A_2370 = arith.subf %get3A_2321, %max3A_2365 : vector<16xf32>
      %exp3A_2371 = math.exp %sub3A_2370 : vector<16xf32>
      %sub3A_2372 = arith.subf %get3A_2326, %max3A_2365 : vector<16xf32>
      %exp3A_2373 = math.exp %sub3A_2372 : vector<16xf32>
      %sub3A_2374 = arith.subf %get3A_2331, %max3A_2365 : vector<16xf32>
      %exp3A_2375 = math.exp %sub3A_2374 : vector<16xf32>
      %sub3A_2376 = arith.subf %get3A_2336, %max3A_2365 : vector<16xf32>
      %exp3A_2377 = math.exp %sub3A_2376 : vector<16xf32>
      %sub3A_2378 = arith.subf %get3A_2341, %max3A_2365 : vector<16xf32>
      %exp3A_2379 = math.exp %sub3A_2378 : vector<16xf32>
      %sub3A_2380 = arith.subf %get3A_2346, %max3A_2365 : vector<16xf32>
      %exp3A_2381 = math.exp %sub3A_2380 : vector<16xf32>
      %sub3A_2382 = arith.subf %get3A_2351, %max3A_2365 : vector<16xf32>
      %exp3A_2383 = math.exp %sub3A_2382 : vector<16xf32>
      %sub3A_2384 = arith.subf %get3A_2356, %max3A_2365 : vector<16xf32>
      %exp3A_2385 = math.exp %sub3A_2384 : vector<16xf32>
      %add3A_2386 = arith.addf %exp3A_2367, %exp3A_2369 : vector<16xf32>
      %add3A_2387 = arith.addf %add3A_2386, %exp3A_2371 : vector<16xf32>
      %add3A_2388 = arith.addf %add3A_2387, %exp3A_2373 : vector<16xf32>
      %add3A_2389 = arith.addf %add3A_2388, %exp3A_2375 : vector<16xf32>
      %add3A_2390 = arith.addf %add3A_2389, %exp3A_2377 : vector<16xf32>
      %add3A_2391 = arith.addf %add3A_2390, %exp3A_2379 : vector<16xf32>
      %add3A_2392 = arith.addf %add3A_2391, %exp3A_2381 : vector<16xf32>
      %add3A_2393 = arith.addf %add3A_2392, %exp3A_2383 : vector<16xf32>
      %add3A_2394 = arith.addf %add3A_2393, %exp3A_2385 : vector<16xf32>
      %broadcast_in_dim3A_2395 = arith.constant 0.000000e+00 : f32
      %broadcast_in_dim3A_2396 = vector.broadcast %broadcast_in_dim3A_2395 : f32 to vector<16xf32>
      %eq3A_2397 = arith.constant 0 : i32
      %eq3A_2398 = vector.broadcast %eq3A_2397 : i32 to vector<16xi32>
      %eq3A_2399 = arith.cmpi eq, %get3A_2175, %eq3A_2398 : vector<16xi32>
      %select_n3A_2400 = arith.select %eq3A_2399, %exp3A_2367, %broadcast_in_dim3A_2396 : vector<16xi1>, vector<16xf32>
      %eq3A_2401 = arith.constant 1 : i32
      %eq3A_2402 = vector.broadcast %eq3A_2401 : i32 to vector<16xi32>
      %eq3A_2403 = arith.cmpi eq, %get3A_2175, %eq3A_2402 : vector<16xi32>
      %select_n3A_2404 = arith.select %eq3A_2403, %exp3A_2369, %select_n3A_2400 : vector<16xi1>, vector<16xf32>
      %eq3A_2405 = arith.constant 2 : i32
      %eq3A_2406 = vector.broadcast %eq3A_2405 : i32 to vector<16xi32>
      %eq3A_2407 = arith.cmpi eq, %get3A_2175, %eq3A_2406 : vector<16xi32>
      %select_n3A_2408 = arith.select %eq3A_2407, %exp3A_2371, %select_n3A_2404 : vector<16xi1>, vector<16xf32>
      %eq3A_2409 = arith.constant 3 : i32
      %eq3A_2410 = vector.broadcast %eq3A_2409 : i32 to vector<16xi32>
      %eq3A_2411 = arith.cmpi eq, %get3A_2175, %eq3A_2410 : vector<16xi32>
      %select_n3A_2412 = arith.select %eq3A_2411, %exp3A_2373, %select_n3A_2408 : vector<16xi1>, vector<16xf32>
      %eq3A_2413 = arith.constant 4 : i32
      %eq3A_2414 = vector.broadcast %eq3A_2413 : i32 to vector<16xi32>
      %eq3A_2415 = arith.cmpi eq, %get3A_2175, %eq3A_2414 : vector<16xi32>
      %select_n3A_2416 = arith.select %eq3A_2415, %exp3A_2375, %select_n3A_2412 : vector<16xi1>, vector<16xf32>
      %eq3A_2417 = arith.constant 5 : i32
      %eq3A_2418 = vector.broadcast %eq3A_2417 : i32 to vector<16xi32>
      %eq3A_2419 = arith.cmpi eq, %get3A_2175, %eq3A_2418 : vector<16xi32>
      %select_n3A_2420 = arith.select %eq3A_2419, %exp3A_2377, %select_n3A_2416 : vector<16xi1>, vector<16xf32>
      %eq3A_2421 = arith.constant 6 : i32
      %eq3A_2422 = vector.broadcast %eq3A_2421 : i32 to vector<16xi32>
      %eq3A_2423 = arith.cmpi eq, %get3A_2175, %eq3A_2422 : vector<16xi32>
      %select_n3A_2424 = arith.select %eq3A_2423, %exp3A_2379, %select_n3A_2420 : vector<16xi1>, vector<16xf32>
      %eq3A_2425 = arith.constant 7 : i32
      %eq3A_2426 = vector.broadcast %eq3A_2425 : i32 to vector<16xi32>
      %eq3A_2427 = arith.cmpi eq, %get3A_2175, %eq3A_2426 : vector<16xi32>
      %select_n3A_2428 = arith.select %eq3A_2427, %exp3A_2381, %select_n3A_2424 : vector<16xi1>, vector<16xf32>
      %eq3A_2429 = arith.constant 8 : i32
      %eq3A_2430 = vector.broadcast %eq3A_2429 : i32 to vector<16xi32>
      %eq3A_2431 = arith.cmpi eq, %get3A_2175, %eq3A_2430 : vector<16xi32>
      %select_n3A_2432 = arith.select %eq3A_2431, %exp3A_2383, %select_n3A_2428 : vector<16xi1>, vector<16xf32>
      %eq3A_2433 = arith.constant 9 : i32
      %eq3A_2434 = vector.broadcast %eq3A_2433 : i32 to vector<16xi32>
      %eq3A_2435 = arith.cmpi eq, %get3A_2175, %eq3A_2434 : vector<16xi32>
      %select_n3A_2436 = arith.select %eq3A_2435, %exp3A_2385, %select_n3A_2432 : vector<16xi1>, vector<16xf32>
      %div3A_2437 = arith.divf %select_n3A_2436, %add3A_2394 : vector<16xf32>
      %mul3A_2438 = arith.constant 4.000000e+00 : f32
      %mul3A_2439 = vector.broadcast %mul3A_2438 : f32 to vector<16xf32>
      %mul3A_2440 = arith.mulf %mul3A_2439, %div3A_2306 : vector<16xf32>
      %sub3A_2441 = arith.constant 4.050000e+00 : f32
      %sub3A_2442 = vector.broadcast %sub3A_2441 : f32 to vector<16xf32>
      %sub3A_2443 = arith.subf %sub3A_2442, %mul3A_2440 : vector<16xf32>
      %exp3A_2444 = math.exp %sub3A_2443 : vector<16xf32>
      %swap3A_2445 = arith.constant 112 : index
      %swap3A_2446 = tpu.vector_load %arg12[%swap3A_2445] {strides = array<i32>} : memref<128xf32, #tpu.memory_space<vmem>>, vector<16xf32>,
      %swap3A_2447 = vector.shape_cast %swap3A_2446 : vector<16xf32> to vector<16xf32>
      %swap3A_2448 = vector.shape_cast %exp3A_2444 : vector<16xf32> to vector<16xf32>
      tpu.vector_store %arg12[%swap3A_2445], %swap3A_2448 {strides = array<i32>} : memref<128xf32, #tpu.memory_space<vmem>>, vector<16xf32>,
      %mul3A_2449 = arith.constant 4.000000e+00 : f32
      %mul3A_2450 = vector.broadcast %mul3A_2449 : f32 to vector<16xf32>
      %mul3A_2451 = arith.mulf %mul3A_2450, %div3A_2306 : vector<16xf32>
      %add3A_2452 = arith.constant -3.950000e+00 : f32
      %add3A_2453 = vector.broadcast %add3A_2452 : f32 to vector<16xf32>
      %add3A_2454 = arith.addf %add3A_2453, %mul3A_2451 : vector<16xf32>
      %exp3A_2455 = math.exp %add3A_2454 : vector<16xf32>
      %swap3A_2456 = arith.constant 112 : index
      %swap3A_2457 = tpu.vector_load %arg13[%swap3A_2456] {strides = array<i32>} : memref<128xf32, #tpu.memory_space<vmem>>, vector<16xf32>,
      %swap3A_2458 = vector.shape_cast %swap3A_2457 : vector<16xf32> to vector<16xf32>
      %swap3A_2459 = vector.shape_cast %exp3A_2455 : vector<16xf32> to vector<16xf32>
      tpu.vector_store %arg13[%swap3A_2456], %swap3A_2459 {strides = array<i32>} : memref<128xf32, #tpu.memory_space<vmem>>, vector<16xf32>,
      %sub3A_2460 = arith.subf %div3A_2437, %div3A_2306 : vector<16xf32>
      %mul3A_2461 = arith.constant 2.000000e+00 : f32
      %mul3A_2462 = vector.broadcast %mul3A_2461 : f32 to vector<16xf32>
      %mul3A_2463 = arith.mulf %mul3A_2462, %sub3A_2460 : vector<16xf32>
      %add3A_2464 = arith.constant 5.000000e-02 : f32
      %add3A_2465 = vector.broadcast %add3A_2464 : f32 to vector<16xf32>
      %add3A_2466 = arith.addf %add3A_2465, %mul3A_2463 : vector<16xf32>
      %exp3A_2467 = math.exp %add3A_2466 : vector<16xf32>
      %swap3A_2468 = arith.constant 112 : index
      %swap3A_2469 = tpu.vector_load %arg14[%swap3A_2468] {strides = array<i32>} : memref<128xf32, #tpu.memory_space<vmem>>, vector<16xf32>,
      %swap3A_2470 = vector.shape_cast %swap3A_2469 : vector<16xf32> to vector<16xf32>
      %swap3A_2471 = vector.shape_cast %exp3A_2467 : vector<16xf32> to vector<16xf32>
      tpu.vector_store %arg14[%swap3A_2468], %swap3A_2471 {strides = array<i32>} : memref<128xf32, #tpu.memory_space<vmem>>, vector<16xf32>,
      %sub3A_2472 = arith.subf %div3A_2437, %div3A_2306 : vector<16xf32>
      %mul3A_2473 = arith.constant 2.000000e+00 : f32
      %mul3A_2474 = vector.broadcast %mul3A_2473 : f32 to vector<16xf32>
      %mul3A_2475 = arith.mulf %mul3A_2474, %sub3A_2472 : vector<16xf32>
      %sub3A_2476 = arith.constant 5.000000e-02 : f32
      %sub3A_2477 = vector.broadcast %sub3A_2476 : f32 to vector<16xf32>
      %sub3A_2478 = arith.subf %sub3A_2477, %mul3A_2475 : vector<16xf32>
      %exp3A_2479 = math.exp %sub3A_2478 : vector<16xf32>
      %swap3A_2480 = arith.constant 112 : index
      %swap3A_2481 = tpu.vector_load %arg15[%swap3A_2480] {strides = array<i32>} : memref<128xf32, #tpu.memory_space<vmem>>, vector<16xf32>,
      %swap3A_2482 = vector.shape_cast %swap3A_2481 : vector<16xf32> to vector<16xf32>
      %swap3A_2483 = vector.shape_cast %exp3A_2479 : vector<16xf32> to vector<16xf32>
      tpu.vector_store %arg15[%swap3A_2480], %swap3A_2483 {strides = array<i32>} : memref<128xf32, #tpu.memory_space<vmem>>, vector<16xf32>,
      "tpu.region"() ({
        %run_scoped3A = tpu.sem_alloc : memref<!tpu.dma_semaphore, #tpu.memory_space<semaphore_mem>>
        %dma_start3A = tpu.memref_slice %arg5[%mul3A_4] : memref<2048xf32, #tpu.memory_space<hbm>> -> memref<128xf32, #tpu.memory_space<hbm>>
        %dma_start3A_2484 = tpu.memref_slice %arg5[%mul3A_4] : memref<2048xf32, #tpu.memory_space<hbm>> -> memref<128xf32, #tpu.memory_space<hbm>>
        tpu.enqueue_dma source(%arg12 : memref<128xf32, #tpu.memory_space<vmem>>) target(%dma_start3A_2484 : memref<128xf32, #tpu.memory_space<hbm>>) target_semaphore(%run_scoped3A : memref<!tpu.dma_semaphore, #tpu.memory_space<semaphore_mem>>)
        %dma_wait3A = tpu.memref_slice %arg5[%mul3A_4] : memref<2048xf32, #tpu.memory_space<hbm>> -> memref<128xf32, #tpu.memory_space<hbm>>
        %dma_wait3A_2485 = tpu.memref_slice %arg5[%mul3A_4] : memref<2048xf32, #tpu.memory_space<hbm>> -> memref<128xf32, #tpu.memory_space<hbm>>
        tpu.wait_dma2 semaphore(%run_scoped3A : memref<!tpu.dma_semaphore, #tpu.memory_space<semaphore_mem>>) src(%arg12 : memref<128xf32, #tpu.memory_space<vmem>>) dst(%dma_wait3A_2485 : memref<128xf32, #tpu.memory_space<hbm>>)
        tpu.yield
      }) : () -> ()
      "tpu.region"() ({
        %run_scoped3A = tpu.sem_alloc : memref<!tpu.dma_semaphore, #tpu.memory_space<semaphore_mem>>
        %dma_start3A = tpu.memref_slice %arg6[%mul3A_4] : memref<2048xf32, #tpu.memory_space<hbm>> -> memref<128xf32, #tpu.memory_space<hbm>>
        %dma_start3A_2484 = tpu.memref_slice %arg6[%mul3A_4] : memref<2048xf32, #tpu.memory_space<hbm>> -> memref<128xf32, #tpu.memory_space<hbm>>
        tpu.enqueue_dma source(%arg13 : memref<128xf32, #tpu.memory_space<vmem>>) target(%dma_start3A_2484 : memref<128xf32, #tpu.memory_space<hbm>>) target_semaphore(%run_scoped3A : memref<!tpu.dma_semaphore, #tpu.memory_space<semaphore_mem>>)
        %dma_wait3A = tpu.memref_slice %arg6[%mul3A_4] : memref<2048xf32, #tpu.memory_space<hbm>> -> memref<128xf32, #tpu.memory_space<hbm>>
        %dma_wait3A_2485 = tpu.memref_slice %arg6[%mul3A_4] : memref<2048xf32, #tpu.memory_space<hbm>> -> memref<128xf32, #tpu.memory_space<hbm>>
        tpu.wait_dma2 semaphore(%run_scoped3A : memref<!tpu.dma_semaphore, #tpu.memory_space<semaphore_mem>>) src(%arg13 : memref<128xf32, #tpu.memory_space<vmem>>) dst(%dma_wait3A_2485 : memref<128xf32, #tpu.memory_space<hbm>>)
        tpu.yield
      }) : () -> ()
      "tpu.region"() ({
        %run_scoped3A = tpu.sem_alloc : memref<!tpu.dma_semaphore, #tpu.memory_space<semaphore_mem>>
        %dma_start3A = tpu.memref_slice %arg7[%mul3A_4] : memref<2048xf32, #tpu.memory_space<hbm>> -> memref<128xf32, #tpu.memory_space<hbm>>
        %dma_start3A_2484 = tpu.memref_slice %arg7[%mul3A_4] : memref<2048xf32, #tpu.memory_space<hbm>> -> memref<128xf32, #tpu.memory_space<hbm>>
        tpu.enqueue_dma source(%arg14 : memref<128xf32, #tpu.memory_space<vmem>>) target(%dma_start3A_2484 : memref<128xf32, #tpu.memory_space<hbm>>) target_semaphore(%run_scoped3A : memref<!tpu.dma_semaphore, #tpu.memory_space<semaphore_mem>>)
        %dma_wait3A = tpu.memref_slice %arg7[%mul3A_4] : memref<2048xf32, #tpu.memory_space<hbm>> -> memref<128xf32, #tpu.memory_space<hbm>>
        %dma_wait3A_2485 = tpu.memref_slice %arg7[%mul3A_4] : memref<2048xf32, #tpu.memory_space<hbm>> -> memref<128xf32, #tpu.memory_space<hbm>>
        tpu.wait_dma2 semaphore(%run_scoped3A : memref<!tpu.dma_semaphore, #tpu.memory_space<semaphore_mem>>) src(%arg14 : memref<128xf32, #tpu.memory_space<vmem>>) dst(%dma_wait3A_2485 : memref<128xf32, #tpu.memory_space<hbm>>)
        tpu.yield
      }) : () -> ()
      "tpu.region"() ({
        %run_scoped3A = tpu.sem_alloc : memref<!tpu.dma_semaphore, #tpu.memory_space<semaphore_mem>>
        %dma_start3A = tpu.memref_slice %arg8[%mul3A_4] : memref<2048xf32, #tpu.memory_space<hbm>> -> memref<128xf32, #tpu.memory_space<hbm>>
        %dma_start3A_2484 = tpu.memref_slice %arg8[%mul3A_4] : memref<2048xf32, #tpu.memory_space<hbm>> -> memref<128xf32, #tpu.memory_space<hbm>>
        tpu.enqueue_dma source(%arg15 : memref<128xf32, #tpu.memory_space<vmem>>) target(%dma_start3A_2484 : memref<128xf32, #tpu.memory_space<hbm>>) target_semaphore(%run_scoped3A : memref<!tpu.dma_semaphore, #tpu.memory_space<semaphore_mem>>)
        %dma_wait3A = tpu.memref_slice %arg8[%mul3A_4] : memref<2048xf32, #tpu.memory_space<hbm>> -> memref<128xf32, #tpu.memory_space<hbm>>
        %dma_wait3A_2485 = tpu.memref_slice %arg8[%mul3A_4] : memref<2048xf32, #tpu.memory_space<hbm>> -> memref<128xf32, #tpu.memory_space<hbm>>
        tpu.wait_dma2 semaphore(%run_scoped3A : memref<!tpu.dma_semaphore, #tpu.memory_space<semaphore_mem>>) src(%arg15 : memref<128xf32, #tpu.memory_space<vmem>>) dst(%dma_wait3A_2485 : memref<128xf32, #tpu.memory_space<hbm>>)
        tpu.yield
      }) : () -> ()
    } else {
    }
    return
  }
}

module attributes {stable_mosaic.version = 14 : i64} {
  func.func @_auc_kernel(%arg0: i32, %arg1: memref<2048x10xf32, #tpu.memory_space<vmem>>, %arg2: memref<2048x10xf32, #tpu.memory_space<vmem>>, %arg3: memref<2048x1xf32, #tpu.memory_space<vmem>>, %arg4: memref<2048x1xf32, #tpu.memory_space<vmem>>, %arg5: memref<2048x1xf32, #tpu.memory_space<vmem>>, %arg6: memref<2048x1xf32, #tpu.memory_space<vmem>>, %arg7: memref<2048x1xi32, #tpu.memory_space<vmem>>, %arg8: memref<1x2048xi32, #tpu.memory_space<vmem>>, %arg9: memref<1x1xf32, #tpu.memory_space<vmem>>, %arg10: memref<1x1xf32, #tpu.memory_space<vmem>>, %arg11: memref<2048x10xf32, #tpu.memory_space<vmem>>, %arg12: memref<2048x10xf32, #tpu.memory_space<vmem>>, %arg13: memref<2048x10xf32, #tpu.memory_space<vmem>>, %arg14: memref<2048x10xf32, #tpu.memory_space<vmem>>, %arg15: memref<2048x1xf32, #tpu.memory_space<vmem>>, %arg16: memref<1x2048xf32, #tpu.memory_space<vmem>>, %arg17: memref<1x2048xf32, #tpu.memory_space<vmem>>) attributes {dimension_semantics = [#tpu.dimension_semantics<arbitrary>], iteration_bounds = array<i64: 8>, scalar_prefetch = 0 : i64, scratch_operands = 7 : i64, tpu.core_type = #tpu.core_type<tc>, window_params = [{pipeline_mode = #tpu.pipeline_mode<synchronous>, transform_indices = @transform_0, window_bounds = array<i64: 2048, 10>}, {pipeline_mode = #tpu.pipeline_mode<synchronous>, transform_indices = @transform_1, window_bounds = array<i64: 2048, 10>}, {pipeline_mode = #tpu.pipeline_mode<synchronous>, transform_indices = @transform_2, window_bounds = array<i64: 2048, 1>}, {pipeline_mode = #tpu.pipeline_mode<synchronous>, transform_indices = @transform_3, window_bounds = array<i64: 2048, 1>}, {pipeline_mode = #tpu.pipeline_mode<synchronous>, transform_indices = @transform_4, window_bounds = array<i64: 2048, 1>}, {pipeline_mode = #tpu.pipeline_mode<synchronous>, transform_indices = @transform_5, window_bounds = array<i64: 2048, 1>}, {pipeline_mode = #tpu.pipeline_mode<synchronous>, transform_indices = @transform_6, window_bounds = array<i64: 2048, 1>}, {pipeline_mode = #tpu.pipeline_mode<synchronous>, transform_indices = @transform_7, window_bounds = array<i64: 1, 2048>}, {pipeline_mode = #tpu.pipeline_mode<synchronous>, transform_indices = @transform_8, window_bounds = array<i64: 1, 1>}, {pipeline_mode = #tpu.pipeline_mode<synchronous>, transform_indices = @transform_9, window_bounds = array<i64: 1, 1>}]} {
    %get3A = arith.constant 0 : index
    %get3A_0 = arith.constant 0 : index
    %get3A_1 = vector.load %arg8[%get3A, %get3A_0] : memref<1x2048xi32, #tpu.memory_space<vmem>>, vector<1x2048xi32>
    %eq3A = arith.constant 0 : i32
    %eq3A_2 = arith.cmpi eq, %arg0, %eq3A : i32
    %convert_element_type3A = arith.extui %eq3A_2 : i1 to i32
    %cond3A = arith.constant 0 : i32
    %cond3A_3 = arith.cmpi ne, %convert_element_type3A, %cond3A : i32
    scf.if %cond3A_3 {
      %get3A_99 = arith.constant 0 : index
      %get3A_100 = arith.constant 0 : index
      %get3A_101 = vector.load %arg1[%get3A_99, %get3A_100] : memref<2048x10xf32, #tpu.memory_space<vmem>>, vector<2048x10xf32>
      %reduce_max3A = arith.constant dense<0xFF800000> : vector<2048xf32>
      %reduce_max3A_102 = vector.multi_reduction <maximumf>, %get3A_101, %reduce_max3A [1] : vector<2048x10xf32> to vector<2048xf32>
      %broadcast_in_dim3A_103 = vector.shape_cast %reduce_max3A_102 : vector<2048xf32> to vector<2048x1xf32>
      %sub3A = vector.broadcast %broadcast_in_dim3A_103 : vector<2048x1xf32> to vector<2048x10xf32>
      %sub3A_104 = arith.subf %get3A_101, %sub3A : vector<2048x10xf32>
      %exp3A = math.exp %sub3A_104 : vector<2048x10xf32>
      %reduce_sum3A_105 = arith.constant dense<0.000000e+00> : vector<2048xf32>
      %reduce_sum3A_106 = vector.multi_reduction <add>, %exp3A, %reduce_sum3A_105 [1] : vector<2048x10xf32> to vector<2048xf32>
      %broadcast_in_dim3A_107 = vector.shape_cast %reduce_sum3A_106 : vector<2048xf32> to vector<2048x1xf32>
      %div3A_108 = vector.broadcast %broadcast_in_dim3A_107 : vector<2048x1xf32> to vector<2048x10xf32>
      %div3A_109 = arith.divf %exp3A, %div3A_108 : vector<2048x10xf32>
      %get3A_110 = arith.constant 0 : index
      %get3A_111 = arith.constant 0 : index
      %get3A_112 = vector.load %arg2[%get3A_110, %get3A_111] : memref<2048x10xf32, #tpu.memory_space<vmem>>, vector<2048x10xf32>
      %reduce_max3A_113 = arith.constant dense<0xFF800000> : vector<2048xf32>
      %reduce_max3A_114 = vector.multi_reduction <maximumf>, %get3A_112, %reduce_max3A_113 [1] : vector<2048x10xf32> to vector<2048xf32>
      %broadcast_in_dim3A_115 = vector.shape_cast %reduce_max3A_114 : vector<2048xf32> to vector<2048x1xf32>
      %sub3A_116 = vector.broadcast %broadcast_in_dim3A_115 : vector<2048x1xf32> to vector<2048x10xf32>
      %sub3A_117 = arith.subf %get3A_112, %sub3A_116 : vector<2048x10xf32>
      %exp3A_118 = math.exp %sub3A_117 : vector<2048x10xf32>
      %reduce_sum3A_119 = arith.constant dense<0.000000e+00> : vector<2048xf32>
      %reduce_sum3A_120 = vector.multi_reduction <add>, %exp3A_118, %reduce_sum3A_119 [1] : vector<2048x10xf32> to vector<2048xf32>
      %broadcast_in_dim3A_121 = vector.shape_cast %reduce_sum3A_120 : vector<2048xf32> to vector<2048x1xf32>
      %div3A_122 = vector.broadcast %broadcast_in_dim3A_121 : vector<2048x1xf32> to vector<2048x10xf32>
      %div3A_123 = arith.divf %exp3A_118, %div3A_122 : vector<2048x10xf32>
      %mul3A_124 = arith.constant 4.000000e+00 : f32
      %mul3A_125 = vector.broadcast %mul3A_124 : f32 to vector<2048x10xf32>
      %mul3A_126 = arith.mulf %mul3A_125, %div3A_109 : vector<2048x10xf32>
      %exp3A_127 = math.exp %mul3A_126 : vector<2048x10xf32>
      %sub3A_128 = arith.subf %div3A_109, %div3A_123 : vector<2048x10xf32>
      %mul3A_129 = arith.constant 2.000000e+00 : f32
      %mul3A_130 = vector.broadcast %mul3A_129 : f32 to vector<2048x10xf32>
      %mul3A_131 = arith.mulf %mul3A_130, %sub3A_128 : vector<2048x10xf32>
      %exp3A_132 = math.exp %mul3A_131 : vector<2048x10xf32>
      %swap3A_133 = arith.constant 0 : index
      %swap3A_134 = arith.constant 0 : index
      %swap3A_135 = vector.load %arg11[%swap3A_133, %swap3A_134] : memref<2048x10xf32, #tpu.memory_space<vmem>>, vector<2048x10xf32>
      tpu.vector_store %arg11[%swap3A_133, %swap3A_134], %exp3A_127 {strides = array<i32>} : memref<2048x10xf32, #tpu.memory_space<vmem>>, vector<2048x10xf32>,
      %div3A_136 = arith.constant 1.000000e+00 : f32
      %div3A_137 = vector.broadcast %div3A_136 : f32 to vector<2048x10xf32>
      %div3A_138 = arith.divf %div3A_137, %exp3A_127 : vector<2048x10xf32>
      %swap3A_139 = arith.constant 0 : index
      %swap3A_140 = arith.constant 0 : index
      %swap3A_141 = vector.load %arg12[%swap3A_139, %swap3A_140] : memref<2048x10xf32, #tpu.memory_space<vmem>>, vector<2048x10xf32>
      tpu.vector_store %arg12[%swap3A_139, %swap3A_140], %div3A_138 {strides = array<i32>} : memref<2048x10xf32, #tpu.memory_space<vmem>>, vector<2048x10xf32>,
      %swap3A_142 = arith.constant 0 : index
      %swap3A_143 = arith.constant 0 : index
      %swap3A_144 = vector.load %arg13[%swap3A_142, %swap3A_143] : memref<2048x10xf32, #tpu.memory_space<vmem>>, vector<2048x10xf32>
      tpu.vector_store %arg13[%swap3A_142, %swap3A_143], %exp3A_132 {strides = array<i32>} : memref<2048x10xf32, #tpu.memory_space<vmem>>, vector<2048x10xf32>,
      %div3A_145 = arith.constant 1.000000e+00 : f32
      %div3A_146 = vector.broadcast %div3A_145 : f32 to vector<2048x10xf32>
      %div3A_147 = arith.divf %div3A_146, %exp3A_132 : vector<2048x10xf32>
      %swap3A_148 = arith.constant 0 : index
      %swap3A_149 = arith.constant 0 : index
      %swap3A_150 = vector.load %arg14[%swap3A_148, %swap3A_149] : memref<2048x10xf32, #tpu.memory_space<vmem>>, vector<2048x10xf32>
      tpu.vector_store %arg14[%swap3A_148, %swap3A_149], %div3A_147 {strides = array<i32>} : memref<2048x10xf32, #tpu.memory_space<vmem>>, vector<2048x10xf32>,
      %get3A_151 = arith.constant 0 : index
      %get3A_152 = arith.constant 0 : index
      %get3A_153 = vector.load %arg7[%get3A_151, %get3A_152] : memref<2048x1xi32, #tpu.memory_space<vmem>>, vector<2048x1xi32>
      %broadcast_in_dim3A_154 = arith.constant 0.000000e+00 : f32
      %broadcast_in_dim3A_155 = vector.broadcast %broadcast_in_dim3A_154 : f32 to vector<2048x1xf32>
      %eq3A_156 = arith.constant 0 : i32
      %eq3A_157 = vector.broadcast %eq3A_156 : i32 to vector<1x2048xi32>
      %eq3A_158 = arith.cmpi eq, %get3A_1, %eq3A_157 : vector<1x2048xi32>
      %convert_element_type3A_159 = arith.extui %eq3A_158 : vector<1x2048xi1> to vector<1x2048xi32>
      %convert_element_type3A_160 = arith.sitofp %convert_element_type3A_159 : vector<1x2048xi32> to vector<1x2048xf32>
      %reduce_sum3A_161 = vector.shape_cast %convert_element_type3A_160 : vector<1x2048xf32> to vector<1x1x2048xf32>
      %reduce_sum3A_162 = arith.constant dense<0.000000e+00> : vector<1xf32>
      %reduce_sum3A_163 = vector.multi_reduction <add>, %reduce_sum3A_161, %reduce_sum3A_162 [1, 2] : vector<1x1x2048xf32> to vector<1xf32>
      %reduce_sum3A_164 = vector.shape_cast %reduce_sum3A_163 : vector<1xf32> to vector<1x1x1xf32>
      %reduce_sum3A_165 = vector.extract %reduce_sum3A_164[0, 0, 0] : f32 from vector<1x1x1xf32>
      %sub3A_166 = arith.constant 2.048000e+03 : f32
      %sub3A_167 = arith.subf %sub3A_166, %reduce_sum3A_165 : f32
      %mul3A_168 = arith.mulf %reduce_sum3A_165, %sub3A_167 : f32
      %div3A_169 = arith.constant 0.693147182 : f32
      %div3A_170 = arith.divf %div3A_169, %mul3A_168 : f32
      %eq3A_171 = arith.constant 0 : i32
      %eq3A_172 = vector.broadcast %eq3A_171 : i32 to vector<2048x1xi32>
      %eq3A_173 = arith.cmpi eq, %get3A_153, %eq3A_172 : vector<2048x1xi32>
      %jit3A_174 = arith.constant 0.000000e+00 : f32
      %broadcast_in_dim3A_175 = vector.broadcast %div3A_170 : f32 to vector<2048x1xf32>
      %broadcast_in_dim3A_176 = vector.broadcast %jit3A_174 : f32 to vector<2048x1xf32>
      %select_n3A_177 = arith.select %eq3A_173, %broadcast_in_dim3A_175, %broadcast_in_dim3A_176 : vector<2048x1xi1>, vector<2048x1xf32>
      %add3A_178 = arith.addf %broadcast_in_dim3A_155, %select_n3A_177 : vector<2048x1xf32>
      %eq3A_179 = arith.constant 1 : i32
      %eq3A_180 = vector.broadcast %eq3A_179 : i32 to vector<1x2048xi32>
      %eq3A_181 = arith.cmpi eq, %get3A_1, %eq3A_180 : vector<1x2048xi32>
      %convert_element_type3A_182 = arith.extui %eq3A_181 : vector<1x2048xi1> to vector<1x2048xi32>
      %convert_element_type3A_183 = arith.sitofp %convert_element_type3A_182 : vector<1x2048xi32> to vector<1x2048xf32>
      %reduce_sum3A_184 = vector.shape_cast %convert_element_type3A_183 : vector<1x2048xf32> to vector<1x1x2048xf32>
      %reduce_sum3A_185 = arith.constant dense<0.000000e+00> : vector<1xf32>
      %reduce_sum3A_186 = vector.multi_reduction <add>, %reduce_sum3A_184, %reduce_sum3A_185 [1, 2] : vector<1x1x2048xf32> to vector<1xf32>
      %reduce_sum3A_187 = vector.shape_cast %reduce_sum3A_186 : vector<1xf32> to vector<1x1x1xf32>
      %reduce_sum3A_188 = vector.extract %reduce_sum3A_187[0, 0, 0] : f32 from vector<1x1x1xf32>
      %sub3A_189 = arith.constant 2.048000e+03 : f32
      %sub3A_190 = arith.subf %sub3A_189, %reduce_sum3A_188 : f32
      %mul3A_191 = arith.mulf %reduce_sum3A_188, %sub3A_190 : f32
      %div3A_192 = arith.constant 0.693147182 : f32
      %div3A_193 = arith.divf %div3A_192, %mul3A_191 : f32
      %eq3A_194 = arith.constant 1 : i32
      %eq3A_195 = vector.broadcast %eq3A_194 : i32 to vector<2048x1xi32>
      %eq3A_196 = arith.cmpi eq, %get3A_153, %eq3A_195 : vector<2048x1xi32>
      %jit3A_197 = arith.constant 0.000000e+00 : f32
      %broadcast_in_dim3A_198 = vector.broadcast %div3A_193 : f32 to vector<2048x1xf32>
      %broadcast_in_dim3A_199 = vector.broadcast %jit3A_197 : f32 to vector<2048x1xf32>
      %select_n3A_200 = arith.select %eq3A_196, %broadcast_in_dim3A_198, %broadcast_in_dim3A_199 : vector<2048x1xi1>, vector<2048x1xf32>
      %add3A_201 = arith.addf %add3A_178, %select_n3A_200 : vector<2048x1xf32>
      %eq3A_202 = arith.constant 2 : i32
      %eq3A_203 = vector.broadcast %eq3A_202 : i32 to vector<1x2048xi32>
      %eq3A_204 = arith.cmpi eq, %get3A_1, %eq3A_203 : vector<1x2048xi32>
      %convert_element_type3A_205 = arith.extui %eq3A_204 : vector<1x2048xi1> to vector<1x2048xi32>
      %convert_element_type3A_206 = arith.sitofp %convert_element_type3A_205 : vector<1x2048xi32> to vector<1x2048xf32>
      %reduce_sum3A_207 = vector.shape_cast %convert_element_type3A_206 : vector<1x2048xf32> to vector<1x1x2048xf32>
      %reduce_sum3A_208 = arith.constant dense<0.000000e+00> : vector<1xf32>
      %reduce_sum3A_209 = vector.multi_reduction <add>, %reduce_sum3A_207, %reduce_sum3A_208 [1, 2] : vector<1x1x2048xf32> to vector<1xf32>
      %reduce_sum3A_210 = vector.shape_cast %reduce_sum3A_209 : vector<1xf32> to vector<1x1x1xf32>
      %reduce_sum3A_211 = vector.extract %reduce_sum3A_210[0, 0, 0] : f32 from vector<1x1x1xf32>
      %sub3A_212 = arith.constant 2.048000e+03 : f32
      %sub3A_213 = arith.subf %sub3A_212, %reduce_sum3A_211 : f32
      %mul3A_214 = arith.mulf %reduce_sum3A_211, %sub3A_213 : f32
      %div3A_215 = arith.constant 0.693147182 : f32
      %div3A_216 = arith.divf %div3A_215, %mul3A_214 : f32
      %eq3A_217 = arith.constant 2 : i32
      %eq3A_218 = vector.broadcast %eq3A_217 : i32 to vector<2048x1xi32>
      %eq3A_219 = arith.cmpi eq, %get3A_153, %eq3A_218 : vector<2048x1xi32>
      %jit3A_220 = arith.constant 0.000000e+00 : f32
      %broadcast_in_dim3A_221 = vector.broadcast %div3A_216 : f32 to vector<2048x1xf32>
      %broadcast_in_dim3A_222 = vector.broadcast %jit3A_220 : f32 to vector<2048x1xf32>
      %select_n3A_223 = arith.select %eq3A_219, %broadcast_in_dim3A_221, %broadcast_in_dim3A_222 : vector<2048x1xi1>, vector<2048x1xf32>
      %add3A_224 = arith.addf %add3A_201, %select_n3A_223 : vector<2048x1xf32>
      %eq3A_225 = arith.constant 3 : i32
      %eq3A_226 = vector.broadcast %eq3A_225 : i32 to vector<1x2048xi32>
      %eq3A_227 = arith.cmpi eq, %get3A_1, %eq3A_226 : vector<1x2048xi32>
      %convert_element_type3A_228 = arith.extui %eq3A_227 : vector<1x2048xi1> to vector<1x2048xi32>
      %convert_element_type3A_229 = arith.sitofp %convert_element_type3A_228 : vector<1x2048xi32> to vector<1x2048xf32>
      %reduce_sum3A_230 = vector.shape_cast %convert_element_type3A_229 : vector<1x2048xf32> to vector<1x1x2048xf32>
      %reduce_sum3A_231 = arith.constant dense<0.000000e+00> : vector<1xf32>
      %reduce_sum3A_232 = vector.multi_reduction <add>, %reduce_sum3A_230, %reduce_sum3A_231 [1, 2] : vector<1x1x2048xf32> to vector<1xf32>
      %reduce_sum3A_233 = vector.shape_cast %reduce_sum3A_232 : vector<1xf32> to vector<1x1x1xf32>
      %reduce_sum3A_234 = vector.extract %reduce_sum3A_233[0, 0, 0] : f32 from vector<1x1x1xf32>
      %sub3A_235 = arith.constant 2.048000e+03 : f32
      %sub3A_236 = arith.subf %sub3A_235, %reduce_sum3A_234 : f32
      %mul3A_237 = arith.mulf %reduce_sum3A_234, %sub3A_236 : f32
      %div3A_238 = arith.constant 0.693147182 : f32
      %div3A_239 = arith.divf %div3A_238, %mul3A_237 : f32
      %eq3A_240 = arith.constant 3 : i32
      %eq3A_241 = vector.broadcast %eq3A_240 : i32 to vector<2048x1xi32>
      %eq3A_242 = arith.cmpi eq, %get3A_153, %eq3A_241 : vector<2048x1xi32>
      %jit3A_243 = arith.constant 0.000000e+00 : f32
      %broadcast_in_dim3A_244 = vector.broadcast %div3A_239 : f32 to vector<2048x1xf32>
      %broadcast_in_dim3A_245 = vector.broadcast %jit3A_243 : f32 to vector<2048x1xf32>
      %select_n3A_246 = arith.select %eq3A_242, %broadcast_in_dim3A_244, %broadcast_in_dim3A_245 : vector<2048x1xi1>, vector<2048x1xf32>
      %add3A_247 = arith.addf %add3A_224, %select_n3A_246 : vector<2048x1xf32>
      %eq3A_248 = arith.constant 4 : i32
      %eq3A_249 = vector.broadcast %eq3A_248 : i32 to vector<1x2048xi32>
      %eq3A_250 = arith.cmpi eq, %get3A_1, %eq3A_249 : vector<1x2048xi32>
      %convert_element_type3A_251 = arith.extui %eq3A_250 : vector<1x2048xi1> to vector<1x2048xi32>
      %convert_element_type3A_252 = arith.sitofp %convert_element_type3A_251 : vector<1x2048xi32> to vector<1x2048xf32>
      %reduce_sum3A_253 = vector.shape_cast %convert_element_type3A_252 : vector<1x2048xf32> to vector<1x1x2048xf32>
      %reduce_sum3A_254 = arith.constant dense<0.000000e+00> : vector<1xf32>
      %reduce_sum3A_255 = vector.multi_reduction <add>, %reduce_sum3A_253, %reduce_sum3A_254 [1, 2] : vector<1x1x2048xf32> to vector<1xf32>
      %reduce_sum3A_256 = vector.shape_cast %reduce_sum3A_255 : vector<1xf32> to vector<1x1x1xf32>
      %reduce_sum3A_257 = vector.extract %reduce_sum3A_256[0, 0, 0] : f32 from vector<1x1x1xf32>
      %sub3A_258 = arith.constant 2.048000e+03 : f32
      %sub3A_259 = arith.subf %sub3A_258, %reduce_sum3A_257 : f32
      %mul3A_260 = arith.mulf %reduce_sum3A_257, %sub3A_259 : f32
      %div3A_261 = arith.constant 0.693147182 : f32
      %div3A_262 = arith.divf %div3A_261, %mul3A_260 : f32
      %eq3A_263 = arith.constant 4 : i32
      %eq3A_264 = vector.broadcast %eq3A_263 : i32 to vector<2048x1xi32>
      %eq3A_265 = arith.cmpi eq, %get3A_153, %eq3A_264 : vector<2048x1xi32>
      %jit3A_266 = arith.constant 0.000000e+00 : f32
      %broadcast_in_dim3A_267 = vector.broadcast %div3A_262 : f32 to vector<2048x1xf32>
      %broadcast_in_dim3A_268 = vector.broadcast %jit3A_266 : f32 to vector<2048x1xf32>
      %select_n3A_269 = arith.select %eq3A_265, %broadcast_in_dim3A_267, %broadcast_in_dim3A_268 : vector<2048x1xi1>, vector<2048x1xf32>
      %add3A_270 = arith.addf %add3A_247, %select_n3A_269 : vector<2048x1xf32>
      %eq3A_271 = arith.constant 5 : i32
      %eq3A_272 = vector.broadcast %eq3A_271 : i32 to vector<1x2048xi32>
      %eq3A_273 = arith.cmpi eq, %get3A_1, %eq3A_272 : vector<1x2048xi32>
      %convert_element_type3A_274 = arith.extui %eq3A_273 : vector<1x2048xi1> to vector<1x2048xi32>
      %convert_element_type3A_275 = arith.sitofp %convert_element_type3A_274 : vector<1x2048xi32> to vector<1x2048xf32>
      %reduce_sum3A_276 = vector.shape_cast %convert_element_type3A_275 : vector<1x2048xf32> to vector<1x1x2048xf32>
      %reduce_sum3A_277 = arith.constant dense<0.000000e+00> : vector<1xf32>
      %reduce_sum3A_278 = vector.multi_reduction <add>, %reduce_sum3A_276, %reduce_sum3A_277 [1, 2] : vector<1x1x2048xf32> to vector<1xf32>
      %reduce_sum3A_279 = vector.shape_cast %reduce_sum3A_278 : vector<1xf32> to vector<1x1x1xf32>
      %reduce_sum3A_280 = vector.extract %reduce_sum3A_279[0, 0, 0] : f32 from vector<1x1x1xf32>
      %sub3A_281 = arith.constant 2.048000e+03 : f32
      %sub3A_282 = arith.subf %sub3A_281, %reduce_sum3A_280 : f32
      %mul3A_283 = arith.mulf %reduce_sum3A_280, %sub3A_282 : f32
      %div3A_284 = arith.constant 0.693147182 : f32
      %div3A_285 = arith.divf %div3A_284, %mul3A_283 : f32
      %eq3A_286 = arith.constant 5 : i32
      %eq3A_287 = vector.broadcast %eq3A_286 : i32 to vector<2048x1xi32>
      %eq3A_288 = arith.cmpi eq, %get3A_153, %eq3A_287 : vector<2048x1xi32>
      %jit3A_289 = arith.constant 0.000000e+00 : f32
      %broadcast_in_dim3A_290 = vector.broadcast %div3A_285 : f32 to vector<2048x1xf32>
      %broadcast_in_dim3A_291 = vector.broadcast %jit3A_289 : f32 to vector<2048x1xf32>
      %select_n3A_292 = arith.select %eq3A_288, %broadcast_in_dim3A_290, %broadcast_in_dim3A_291 : vector<2048x1xi1>, vector<2048x1xf32>
      %add3A_293 = arith.addf %add3A_270, %select_n3A_292 : vector<2048x1xf32>
      %eq3A_294 = arith.constant 6 : i32
      %eq3A_295 = vector.broadcast %eq3A_294 : i32 to vector<1x2048xi32>
      %eq3A_296 = arith.cmpi eq, %get3A_1, %eq3A_295 : vector<1x2048xi32>
      %convert_element_type3A_297 = arith.extui %eq3A_296 : vector<1x2048xi1> to vector<1x2048xi32>
      %convert_element_type3A_298 = arith.sitofp %convert_element_type3A_297 : vector<1x2048xi32> to vector<1x2048xf32>
      %reduce_sum3A_299 = vector.shape_cast %convert_element_type3A_298 : vector<1x2048xf32> to vector<1x1x2048xf32>
      %reduce_sum3A_300 = arith.constant dense<0.000000e+00> : vector<1xf32>
      %reduce_sum3A_301 = vector.multi_reduction <add>, %reduce_sum3A_299, %reduce_sum3A_300 [1, 2] : vector<1x1x2048xf32> to vector<1xf32>
      %reduce_sum3A_302 = vector.shape_cast %reduce_sum3A_301 : vector<1xf32> to vector<1x1x1xf32>
      %reduce_sum3A_303 = vector.extract %reduce_sum3A_302[0, 0, 0] : f32 from vector<1x1x1xf32>
      %sub3A_304 = arith.constant 2.048000e+03 : f32
      %sub3A_305 = arith.subf %sub3A_304, %reduce_sum3A_303 : f32
      %mul3A_306 = arith.mulf %reduce_sum3A_303, %sub3A_305 : f32
      %div3A_307 = arith.constant 0.693147182 : f32
      %div3A_308 = arith.divf %div3A_307, %mul3A_306 : f32
      %eq3A_309 = arith.constant 6 : i32
      %eq3A_310 = vector.broadcast %eq3A_309 : i32 to vector<2048x1xi32>
      %eq3A_311 = arith.cmpi eq, %get3A_153, %eq3A_310 : vector<2048x1xi32>
      %jit3A_312 = arith.constant 0.000000e+00 : f32
      %broadcast_in_dim3A_313 = vector.broadcast %div3A_308 : f32 to vector<2048x1xf32>
      %broadcast_in_dim3A_314 = vector.broadcast %jit3A_312 : f32 to vector<2048x1xf32>
      %select_n3A_315 = arith.select %eq3A_311, %broadcast_in_dim3A_313, %broadcast_in_dim3A_314 : vector<2048x1xi1>, vector<2048x1xf32>
      %add3A_316 = arith.addf %add3A_293, %select_n3A_315 : vector<2048x1xf32>
      %eq3A_317 = arith.constant 7 : i32
      %eq3A_318 = vector.broadcast %eq3A_317 : i32 to vector<1x2048xi32>
      %eq3A_319 = arith.cmpi eq, %get3A_1, %eq3A_318 : vector<1x2048xi32>
      %convert_element_type3A_320 = arith.extui %eq3A_319 : vector<1x2048xi1> to vector<1x2048xi32>
      %convert_element_type3A_321 = arith.sitofp %convert_element_type3A_320 : vector<1x2048xi32> to vector<1x2048xf32>
      %reduce_sum3A_322 = vector.shape_cast %convert_element_type3A_321 : vector<1x2048xf32> to vector<1x1x2048xf32>
      %reduce_sum3A_323 = arith.constant dense<0.000000e+00> : vector<1xf32>
      %reduce_sum3A_324 = vector.multi_reduction <add>, %reduce_sum3A_322, %reduce_sum3A_323 [1, 2] : vector<1x1x2048xf32> to vector<1xf32>
      %reduce_sum3A_325 = vector.shape_cast %reduce_sum3A_324 : vector<1xf32> to vector<1x1x1xf32>
      %reduce_sum3A_326 = vector.extract %reduce_sum3A_325[0, 0, 0] : f32 from vector<1x1x1xf32>
      %sub3A_327 = arith.constant 2.048000e+03 : f32
      %sub3A_328 = arith.subf %sub3A_327, %reduce_sum3A_326 : f32
      %mul3A_329 = arith.mulf %reduce_sum3A_326, %sub3A_328 : f32
      %div3A_330 = arith.constant 0.693147182 : f32
      %div3A_331 = arith.divf %div3A_330, %mul3A_329 : f32
      %eq3A_332 = arith.constant 7 : i32
      %eq3A_333 = vector.broadcast %eq3A_332 : i32 to vector<2048x1xi32>
      %eq3A_334 = arith.cmpi eq, %get3A_153, %eq3A_333 : vector<2048x1xi32>
      %jit3A_335 = arith.constant 0.000000e+00 : f32
      %broadcast_in_dim3A_336 = vector.broadcast %div3A_331 : f32 to vector<2048x1xf32>
      %broadcast_in_dim3A_337 = vector.broadcast %jit3A_335 : f32 to vector<2048x1xf32>
      %select_n3A_338 = arith.select %eq3A_334, %broadcast_in_dim3A_336, %broadcast_in_dim3A_337 : vector<2048x1xi1>, vector<2048x1xf32>
      %add3A_339 = arith.addf %add3A_316, %select_n3A_338 : vector<2048x1xf32>
      %eq3A_340 = arith.constant 8 : i32
      %eq3A_341 = vector.broadcast %eq3A_340 : i32 to vector<1x2048xi32>
      %eq3A_342 = arith.cmpi eq, %get3A_1, %eq3A_341 : vector<1x2048xi32>
      %convert_element_type3A_343 = arith.extui %eq3A_342 : vector<1x2048xi1> to vector<1x2048xi32>
      %convert_element_type3A_344 = arith.sitofp %convert_element_type3A_343 : vector<1x2048xi32> to vector<1x2048xf32>
      %reduce_sum3A_345 = vector.shape_cast %convert_element_type3A_344 : vector<1x2048xf32> to vector<1x1x2048xf32>
      %reduce_sum3A_346 = arith.constant dense<0.000000e+00> : vector<1xf32>
      %reduce_sum3A_347 = vector.multi_reduction <add>, %reduce_sum3A_345, %reduce_sum3A_346 [1, 2] : vector<1x1x2048xf32> to vector<1xf32>
      %reduce_sum3A_348 = vector.shape_cast %reduce_sum3A_347 : vector<1xf32> to vector<1x1x1xf32>
      %reduce_sum3A_349 = vector.extract %reduce_sum3A_348[0, 0, 0] : f32 from vector<1x1x1xf32>
      %sub3A_350 = arith.constant 2.048000e+03 : f32
      %sub3A_351 = arith.subf %sub3A_350, %reduce_sum3A_349 : f32
      %mul3A_352 = arith.mulf %reduce_sum3A_349, %sub3A_351 : f32
      %div3A_353 = arith.constant 0.693147182 : f32
      %div3A_354 = arith.divf %div3A_353, %mul3A_352 : f32
      %eq3A_355 = arith.constant 8 : i32
      %eq3A_356 = vector.broadcast %eq3A_355 : i32 to vector<2048x1xi32>
      %eq3A_357 = arith.cmpi eq, %get3A_153, %eq3A_356 : vector<2048x1xi32>
      %jit3A_358 = arith.constant 0.000000e+00 : f32
      %broadcast_in_dim3A_359 = vector.broadcast %div3A_354 : f32 to vector<2048x1xf32>
      %broadcast_in_dim3A_360 = vector.broadcast %jit3A_358 : f32 to vector<2048x1xf32>
      %select_n3A_361 = arith.select %eq3A_357, %broadcast_in_dim3A_359, %broadcast_in_dim3A_360 : vector<2048x1xi1>, vector<2048x1xf32>
      %add3A_362 = arith.addf %add3A_339, %select_n3A_361 : vector<2048x1xf32>
      %eq3A_363 = arith.constant 9 : i32
      %eq3A_364 = vector.broadcast %eq3A_363 : i32 to vector<1x2048xi32>
      %eq3A_365 = arith.cmpi eq, %get3A_1, %eq3A_364 : vector<1x2048xi32>
      %convert_element_type3A_366 = arith.extui %eq3A_365 : vector<1x2048xi1> to vector<1x2048xi32>
      %convert_element_type3A_367 = arith.sitofp %convert_element_type3A_366 : vector<1x2048xi32> to vector<1x2048xf32>
      %reduce_sum3A_368 = vector.shape_cast %convert_element_type3A_367 : vector<1x2048xf32> to vector<1x1x2048xf32>
      %reduce_sum3A_369 = arith.constant dense<0.000000e+00> : vector<1xf32>
      %reduce_sum3A_370 = vector.multi_reduction <add>, %reduce_sum3A_368, %reduce_sum3A_369 [1, 2] : vector<1x1x2048xf32> to vector<1xf32>
      %reduce_sum3A_371 = vector.shape_cast %reduce_sum3A_370 : vector<1xf32> to vector<1x1x1xf32>
      %reduce_sum3A_372 = vector.extract %reduce_sum3A_371[0, 0, 0] : f32 from vector<1x1x1xf32>
      %sub3A_373 = arith.constant 2.048000e+03 : f32
      %sub3A_374 = arith.subf %sub3A_373, %reduce_sum3A_372 : f32
      %mul3A_375 = arith.mulf %reduce_sum3A_372, %sub3A_374 : f32
      %div3A_376 = arith.constant 0.693147182 : f32
      %div3A_377 = arith.divf %div3A_376, %mul3A_375 : f32
      %eq3A_378 = arith.constant 9 : i32
      %eq3A_379 = vector.broadcast %eq3A_378 : i32 to vector<2048x1xi32>
      %eq3A_380 = arith.cmpi eq, %get3A_153, %eq3A_379 : vector<2048x1xi32>
      %jit3A_381 = arith.constant 0.000000e+00 : f32
      %broadcast_in_dim3A_382 = vector.broadcast %div3A_377 : f32 to vector<2048x1xf32>
      %broadcast_in_dim3A_383 = vector.broadcast %jit3A_381 : f32 to vector<2048x1xf32>
      %select_n3A_384 = arith.select %eq3A_380, %broadcast_in_dim3A_382, %broadcast_in_dim3A_383 : vector<2048x1xi1>, vector<2048x1xf32>
      %add3A_385 = arith.addf %add3A_362, %select_n3A_384 : vector<2048x1xf32>
      %swap3A_386 = arith.constant 0 : index
      %swap3A_387 = arith.constant 0 : index
      %swap3A_388 = vector.load %arg15[%swap3A_386, %swap3A_387] : memref<2048x1xf32, #tpu.memory_space<vmem>>, vector<2048x1xf32>
      tpu.vector_store %arg15[%swap3A_386, %swap3A_387], %add3A_385 {strides = array<i32>} : memref<2048x1xf32, #tpu.memory_space<vmem>>, vector<2048x1xf32>,
      %broadcast_in_dim3A_389 = arith.constant 0.000000e+00 : f32
      %broadcast_in_dim3A_390 = vector.broadcast %broadcast_in_dim3A_389 : f32 to vector<1x2048xf32>
      %swap3A_391 = arith.constant 0 : index
      %swap3A_392 = arith.constant 0 : index
      %swap3A_393 = vector.load %arg16[%swap3A_391, %swap3A_392] : memref<1x2048xf32, #tpu.memory_space<vmem>>, vector<1x2048xf32>
      tpu.vector_store %arg16[%swap3A_391, %swap3A_392], %broadcast_in_dim3A_390 {strides = array<i32>} : memref<1x2048xf32, #tpu.memory_space<vmem>>, vector<1x2048xf32>,
      %broadcast_in_dim3A_394 = arith.constant 0.000000e+00 : f32
      %broadcast_in_dim3A_395 = vector.broadcast %broadcast_in_dim3A_394 : f32 to vector<1x2048xf32>
      %swap3A_396 = arith.constant 0 : index
      %swap3A_397 = arith.constant 0 : index
      %swap3A_398 = vector.load %arg17[%swap3A_396, %swap3A_397] : memref<1x2048xf32, #tpu.memory_space<vmem>>, vector<1x2048xf32>
      tpu.vector_store %arg17[%swap3A_396, %swap3A_397], %broadcast_in_dim3A_395 {strides = array<i32>} : memref<1x2048xf32, #tpu.memory_space<vmem>>, vector<1x2048xf32>,
    } else {
    }
    %mul3A = arith.constant 256 : i32
    %mul3A_4 = arith.muli %arg0, %mul3A : i32
    %get3A_5 = arith.index_cast %mul3A_4 : i32 to index
    %get3A_6 = arith.constant 0 : index
    %get3A_7 = vector.load %arg7[%get3A_5, %get3A_6] : memref<2048x1xi32, #tpu.memory_space<vmem>>, vector<256x1xi32>
    %iota3A = tpu.iota {dimensions = array<i32: 1>} : vector<1x10xi32>
    %eq3A_8 = vector.broadcast %get3A_7 : vector<256x1xi32> to vector<256x10xi32>
    %eq3A_9 = vector.broadcast %iota3A : vector<1x10xi32> to vector<256x10xi32>
    %eq3A_10 = arith.cmpi eq, %eq3A_8, %eq3A_9 : vector<256x10xi32>
    %convert_element_type3A_11 = arith.extui %eq3A_10 : vector<256x10xi1> to vector<256x10xi32>
    %convert_element_type3A_12 = arith.sitofp %convert_element_type3A_11 : vector<256x10xi32> to vector<256x10xf32>
    %get3A_13 = arith.index_cast %mul3A_4 : i32 to index
    %get3A_14 = arith.constant 0 : index
    %get3A_15 = vector.load %arg3[%get3A_13, %get3A_14] : memref<2048x1xf32, #tpu.memory_space<vmem>>, vector<256x1xf32>
    %mul3A_16 = vector.broadcast %get3A_15 : vector<256x1xf32> to vector<256x10xf32>
    %mul3A_17 = arith.mulf %convert_element_type3A_12, %mul3A_16 : vector<256x10xf32>
    %get3A_18 = arith.constant 0 : index
    %get3A_19 = arith.constant 0 : index
    %get3A_20 = vector.load %arg11[%get3A_18, %get3A_19] : memref<2048x10xf32, #tpu.memory_space<vmem>>, vector<2048x10xf32>
    %dot_general3A = arith.constant dense<0.000000e+00> : vector<256x2048xf32>
    %dot_general3A_21 = tpu.matmul %mul3A_17, %get3A_20, %dot_general3A {dimension_numbers = #tpu.dot_dimension_numbers<[1], [1], [0], [0], [0, 0, 1, 0], [], []>, transpose_lhs_hint = false} : vector<256x10xf32>, vector<2048x10xf32>, vector<256x2048xf32> -> vector<256x2048xf32>
    %get3A_22 = arith.index_cast %mul3A_4 : i32 to index
    %get3A_23 = arith.constant 0 : index
    %get3A_24 = vector.load %arg4[%get3A_22, %get3A_23] : memref<2048x1xf32, #tpu.memory_space<vmem>>, vector<256x1xf32>
    %mul3A_25 = vector.broadcast %get3A_24 : vector<256x1xf32> to vector<256x10xf32>
    %mul3A_26 = arith.mulf %convert_element_type3A_12, %mul3A_25 : vector<256x10xf32>
    %get3A_27 = arith.constant 0 : index
    %get3A_28 = arith.constant 0 : index
    %get3A_29 = vector.load %arg12[%get3A_27, %get3A_28] : memref<2048x10xf32, #tpu.memory_space<vmem>>, vector<2048x10xf32>
    %dot_general3A_30 = arith.constant dense<0.000000e+00> : vector<256x2048xf32>
    %dot_general3A_31 = tpu.matmul %mul3A_26, %get3A_29, %dot_general3A_30 {dimension_numbers = #tpu.dot_dimension_numbers<[1], [1], [0], [0], [0, 0, 1, 0], [], []>, transpose_lhs_hint = false} : vector<256x10xf32>, vector<2048x10xf32>, vector<256x2048xf32> -> vector<256x2048xf32>
    %get3A_32 = arith.index_cast %mul3A_4 : i32 to index
    %get3A_33 = arith.constant 0 : index
    %get3A_34 = vector.load %arg5[%get3A_32, %get3A_33] : memref<2048x1xf32, #tpu.memory_space<vmem>>, vector<256x1xf32>
    %mul3A_35 = vector.broadcast %get3A_34 : vector<256x1xf32> to vector<256x10xf32>
    %mul3A_36 = arith.mulf %convert_element_type3A_12, %mul3A_35 : vector<256x10xf32>
    %get3A_37 = arith.constant 0 : index
    %get3A_38 = arith.constant 0 : index
    %get3A_39 = vector.load %arg13[%get3A_37, %get3A_38] : memref<2048x10xf32, #tpu.memory_space<vmem>>, vector<2048x10xf32>
    %dot_general3A_40 = arith.constant dense<0.000000e+00> : vector<256x2048xf32>
    %dot_general3A_41 = tpu.matmul %mul3A_36, %get3A_39, %dot_general3A_40 {dimension_numbers = #tpu.dot_dimension_numbers<[1], [1], [0], [0], [0, 0, 1, 0], [], []>, transpose_lhs_hint = false} : vector<256x10xf32>, vector<2048x10xf32>, vector<256x2048xf32> -> vector<256x2048xf32>
    %get3A_42 = arith.index_cast %mul3A_4 : i32 to index
    %get3A_43 = arith.constant 0 : index
    %get3A_44 = vector.load %arg6[%get3A_42, %get3A_43] : memref<2048x1xf32, #tpu.memory_space<vmem>>, vector<256x1xf32>
    %mul3A_45 = vector.broadcast %get3A_44 : vector<256x1xf32> to vector<256x10xf32>
    %mul3A_46 = arith.mulf %convert_element_type3A_12, %mul3A_45 : vector<256x10xf32>
    %get3A_47 = arith.constant 0 : index
    %get3A_48 = arith.constant 0 : index
    %get3A_49 = vector.load %arg14[%get3A_47, %get3A_48] : memref<2048x10xf32, #tpu.memory_space<vmem>>, vector<2048x10xf32>
    %dot_general3A_50 = arith.constant dense<0.000000e+00> : vector<256x2048xf32>
    %dot_general3A_51 = tpu.matmul %mul3A_46, %get3A_49, %dot_general3A_50 {dimension_numbers = #tpu.dot_dimension_numbers<[1], [1], [0], [0], [0, 0, 1, 0], [], []>, transpose_lhs_hint = false} : vector<256x10xf32>, vector<2048x10xf32>, vector<256x2048xf32> -> vector<256x2048xf32>
    %ne3A = vector.broadcast %get3A_7 : vector<256x1xi32> to vector<256x2048xi32>
    %ne3A_52 = vector.broadcast %get3A_1 : vector<1x2048xi32> to vector<256x2048xi32>
    %ne3A_53 = arith.cmpi ne, %ne3A, %ne3A_52 : vector<256x2048xi32>
    %get3A_54 = arith.index_cast %mul3A_4 : i32 to index
    %get3A_55 = arith.constant 0 : index
    %get3A_56 = vector.load %arg15[%get3A_54, %get3A_55] : memref<2048x1xf32, #tpu.memory_space<vmem>>, vector<256x1xf32>
    %jit3A = arith.constant 0.000000e+00 : f32
    %broadcast_in_dim3A = vector.shape_cast %get3A_56 : vector<256x1xf32> to vector<256x1xf32>
    %broadcast_in_dim3A_57 = vector.broadcast %broadcast_in_dim3A : vector<256x1xf32> to vector<256x2048xf32>
    %broadcast_in_dim3A_58 = vector.broadcast %jit3A : f32 to vector<256x2048xf32>
    %select_n3A = arith.select %ne3A_53, %broadcast_in_dim3A_57, %broadcast_in_dim3A_58 : vector<256x2048xi1>, vector<256x2048xf32>
    %add3A = arith.constant 2.10517097 : f32
    %add3A_59 = vector.broadcast %add3A : f32 to vector<256x2048xf32>
    %add3A_60 = arith.addf %add3A_59, %dot_general3A_21 : vector<256x2048xf32>
    %add3A_61 = arith.addf %add3A_60, %dot_general3A_31 : vector<256x2048xf32>
    %log3A = math.log %add3A_61 : vector<256x2048xf32>
    %log3A_62 = arith.constant 2.000000e+00 : f32
    %log3A_63 = math.log %log3A_62 : f32
    %div3A = vector.broadcast %log3A_63 : f32 to vector<256x2048xf32>
    %div3A_64 = arith.divf %log3A, %div3A : vector<256x2048xf32>
    %add3A_65 = arith.constant 2.10517097 : f32
    %add3A_66 = vector.broadcast %add3A_65 : f32 to vector<256x2048xf32>
    %add3A_67 = arith.addf %add3A_66, %dot_general3A_41 : vector<256x2048xf32>
    %add3A_68 = arith.addf %add3A_67, %dot_general3A_51 : vector<256x2048xf32>
    %log3A_69 = math.log %add3A_68 : vector<256x2048xf32>
    %log3A_70 = arith.constant 2.000000e+00 : f32
    %log3A_71 = math.log %log3A_70 : f32
    %div3A_72 = vector.broadcast %log3A_71 : f32 to vector<256x2048xf32>
    %div3A_73 = arith.divf %log3A_69, %div3A_72 : vector<256x2048xf32>
    %get3A_74 = arith.constant 0 : index
    %get3A_75 = arith.constant 0 : index
    %get3A_76 = vector.load %arg16[%get3A_74, %get3A_75] : memref<1x2048xf32, #tpu.memory_space<vmem>>, vector<1x2048xf32>
    %mul3A_77 = arith.mulf %select_n3A, %div3A_64 : vector<256x2048xf32>
    %reduce_sum3A = arith.constant dense<0.000000e+00> : vector<2048xf32>
    %reduce_sum3A_78 = vector.multi_reduction <add>, %mul3A_77, %reduce_sum3A [0] : vector<256x2048xf32> to vector<2048xf32>
    %broadcast_in_dim3A_79 = vector.shape_cast %reduce_sum3A_78 : vector<2048xf32> to vector<1x2048xf32>
    %add3A_80 = arith.addf %get3A_76, %broadcast_in_dim3A_79 : vector<1x2048xf32>
    %swap3A = arith.constant 0 : index
    %swap3A_81 = arith.constant 0 : index
    %swap3A_82 = vector.load %arg16[%swap3A, %swap3A_81] : memref<1x2048xf32, #tpu.memory_space<vmem>>, vector<1x2048xf32>
    tpu.vector_store %arg16[%swap3A, %swap3A_81], %add3A_80 {strides = array<i32>} : memref<1x2048xf32, #tpu.memory_space<vmem>>, vector<1x2048xf32>,
    %get3A_83 = arith.constant 0 : index
    %get3A_84 = arith.constant 0 : index
    %get3A_85 = vector.load %arg17[%get3A_83, %get3A_84] : memref<1x2048xf32, #tpu.memory_space<vmem>>, vector<1x2048xf32>
    %mul3A_86 = arith.mulf %select_n3A, %div3A_73 : vector<256x2048xf32>
    %reduce_sum3A_87 = arith.constant dense<0.000000e+00> : vector<2048xf32>
    %reduce_sum3A_88 = vector.multi_reduction <add>, %mul3A_86, %reduce_sum3A_87 [0] : vector<256x2048xf32> to vector<2048xf32>
    %broadcast_in_dim3A_89 = vector.shape_cast %reduce_sum3A_88 : vector<2048xf32> to vector<1x2048xf32>
    %add3A_90 = arith.addf %get3A_85, %broadcast_in_dim3A_89 : vector<1x2048xf32>
    %swap3A_91 = arith.constant 0 : index
    %swap3A_92 = arith.constant 0 : index
    %swap3A_93 = vector.load %arg17[%swap3A_91, %swap3A_92] : memref<1x2048xf32, #tpu.memory_space<vmem>>, vector<1x2048xf32>
    tpu.vector_store %arg17[%swap3A_91, %swap3A_92], %add3A_90 {strides = array<i32>} : memref<1x2048xf32, #tpu.memory_space<vmem>>, vector<1x2048xf32>,
    %eq3A_94 = arith.constant 7 : i32
    %eq3A_95 = arith.cmpi eq, %arg0, %eq3A_94 : i32
    %convert_element_type3A_96 = arith.extui %eq3A_95 : i1 to i32
    %cond3A_97 = arith.constant 0 : i32
    %cond3A_98 = arith.cmpi ne, %convert_element_type3A_96, %cond3A_97 : i32
    scf.if %cond3A_98 {
      %get3A_99 = arith.constant 0 : index
      %get3A_100 = arith.constant 0 : index
      %get3A_101 = vector.load %arg16[%get3A_99, %get3A_100] : memref<1x2048xf32, #tpu.memory_space<vmem>>, vector<1x2048xf32>
      %reduce_sum3A_102 = vector.shape_cast %get3A_101 : vector<1x2048xf32> to vector<1x1x2048xf32>
      %reduce_sum3A_103 = arith.constant dense<0.000000e+00> : vector<1xf32>
      %reduce_sum3A_104 = vector.multi_reduction <add>, %reduce_sum3A_102, %reduce_sum3A_103 [1, 2] : vector<1x1x2048xf32> to vector<1xf32>
      %reduce_sum3A_105 = vector.shape_cast %reduce_sum3A_104 : vector<1xf32> to vector<1x1x1xf32>
      %reduce_sum3A_106 = vector.extract %reduce_sum3A_105[0, 0, 0] : f32 from vector<1x1x1xf32>
      %reshape3A = vector.broadcast %reduce_sum3A_106 : f32 to vector<1x1xf32>
      %swap3A_107 = arith.constant 0 : index
      %swap3A_108 = arith.constant 0 : index
      %swap3A_109 = vector.load %arg9[%swap3A_107, %swap3A_108] : memref<1x1xf32, #tpu.memory_space<vmem>>, vector<1x1xf32>
      tpu.vector_store %arg9[%swap3A_107, %swap3A_108], %reshape3A {strides = array<i32>} : memref<1x1xf32, #tpu.memory_space<vmem>>, vector<1x1xf32>,
      %get3A_110 = arith.constant 0 : index
      %get3A_111 = arith.constant 0 : index
      %get3A_112 = vector.load %arg17[%get3A_110, %get3A_111] : memref<1x2048xf32, #tpu.memory_space<vmem>>, vector<1x2048xf32>
      %reduce_sum3A_113 = vector.shape_cast %get3A_112 : vector<1x2048xf32> to vector<1x1x2048xf32>
      %reduce_sum3A_114 = arith.constant dense<0.000000e+00> : vector<1xf32>
      %reduce_sum3A_115 = vector.multi_reduction <add>, %reduce_sum3A_113, %reduce_sum3A_114 [1, 2] : vector<1x1x2048xf32> to vector<1xf32>
      %reduce_sum3A_116 = vector.shape_cast %reduce_sum3A_115 : vector<1xf32> to vector<1x1x1xf32>
      %reduce_sum3A_117 = vector.extract %reduce_sum3A_116[0, 0, 0] : f32 from vector<1x1x1xf32>
      %reshape3A_118 = vector.broadcast %reduce_sum3A_117 : f32 to vector<1x1xf32>
      %swap3A_119 = arith.constant 0 : index
      %swap3A_120 = arith.constant 0 : index
      %swap3A_121 = vector.load %arg10[%swap3A_119, %swap3A_120] : memref<1x1xf32, #tpu.memory_space<vmem>>, vector<1x1xf32>
      tpu.vector_store %arg10[%swap3A_119, %swap3A_120], %reshape3A_118 {strides = array<i32>} : memref<1x1xf32, #tpu.memory_space<vmem>>, vector<1x1xf32>,
    } else {
    }
    return
  }
  func.func @transform_0(%arg0: i32) -> (i32, i32) {
    %c0_i32 = arith.constant 0 : i32
    %c0_i32_0 = arith.constant 0 : i32
    %c0_i32_1 = arith.constant 0 : i32
    return %c0_i32, %c0_i32_0 : i32, i32
  }
  func.func @transform_1(%arg0: i32) -> (i32, i32) {
    %c0_i32 = arith.constant 0 : i32
    %c0_i32_0 = arith.constant 0 : i32
    %c0_i32_1 = arith.constant 0 : i32
    return %c0_i32, %c0_i32_0 : i32, i32
  }
  func.func @transform_2(%arg0: i32) -> (i32, i32) {
    %c0_i32 = arith.constant 0 : i32
    %c0_i32_0 = arith.constant 0 : i32
    %c0_i32_1 = arith.constant 0 : i32
    return %c0_i32, %c0_i32_0 : i32, i32
  }
  func.func @transform_3(%arg0: i32) -> (i32, i32) {
    %c0_i32 = arith.constant 0 : i32
    %c0_i32_0 = arith.constant 0 : i32
    %c0_i32_1 = arith.constant 0 : i32
    return %c0_i32, %c0_i32_0 : i32, i32
  }
  func.func @transform_4(%arg0: i32) -> (i32, i32) {
    %c0_i32 = arith.constant 0 : i32
    %c0_i32_0 = arith.constant 0 : i32
    %c0_i32_1 = arith.constant 0 : i32
    return %c0_i32, %c0_i32_0 : i32, i32
  }
  func.func @transform_5(%arg0: i32) -> (i32, i32) {
    %c0_i32 = arith.constant 0 : i32
    %c0_i32_0 = arith.constant 0 : i32
    %c0_i32_1 = arith.constant 0 : i32
    return %c0_i32, %c0_i32_0 : i32, i32
  }
  func.func @transform_6(%arg0: i32) -> (i32, i32) {
    %c0_i32 = arith.constant 0 : i32
    %c0_i32_0 = arith.constant 0 : i32
    %c0_i32_1 = arith.constant 0 : i32
    return %c0_i32, %c0_i32_0 : i32, i32
  }
  func.func @transform_7(%arg0: i32) -> (i32, i32) {
    %c0_i32 = arith.constant 0 : i32
    %c0_i32_0 = arith.constant 0 : i32
    %c0_i32_1 = arith.constant 0 : i32
    return %c0_i32, %c0_i32_0 : i32, i32
  }
  func.func @transform_8(%arg0: i32) -> (i32, i32) {
    %c0_i32 = arith.constant 0 : i32
    %c0_i32_0 = arith.constant 0 : i32
    %c0_i32_1 = arith.constant 0 : i32
    return %c0_i32, %c0_i32_0 : i32, i32
  }
  func.func @transform_9(%arg0: i32) -> (i32, i32) {
    %c0_i32 = arith.constant 0 : i32
    %c0_i32_0 = arith.constant 0 : i32
    %c0_i32_1 = arith.constant 0 : i32
    return %c0_i32, %c0_i32_0 : i32, i32
  }
}

</mosaic_0001>

<sc_bundles>
// kernel: kernel.4.cloned.1.call-start
scs
__scs_entry_jumppad:
0x0: {  	(pc) =	sbr.rel $0x88, $3  }
0x1: {  	(tag) =	ssettag $0x0;
	lr =	simm.s32 $0x1  }
0x2: {  	[smem:$0x3F9E] =	sst lr;
	_ =	strace $0xD0000000  }
0x3: {  	_ = 	snop  }
0x4: {  	_ = 	snop  }
0x5: {  	_ = 	snop  }
0x6: {  	_ = 	snop  }
0x7: {  	_ = 	snop  }
__scs_overlays_trampoline_lowered:
0x8: {  	[smem:$0x3FAD] =	sst s0  }
0x9: {  	[smem:$0x3FAE] =	sst s1  }
0xa: {  	[smem:$0x3FAF] =	sst s2  }
0xb: {  	[smem:$0x3FB0] =	sst s3  }
0xc: {  	[smem:$0x3FB1] =	sst s4  }
0xd: {  	[smem:$0x3FB2] =	sst s5  }
0xe: {  	[smem:$0x3FB3] =	sst s6  }
0xf: {  	[smem:$0x3FB4] =	sst s7  }
0x10: {  	[smem:$0x3FB5] =	sst s8  }
0x11: {  	[smem:$0x3FB6] =	sst s9;
	s0 =	simm.s32 @!p0 $0x0  }
0x12: {  	s1 =	sld [smem:$0x3F9C];
	s0 =	simm.s32 @p0 $0x1  }
0x13: {  	[smem:$0x3FB7] =	sst s0;
	s0 =	simm.s32 @!p1 $0x0  }
0x14: {  	s2 =	sld [smem:$0x3F9B];
	s0 =	simm.s32 @p1 $0x1  }
0x15: {  	[smem:$0x3FB8] =	sst s0;
	s0 =	simm.s32 @!p2 $0x0  }
0x16: {  	s3 =	sld [smem:$0x3FDB];
	s0 =	simm.s32 @p2 $0x1  }
0x17: {  	s4 =	simm.s32 $0x1BF5;
	[smem:$0x3FBA] =	sst s0  }
0x18: {  	s0 =	sld [smem:$0x3F9D];
	_ =	swait.ge [sflag:s4], $0x0  }
0x19: {  	s7 =	sld [smem:$0x3F9E]  }
0x1a: {  	s8 =	sadd.s32 $0xFFFFE003, lr  }
0x1b: {  	s9 =	sadd.s32 $0xFFFFFEF7, lr;
	s5 =	simm.s32 $0xFFFFFFFF;
	p2 =	slt.u32 s8, $0xFFFFF086  }
0x1c: {  	p1 =	slt.u32 s9, $0xF7A;
	s5 =	simm.s32 @!p2 $0x0  }
0x1d: {  	s5 =	simm.s32 @p1 $0x1;
	p0 =	seq.s32 s7, s2  }
0x1e: {  	s7 =	smul.u32 @!p0 $0xF7A, s2;
	p2 =	seq.s32 @!p0 s5, $0x0  }
0x1f: {  	s9 =	smul.u32 $0xF7A, s1;
	s8 =	simm.s32 @!p0 $0x1BF5;
	p2 =	por !p2, p0  }
0x20: {  	[sflag:s8] =	ssyncset.s32 @!p0 $0xFFFFF086;
	s6 =	sadd.s32 @!p0 s3, s7;
	s7 =	simm.s32 @!p0 $0x108  }
0x21: {  	s3 =	sadd.s32 s3, s9;
	s6 =	sadd.s32 @!p0 $0x88, s6;
	s7 =	simm.s32 @p2 $0x1082  }
0x22: {  	[simem:s7], [sflag:s8] =	dma.local @!p0 [hbm:s6], $0xF7A  }
0x23: {  	s9 =	sor.u32 $0xD0000000, s2;
	s6 =	simm.s32 $0x108;
	_ =	swait.ge @!p0 [sflag:s8], $0x0  }
0x24: {  	s3 =	sadd.s32 $0x88, s3;
	s6 =	simm.s32 @!p1 $0x1082;
	[sflag:s4] =	ssyncset.s32 $0xFFFFF086  }
0x25: {  	[simem:s6], [sflag:s4] =	dma.local [hbm:s3], $0xF7A  }
0x26: {  	[smem:$0x3F9E] =	sst s1;
	(tag) =	ssettag s2;
	_ =	strace s9  }
0x27: {  	s1 =	sld [smem:$0x3FAE]  }
0x28: {  	s2 =	sld [smem:$0x3FAF]  }
0x29: {  	s4 =	sld [smem:$0x3FB1]  }
0x2a: {  	p0 =	seq.s32 s5, $0x0;
	s5 =	sld [smem:$0x3FB2]  }
0x2b: {  	s6 =	sld [smem:$0x3FB3]  }
0x2c: {  	s7 =	sld [smem:$0x3FB4]  }
0x2d: {  	s3 =	simm.s32 $0x108;
	s8 =	sld [smem:$0x3FB5]  }
0x2e: {  	s3 =	simm.s32 @!p0 $0x1082;
	s9 =	sld [smem:$0x3FB6]  }
0x2f: {  	lr =	sadd.s32 s0, s3;
	s0 =	sld [smem:$0x3FAD]  }
0x30: {  	s3 =	sld [smem:$0x3FB0]  }
0x31: {  	[smem:$0x3FB9] =	sst s10  }
0x32: {  	s10 =	sld [smem:$0x3FB7];
	_ =	sdelay $0x3  }
0x33: {  	p0 =	seq.s32 s10, $0x1;
	s10 =	sld [smem:$0x3FB9];
	_ =	sdelay $0x3  }
0x34: {  	[smem:$0x3FB9] =	sst s10  }
0x35: {  	s10 =	sld [smem:$0x3FB8];
	_ =	sdelay $0x3  }
0x36: {  	p1 =	seq.s32 s10, $0x1;
	s10 =	sld [smem:$0x3FB9];
	_ =	sdelay $0x3  }
0x37: {  	[smem:$0x3FB9] =	sst s10  }
0x38: {  	s10 =	sld [smem:$0x3FBA]  }
0x39: {  	_ = 	snop;
	(pc) =	sbr.ind lr, $3  }
0x3a: {  	_ = 	snop  }
0x3b: {  	_ = 	snop  }
0x3c: {  	p2 =	seq.s32 s10, $0x1;
	s10 =	sld [smem:$0x3FB9]  }
0x3d: {  	_ =	shalt  }
0x3e: {  	_ =	shalt  }
0x3f: {  	_ =	shalt  }
0x40: {  	_ =	shalt  }
0x41: {  	_ =	shalt  }
0x42: {  	_ =	shalt  }
0x43: {  	_ =	shalt  }
0x44: {  	_ =	shalt  }
0x45: {  	_ =	shalt  }
0x46: {  	_ =	shalt  }
0x47: {  	_ =	shalt  }
0x48: {  	_ =	shalt  }
0x49: {  	_ =	shalt  }
0x4a: {  	_ =	shalt  }
0x4b: {  	_ =	shalt  }
0x4c: {  	_ =	shalt  }
0x4d: {  	_ =	shalt  }
0x4e: {  	_ =	shalt  }
0x4f: {  	_ =	shalt  }
0x50: {  	_ =	shalt  }
0x51: {  	_ =	shalt  }
0x52: {  	_ =	shalt  }
0x53: {  	_ =	shalt  }
0x54: {  	_ =	shalt  }
0x55: {  	_ =	shalt  }
0x56: {  	_ =	shalt  }
0x57: {  	_ =	shalt  }
0x58: {  	_ =	shalt  }
0x59: {  	_ =	shalt  }
0x5a: {  	_ =	shalt  }
0x5b: {  	_ =	shalt  }
0x5c: {  	_ =	shalt  }
0x5d: {  	_ =	shalt  }
0x5e: {  	_ =	shalt  }
0x5f: {  	_ =	shalt  }
0x60: {  	_ =	shalt  }
0x61: {  	_ =	shalt  }
0x62: {  	_ =	shalt  }
0x63: {  	_ =	shalt  }
0x64: {  	_ =	shalt  }
0x65: {  	_ =	shalt  }
0x66: {  	_ =	shalt  }
0x67: {  	_ =	shalt  }
0x68: {  	_ =	shalt  }
0x69: {  	_ =	shalt  }
0x6a: {  	_ =	shalt  }
0x6b: {  	_ =	shalt  }
0x6c: {  	_ =	shalt  }
0x6d: {  	_ =	shalt  }
0x6e: {  	_ =	shalt  }
0x6f: {  	_ =	shalt  }
0x70: {  	_ =	shalt  }
0x71: {  	_ =	shalt  }
0x72: {  	_ =	shalt  }
0x73: {  	_ =	shalt  }
0x74: {  	_ =	shalt  }
0x75: {  	_ =	shalt  }
0x76: {  	_ =	shalt  }
0x77: {  	_ =	shalt  }
0x78: {  	_ =	shalt  }
0x79: {  	_ =	shalt  }
0x7a: {  	_ =	shalt  }
0x7b: {  	_ =	shalt  }
0x7c: {  	_ =	shalt  }
0x7d: {  	_ =	shalt  }
0x7e: {  	_ =	shalt  }
0x7f: {  	_ =	shalt  }
0x80: {  	_ =	shalt  }
0x81: {  	_ =	shalt  }
0x82: {  	_ =	shalt  }
0x83: {  	_ =	shalt  }
0x84: {  	_ =	shalt  }
0x85: {  	_ =	shalt  }
0x86: {  	_ =	shalt  }
0x87: {  	_ =	shalt  }
.Lfunc_end0:
.L_simem_size_0:
called_computation_lowered:
.L_overlay_start_0:
0x88: {  	s2 =	sld [smem:$0x3FD9]  }
0x89: {  	s3 =	sld [smem:$0x3FFE];
	_ =	sdelay $0x1  }
0x8a: {  	s1 =	srdreg.scid  }
0x8b: {  	s0 =	sand.u32 $0x1, s1  }
0x8c: {  	s17 =	sshll.u32 s0, $0xA;
	s2 =	sadd.s32 s3, s2  }
0x8d: {  	s2 =	sadd.s32 s2, s17  }
0x8e: {  	[smem:$0x3FC5] =	sst s2  }
0x8f: {  	_ = 	snop  }
0x90: {  	s2 =	sld [smem:$0x3FC7];
	(tm) =	ssettm $0x1  }
0x91: {  	s18 =	sld [smem:$0x3FFB];
	_ =	sdelay $0x3  }
0x92: {  	_ =	strace s18  }
0x93: {  	s3 =	sld [smem:$0x3FFC];
	_ =	sdelay $0x3  }
0x94: {  	_ =	strace s3  }
0x95: {  	s3 =	sld [smem:$0x3FFD];
	_ =	sdelay $0x3  }
0x96: {  	_ =	strace s3  }
0x97: {  	_ =	strace $0x8FFFFFFF  }
0x98: {  	s19 =	sld [smem:$0x3FDB];
	_ =	sdelay $0x1  }
0x99: {  	s4 =	simm.s32 $_scs_section_size  }
0x9a: {  	s5 =	simm.s32 $_size__tile_overlayer_lowered;
	s6 =	simm.s32 $_tile_overlayer_lowered  }
0x9b: {  	s22 =	simm.s32 $0x1BFF;
	s21 =	sshll.u32 s6, $0x1;
	s3 =	sadd.s32 s4, s19  }
0x9c: {  	s7 =	simm.s32 $0x0;
	s20 =	sshll.u32 s5, $0x1;
	s5 =	sadd.s32 s21, s3  }
0x9d: {  	[timem:s7], [sflag:s22] =	dma.local [hbm:s5], s20  }
0x9e: {  	_ =	swait.ge [sflag:s22], s20  }
0x9f: {  	s4 =	ssub.s32 $0x0, s20;
	[sflag:s22] =	ssyncset.done $0x0  }
0xa0: {  	[sflag:s22] =	ssyncadd.s32 s4;
	_ =	sdelay $0x1  }
0xa1: {  	s23 =	simm.s32 $0x1B8B  }
0xa2: {  	_ =	swait.ge [sflag:s23], $0x1  }
0xa3: {  	[sflag:s23] =	ssyncset.done $0x0  }
0xa4: {  	s25 =	simm.s32 $0x1B8E;
	s24 =	sld [smem:$0x3FFE];
	[sflag:s23] =	ssyncadd.s32 $0xFFFFFFFF  }
0xa5: {  	s26 =	simm.s32 $execute0_lowered;
	[smem:$0x3FD2] =	sst s25  }
0xa6: {  	s5 =	sshll.u32 s26, $0x1;
	_ =	strace $0x80000046;
	[dreg:$0x1] =	wrdreg $0xFFFFFFFF  }
0xa7: {  	s28 =	simm.s32 $_size_execute0_lowered;
	s3 =	sadd.s32 s3, s5;
	[dreg:$0x0] =	wrdreg $0x0  }
0xa8: {  	s5 =	sshll.u32 s28, $0x1;
	[dreg:$0x2] =	wrdreg s3  }
0xa9: {  	[dreg:$0x3] =	wrdreg s5  }
0xaa: {  	[dreg:$0x4] =	wrdreg $0xC0  }
0xab: {  	_ =	task [dreg:s7], $0x5FFFF  }
0xac: {  	[dreg:$0x1] =	wrdreg $0xFFFFFFFF  }
0xad: {  	[dreg:$0x0] =	wrdreg $0x60  }
0xae: {  	[dreg:$0x2] =	wrdreg s24  }
0xaf: {  	[dreg:$0x3] =	wrdreg s2  }
0xb0: {  	[dreg:$0x4] =	wrdreg $0x9  }
0xb1: {  	_ =	task.clear_ibuf [dreg:s7], $0x5FFFF;
	_ =	strace $0x90000046  }
0xb2: {  	s29 =	simm.s32 $0x9;
	_ =	strace $0x80000048  }
0xb3: {  	_ =	swait.ge [sflag:s29], $0x1  }
0xb4: {  	[sflag:s29] =	ssyncadd.s32 $0xFFFFFFFF  }
0xb5: {  	_ =	strace $0x90000048  }
0xb6: {  	_ =	sfence  }
0xb7: {  	s30 =	sld [smem:$0x0];
	_ =	sdelay $0x2  }
0xb8: {  	s31 =	sshll.u32 s1, $0xD;
	s1 =	sshrl.u32 s1, $0x2  }
0xb9: {  	s3 =	sand.u32 $0x4000, s31;
	s1 =	sadd.s32 s1, s30  }
0xba: {  	s0 =	sor.u32 s3, s0;
	s1 =	sshll.u32 s1, $0x11  }
0xbb: {  	s0 =	sor.u32 s1, s0  }
0xbc: {  	s0 =	sadd.s32 $0x8F2B, s0  }
0xbd: {  	[sflag:s0] =	ssyncadd.remote.s32 $0x1  }
0xbe: {  	_ =	sfence.sel $0xFFFF  }
0xbf: {  	[dreg:$0x0] =	wrdreg $0xFFFFFFFF;
	(pc) =	sbr.abs _section_cstart, $3  }
0xc0: {  	[dreg:$0x1] =	wrdreg $0xFFFFFFFF  }
0xc1: {  	_ =	task.clear_ibuf [dreg:s7], $0x2FFFF;
	_ =	strace $0x9FFFFFFF  }
0xc2: {  	(tm) =	ssettm $0x7FFFFFFF  }
0xc3: {  	_ =	shalt  }
tec
execute0_lowered:
.L_overlay_start_1:
0x0: {  	(tag) =	ssettag $0x1  }
0x1: {  	s1 =	stileid.u32  }
0x2: {  	p0 =	sgt.u32 s1, $0x7  }
.Ltmp0:
0x3: {  	_ = 	snop;
	(pc) =	sbr.rel @p0 .LBB2_3-.Ltmp0, $4  }
0x4: {  	s3 =	rddreg [dreg:$0x0]  }
0x5: {  	s4 =	rddreg [dreg:$0x1];
	s2 =	simm.s32 $0x0  }
0x6: {  	[smem:$0x7FF] =	sst s2  }
0x7: {  	s0 =	rddreg [dreg:$0x2];
	_ =	strace $0x80000047  }
0x8: {  	s5 =	srdreg.scid  }
0x9: {  	s31 =	sshll.u32 s1, $0x1;
	s10 =	sadd.s32 $0x1400, s3;
	s13 =	simm.s32 $0x1  }
0xa: {  	s14 =	simm.s32 $0x800;
	s16 =	simm.s32 $0xC00;
	s17 =	simm.s32 $0x1000  }
0xb: {  	s18 =	simm.s32 $0x1080;
	s19 =	simm.s32 $0x1100;
	s6 =	sand.u32 $0x1, s5  }
0xc: {  	s20 =	simm.s32 $0x1180;
	s21 =	simm.s32 $0x1200;
	s5 =	sor.u32 s6, s31  }
0xd: {  	s11 =	ssub.s32 $0x2, s6;
	s9 =	sshll.u32 s5, $0x7;
	s5 =	sshll.u32 s5, $0x4  }
0xe: {  	s12 =	sshrl.u32 s11, $0x1;
	s7 =	sadd.s32 s9, s3;
	s8 =	sadd.s32 s5, s3  }
0xf: {  	s4 =	sadd.s32 s4, s5;
	s11 =	ssub.s32 s11, s12;
	s9 =	sadd.s32 s10, s9  }
0x10: {  	s12 =	simm.s32 $0x400;
	s3 =	sadd.s32 $0x2400, s7;
	s5 =	sadd.s32 $0x3600, s8  }
0x11: {  	s6 =	sadd.s32 $0x3400, s8;
	s7 =	sadd.s32 $0x3800, s8;
	s8 =	sadd.s32 $0x3A00, s8  }
0x12: {  	s10 =	sadd.s32 $0x800, s9;
	s11 =	smax.u32 s11, $0x1;
	s15 =	sadd.s32 $0x800, s3  }
.LBB2_2:
0x13: {  	[tilespmem:s2], [sflag:$0x1] =	stream.linear.gather [hbm4b:s9+s2], $0x400, $0x38;
	[tilespmem:$0x1280] =	vst v63  }
0x14: {  	_ = 	snop  }
0x15: {  	[tilespmem:s12], [sflag:$0x1] =	stream.linear.gather [hbm4b:s10+s2], $0x100, $0x38;
	[tilespmem:$0x1280] =	vst v63  }
0x16: {  	_ =	swait.ge [sflag:s13], $0x500  }
0x17: {  	[sflag:s13] =	ssyncset.done $0x0  }
0x18: {  	[sflag:s13] =	ssyncadd.s32 $0xFFFFFB00  }
0x19: {  	[tilespmem:s14], [sflag:$0x1] =	stream.linear.gather [hbm4b:s3+s2], $0x400, $0x38;
	[tilespmem:$0x1280] =	vst v63  }
0x1a: {  	_ = 	snop  }
0x1b: {  	[tilespmem:s16], [sflag:$0x1] =	stream.linear.gather [hbm4b:s15+s2], $0x100, $0x38;
	[tilespmem:$0x1280] =	vst v63  }
0x1c: {  	_ =	swait.ge [sflag:s13], $0x500  }
0x1d: {  	[sflag:s13] =	ssyncset.done $0x0  }
0x1e: {  	[sflag:s13] =	ssyncadd.s32 $0xFFFFFB00  }
0x1f: {  	[tilespmem:s17], [sflag:$0x1] =	stream.linear.gather [hbm4b:s4+s2], $0x80, $0x38;
	[tilespmem:$0x1280] =	vst v63  }
0x20: {  	_ =	swait.ge [sflag:s13], $0x80  }
0x21: {  	[sflag:s13] =	ssyncset.done $0x0  }
0x22: {  	[sflag:s13] =	ssyncadd.s32 $0xFFFFFF80  }
0x23: {  	v0 =	vld [tilespmem:$0x0]  }
0x24: {  	v1 =	vld [tilespmem:$0x80]  }
0x25: {  	v2 =	vld [tilespmem:$0x100]  }
0x26: {  	v3 =	vld [tilespmem:$0x180]  }
0x27: {  	v4 =	vld [tilespmem:$0x200]  }
0x28: {  	v5 =	vld [tilespmem:$0x280]  }
0x29: {  	v6 =	vld [tilespmem:$0x300];
	v7 =	vmax.f32 v0, v1  }
0x2a: {  	v8 =	vld [tilespmem:$0x380];
	v7 =	vmax.f32 v7, v2  }
0x2b: {  	v9 =	vld [tilespmem:$0x400];
	v7 =	vmax.f32 v7, v3  }
0x2c: {  	v10 =	vld [tilespmem:$0x480];
	v7 =	vmax.f32 v7, v4  }
0x2d: {  	v7 =	vmax.f32 v7, v5  }
0x2e: {  	v7 =	vmax.f32 v7, v6  }
0x2f: {  	v7 =	vmax.f32 v7, v8  }
0x30: {  	v7 =	vmax.f32 v7, v9  }
0x31: {  	v7 =	vmax.f32 v7, v10  }
0x32: {  	v0 =	vsub.f32 v0, v7  }
0x33: {  	v1 =	vsub.f32 v1, v7  }
0x34: {  	v0 =	vmul.f32 $1.442695020e+00, v0  }
0x35: {  	v2 =	vsub.f32 v2, v7;
	v1 =	vmul.f32 $1.442695020e+00, v1  }
0x36: {  	(erf) = vpow2.f32 v0  }
0x37: {  	v45 =	vsub.f32 v3, v7;
	v44 =	vmul.f32 $1.442695020e+00, v2;
	(erf) = vpow2.f32 v1;
	_ =	sdelay $0x1  }
0x38: {  	v47 =	vsub.f32 v4, v7;
	v46 =	vmul.f32 $1.442695020e+00, v45;
	(erf) = vpow2.f32 v44;
	_ =	sdelay $0x1  }
0x39: {  	v49 =	vsub.f32 v5, v7;
	v48 =	vmul.f32 $1.442695020e+00, v47;
	(erf) = vpow2.f32 v46;
	_ =	sdelay $0x1  }
0x3a: {  	v51 =	vsub.f32 v6, v7;
	v50 =	vmul.f32 $1.442695020e+00, v49;
	(erf) = vpow2.f32 v48;
	_ =	sdelay $0x1  }
0x3b: {  	v52 =	vsub.f32 v8, v7;
	v53 =	vmul.f32 $1.442695020e+00, v51;
	v3 =	vpop (erf);
	(erf) = vpow2.f32 v50  }
0x3c: {  	v54 =	vsub.f32 v9, v7;
	v1 =	vpop (erf)  }
0x3d: {  	v56 =	vld [tilespmem:$0x800];
	v2 =	vmul.f32 $1.442695020e+00, v52;
	(erf) = vpow2.f32 v53;
	v55 =	vadd.f32 v1, v3  }
0x3e: {  	v58 =	vld [tilespmem:$0x880];
	v7 =	vsub.f32 v10, v7;
	v57 =	vpop (erf)  }
0x3f: {  	v59 =	vld [tilespmem:$0x900];
	v0 =	vmul.f32 $1.442695020e+00, v54;
	(erf) = vpow2.f32 v2;
	v4 =	vadd.f32 v55, v57  }
0x40: {  	v61 =	vld [tilespmem:$0x980];
	v60 =	vpop (erf)  }
0x41: {  	v63 =	vld [tilespmem:$0xA00];
	v62 =	vmul.f32 $1.442695020e+00, v7;
	(erf) = vpow2.f32 v0;
	v4 =	vadd.f32 v4, v60  }
0x42: {  	v12 =	vld [tilespmem:$0xA80];
	v11 =	vpop (erf)  }
0x43: {  	v24 =	vld [tilespmem:$0xB00];
	v13 =	vmax.f32 v56, v58;
	(erf) = vpow2.f32 v62;
	v23 =	vadd.f32 v4, v11  }
0x44: {  	v15 =	vld [tilespmem:$0xB80];
	v13 =	vmax.f32 v13, v59;
	v14 =	vpop (erf)  }
0x45: {  	v16 =	vld [tilespmem:$0xC00];
	v13 =	vmax.f32 v13, v61;
	v0 =	vadd.f32 v23, v14  }
0x46: {  	v18 =	vld [tilespmem:$0xC80];
	v13 =	vmax.f32 v13, v63;
	v17 =	vpop (erf)  }
0x47: {  	v13 =	vmax.f32 v13, v12;
	v0 =	vadd.f32 v0, v17  }
0x48: {  	v13 =	vmax.f32 v13, v24;
	v19 =	vpop (erf)  }
0x49: {  	v13 =	vmax.f32 v13, v15;
	v0 =	vadd.f32 v0, v19  }
0x4a: {  	v13 =	vmax.f32 v13, v16;
	v20 =	vpop (erf)  }
0x4b: {  	v13 =	vmax.f32 v13, v18;
	v0 =	vadd.f32 v0, v20  }
0x4c: {  	v5 =	vsub.f32 v56, v13;
	v21 =	vpop (erf)  }
0x4d: {  	v2 =	vsub.f32 v58, v13;
	v0 =	vadd.f32 v0, v21  }
0x4e: {  	v5 =	vmul.f32 $1.442695020e+00, v5  }
0x4f: {  	v26 =	vsub.f32 v59, v13;
	v25 =	vmul.f32 $1.442695020e+00, v2;
	(erf) = vrcp.f32 v0  }
0x50: {  	(erf) = vpow2.f32 v5  }
0x51: {  	v28 =	vsub.f32 v61, v13;
	v27 =	vmul.f32 $1.442695020e+00, v26;
	(erf) = vpow2.f32 v25;
	_ =	sdelay $0x1  }
0x52: {  	v30 =	vsub.f32 v63, v13;
	v29 =	vmul.f32 $1.442695020e+00, v28;
	(erf) = vpow2.f32 v27;
	_ =	sdelay $0x1  }
0x53: {  	v32 =	vsub.f32 v12, v13;
	v31 =	vmul.f32 $1.442695020e+00, v30;
	(erf) = vpow2.f32 v29;
	_ =	sdelay $0x1  }
0x54: {  	v34 =	vsub.f32 v24, v13;
	v33 =	vmul.f32 $1.442695020e+00, v32;
	(erf) = vpow2.f32 v31  }
0x55: {  	v35 =	vpop (erf)  }
0x56: {  	v36 =	vsub.f32 v15, v13;
	v38 =	vmul.f32 $1.442695020e+00, v34;
	(erf) = vpow2.f32 v33;
	v37 =	vpop (erf)  }
0x57: {  	v40 =	vsub.f32 v16, v13;
	v39 =	vpop (erf)  }
0x58: {  	v5 =	vmul.f32 $1.442695020e+00, v36;
	(erf) = vpow2.f32 v38;
	v41 =	vadd.f32 v39, v37  }
0x59: {  	v43 =	vsub.f32 v18, v13;
	v42 =	vpop (erf)  }
0x5a: {  	v0 =	vmul.f32 $1.442695020e+00, v40;
	(erf) = vpow2.f32 v5;
	v8 =	vadd.f32 v41, v42  }
0x5b: {  	v44 =	vpop (erf)  }
0x5c: {  	v45 =	vmul.f32 $1.442695020e+00, v43;
	(erf) = vpow2.f32 v0;
	v46 =	vadd.f32 v8, v44  }
0x5d: {  	v47 =	vpop (erf)  }
0x5e: {  	(erf) = vpow2.f32 v45;
	v48 =	vadd.f32 v46, v47  }
0x5f: {  	v49 =	vpop (erf)  }
0x60: {  	v0 =	vadd.f32 v48, v49  }
0x61: {  	v50 =	vpop (erf)  }
0x62: {  	v0 =	vadd.f32 v0, v50  }
0x63: {  	v52 =	vpop (erf)  }
0x64: {  	v51 =	vld [tilespmem:$0x1000];
	v0 =	vadd.f32 v0, v52  }
0x65: {  	v53 =	vpop (erf)  }
0x66: {  	v0 =	vadd.f32 v0, v53  }
0x67: {  	v22 =	vpop (erf)  }
0x68: {  	v0 =	vadd.f32 v0, v22  }
0x69: {  	vm0 =	veq.s32 v51, $0x0;
	vm1 =	veq.s32 v51, $0x1  }
0x6a: {  	v3 =	vnsel vm0, $0x0, v3;
	v7 =	vnsel vm0, $0x0, v37;
	(erf) = vrcp.f32 v0  }
0x6b: {  	vm10 =	veq.s32 v51, $0x2;
	v54 =	vsel vm1, v1, v3;
	v55 =	vsel vm1, v39, v7  }
0x6c: {  	vm11 =	veq.s32 v51, $0x3;
	v1 =	vsel vm10, v42, v55;
	v0 =	vsel vm10, v57, v54  }
0x6d: {  	v56 =	vld [tilespmem:$0x10];
	vm12 =	veq.s32 v51, $0x4;
	v1 =	vsel vm11, v44, v1;
	v0 =	vsel vm11, v60, v0  }
0x6e: {  	vm13 =	veq.s32 v51, $0x5;
	v1 =	vsel vm12, v47, v1;
	v57 =	vld [tilespmem:$0x90];
	v0 =	vsel vm12, v11, v0  }
0x6f: {  	vm14 =	veq.s32 v51, $0x6;
	v58 =	vld [tilespmem:$0x110];
	v1 =	vsel vm13, v49, v1;
	v0 =	vsel vm13, v14, v0  }
0x70: {  	v59 =	vld [tilespmem:$0x190];
	vm15 =	veq.s32 v51, $0x7;
	v1 =	vsel vm14, v50, v1;
	v0 =	vsel vm14, v17, v0  }
0x71: {  	vm4 =	veq.s32 v51, $0x8;
	v1 =	vsel vm15, v52, v1;
	v60 =	vld [tilespmem:$0x210];
	v0 =	vsel vm15, v19, v0  }
0x72: {  	v61 =	vld [tilespmem:$0x290];
	vm5 =	veq.s32 v51, $0x9;
	v1 =	vsel vm4, v53, v1;
	v0 =	vsel vm4, v20, v0  }
0x73: {  	v63 =	vld [tilespmem:$0x310];
	v1 =	vsel vm5, v22, v1;
	v16 =	vmax.f32 v56, v57;
	v0 =	vsel vm5, v21, v0;
	v62 =	vpop (erf)  }
0x74: {  	v17 =	vld [tilespmem:$0x390];
	v18 =	vmax.f32 v16, v58;
	v0 =	vmul.f32 v35, v0;
	v1 =	vmul.f32 v62, v1  }
0x75: {  	v19 =	vld [tilespmem:$0x410];
	v9 =	vmax.f32 v18, v59  }
0x76: {  	v21 =	vld [tilespmem:$0x490];
	v9 =	vmax.f32 v9, v60;
	v20 =	vmul.f32 $4.000000000e+00, v0;
	v0 =	vsub.f32 v1, v0  }
0x77: {  	v9 =	vmax.f32 v9, v61  }
0x78: {  	v9 =	vmax.f32 v9, v63;
	v22 =	vsub.f32 $4.050000190e+00, v20;
	v0 =	vadd.f32 v0, v0  }
0x79: {  	v9 =	vmax.f32 v9, v17;
	v12 =	vadd.f32 $-3.950000050e+00, v20  }
0x7a: {  	v9 =	vmax.f32 v9, v19;
	v13 =	vmul.f32 $1.442695020e+00, v22;
	v23 =	vadd.f32 $5.000000070e-02, v0  }
0x7b: {  	v9 =	vmax.f32 v9, v21;
	v12 =	vmul.f32 $1.442695020e+00, v12;
	v0 =	vsub.f32 $5.000000070e-02, v0  }
0x7c: {  	v2 =	vsub.f32 v56, v9;
	(erf) = vpow2.f32 v13;
	v24 =	vmul.f32 $1.442695020e+00, v23  }
0x7d: {  	v3 =	vsub.f32 v57, v9;
	(erf) = vpow2.f32 v12;
	v0 =	vmul.f32 $1.442695020e+00, v0  }
0x7e: {  	v2 =	vmul.f32 $1.442695020e+00, v2;
	(erf) = vpow2.f32 v24  }
0x7f: {  	v26 =	vsub.f32 v58, v9;
	v25 =	vmul.f32 $1.442695020e+00, v3;
	(erf) = vpow2.f32 v0  }
0x80: {  	(erf) = vpow2.f32 v2  }
0x81: {  	v28 =	vsub.f32 v59, v9;
	v27 =	vmul.f32 $1.442695020e+00, v26;
	(erf) = vpow2.f32 v25;
	_ =	sdelay $0x1  }
0x82: {  	v30 =	vsub.f32 v60, v9;
	v29 =	vmul.f32 $1.442695020e+00, v28;
	(erf) = vpow2.f32 v27;
	_ =	sdelay $0x1  }
0x83: {  	v33 =	vsub.f32 v61, v9;
	v32 =	vmul.f32 $1.442695020e+00, v30;
	v31 =	vpop (erf);
	(erf) = vpow2.f32 v29  }
0x84: {  	v34 =	vpop (erf)  }
0x85: {  	v37 =	vsub.f32 v63, v9;
	v36 =	vmul.f32 $1.442695020e+00, v33;
	(erf) = vpow2.f32 v32;
	v35 =	vpop (erf)  }
0x86: {  	v38 =	vpop (erf)  }
0x87: {  	v4 =	vsub.f32 v17, v9;
	v39 =	vmul.f32 $1.442695020e+00, v37;
	(erf) = vpow2.f32 v36;
	v8 =	vpop (erf)  }
0x88: {  	v40 =	vsub.f32 v19, v9;
	v2 =	vpop (erf)  }
0x89: {  	v43 =	vld [tilespmem:$0x890];
	v4 =	vmul.f32 $1.442695020e+00, v4;
	(erf) = vpow2.f32 v39;
	v41 =	vadd.f32 v2, v8  }
0x8a: {  	v42 =	vld [tilespmem:$0x810];
	v1 =	vsub.f32 v21, v9;
	v12 =	vpop (erf)  }
0x8b: {  	v45 =	vld [tilespmem:$0x910];
	v0 =	vmul.f32 $1.442695020e+00, v40;
	(erf) = vpow2.f32 v4;
	v44 =	vadd.f32 v41, v12  }
0x8c: {  	v46 =	vld [tilespmem:$0x990];
	v13 =	vpop (erf)  }
0x8d: {  	v49 =	vld [tilespmem:$0xA10];
	v47 =	vmul.f32 $1.442695020e+00, v1;
	(erf) = vpow2.f32 v0;
	v48 =	vadd.f32 v44, v13  }
0x8e: {  	v50 =	vld [tilespmem:$0xA90];
	v15 =	vpop (erf)  }
0x8f: {  	v52 =	vld [tilespmem:$0xB10];
	v53 =	vmax.f32 v42, v43;
	(erf) = vpow2.f32 v47;
	v51 =	vadd.f32 v48, v15  }
0x90: {  	v55 =	vld [tilespmem:$0xB90];
	v17 =	vmax.f32 v53, v45;
	v54 =	vpop (erf)  }
0x91: {  	v56 =	vld [tilespmem:$0xC10];
	v17 =	vmax.f32 v17, v46;
	v0 =	vadd.f32 v51, v54  }
0x92: {  	v58 =	vld [tilespmem:$0xC90];
	v17 =	vmax.f32 v17, v49;
	v57 =	vpop (erf)  }
0x93: {  	v17 =	vmax.f32 v17, v50;
	v0 =	vadd.f32 v0, v57  }
0x94: {  	v17 =	vmax.f32 v17, v52;
	v23 =	vpop (erf)  }
0x95: {  	v17 =	vmax.f32 v17, v55;
	v0 =	vadd.f32 v0, v23  }
0x96: {  	v17 =	vmax.f32 v17, v56;
	v24 =	vpop (erf)  }
0x97: {  	v17 =	vmax.f32 v17, v58;
	v0 =	vadd.f32 v0, v24  }
0x98: {  	v11 =	vsub.f32 v42, v17;
	v25 =	vpop (erf)  }
0x99: {  	v4 =	vsub.f32 v43, v17;
	v0 =	vadd.f32 v0, v25  }
0x9a: {  	v10 =	vsub.f32 v45, v17;
	v11 =	vmul.f32 $1.442695020e+00, v11  }
0x9b: {  	v60 =	vsub.f32 v46, v17;
	v59 =	vmul.f32 $1.442695020e+00, v4;
	(erf) = vrcp.f32 v0  }
0x9c: {  	v10 =	vmul.f32 $1.442695020e+00, v10;
	(erf) = vpow2.f32 v11  }
0x9d: {  	v61 =	vmul.f32 $1.442695020e+00, v60;
	(erf) = vpow2.f32 v59  }
0x9e: {  	(erf) = vpow2.f32 v10  }
0x9f: {  	(erf) = vpow2.f32 v61;
	_ =	sdelay $0x4  }
0xa0: {  	v62 =	vpop (erf)  }
0xa1: {  	v26 =	vsub.f32 v49, v17;
	[tilespmem:$0x1080] =	vst v31;
	v63 =	vpop (erf)  }
0xa2: {  	[tilespmem:$0x1100] =	vst v34;
	v27 =	vpop (erf)  }
0xa3: {  	v29 =	vsub.f32 v50, v17;
	[tilespmem:$0x1180] =	vst v35;
	v4 =	vmul.f32 $1.442695020e+00, v26;
	v28 =	vpop (erf)  }
0xa4: {  	[tilespmem:$0x1200] =	vst v38;
	v31 =	vpop (erf)  }
0xa5: {  	v30 =	vld [tilespmem:$0x1010];
	v1 =	vsub.f32 v52, v17;
	v32 =	vmul.f32 $1.442695020e+00, v29;
	(erf) = vpow2.f32 v4  }
0xa6: {  	v33 =	vsub.f32 v55, v17  }
0xa7: {  	v1 =	vmul.f32 $1.442695020e+00, v1;
	(erf) = vpow2.f32 v32  }
0xa8: {  	v34 =	vmul.f32 $1.442695020e+00, v33  }
0xa9: {  	v35 =	vsub.f32 v56, v17;
	v36 =	vadd.f32 v27, v63;
	(erf) = vpow2.f32 v1  }
0xaa: {  	v37 =	vsub.f32 v58, v17  }
0xab: {  	v9 =	vadd.f32 v36, v28;
	v1 =	vmul.f32 $1.442695020e+00, v35;
	(erf) = vpow2.f32 v34;
	_ =	sdelay $0x1  }
0xac: {  	v38 =	vmul.f32 $1.442695020e+00, v37;
	v39 =	vadd.f32 v9, v31;
	(erf) = vpow2.f32 v1  }
0xad: {  	v40 =	vpop (erf)  }
0xae: {  	(erf) = vpow2.f32 v38;
	v41 =	vadd.f32 v39, v40  }
0xaf: {  	v42 =	vpop (erf)  }
0xb0: {  	v1 =	vadd.f32 v41, v42  }
0xb1: {  	v43 =	vpop (erf)  }
0xb2: {  	v1 =	vadd.f32 v1, v43  }
0xb3: {  	v44 =	vpop (erf)  }
0xb4: {  	v1 =	vadd.f32 v1, v44  }
0xb5: {  	v45 =	vpop (erf)  }
0xb6: {  	v1 =	vadd.f32 v1, v45  }
0xb7: {  	v46 =	vpop (erf)  }
0xb8: {  	v1 =	vadd.f32 v1, v46  }
0xb9: {  	vm6 =	veq.s32 v30, $0x0;
	vm7 =	veq.s32 v30, $0x1  }
0xba: {  	v8 =	vnsel vm6, $0x0, v8;
	v3 =	vnsel vm6, $0x0, v63;
	(erf) = vrcp.f32 v1  }
0xbb: {  	vm8 =	veq.s32 v30, $0x2;
	v47 =	vsel vm7, v2, v8;
	v48 =	vsel vm7, v27, v3  }
0xbc: {  	vm9 =	veq.s32 v30, $0x3;
	v2 =	vsel vm8, v28, v48;
	v1 =	vsel vm8, v12, v47  }
0xbd: {  	vm10 =	veq.s32 v30, $0x4;
	v2 =	vsel vm9, v31, v2;
	v49 =	vld [tilespmem:$0x20];
	v1 =	vsel vm9, v13, v1  }
0xbe: {  	vm11 =	veq.s32 v30, $0x5;
	v50 =	vld [tilespmem:$0xA0];
	v2 =	vsel vm10, v40, v2;
	v1 =	vsel vm10, v15, v1  }
0xbf: {  	vm12 =	veq.s32 v30, $0x6;
	v51 =	vld [tilespmem:$0x120];
	v2 =	vsel vm11, v42, v2;
	v1 =	vsel vm11, v54, v1  }
0xc0: {  	vm13 =	veq.s32 v30, $0x7;
	v52 =	vld [tilespmem:$0x1A0];
	v2 =	vsel vm12, v43, v2;
	v1 =	vsel vm12, v57, v1  }
0xc1: {  	vm14 =	veq.s32 v30, $0x8;
	v53 =	vld [tilespmem:$0x220];
	v2 =	vsel vm13, v44, v2;
	v1 =	vsel vm13, v23, v1  }
0xc2: {  	vm15 =	veq.s32 v30, $0x9;
	v2 =	vsel vm14, v45, v2;
	v54 =	vld [tilespmem:$0x2A0];
	v1 =	vsel vm14, v24, v1  }
0xc3: {  	v56 =	vld [tilespmem:$0x320];
	v2 =	vsel vm15, v46, v2;
	v57 =	vmax.f32 v49, v50;
	v1 =	vsel vm15, v25, v1;
	v55 =	vpop (erf)  }
0xc4: {  	v59 =	vld [tilespmem:$0x3A0];
	v60 =	vmax.f32 v57, v51;
	v0 =	vmul.f32 v62, v1;
	v58 =	vmul.f32 v55, v2  }
0xc5: {  	v61 =	vld [tilespmem:$0x420];
	v2 =	vmax.f32 v60, v52  }
0xc6: {  	v63 =	vld [tilespmem:$0x4A0];
	v62 =	vmul.f32 $4.000000000e+00, v0;
	v17 =	vmax.f32 v2, v53;
	v0 =	vsub.f32 v58, v0  }
0xc7: {  	v1 =	vmax.f32 v17, v54  }
0xc8: {  	v18 =	vsub.f32 $4.050000190e+00, v62;
	v1 =	vmax.f32 v1, v56;
	v0 =	vadd.f32 v0, v0  }
0xc9: {  	v12 =	vadd.f32 $-3.950000050e+00, v62;
	v1 =	vmax.f32 v1, v59  }
0xca: {  	v2 =	vmul.f32 $1.442695020e+00, v18;
	v1 =	vmax.f32 v1, v61;
	v19 =	vadd.f32 $5.000000070e-02, v0  }
0xcb: {  	v12 =	vmul.f32 $1.442695020e+00, v12;
	v0 =	vsub.f32 $5.000000070e-02, v0;
	v20 =	vmax.f32 v1, v63  }
0xcc: {  	(erf) = vpow2.f32 v2;
	v22 =	vsub.f32 v49, v20;
	v21 =	vmul.f32 $1.442695020e+00, v19  }
0xcd: {  	(erf) = vpow2.f32 v12;
	v23 =	vsub.f32 v50, v20;
	v0 =	vmul.f32 $1.442695020e+00, v0  }
0xce: {  	v24 =	vmul.f32 $1.442695020e+00, v22;
	(erf) = vpow2.f32 v21  }
0xcf: {  	v26 =	vsub.f32 v51, v20;
	v25 =	vmul.f32 $1.442695020e+00, v23;
	(erf) = vpow2.f32 v0  }
0xd0: {  	(erf) = vpow2.f32 v24  }
0xd1: {  	v28 =	vsub.f32 v52, v20;
	v27 =	vmul.f32 $1.442695020e+00, v26;
	(erf) = vpow2.f32 v25  }
0xd2: {  	v30 =	vsub.f32 v53, v20  }
0xd3: {  	v29 =	vmul.f32 $1.442695020e+00, v28;
	(erf) = vpow2.f32 v27  }
0xd4: {  	v1 =	vmul.f32 $1.442695020e+00, v30  }
0xd5: {  	v31 =	vsub.f32 v54, v20;
	v2 =	vpop (erf);
	(erf) = vpow2.f32 v29  }
0xd6: {  	v3 =	vpop (erf)  }
0xd7: {  	v32 =	vsub.f32 v56, v20;
	v4 =	vmul.f32 $1.442695020e+00, v31;
	(erf) = vpow2.f32 v1;
	v0 =	vpop (erf)  }
0xd8: {  	v1 =	vpop (erf)  }
0xd9: {  	v33 =	vsub.f32 v59, v20;
	v34 =	vmul.f32 $1.442695020e+00, v32;
	(erf) = vpow2.f32 v4;
	v7 =	vpop (erf)  }
0xda: {  	v35 =	vsub.f32 v61, v20;
	v5 =	vpop (erf)  }
0xdb: {  	v37 =	vld [tilespmem:$0x820];
	v6 =	vmul.f32 $1.442695020e+00, v33;
	(erf) = vpow2.f32 v34;
	v36 =	vadd.f32 v5, v7  }
0xdc: {  	v38 =	vld [tilespmem:$0x8A0];
	v39 =	vsub.f32 v63, v20;
	v10 =	vpop (erf)  }
0xdd: {  	v40 =	vld [tilespmem:$0x920];
	v4 =	vmul.f32 $1.442695020e+00, v35;
	(erf) = vpow2.f32 v6;
	v8 =	vadd.f32 v36, v10  }
0xde: {  	v41 =	vld [tilespmem:$0x9A0];
	v13 =	vpop (erf)  }
0xdf: {  	v43 =	vld [tilespmem:$0xA20];
	v42 =	vmul.f32 $1.442695020e+00, v39;
	(erf) = vpow2.f32 v4;
	v8 =	vadd.f32 v8, v13  }
0xe0: {  	v44 =	vld [tilespmem:$0xAA0];
	v15 =	vpop (erf)  }
0xe1: {  	v46 =	vld [tilespmem:$0xB20];
	v47 =	vmax.f32 v37, v38;
	(erf) = vpow2.f32 v42;
	v45 =	vadd.f32 v8, v15  }
0xe2: {  	v48 =	vld [tilespmem:$0xBA0];
	v17 =	vmax.f32 v47, v40;
	v18 =	vpop (erf)  }
0xe3: {  	v17 =	vmax.f32 v17, v41;
	v49 =	vld [tilespmem:$0xC20];
	v4 =	vadd.f32 v45, v18  }
0xe4: {  	v17 =	vmax.f32 v17, v43;
	v50 =	vld [tilespmem:$0xCA0];
	v21 =	vpop (erf)  }
0xe5: {  	v17 =	vmax.f32 v17, v44;
	v4 =	vadd.f32 v4, v21  }
0xe6: {  	v17 =	vmax.f32 v17, v46;
	v51 =	vpop (erf)  }
0xe7: {  	v17 =	vmax.f32 v17, v48;
	v4 =	vadd.f32 v4, v51  }
0xe8: {  	v17 =	vmax.f32 v17, v49;
	v52 =	vpop (erf)  }
0xe9: {  	v17 =	vmax.f32 v17, v50;
	v4 =	vadd.f32 v4, v52  }
0xea: {  	v9 =	vsub.f32 v37, v17;
	v25 =	vpop (erf)  }
0xeb: {  	v6 =	vsub.f32 v38, v17;
	v4 =	vadd.f32 v4, v25  }
0xec: {  	v9 =	vmul.f32 $1.442695020e+00, v9  }
0xed: {  	v54 =	vsub.f32 v40, v17;
	v53 =	vmul.f32 $1.442695020e+00, v6;
	(erf) = vrcp.f32 v4  }
0xee: {  	(erf) = vpow2.f32 v9  }
0xef: {  	v56 =	vsub.f32 v41, v17;
	v55 =	vmul.f32 $1.442695020e+00, v54;
	(erf) = vpow2.f32 v53;
	_ =	sdelay $0x1  }
0xf0: {  	v58 =	vsub.f32 v43, v17;
	v57 =	vmul.f32 $1.442695020e+00, v56;
	(erf) = vpow2.f32 v55;
	_ =	sdelay $0x1  }
0xf1: {  	v60 =	vsub.f32 v44, v17;
	v59 =	vmul.f32 $1.442695020e+00, v58;
	(erf) = vpow2.f32 v57;
	_ =	sdelay $0x1  }
0xf2: {  	v62 =	vsub.f32 v46, v17;
	v61 =	vmul.f32 $1.442695020e+00, v60;
	(erf) = vpow2.f32 v59  }
0xf3: {  	v63 =	vpop (erf)  }
0xf4: {  	v27 =	vsub.f32 v48, v17;
	v29 =	vmul.f32 $1.442695020e+00, v62;
	(erf) = vpow2.f32 v61;
	v28 =	vpop (erf)  }
0xf5: {  	v31 =	vsub.f32 v49, v17;
	v30 =	vpop (erf)  }
0xf6: {  	v9 =	vmul.f32 $1.442695020e+00, v27;
	(erf) = vpow2.f32 v29;
	v32 =	vadd.f32 v30, v28  }
0xf7: {  	v34 =	vsub.f32 v50, v17;
	v33 =	vpop (erf)  }
0xf8: {  	v4 =	vmul.f32 $1.442695020e+00, v31;
	(erf) = vpow2.f32 v9;
	v12 =	vadd.f32 v32, v33  }
0xf9: {  	v35 =	vpop (erf)  }
0xfa: {  	v36 =	vmul.f32 $1.442695020e+00, v34;
	(erf) = vpow2.f32 v4;
	v37 =	vadd.f32 v12, v35  }
0xfb: {  	v38 =	vpop (erf)  }
0xfc: {  	(erf) = vpow2.f32 v36;
	v39 =	vadd.f32 v37, v38  }
0xfd: {  	v40 =	vpop (erf)  }
0xfe: {  	v4 =	vadd.f32 v39, v40  }
0xff: {  	v41 =	vpop (erf)  }
0x100: {  	v4 =	vadd.f32 v4, v41  }
0x101: {  	v43 =	vpop (erf)  }
0x102: {  	v42 =	vld [tilespmem:$0x1020];
	v4 =	vadd.f32 v4, v43  }
0x103: {  	v44 =	vpop (erf)  }
0x104: {  	v4 =	vadd.f32 v4, v44  }
0x105: {  	v26 =	vpop (erf)  }
0x106: {  	v4 =	vadd.f32 v4, v26  }
0x107: {  	vm4 =	veq.s32 v42, $0x0;
	vm5 =	veq.s32 v42, $0x1  }
0x108: {  	v7 =	vnsel vm4, $0x0, v7;
	v11 =	vnsel vm4, $0x0, v28;
	(erf) = vrcp.f32 v4  }
0x109: {  	vm6 =	veq.s32 v42, $0x2;
	v45 =	vsel vm5, v5, v7;
	v46 =	vsel vm5, v30, v11  }
0x10a: {  	vm7 =	veq.s32 v42, $0x3;
	v5 =	vsel vm6, v33, v46;
	v4 =	vsel vm6, v10, v45  }
0x10b: {  	v47 =	vld [tilespmem:$0x30];
	vm8 =	veq.s32 v42, $0x4;
	v5 =	vsel vm7, v35, v5;
	v4 =	vsel vm7, v13, v4  }
0x10c: {  	v48 =	vld [tilespmem:$0xB0];
	vm9 =	veq.s32 v42, $0x5;
	v5 =	vsel vm8, v38, v5;
	v4 =	vsel vm8, v15, v4  }
0x10d: {  	v49 =	vld [tilespmem:$0x130];
	vm10 =	veq.s32 v42, $0x6;
	v5 =	vsel vm9, v40, v5;
	v4 =	vsel vm9, v18, v4  }
0x10e: {  	v50 =	vld [tilespmem:$0x1B0];
	vm11 =	veq.s32 v42, $0x7;
	v5 =	vsel vm10, v41, v5;
	v4 =	vsel vm10, v21, v4  }
0x10f: {  	vm12 =	veq.s32 v42, $0x8;
	v5 =	vsel vm11, v43, v5;
	v4 =	vsel vm11, v51, v4;
	v51 =	vld [tilespmem:$0x230]  }
0x110: {  	vm13 =	veq.s32 v42, $0x9;
	v5 =	vsel vm12, v44, v5;
	v4 =	vsel vm12, v52, v4;
	v52 =	vld [tilespmem:$0x2B0]  }
0x111: {  	v54 =	vld [tilespmem:$0x330];
	v55 =	vmax.f32 v47, v48;
	v5 =	vsel vm13, v26, v5;
	v4 =	vsel vm13, v25, v4;
	v53 =	vpop (erf)  }
0x112: {  	v56 =	vld [tilespmem:$0x3B0];
	v57 =	vmax.f32 v55, v49;
	v4 =	vmul.f32 v63, v4;
	v5 =	vmul.f32 v53, v5  }
0x113: {  	v58 =	vld [tilespmem:$0x430];
	v13 =	vmax.f32 v57, v50  }
0x114: {  	v60 =	vld [tilespmem:$0x4B0];
	v59 =	vmul.f32 $4.000000000e+00, v4;
	v61 =	vmax.f32 v13, v51;
	v4 =	vsub.f32 v5, v4  }
0x115: {  	v5 =	vmax.f32 v61, v52  }
0x116: {  	v62 =	vsub.f32 $4.050000190e+00, v59;
	v5 =	vmax.f32 v5, v54;
	v4 =	vadd.f32 v4, v4  }
0x117: {  	v16 =	vadd.f32 $-3.950000050e+00, v59;
	v5 =	vmax.f32 v5, v56  }
0x118: {  	v13 =	vmul.f32 $1.442695020e+00, v62;
	v5 =	vmax.f32 v5, v58;
	v63 =	vadd.f32 $5.000000070e-02, v4  }
0x119: {  	v16 =	vmul.f32 $1.442695020e+00, v16;
	v4 =	vsub.f32 $5.000000070e-02, v4;
	v21 =	vmax.f32 v5, v60  }
0x11a: {  	(erf) = vpow2.f32 v13;
	v6 =	vsub.f32 v47, v21;
	v22 =	vmul.f32 $1.442695020e+00, v63  }
0x11b: {  	(erf) = vpow2.f32 v16;
	v7 =	vsub.f32 v48, v21;
	v4 =	vmul.f32 $1.442695020e+00, v4  }
0x11c: {  	v23 =	vmul.f32 $1.442695020e+00, v6;
	(erf) = vpow2.f32 v22  }
0x11d: {  	v25 =	vsub.f32 v49, v21;
	v24 =	vmul.f32 $1.442695020e+00, v7;
	(erf) = vpow2.f32 v4  }
0x11e: {  	(erf) = vpow2.f32 v23  }
0x11f: {  	v27 =	vsub.f32 v50, v21;
	v26 =	vmul.f32 $1.442695020e+00, v25;
	(erf) = vpow2.f32 v24;
	_ =	sdelay $0x1  }
0x120: {  	v29 =	vsub.f32 v51, v21;
	v28 =	vmul.f32 $1.442695020e+00, v27;
	(erf) = vpow2.f32 v26;
	_ =	sdelay $0x1  }
0x121: {  	v31 =	vsub.f32 v52, v21;
	v30 =	vmul.f32 $1.442695020e+00, v29;
	v7 =	vpop (erf);
	(erf) = vpow2.f32 v28  }
0x122: {  	v5 =	vpop (erf)  }
0x123: {  	v32 =	vsub.f32 v54, v21;
	v9 =	vmul.f32 $1.442695020e+00, v31;
	(erf) = vpow2.f32 v30;
	v4 =	vpop (erf)  }
0x124: {  	v6 =	vpop (erf)  }
0x125: {  	v8 =	vsub.f32 v56, v21;
	v33 =	vmul.f32 $1.442695020e+00, v32;
	(erf) = vpow2.f32 v9;
	v11 =	vpop (erf)  }
0x126: {  	v34 =	vsub.f32 v58, v21;
	v10 =	vpop (erf)  }
0x127: {  	v36 =	vld [tilespmem:$0x830];
	v8 =	vmul.f32 $1.442695020e+00, v8;
	(erf) = vpow2.f32 v33;
	v35 =	vadd.f32 v10, v11  }
0x128: {  	v37 =	vld [tilespmem:$0x8B0];
	v38 =	vsub.f32 v60, v21;
	v14 =	vpop (erf)  }
0x129: {  	v39 =	vld [tilespmem:$0x930];
	v9 =	vmul.f32 $1.442695020e+00, v34;
	(erf) = vpow2.f32 v8;
	v12 =	vadd.f32 v35, v14  }
0x12a: {  	v40 =	vld [tilespmem:$0x9B0];
	v17 =	vpop (erf)  }
0x12b: {  	v42 =	vld [tilespmem:$0xA30];
	v41 =	vmul.f32 $1.442695020e+00, v38;
	(erf) = vpow2.f32 v9;
	v12 =	vadd.f32 v12, v17  }
0x12c: {  	v43 =	vld [tilespmem:$0xAB0];
	v19 =	vpop (erf)  }
0x12d: {  	v46 =	vmax.f32 v36, v37;
	v45 =	vld [tilespmem:$0xB30];
	(erf) = vpow2.f32 v41;
	v44 =	vadd.f32 v12, v19  }
0x12e: {  	v47 =	vld [tilespmem:$0xBB0];
	v21 =	vmax.f32 v46, v39;
	v22 =	vpop (erf)  }
0x12f: {  	v48 =	vld [tilespmem:$0xC30];
	v21 =	vmax.f32 v21, v40;
	v9 =	vadd.f32 v44, v22  }
0x130: {  	v49 =	vld [tilespmem:$0xCB0];
	v21 =	vmax.f32 v21, v42;
	v25 =	vpop (erf)  }
0x131: {  	v21 =	vmax.f32 v21, v43;
	v9 =	vadd.f32 v9, v25  }
0x132: {  	v21 =	vmax.f32 v21, v45;
	v27 =	vpop (erf)  }
0x133: {  	v21 =	vmax.f32 v21, v47;
	v9 =	vadd.f32 v9, v27  }
0x134: {  	v21 =	vmax.f32 v21, v48;
	v28 =	vpop (erf)  }
0x135: {  	v21 =	vmax.f32 v21, v49;
	v9 =	vadd.f32 v9, v28  }
0x136: {  	v13 =	vsub.f32 v36, v21;
	v29 =	vpop (erf)  }
0x137: {  	v8 =	vsub.f32 v37, v21;
	v9 =	vadd.f32 v9, v29  }
0x138: {  	v13 =	vmul.f32 $1.442695020e+00, v13  }
0x139: {  	v50 =	vsub.f32 v39, v21;
	v8 =	vmul.f32 $1.442695020e+00, v8;
	(erf) = vrcp.f32 v9  }
0x13a: {  	(erf) = vpow2.f32 v13  }
0x13b: {  	v52 =	vsub.f32 v40, v21;
	v51 =	vmul.f32 $1.442695020e+00, v50;
	(erf) = vpow2.f32 v8;
	_ =	sdelay $0x1  }
0x13c: {  	v54 =	vsub.f32 v42, v21;
	v53 =	vmul.f32 $1.442695020e+00, v52;
	(erf) = vpow2.f32 v51;
	_ =	sdelay $0x1  }
0x13d: {  	v56 =	vsub.f32 v43, v21;
	v55 =	vmul.f32 $1.442695020e+00, v54;
	(erf) = vpow2.f32 v53;
	_ =	sdelay $0x1  }
0x13e: {  	v58 =	vsub.f32 v45, v21;
	v57 =	vmul.f32 $1.442695020e+00, v56;
	(erf) = vpow2.f32 v55  }
0x13f: {  	v59 =	vpop (erf)  }
0x140: {  	v60 =	vsub.f32 v47, v21;
	v62 =	vmul.f32 $1.442695020e+00, v58;
	(erf) = vpow2.f32 v57;
	v61 =	vpop (erf)  }
0x141: {  	v31 =	vsub.f32 v48, v21;
	v63 =	vpop (erf)  }
0x142: {  	v13 =	vmul.f32 $1.442695020e+00, v60;
	(erf) = vpow2.f32 v62;
	v32 =	vadd.f32 v63, v61  }
0x143: {  	v34 =	vsub.f32 v49, v21;
	v33 =	vpop (erf)  }
0x144: {  	v8 =	vmul.f32 $1.442695020e+00, v31;
	(erf) = vpow2.f32 v13;
	v16 =	vadd.f32 v32, v33  }
0x145: {  	v35 =	vpop (erf)  }
0x146: {  	v36 =	vmul.f32 $1.442695020e+00, v34;
	(erf) = vpow2.f32 v8;
	v37 =	vadd.f32 v16, v35  }
0x147: {  	v38 =	vpop (erf)  }
0x148: {  	(erf) = vpow2.f32 v36;
	v39 =	vadd.f32 v37, v38  }
0x149: {  	v40 =	vpop (erf)  }
0x14a: {  	v8 =	vadd.f32 v39, v40  }
0x14b: {  	v41 =	vpop (erf)  }
0x14c: {  	v8 =	vadd.f32 v8, v41  }
0x14d: {  	v43 =	vpop (erf)  }
0x14e: {  	v42 =	vld [tilespmem:$0x1030];
	v8 =	vadd.f32 v8, v43  }
0x14f: {  	v44 =	vpop (erf)  }
0x150: {  	v8 =	vadd.f32 v8, v44  }
0x151: {  	v30 =	vpop (erf)  }
0x152: {  	v8 =	vadd.f32 v8, v30  }
0x153: {  	vm14 =	veq.s32 v42, $0x0;
	vm15 =	veq.s32 v42, $0x1  }
0x154: {  	v11 =	vnsel vm14, $0x0, v11;
	v15 =	vnsel vm14, $0x0, v61;
	(erf) = vrcp.f32 v8  }
0x155: {  	vm4 =	veq.s32 v42, $0x2;
	v45 =	vsel vm15, v10, v11;
	v9 =	vsel vm15, v63, v15  }
0x156: {  	vm5 =	veq.s32 v42, $0x3;
	v9 =	vsel vm4, v33, v9;
	v8 =	vsel vm4, v14, v45  }
0x157: {  	v46 =	vld [tilespmem:$0x40];
	vm6 =	veq.s32 v42, $0x4;
	v9 =	vsel vm5, v35, v9;
	v8 =	vsel vm5, v17, v8  }
0x158: {  	v47 =	vld [tilespmem:$0xC0];
	vm7 =	veq.s32 v42, $0x5;
	v9 =	vsel vm6, v38, v9;
	v8 =	vsel vm6, v19, v8  }
0x159: {  	v48 =	vld [tilespmem:$0x140];
	vm8 =	veq.s32 v42, $0x6;
	v9 =	vsel vm7, v40, v9;
	v8 =	vsel vm7, v22, v8  }
0x15a: {  	v49 =	vld [tilespmem:$0x1C0];
	vm9 =	veq.s32 v42, $0x7;
	v9 =	vsel vm8, v41, v9;
	v8 =	vsel vm8, v25, v8  }
0x15b: {  	v50 =	vld [tilespmem:$0x240];
	vm10 =	veq.s32 v42, $0x8;
	v9 =	vsel vm9, v43, v9;
	v8 =	vsel vm9, v27, v8  }
0x15c: {  	vm11 =	veq.s32 v42, $0x9;
	v51 =	vld [tilespmem:$0x2C0];
	v9 =	vsel vm10, v44, v9;
	v8 =	vsel vm10, v28, v8  }
0x15d: {  	v54 =	vmax.f32 v46, v47;
	v53 =	vld [tilespmem:$0x340];
	v9 =	vsel vm11, v30, v9;
	v8 =	vsel vm11, v29, v8;
	v52 =	vpop (erf)  }
0x15e: {  	v56 =	vmax.f32 v54, v48;
	v55 =	vld [tilespmem:$0x3C0];
	v8 =	vmul.f32 v59, v8;
	v9 =	vmul.f32 v52, v9  }
0x15f: {  	v57 =	vld [tilespmem:$0x440];
	v17 =	vmax.f32 v56, v49  }
0x160: {  	v60 =	vmax.f32 v17, v50;
	v59 =	vld [tilespmem:$0x4C0];
	v58 =	vmul.f32 $4.000000000e+00, v8;
	v8 =	vsub.f32 v9, v8  }
0x161: {  	v9 =	vmax.f32 v60, v51  }
0x162: {  	v61 =	vsub.f32 $4.050000190e+00, v58;
	v9 =	vmax.f32 v9, v53;
	v8 =	vadd.f32 v8, v8  }
0x163: {  	v20 =	vadd.f32 $-3.950000050e+00, v58;
	v9 =	vmax.f32 v9, v55  }
0x164: {  	v17 =	vmul.f32 $1.442695020e+00, v61;
	v9 =	vmax.f32 v9, v57;
	v62 =	vadd.f32 $5.000000070e-02, v8  }
0x165: {  	v20 =	vmul.f32 $1.442695020e+00, v20;
	v8 =	vsub.f32 $5.000000070e-02, v8;
	v63 =	vmax.f32 v9, v59  }
0x166: {  	(erf) = vpow2.f32 v17;
	v10 =	vsub.f32 v46, v63;
	v22 =	vmul.f32 $1.442695020e+00, v62  }
0x167: {  	(erf) = vpow2.f32 v20;
	v11 =	vsub.f32 v47, v63;
	v8 =	vmul.f32 $1.442695020e+00, v8  }
0x168: {  	v24 =	vmul.f32 $1.442695020e+00, v10;
	(erf) = vpow2.f32 v22  }
0x169: {  	v26 =	vsub.f32 v48, v63;
	v25 =	vmul.f32 $1.442695020e+00, v11;
	(erf) = vpow2.f32 v8  }
0x16a: {  	v28 =	vsub.f32 v49, v63;
	(erf) = vpow2.f32 v24  }
0x16b: {  	v27 =	vmul.f32 $1.442695020e+00, v26;
	(erf) = vpow2.f32 v25  }
0x16c: {  	v9 =	vmul.f32 $1.442695020e+00, v28  }
0x16d: {  	v29 =	vsub.f32 v50, v63;
	(erf) = vpow2.f32 v27;
	_ =	sdelay $0x1  }
0x16e: {  	v31 =	vsub.f32 v51, v63;
	v30 =	vmul.f32 $1.442695020e+00, v29;
	v8 =	vpop (erf);
	(erf) = vpow2.f32 v9  }
0x16f: {  	v9 =	vpop (erf)  }
0x170: {  	v32 =	vsub.f32 v53, v63;
	v13 =	vmul.f32 $1.442695020e+00, v31;
	(erf) = vpow2.f32 v30;
	v10 =	vpop (erf)  }
0x171: {  	v11 =	vpop (erf)  }
0x172: {  	v12 =	vsub.f32 v55, v63;
	v33 =	vmul.f32 $1.442695020e+00, v32;
	(erf) = vpow2.f32 v13;
	v15 =	vpop (erf)  }
0x173: {  	v34 =	vsub.f32 v57, v63;
	v14 =	vpop (erf)  }
0x174: {  	v36 =	vld [tilespmem:$0x840];
	v12 =	vmul.f32 $1.442695020e+00, v12;
	(erf) = vpow2.f32 v33;
	v35 =	vadd.f32 v14, v15  }
0x175: {  	v37 =	vld [tilespmem:$0x8C0];
	v38 =	vsub.f32 v59, v63;
	v18 =	vpop (erf)  }
0x176: {  	v39 =	vld [tilespmem:$0x940];
	v13 =	vmul.f32 $1.442695020e+00, v34;
	(erf) = vpow2.f32 v12;
	v16 =	vadd.f32 v35, v18  }
0x177: {  	v40 =	vld [tilespmem:$0x9C0];
	v21 =	vpop (erf)  }
0x178: {  	v42 =	vld [tilespmem:$0xA40];
	v41 =	vmul.f32 $1.442695020e+00, v38;
	(erf) = vpow2.f32 v13;
	v16 =	vadd.f32 v16, v21  }
0x179: {  	v43 =	vld [tilespmem:$0xAC0];
	v23 =	vpop (erf)  }
0x17a: {  	v45 =	vld [tilespmem:$0xB40];
	v46 =	vmax.f32 v36, v37;
	(erf) = vpow2.f32 v41;
	v44 =	vadd.f32 v16, v23  }
0x17b: {  	v47 =	vld [tilespmem:$0xBC0];
	v25 =	vmax.f32 v46, v39;
	v26 =	vpop (erf)  }
0x17c: {  	v48 =	vld [tilespmem:$0xC40];
	v25 =	vmax.f32 v25, v40;
	v13 =	vadd.f32 v44, v26  }
0x17d: {  	v49 =	vld [tilespmem:$0xCC0];
	v25 =	vmax.f32 v25, v42;
	v29 =	vpop (erf)  }
0x17e: {  	v25 =	vmax.f32 v25, v43;
	v13 =	vadd.f32 v13, v29  }
0x17f: {  	v25 =	vmax.f32 v25, v45;
	v31 =	vpop (erf)  }
0x180: {  	v25 =	vmax.f32 v25, v47;
	v13 =	vadd.f32 v13, v31  }
0x181: {  	v25 =	vmax.f32 v25, v48;
	v32 =	vpop (erf)  }
0x182: {  	v25 =	vmax.f32 v25, v49;
	v13 =	vadd.f32 v13, v32  }
0x183: {  	v17 =	vsub.f32 v36, v25;
	v33 =	vpop (erf)  }
0x184: {  	v12 =	vsub.f32 v37, v25;
	v13 =	vadd.f32 v13, v33  }
0x185: {  	v17 =	vmul.f32 $1.442695020e+00, v17  }
0x186: {  	v50 =	vsub.f32 v39, v25;
	v12 =	vmul.f32 $1.442695020e+00, v12;
	(erf) = vrcp.f32 v13  }
0x187: {  	(erf) = vpow2.f32 v17  }
0x188: {  	v52 =	vsub.f32 v40, v25;
	v51 =	vmul.f32 $1.442695020e+00, v50;
	(erf) = vpow2.f32 v12;
	_ =	sdelay $0x1  }
0x189: {  	v54 =	vsub.f32 v42, v25;
	v53 =	vmul.f32 $1.442695020e+00, v52;
	(erf) = vpow2.f32 v51;
	_ =	sdelay $0x1  }
0x18a: {  	v56 =	vsub.f32 v43, v25;
	v55 =	vmul.f32 $1.442695020e+00, v54;
	(erf) = vpow2.f32 v53;
	_ =	sdelay $0x1  }
0x18b: {  	v58 =	vsub.f32 v45, v25;
	v57 =	vmul.f32 $1.442695020e+00, v56;
	(erf) = vpow2.f32 v55  }
0x18c: {  	v59 =	vpop (erf)  }
0x18d: {  	v60 =	vsub.f32 v47, v25;
	v62 =	vmul.f32 $1.442695020e+00, v58;
	(erf) = vpow2.f32 v57;
	v61 =	vpop (erf)  }
0x18e: {  	v35 =	vsub.f32 v48, v25;
	v63 =	vpop (erf)  }
0x18f: {  	v17 =	vmul.f32 $1.442695020e+00, v60;
	(erf) = vpow2.f32 v62;
	v36 =	vadd.f32 v63, v61  }
0x190: {  	v38 =	vsub.f32 v49, v25;
	v37 =	vpop (erf)  }
0x191: {  	v12 =	vmul.f32 $1.442695020e+00, v35;
	(erf) = vpow2.f32 v17;
	v20 =	vadd.f32 v36, v37  }
0x192: {  	v39 =	vpop (erf)  }
0x193: {  	v40 =	vmul.f32 $1.442695020e+00, v38;
	(erf) = vpow2.f32 v12;
	v41 =	vadd.f32 v20, v39  }
0x194: {  	v42 =	vpop (erf)  }
0x195: {  	(erf) = vpow2.f32 v40;
	v43 =	vadd.f32 v41, v42  }
0x196: {  	v44 =	vpop (erf)  }
0x197: {  	v12 =	vadd.f32 v43, v44  }
0x198: {  	v45 =	vpop (erf)  }
0x199: {  	v12 =	vadd.f32 v12, v45  }
0x19a: {  	v47 =	vpop (erf)  }
0x19b: {  	v46 =	vld [tilespmem:$0x1040];
	v12 =	vadd.f32 v12, v47  }
0x19c: {  	v48 =	vpop (erf)  }
0x19d: {  	v12 =	vadd.f32 v12, v48  }
0x19e: {  	v34 =	vpop (erf)  }
0x19f: {  	v12 =	vadd.f32 v12, v34  }
0x1a0: {  	vm12 =	veq.s32 v46, $0x0;
	vm13 =	veq.s32 v46, $0x1  }
0x1a1: {  	v15 =	vnsel vm12, $0x0, v15;
	v19 =	vnsel vm12, $0x0, v61;
	(erf) = vrcp.f32 v12  }
0x1a2: {  	vm14 =	veq.s32 v46, $0x2;
	v49 =	vsel vm13, v14, v15;
	v13 =	vsel vm13, v63, v19  }
0x1a3: {  	vm15 =	veq.s32 v46, $0x3;
	v13 =	vsel vm14, v37, v13;
	v12 =	vsel vm14, v18, v49  }
0x1a4: {  	vm4 =	veq.s32 v46, $0x4;
	v50 =	vld [tilespmem:$0x50];
	v13 =	vsel vm15, v39, v13;
	v12 =	vsel vm15, v21, v12  }
0x1a5: {  	vm5 =	veq.s32 v46, $0x5;
	v51 =	vld [tilespmem:$0xD0];
	v13 =	vsel vm4, v42, v13;
	v12 =	vsel vm4, v23, v12  }
0x1a6: {  	vm6 =	veq.s32 v46, $0x6;
	v52 =	vld [tilespmem:$0x150];
	v13 =	vsel vm5, v44, v13;
	v12 =	vsel vm5, v26, v12  }
0x1a7: {  	vm7 =	veq.s32 v46, $0x7;
	v53 =	vld [tilespmem:$0x1D0];
	v13 =	vsel vm6, v45, v13;
	v12 =	vsel vm6, v29, v12  }
0x1a8: {  	vm8 =	veq.s32 v46, $0x8;
	v54 =	vld [tilespmem:$0x250];
	v13 =	vsel vm7, v47, v13;
	v12 =	vsel vm7, v31, v12  }
0x1a9: {  	vm9 =	veq.s32 v46, $0x9;
	v55 =	vld [tilespmem:$0x2D0];
	v13 =	vsel vm8, v48, v13;
	v12 =	vsel vm8, v32, v12  }
0x1aa: {  	v58 =	vmax.f32 v50, v51;
	v57 =	vld [tilespmem:$0x350];
	v13 =	vsel vm9, v34, v13;
	v12 =	vsel vm9, v33, v12;
	v56 =	vpop (erf)  }
0x1ab: {  	v60 =	vmax.f32 v58, v52;
	v12 =	vmul.f32 v59, v12;
	v59 =	vld [tilespmem:$0x3D0];
	v13 =	vmul.f32 v56, v13  }
0x1ac: {  	v61 =	vld [tilespmem:$0x450];
	v21 =	vmax.f32 v60, v53  }
0x1ad: {  	v63 =	vld [tilespmem:$0x4D0];
	v30 =	vmax.f32 v21, v54;
	v62 =	vmul.f32 $4.000000000e+00, v12;
	v12 =	vsub.f32 v13, v12  }
0x1ae: {  	v13 =	vmax.f32 v30, v55  }
0x1af: {  	v31 =	vsub.f32 $4.050000190e+00, v62;
	v13 =	vmax.f32 v13, v57;
	v12 =	vadd.f32 v12, v12  }
0x1b0: {  	v24 =	vadd.f32 $-3.950000050e+00, v62;
	v13 =	vmax.f32 v13, v59  }
0x1b1: {  	v21 =	vmul.f32 $1.442695020e+00, v31;
	v13 =	vmax.f32 v13, v61;
	v32 =	vadd.f32 $5.000000070e-02, v12  }
0x1b2: {  	v24 =	vmul.f32 $1.442695020e+00, v24;
	v12 =	vsub.f32 $5.000000070e-02, v12;
	v33 =	vmax.f32 v13, v63  }
0x1b3: {  	(erf) = vpow2.f32 v21;
	v14 =	vsub.f32 v50, v33;
	v34 =	vmul.f32 $1.442695020e+00, v32  }
0x1b4: {  	(erf) = vpow2.f32 v24;
	v15 =	vsub.f32 v51, v33;
	v12 =	vmul.f32 $1.442695020e+00, v12  }
0x1b5: {  	v35 =	vmul.f32 $1.442695020e+00, v14;
	(erf) = vpow2.f32 v34  }
0x1b6: {  	v37 =	vsub.f32 v52, v33;
	v36 =	vmul.f32 $1.442695020e+00, v15;
	(erf) = vpow2.f32 v12  }
0x1b7: {  	(erf) = vpow2.f32 v35  }
0x1b8: {  	v39 =	vsub.f32 v53, v33;
	v38 =	vmul.f32 $1.442695020e+00, v37;
	(erf) = vpow2.f32 v36  }
0x1b9: {  	v41 =	vsub.f32 v54, v33  }
0x1ba: {  	v40 =	vmul.f32 $1.442695020e+00, v39;
	(erf) = vpow2.f32 v38  }
0x1bb: {  	v14 =	vmul.f32 $1.442695020e+00, v41  }
0x1bc: {  	v42 =	vsub.f32 v55, v33;
	v13 =	vpop (erf);
	(erf) = vpow2.f32 v40  }
0x1bd: {  	v15 =	vpop (erf)  }
0x1be: {  	v43 =	vsub.f32 v57, v33;
	v17 =	vmul.f32 $1.442695020e+00, v42;
	(erf) = vpow2.f32 v14;
	v12 =	vpop (erf)  }
0x1bf: {  	v14 =	vpop (erf)  }
0x1c0: {  	v16 =	vsub.f32 v59, v33;
	v44 =	vmul.f32 $1.442695020e+00, v43;
	(erf) = vpow2.f32 v17;
	v19 =	vpop (erf)  }
0x1c1: {  	v45 =	vsub.f32 v61, v33;
	v18 =	vpop (erf)  }
0x1c2: {  	v47 =	vld [tilespmem:$0x850];
	v16 =	vmul.f32 $1.442695020e+00, v16;
	(erf) = vpow2.f32 v44;
	v46 =	vadd.f32 v18, v19  }
0x1c3: {  	v48 =	vld [tilespmem:$0x8D0];
	v49 =	vsub.f32 v63, v33;
	v22 =	vpop (erf)  }
0x1c4: {  	v50 =	vld [tilespmem:$0x950];
	v17 =	vmul.f32 $1.442695020e+00, v45;
	(erf) = vpow2.f32 v16;
	v20 =	vadd.f32 v46, v22  }
0x1c5: {  	v51 =	vld [tilespmem:$0x9D0];
	v25 =	vpop (erf)  }
0x1c6: {  	v53 =	vld [tilespmem:$0xA50];
	v52 =	vmul.f32 $1.442695020e+00, v49;
	(erf) = vpow2.f32 v17;
	v20 =	vadd.f32 v20, v25  }
0x1c7: {  	v54 =	vld [tilespmem:$0xAD0];
	v27 =	vpop (erf)  }
0x1c8: {  	v56 =	vld [tilespmem:$0xB50];
	v57 =	vmax.f32 v47, v48;
	(erf) = vpow2.f32 v52;
	v55 =	vadd.f32 v20, v27  }
0x1c9: {  	v58 =	vld [tilespmem:$0xBD0];
	v29 =	vmax.f32 v57, v50;
	v30 =	vpop (erf)  }
0x1ca: {  	v59 =	vld [tilespmem:$0xC50];
	v29 =	vmax.f32 v29, v51;
	v17 =	vadd.f32 v55, v30  }
0x1cb: {  	v60 =	vld [tilespmem:$0xCD0];
	v29 =	vmax.f32 v29, v53;
	v33 =	vpop (erf)  }
0x1cc: {  	v29 =	vmax.f32 v29, v54;
	v17 =	vadd.f32 v17, v33  }
0x1cd: {  	v29 =	vmax.f32 v29, v56;
	v35 =	vpop (erf)  }
0x1ce: {  	v29 =	vmax.f32 v29, v58;
	v17 =	vadd.f32 v17, v35  }
0x1cf: {  	v29 =	vmax.f32 v29, v59;
	v36 =	vpop (erf)  }
0x1d0: {  	v29 =	vmax.f32 v29, v60;
	v17 =	vadd.f32 v17, v36  }
0x1d1: {  	v21 =	vsub.f32 v47, v29;
	v37 =	vpop (erf)  }
0x1d2: {  	v16 =	vsub.f32 v48, v29;
	v17 =	vadd.f32 v17, v37  }
0x1d3: {  	v21 =	vmul.f32 $1.442695020e+00, v21  }
0x1d4: {  	v61 =	vsub.f32 v50, v29;
	v16 =	vmul.f32 $1.442695020e+00, v16;
	(erf) = vrcp.f32 v17  }
0x1d5: {  	(erf) = vpow2.f32 v21  }
0x1d6: {  	v63 =	vsub.f32 v51, v29;
	v62 =	vmul.f32 $1.442695020e+00, v61;
	(erf) = vpow2.f32 v16;
	_ =	sdelay $0x1  }
0x1d7: {  	v23 =	vsub.f32 v53, v29;
	v21 =	vmul.f32 $1.442695020e+00, v63;
	(erf) = vpow2.f32 v62;
	_ =	sdelay $0x1  }
0x1d8: {  	v26 =	vsub.f32 v54, v29;
	v24 =	vmul.f32 $1.442695020e+00, v23;
	(erf) = vpow2.f32 v21;
	_ =	sdelay $0x1  }
0x1d9: {  	v38 =	vsub.f32 v56, v29;
	v28 =	vmul.f32 $1.442695020e+00, v26;
	(erf) = vpow2.f32 v24  }
0x1da: {  	v20 =	vpop (erf)  }
0x1db: {  	v39 =	vsub.f32 v58, v29;
	v41 =	vmul.f32 $1.442695020e+00, v38;
	(erf) = vpow2.f32 v28;
	v40 =	vpop (erf)  }
0x1dc: {  	v43 =	vsub.f32 v59, v29;
	v42 =	vpop (erf)  }
0x1dd: {  	v21 =	vmul.f32 $1.442695020e+00, v39;
	(erf) = vpow2.f32 v41;
	v44 =	vadd.f32 v42, v40  }
0x1de: {  	v46 =	vsub.f32 v60, v29;
	v45 =	vpop (erf)  }
0x1df: {  	v16 =	vmul.f32 $1.442695020e+00, v43;
	(erf) = vpow2.f32 v21;
	v24 =	vadd.f32 v44, v45  }
0x1e0: {  	v47 =	vpop (erf)  }
0x1e1: {  	v48 =	vmul.f32 $1.442695020e+00, v46;
	(erf) = vpow2.f32 v16;
	v49 =	vadd.f32 v24, v47  }
0x1e2: {  	v50 =	vpop (erf)  }
0x1e3: {  	(erf) = vpow2.f32 v48;
	v51 =	vadd.f32 v49, v50  }
0x1e4: {  	v52 =	vpop (erf)  }
0x1e5: {  	v16 =	vadd.f32 v51, v52  }
0x1e6: {  	v53 =	vpop (erf)  }
0x1e7: {  	v16 =	vadd.f32 v16, v53  }
0x1e8: {  	v55 =	vpop (erf)  }
0x1e9: {  	v54 =	vld [tilespmem:$0x1050];
	v16 =	vadd.f32 v16, v55  }
0x1ea: {  	v56 =	vpop (erf)  }
0x1eb: {  	v16 =	vadd.f32 v16, v56  }
0x1ec: {  	v38 =	vpop (erf)  }
0x1ed: {  	v16 =	vadd.f32 v16, v38  }
0x1ee: {  	vm10 =	veq.s32 v54, $0x0;
	vm11 =	veq.s32 v54, $0x1  }
0x1ef: {  	v19 =	vnsel vm10, $0x0, v19;
	v23 =	vnsel vm10, $0x0, v40;
	(erf) = vrcp.f32 v16  }
0x1f0: {  	vm12 =	veq.s32 v54, $0x2;
	v57 =	vsel vm11, v18, v19;
	v17 =	vsel vm11, v42, v23  }
0x1f1: {  	vm13 =	veq.s32 v54, $0x3;
	v17 =	vsel vm12, v45, v17;
	v16 =	vsel vm12, v22, v57  }
0x1f2: {  	v58 =	vld [tilespmem:$0x60];
	vm14 =	veq.s32 v54, $0x4;
	v17 =	vsel vm13, v47, v17;
	v16 =	vsel vm13, v25, v16  }
0x1f3: {  	v59 =	vld [tilespmem:$0xE0];
	vm15 =	veq.s32 v54, $0x5;
	v17 =	vsel vm14, v50, v17;
	v16 =	vsel vm14, v27, v16  }
0x1f4: {  	vm4 =	veq.s32 v54, $0x6;
	v60 =	vld [tilespmem:$0x160];
	v17 =	vsel vm15, v52, v17;
	v16 =	vsel vm15, v30, v16  }
0x1f5: {  	v61 =	vld [tilespmem:$0x1E0];
	vm5 =	veq.s32 v54, $0x7;
	v17 =	vsel vm4, v53, v17;
	v16 =	vsel vm4, v33, v16  }
0x1f6: {  	vm6 =	veq.s32 v54, $0x8;
	v62 =	vld [tilespmem:$0x260];
	v17 =	vsel vm5, v55, v17;
	v16 =	vsel vm5, v35, v16  }
0x1f7: {  	vm7 =	veq.s32 v54, $0x9;
	v63 =	vld [tilespmem:$0x2E0];
	v17 =	vsel vm6, v56, v17;
	v16 =	vsel vm6, v36, v16  }
0x1f8: {  	v34 =	vmax.f32 v58, v59;
	v17 =	vsel vm7, v38, v17;
	v33 =	vld [tilespmem:$0x360];
	v16 =	vsel vm7, v37, v16;
	v32 =	vpop (erf)  }
0x1f9: {  	v35 =	vld [tilespmem:$0x3E0];
	v36 =	vmax.f32 v34, v60;
	v16 =	vmul.f32 v20, v16;
	v17 =	vmul.f32 v32, v17  }
0x1fa: {  	v37 =	vld [tilespmem:$0x460];
	v25 =	vmax.f32 v36, v61  }
0x1fb: {  	v39 =	vld [tilespmem:$0x4E0];
	v40 =	vmax.f32 v25, v62;
	v38 =	vmul.f32 $4.000000000e+00, v16;
	v16 =	vsub.f32 v17, v16  }
0x1fc: {  	v17 =	vmax.f32 v40, v63  }
0x1fd: {  	v41 =	vsub.f32 $4.050000190e+00, v38;
	v17 =	vmax.f32 v17, v33;
	v16 =	vadd.f32 v16, v16  }
0x1fe: {  	v28 =	vadd.f32 $-3.950000050e+00, v38;
	v17 =	vmax.f32 v17, v35  }
0x1ff: {  	v25 =	vmul.f32 $1.442695020e+00, v41;
	v17 =	vmax.f32 v17, v37;
	v42 =	vadd.f32 $5.000000070e-02, v16  }
0x200: {  	v28 =	vmul.f32 $1.442695020e+00, v28;
	v16 =	vsub.f32 $5.000000070e-02, v16;
	v43 =	vmax.f32 v17, v39  }
0x201: {  	(erf) = vpow2.f32 v25;
	v18 =	vsub.f32 v58, v43;
	v44 =	vmul.f32 $1.442695020e+00, v42  }
0x202: {  	(erf) = vpow2.f32 v28;
	v19 =	vsub.f32 v59, v43;
	v16 =	vmul.f32 $1.442695020e+00, v16  }
0x203: {  	v45 =	vmul.f32 $1.442695020e+00, v18;
	(erf) = vpow2.f32 v44  }
0x204: {  	v47 =	vsub.f32 v60, v43;
	v46 =	vmul.f32 $1.442695020e+00, v19;
	(erf) = vpow2.f32 v16  }
0x205: {  	(erf) = vpow2.f32 v45  }
0x206: {  	v49 =	vsub.f32 v61, v43;
	v48 =	vmul.f32 $1.442695020e+00, v47;
	(erf) = vpow2.f32 v46;
	_ =	sdelay $0x1  }
0x207: {  	v50 =	vsub.f32 v62, v43;
	v17 =	vmul.f32 $1.442695020e+00, v49;
	(erf) = vpow2.f32 v48;
	_ =	sdelay $0x1  }
0x208: {  	v52 =	vsub.f32 v63, v43;
	v51 =	vmul.f32 $1.442695020e+00, v50;
	v16 =	vpop (erf);
	(erf) = vpow2.f32 v17  }
0x209: {  	v18 =	vpop (erf)  }
0x20a: {  	v53 =	vsub.f32 v33, v43;
	v21 =	vmul.f32 $1.442695020e+00, v52;
	(erf) = vpow2.f32 v51;
	v17 =	vpop (erf)  }
0x20b: {  	v19 =	vpop (erf)  }
0x20c: {  	v20 =	vsub.f32 v35, v43;
	v54 =	vmul.f32 $1.442695020e+00, v53;
	(erf) = vpow2.f32 v21;
	v23 =	vpop (erf)  }
0x20d: {  	v55 =	vsub.f32 v37, v43;
	v22 =	vpop (erf)  }
0x20e: {  	v57 =	vld [tilespmem:$0x860];
	v20 =	vmul.f32 $1.442695020e+00, v20;
	(erf) = vpow2.f32 v54;
	v56 =	vadd.f32 v22, v23  }
0x20f: {  	v58 =	vld [tilespmem:$0x8E0];
	v59 =	vsub.f32 v39, v43;
	v26 =	vpop (erf)  }
0x210: {  	v60 =	vld [tilespmem:$0x960];
	v21 =	vmul.f32 $1.442695020e+00, v55;
	(erf) = vpow2.f32 v20;
	v24 =	vadd.f32 v56, v26  }
0x211: {  	v61 =	vld [tilespmem:$0x9E0];
	v29 =	vpop (erf)  }
0x212: {  	v63 =	vld [tilespmem:$0xA60];
	v62 =	vmul.f32 $1.442695020e+00, v59;
	(erf) = vpow2.f32 v21;
	v24 =	vadd.f32 v24, v29  }
0x213: {  	v44 =	vld [tilespmem:$0xAE0];
	v31 =	vpop (erf)  }
0x214: {  	v47 =	vmax.f32 v57, v58;
	v46 =	vld [tilespmem:$0xB60];
	(erf) = vpow2.f32 v62;
	v45 =	vadd.f32 v24, v31  }
0x215: {  	v33 =	vmax.f32 v47, v60;
	v48 =	vld [tilespmem:$0xBE0];
	v34 =	vpop (erf)  }
0x216: {  	v49 =	vld [tilespmem:$0xC60];
	v33 =	vmax.f32 v33, v61;
	v21 =	vadd.f32 v45, v34  }
0x217: {  	v50 =	vld [tilespmem:$0xCE0];
	v33 =	vmax.f32 v33, v63;
	v37 =	vpop (erf)  }
0x218: {  	v33 =	vmax.f32 v33, v44;
	v21 =	vadd.f32 v21, v37  }
0x219: {  	v33 =	vmax.f32 v33, v46;
	v39 =	vpop (erf)  }
0x21a: {  	v33 =	vmax.f32 v33, v48;
	v21 =	vadd.f32 v21, v39  }
0x21b: {  	v33 =	vmax.f32 v33, v49;
	v40 =	vpop (erf)  }
0x21c: {  	v33 =	vmax.f32 v33, v50;
	v21 =	vadd.f32 v21, v40  }
0x21d: {  	v25 =	vsub.f32 v57, v33;
	v41 =	vpop (erf)  }
0x21e: {  	v20 =	vsub.f32 v58, v33;
	v21 =	vadd.f32 v21, v41  }
0x21f: {  	v25 =	vmul.f32 $1.442695020e+00, v25  }
0x220: {  	v51 =	vsub.f32 v60, v33;
	v20 =	vmul.f32 $1.442695020e+00, v20;
	(erf) = vrcp.f32 v21  }
0x221: {  	(erf) = vpow2.f32 v25  }
0x222: {  	v53 =	vsub.f32 v61, v33;
	v52 =	vmul.f32 $1.442695020e+00, v51;
	(erf) = vpow2.f32 v20;
	_ =	sdelay $0x1  }
0x223: {  	v55 =	vsub.f32 v63, v33;
	v54 =	vmul.f32 $1.442695020e+00, v53;
	(erf) = vpow2.f32 v52;
	_ =	sdelay $0x1  }
0x224: {  	v57 =	vsub.f32 v44, v33;
	v56 =	vmul.f32 $1.442695020e+00, v55;
	(erf) = vpow2.f32 v54;
	_ =	sdelay $0x1  }
0x225: {  	v59 =	vsub.f32 v46, v33;
	v58 =	vmul.f32 $1.442695020e+00, v57;
	(erf) = vpow2.f32 v56  }
0x226: {  	v24 =	vpop (erf)  }
0x227: {  	v60 =	vsub.f32 v48, v33;
	v62 =	vmul.f32 $1.442695020e+00, v59;
	(erf) = vpow2.f32 v58;
	v61 =	vpop (erf)  }
0x228: {  	v45 =	vsub.f32 v49, v33;
	v63 =	vpop (erf)  }
0x229: {  	v25 =	vmul.f32 $1.442695020e+00, v60;
	(erf) = vpow2.f32 v62;
	v46 =	vadd.f32 v63, v61  }
0x22a: {  	v48 =	vsub.f32 v50, v33;
	v47 =	vpop (erf)  }
0x22b: {  	v20 =	vmul.f32 $1.442695020e+00, v45;
	(erf) = vpow2.f32 v25;
	v28 =	vadd.f32 v46, v47  }
0x22c: {  	v49 =	vpop (erf)  }
0x22d: {  	v50 =	vmul.f32 $1.442695020e+00, v48;
	(erf) = vpow2.f32 v20;
	v51 =	vadd.f32 v28, v49  }
0x22e: {  	v52 =	vpop (erf)  }
0x22f: {  	(erf) = vpow2.f32 v50;
	v53 =	vadd.f32 v51, v52  }
0x230: {  	v54 =	vpop (erf)  }
0x231: {  	v20 =	vadd.f32 v53, v54  }
0x232: {  	v55 =	vpop (erf)  }
0x233: {  	v20 =	vadd.f32 v20, v55  }
0x234: {  	v57 =	vpop (erf)  }
0x235: {  	v56 =	vld [tilespmem:$0x1060];
	v20 =	vadd.f32 v20, v57  }
0x236: {  	v58 =	vpop (erf)  }
0x237: {  	v20 =	vadd.f32 v20, v58  }
0x238: {  	v42 =	vpop (erf)  }
0x239: {  	v20 =	vadd.f32 v20, v42  }
0x23a: {  	vm8 =	veq.s32 v56, $0x0;
	vm9 =	veq.s32 v56, $0x1  }
0x23b: {  	v23 =	vnsel vm8, $0x0, v23;
	v27 =	vnsel vm8, $0x0, v61;
	(erf) = vrcp.f32 v20  }
0x23c: {  	vm10 =	veq.s32 v56, $0x2;
	v59 =	vsel vm9, v22, v23;
	v21 =	vsel vm9, v63, v27  }
0x23d: {  	vm11 =	veq.s32 v56, $0x3;
	v21 =	vsel vm10, v47, v21;
	v20 =	vsel vm10, v26, v59  }
0x23e: {  	v60 =	vld [tilespmem:$0x70];
	vm12 =	veq.s32 v56, $0x4;
	v21 =	vsel vm11, v49, v21;
	v20 =	vsel vm11, v29, v20  }
0x23f: {  	vm13 =	veq.s32 v56, $0x5;
	v61 =	vld [tilespmem:$0xF0];
	v21 =	vsel vm12, v52, v21;
	v20 =	vsel vm12, v31, v20  }
0x240: {  	vm14 =	veq.s32 v56, $0x6;
	v62 =	vld [tilespmem:$0x170];
	v21 =	vsel vm13, v54, v21;
	v20 =	vsel vm13, v34, v20  }
0x241: {  	vm15 =	veq.s32 v56, $0x7;
	v63 =	vld [tilespmem:$0x1F0];
	v21 =	vsel vm14, v55, v21;
	v20 =	vsel vm14, v37, v20  }
0x242: {  	v36 =	vld [tilespmem:$0x270];
	vm4 =	veq.s32 v56, $0x8;
	v21 =	vsel vm15, v57, v21;
	v20 =	vsel vm15, v39, v20  }
0x243: {  	vm5 =	veq.s32 v56, $0x9;
	v21 =	vsel vm4, v58, v21;
	v37 =	vld [tilespmem:$0x2F0];
	v20 =	vsel vm4, v40, v20  }
0x244: {  	v21 =	vsel vm5, v42, v21;
	v39 =	vld [tilespmem:$0x370];
	v40 =	vmax.f32 v60, v61;
	v20 =	vsel vm5, v41, v20;
	v38 =	vpop (erf)  }
0x245: {  	v41 =	vld [tilespmem:$0x3F0];
	v42 =	vmax.f32 v40, v62;
	v20 =	vmul.f32 v24, v20;
	v21 =	vmul.f32 v38, v21  }
0x246: {  	v43 =	vld [tilespmem:$0x470];
	v29 =	vmax.f32 v42, v63  }
0x247: {  	v45 =	vld [tilespmem:$0x4F0];
	v46 =	vmax.f32 v29, v36;
	v44 =	vmul.f32 $4.000000000e+00, v20;
	v20 =	vsub.f32 v21, v20  }
0x248: {  	v21 =	vmax.f32 v46, v37  }
0x249: {  	v47 =	vsub.f32 $4.050000190e+00, v44;
	v21 =	vmax.f32 v21, v39;
	v20 =	vadd.f32 v20, v20  }
0x24a: {  	v32 =	vadd.f32 $-3.950000050e+00, v44;
	v21 =	vmax.f32 v21, v41  }
0x24b: {  	v29 =	vmul.f32 $1.442695020e+00, v47;
	v21 =	vmax.f32 v21, v43;
	v48 =	vadd.f32 $5.000000070e-02, v20  }
0x24c: {  	v32 =	vmul.f32 $1.442695020e+00, v32;
	v20 =	vsub.f32 $5.000000070e-02, v20;
	v49 =	vmax.f32 v21, v45  }
0x24d: {  	(erf) = vpow2.f32 v29;
	v22 =	vsub.f32 v60, v49;
	v50 =	vmul.f32 $1.442695020e+00, v48  }
0x24e: {  	(erf) = vpow2.f32 v32;
	v23 =	vsub.f32 v61, v49;
	v20 =	vmul.f32 $1.442695020e+00, v20  }
0x24f: {  	v51 =	vmul.f32 $1.442695020e+00, v22;
	(erf) = vpow2.f32 v50  }
0x250: {  	v53 =	vsub.f32 v62, v49;
	v52 =	vmul.f32 $1.442695020e+00, v23;
	(erf) = vpow2.f32 v20  }
0x251: {  	v55 =	vsub.f32 v63, v49;
	(erf) = vpow2.f32 v51  }
0x252: {  	v54 =	vmul.f32 $1.442695020e+00, v53;
	(erf) = vpow2.f32 v52  }
0x253: {  	v21 =	vmul.f32 $1.442695020e+00, v55  }
0x254: {  	v56 =	vsub.f32 v36, v49;
	(erf) = vpow2.f32 v54;
	_ =	sdelay $0x1  }
0x255: {  	v58 =	vsub.f32 v37, v49;
	v57 =	vmul.f32 $1.442695020e+00, v56;
	v20 =	vpop (erf);
	(erf) = vpow2.f32 v21  }
0x256: {  	v21 =	vpop (erf)  }
0x257: {  	v59 =	vsub.f32 v39, v49;
	v25 =	vmul.f32 $1.442695020e+00, v58;
	(erf) = vpow2.f32 v57;
	v22 =	vpop (erf)  }
0x258: {  	v23 =	vpop (erf)  }
0x259: {  	v24 =	vsub.f32 v41, v49;
	v60 =	vmul.f32 $1.442695020e+00, v59;
	(erf) = vpow2.f32 v25;
	v27 =	vpop (erf)  }
0x25a: {  	v61 =	vsub.f32 v43, v49;
	v26 =	vpop (erf)  }
0x25b: {  	v63 =	vld [tilespmem:$0x870];
	v24 =	vmul.f32 $1.442695020e+00, v24;
	(erf) = vpow2.f32 v60;
	v62 =	vadd.f32 v26, v27  }
0x25c: {  	v49 =	vsub.f32 v45, v49;
	v48 =	vld [tilespmem:$0x8F0];
	v30 =	vpop (erf)  }
0x25d: {  	v50 =	vld [tilespmem:$0x970];
	v25 =	vmul.f32 $1.442695020e+00, v61;
	(erf) = vpow2.f32 v24;
	v28 =	vadd.f32 v62, v30  }
0x25e: {  	v51 =	vld [tilespmem:$0x9F0];
	v33 =	vpop (erf)  }
0x25f: {  	v53 =	vld [tilespmem:$0xA70];
	v52 =	vmul.f32 $1.442695020e+00, v49;
	(erf) = vpow2.f32 v25;
	v28 =	vadd.f32 v28, v33  }
0x260: {  	v54 =	vld [tilespmem:$0xAF0];
	v35 =	vpop (erf)  }
0x261: {  	v56 =	vld [tilespmem:$0xB70];
	v57 =	vmax.f32 v63, v48;
	(erf) = vpow2.f32 v52;
	v55 =	vadd.f32 v28, v35  }
0x262: {  	v58 =	vld [tilespmem:$0xBF0];
	v37 =	vmax.f32 v57, v50;
	v38 =	vpop (erf)  }
0x263: {  	v59 =	vld [tilespmem:$0xC70];
	v37 =	vmax.f32 v37, v51;
	v25 =	vadd.f32 v55, v38  }
0x264: {  	v37 =	vmax.f32 v37, v53;
	v60 =	vld [tilespmem:$0xCF0];
	v41 =	vpop (erf)  }
0x265: {  	v37 =	vmax.f32 v37, v54;
	v25 =	vadd.f32 v25, v41  }
0x266: {  	v37 =	vmax.f32 v37, v56;
	v43 =	vpop (erf)  }
0x267: {  	v37 =	vmax.f32 v37, v58;
	v25 =	vadd.f32 v25, v43  }
0x268: {  	v37 =	vmax.f32 v37, v59;
	v44 =	vpop (erf)  }
0x269: {  	v37 =	vmax.f32 v37, v60;
	v25 =	vadd.f32 v25, v44  }
0x26a: {  	v29 =	vsub.f32 v63, v37;
	v45 =	vpop (erf)  }
0x26b: {  	v24 =	vsub.f32 v48, v37;
	v25 =	vadd.f32 v25, v45  }
0x26c: {  	v29 =	vmul.f32 $1.442695020e+00, v29  }
0x26d: {  	v61 =	vsub.f32 v50, v37;
	v24 =	vmul.f32 $1.442695020e+00, v24;
	(erf) = vrcp.f32 v25  }
0x26e: {  	(erf) = vpow2.f32 v29  }
0x26f: {  	v63 =	vsub.f32 v51, v37;
	v62 =	vmul.f32 $1.442695020e+00, v61;
	(erf) = vpow2.f32 v24;
	_ =	sdelay $0x1  }
0x270: {  	v31 =	vsub.f32 v53, v37;
	v29 =	vmul.f32 $1.442695020e+00, v63;
	(erf) = vpow2.f32 v62;
	_ =	sdelay $0x1  }
0x271: {  	v34 =	vsub.f32 v54, v37;
	v32 =	vmul.f32 $1.442695020e+00, v31;
	(erf) = vpow2.f32 v29;
	_ =	sdelay $0x1  }
0x272: {  	v46 =	vsub.f32 v56, v37;
	v36 =	vmul.f32 $1.442695020e+00, v34;
	(erf) = vpow2.f32 v32  }
0x273: {  	v28 =	vpop (erf)  }
0x274: {  	v47 =	vsub.f32 v58, v37;
	v48 =	vmul.f32 $1.442695020e+00, v46;
	(erf) = vpow2.f32 v36;
	v31 =	vpop (erf)  }
0x275: {  	v50 =	vsub.f32 v59, v37;
	v49 =	vpop (erf)  }
0x276: {  	v29 =	vmul.f32 $1.442695020e+00, v47;
	(erf) = vpow2.f32 v48;
	v51 =	vadd.f32 v49, v31  }
0x277: {  	v53 =	vsub.f32 v60, v37;
	v52 =	vpop (erf)  }
0x278: {  	v24 =	vmul.f32 $1.442695020e+00, v50;
	(erf) = vpow2.f32 v29;
	v32 =	vadd.f32 v51, v52  }
0x279: {  	v54 =	vpop (erf)  }
0x27a: {  	v55 =	vmul.f32 $1.442695020e+00, v53;
	(erf) = vpow2.f32 v24;
	v56 =	vadd.f32 v32, v54  }
0x27b: {  	v57 =	vpop (erf)  }
0x27c: {  	(erf) = vpow2.f32 v55;
	v58 =	vadd.f32 v56, v57  }
0x27d: {  	v59 =	vpop (erf)  }
0x27e: {  	v24 =	vadd.f32 v58, v59  }
0x27f: {  	v60 =	vpop (erf)  }
0x280: {  	v24 =	vadd.f32 v24, v60  }
0x281: {  	v61 =	vpop (erf)  }
0x282: {  	v62 =	vld [tilespmem:$0x1070];
	v24 =	vadd.f32 v24, v61  }
0x283: {  	v63 =	vpop (erf)  }
0x284: {  	v24 =	vadd.f32 v24, v63  }
0x285: {  	v46 =	vpop (erf)  }
0x286: {  	v24 =	vadd.f32 v24, v46  }
0x287: {  	vm6 =	veq.s32 v62, $0x0;
	vm7 =	veq.s32 v62, $0x1  }
0x288: {  	v47 =	vnsel vm6, $0x0, v27;
	v48 =	vnsel vm6, $0x0, v31;
	(erf) = vrcp.f32 v24  }
0x289: {  	vm8 =	veq.s32 v62, $0x2;
	v25 =	vsel vm7, v49, v48;
	v24 =	vsel vm7, v26, v47  }
0x28a: {  	vm9 =	veq.s32 v62, $0x3;
	v25 =	vsel vm8, v52, v25;
	v24 =	vsel vm8, v30, v24  }
0x28b: {  	vm10 =	veq.s32 v62, $0x4;
	v25 =	vsel vm9, v54, v25;
	v24 =	vsel vm9, v33, v24  }
0x28c: {  	[tilespmem:$0x1090] =	vst v2;
	vm11 =	veq.s32 v62, $0x5;
	v50 =	vsel vm10, v57, v25;
	v49 =	vsel vm10, v35, v24  }
0x28d: {  	[tilespmem:$0x1110] =	vst v3;
	vm12 =	veq.s32 v62, $0x6;
	v51 =	vsel vm11, v59, v50;
	v2 =	vsel vm11, v38, v49  }
0x28e: {  	[tilespmem:$0x1190] =	vst v0;
	vm13 =	veq.s32 v62, $0x7;
	v53 =	vsel vm12, v60, v51;
	v52 =	vsel vm12, v41, v2  }
0x28f: {  	[tilespmem:$0x1210] =	vst v1;
	vm14 =	veq.s32 v62, $0x8;
	v54 =	vsel vm13, v61, v53;
	v0 =	vsel vm13, v43, v52  }
0x290: {  	[tilespmem:$0x10A0] =	vst v7;
	vm15 =	veq.s32 v62, $0x9;
	v1 =	vsel vm14, v63, v54;
	v0 =	vsel vm14, v44, v0  }
0x291: {  	[tilespmem:$0x1120] =	vst v5;
	v1 =	vsel vm15, v46, v1;
	v0 =	vsel vm15, v45, v0;
	v55 =	vpop (erf)  }
0x292: {  	[tilespmem:$0x11A0] =	vst v4;
	v0 =	vmul.f32 v28, v0;
	v1 =	vmul.f32 v55, v1  }
0x293: {  	[tilespmem:$0x1220] =	vst v6  }
0x294: {  	[tilespmem:$0x10B0] =	vst v8;
	v1 =	vsub.f32 v1, v0;
	v0 =	vmul.f32 $4.000000000e+00, v0  }
0x295: {  	[tilespmem:$0x1130] =	vst v9  }
0x296: {  	[tilespmem:$0x11B0] =	vst v10;
	v56 =	vsub.f32 $4.050000190e+00, v0;
	v1 =	vadd.f32 v1, v1  }
0x297: {  	[tilespmem:$0x1230] =	vst v11;
	v0 =	vadd.f32 $-3.950000050e+00, v0  }
0x298: {  	[tilespmem:$0x10C0] =	vst v13;
	v2 =	vmul.f32 $1.442695020e+00, v56;
	v57 =	vadd.f32 $5.000000070e-02, v1  }
0x299: {  	[tilespmem:$0x1140] =	vst v15;
	v0 =	vmul.f32 $1.442695020e+00, v0;
	v1 =	vsub.f32 $5.000000070e-02, v1  }
0x29a: {  	[tilespmem:$0x11C0] =	vst v12;
	(erf) = vpow2.f32 v2;
	v58 =	vmul.f32 $1.442695020e+00, v57  }
0x29b: {  	[tilespmem:$0x1240] =	vst v14;
	v59 =	vmul.f32 $1.442695020e+00, v1;
	(erf) = vpow2.f32 v0  }
0x29c: {  	[tilespmem:$0x10D0] =	vst v16;
	(erf) = vpow2.f32 v58  }
0x29d: {  	[tilespmem:$0x1150] =	vst v18;
	(erf) = vpow2.f32 v59  }
0x29e: {  	[tilespmem:$0x11D0] =	vst v17  }
0x29f: {  	[tilespmem:$0x1250] =	vst v19  }
0x2a0: {  	[tilespmem:$0x10E0] =	vst v20  }
0x2a1: {  	[tilespmem:$0x1160] =	vst v21  }
0x2a2: {  	[tilespmem:$0x11E0] =	vst v22  }
0x2a3: {  	[tilespmem:$0x1260] =	vst v23;
	v60 =	vpop (erf)  }
0x2a4: {  	v61 =	vpop (erf);
	[tilespmem:$0x10F0] =	vst v60  }
0x2a5: {  	v62 =	vpop (erf);
	[tilespmem:$0x1170] =	vst v61  }
0x2a6: {  	[tilespmem:$0x11F0] =	vst v62;
	v63 =	vpop (erf)  }
0x2a7: {  	[tilespmem:$0x1270] =	vst v63  }
0x2a8: {  	[hbm4b:s5+s2] =	stream.linear.scatter [tilespmem:s18], [sflag:$0x1], $0x80, $0x38;
	[tilespmem:$0x1280] =	vst v63  }
0x2a9: {  	_ =	swait.ge [sflag:s13], $0x80  }
0x2aa: {  	[sflag:s13] =	ssyncset.done $0x0  }
0x2ab: {  	[sflag:s13] =	ssyncadd.s32 $0xFFFFFF80  }
0x2ac: {  	[hbm4b:s6+s2] =	stream.linear.scatter [tilespmem:s19], [sflag:$0x1], $0x80, $0x38;
	[tilespmem:$0x1280] =	vst v63  }
0x2ad: {  	_ =	swait.ge [sflag:s13], $0x80  }
0x2ae: {  	[sflag:s13] =	ssyncset.done $0x0  }
0x2af: {  	[sflag:s13] =	ssyncadd.s32 $0xFFFFFF80  }
0x2b0: {  	[hbm4b:s7+s2] =	stream.linear.scatter [tilespmem:s20], [sflag:$0x1], $0x80, $0x38;
	[tilespmem:$0x1280] =	vst v63  }
0x2b1: {  	_ =	swait.ge [sflag:s13], $0x80  }
0x2b2: {  	p0 =	sne.s32 s11, $0x1;
	[sflag:s13] =	ssyncset.done $0x0  }
.Ltmp1:
0x2b3: {  	[sflag:s13] =	ssyncadd.s32 $0xFFFFFF80;
	(pc) =	sbr.rel @p0 .LBB2_2-.Ltmp1, $4  }
0x2b4: {  	[hbm4b:s8+s2] =	stream.linear.scatter [tilespmem:s21], [sflag:$0x1], $0x80, $0x38;
	[tilespmem:$0x1280] =	vst v63  }
0x2b5: {  	_ =	swait.ge [sflag:s13], $0x80  }
0x2b6: {  	[sflag:s13] =	ssyncset.done $0x0  }
0x2b7: {  	s11 =	sadd.s32 $0xFFFFFFFF, s11;
	[sflag:s13] =	ssyncadd.s32 $0xFFFFFF80  }
.LBB2_3:
0x2b8: {  	_ =	sfence.sel $0x180000  }
0x2b9: {  	[bflag:$0x0] =	sbarrier.arrive $0xFFFF  }
0x2ba: {  	p0 =	sne.s32 s1, $0x0;
	_ =	strace $0x90000047  }
0x2bb: {  	s0 =	sadd.s32 @!p0 $0x100000, s0;
	[bflag:$0x2] =	sbarrier.arrive $0xFFFF  }
0x2bc: {  	[sflag:s0] =	ssyncadd.tile.s32 @!p0 $0x1;
	_ =	shalt  }
.Lfunc_end2:
_tile_overlayer_lowered:
.L_overlay_start_2:
0x2bd: {  	(tag) =	ssettag $0x2  }
0x2be: {  	s0 =	rddreg [dreg:$0x0];
	s2 =	stileid.u32  }
0x2bf: {  	s1 =	rddreg [dreg:$0x1];
	p0 =	sne.s32 s2, $0x0  }
0x2c0: {  	s3 =	rddreg [dreg:$0x2];
	[bflag:$0x3] =	sbarrier.arrive $0xFFFF;
	s2 =	simm.s32 @!p0 $0x1C01  }
0x2c1: {  	[timem:s3], [sflag:s2] =	dma.local @!p0 [hbm:s0], s1  }
0x2c2: {  	s0 =	simm.s32 @!p0 $0x1  }
0x2c3: {  	_ =	swait.ge @!p0 [sflag:s0], s1  }
0x2c4: {  	s1 =	ssub.s32 @!p0 $0x0, s1;
	[sflag:s0] =	ssyncset.done @!p0 $0x0  }
0x2c5: {  	[sflag:s0] =	ssyncadd.s32 @!p0 s1  }
0x2c6: {  	[bflag:$0x3] =	sbarrier.arrive $0xFFFF  }
0x2c7: {  	_ =	shalt  }

</sc_bundles>
